<compile_context>
chip_gen: v7x
topology: tpu7x:2x2x1
jax: 0.10.2.dev20260603
libtpu: 0.0.44.dev20260713+nightly
codegen_flags: <defaults>
</compile_context>

<pallas_src>
import functools

import jax
import jax.numpy as jnp
from jax import lax
from jax.experimental import pallas as pl
from jax.experimental.pallas import tpu as pltpu
from jax.experimental.pallas import tpu_sc as plsc

_LANES = 16
_IDXW = 128
_KG = 4
_CH = _KG * _IDXW


def _sc_workers():
    try:
        info = plsc.get_sparse_core_info()
        return info.num_cores, info.num_subcores
    except Exception:
        return 2, 16


@jax.jit
def _sc_lookup(ids, og_table, new_table):
    (T,) = ids.shape
    V, D = og_table.shape
    N, _ = new_table.shape
    NC, NS = _sc_workers()
    NW = NC * NS
    nchunks = T // (NW * _CH)
    assert T == nchunks * NW * _CH and nchunks % 2 == 0 and nchunks >= 4

    mesh = plsc.VectorSubcoreMesh(core_axis_name="c", subcore_axis_name="s",
                                  num_cores=NC, num_subcores=NS)

    @functools.partial(
        pl.kernel,
        out_type=jax.ShapeDtypeStruct((T, D), jnp.float32),
        mesh=mesh,
        compiler_params=pltpu.CompilerParams(use_tc_tiling_on_sc=False),
        scratch_types=[
            pltpu.VMEM((_CH,), jnp.int32),
            pltpu.VMEM((_CH,), jnp.int32),
            pltpu.VMEM((_KG, _IDXW), jnp.int32),
            pltpu.VMEM((_KG, _IDXW), jnp.int32),
            pltpu.VMEM((_CH, D), jnp.float32),
            pltpu.VMEM((_CH, D), jnp.float32),
            pltpu.SemaphoreType.DMA,
            pltpu.SemaphoreType.DMA,
            pltpu.SemaphoreType.DMA,
            pltpu.SemaphoreType.DMA,
            pltpu.SemaphoreType.DMA,
            pltpu.SemaphoreType.DMA,
            pltpu.SemaphoreType.DMA,
        ],
    )
    def k(ids_hbm, og_hbm, new_hbm, out_hbm, ir0, ir1, is0, is1, rw0, rw1,
          isem0, isem1, gsem0, gsem1, osem0, osem1, fsem):
        wid = lax.axis_index("s") * NC + lax.axis_index("c")
        cbase = wid * nchunks
        IR, IS, RW = (ir0, ir1), (is0, is1), (rw0, rw1)
        ISEM, GSEM, OSEM = (isem0, isem1), (gsem0, gsem1), (osem0, osem1)

        dn = lax.GatherDimensionNumbers(
            offset_dims=(), collapsed_slice_dims=(0,), start_index_map=(0,))

        def lane_max(x):
            for sh in (1, 2, 4, 8):
                perm = lax.iota(jnp.int32, _LANES) ^ sh
                x = jnp.maximum(
                    x, lax.gather(x, perm[:, None], dn, (1,),
                                  mode=lax.GatherScatterMode.PROMISE_IN_BOUNDS))
            return x[0]

        def fetch_ids(c, b):
            pltpu.async_copy(ids_hbm.at[pl.ds((cbase + c) * _CH, _CH)],
                             IR[b], ISEM[b])

        def wait_ids(b):
            pltpu.make_async_copy(ids_hbm.at[pl.ds(0, _CH)], IR[b],
                                  ISEM[b]).wait()

        def remap(b):
            for g in range(_CH // _LANES):
                kk, off = divmod(g * _LANES, _IDXW)
                v = IR[b][pl.ds(g * _LANES, _LANES)]
                IS[b][kk, pl.ds(off, _LANES)] = jnp.where(v >= V, v - V, v)

        def fire_gathers(b):
            for kk in range(_KG):
                pltpu.async_copy(og_hbm.at[IS[b].at[kk]],
                                 RW[b].at[pl.ds(kk * _IDXW, _IDXW)], GSEM[b])

        def wait_gathers(b):
            for kk in range(_KG):
                pltpu.make_async_copy(og_hbm.at[IS[b].at[kk]],
                                      RW[b].at[pl.ds(kk * _IDXW, _IDXW)],
                                      GSEM[b]).wait()

        def fire_out(c, b):
            pltpu.async_copy(RW[b], out_hbm.at[pl.ds((cbase + c) * _CH, _CH)],
                             OSEM[b])

        def wait_out(b):
            pltpu.make_async_copy(RW[b], out_hbm.at[pl.ds(0, _CH)],
                                  OSEM[b]).wait()

        def fixup(b):
            def fix(g, _):
                v = IR[b][pl.ds(g * _LANES, _LANES)]
                vmax = lane_max(v.astype(jnp.float32))

                @pl.when(vmax >= float(V))
                def _():
                    for j in range(_LANES):
                        vj = v[j]

                        @pl.when(vj >= V)
                        def _():
                            pltpu.async_copy(
                                new_hbm.at[pl.ds(vj - V, 1)],
                                RW[b].at[pl.ds(g * _LANES + j, 1)],
                                fsem).wait()
                return 0

            lax.fori_loop(0, _CH // _LANES, fix, 0)

        fetch_ids(0, 0)
        fetch_ids(1, 1)
        wait_ids(0)
        remap(0)
        fire_gathers(0)

        def body(i, _):
            for b in (0, 1):
                c = 2 * i + b
                wait_gathers(b)
                fixup(b)
                fire_out(c, b)

                @pl.when(c + 1 < nchunks)
                def _():
                    wait_ids(b ^ 1)

                remap(b ^ 1)

                @pl.when(c + 2 < nchunks)
                def _():
                    fetch_ids(c + 2, b)

                @pl.when((c >= 1) & (c + 1 < nchunks))
                def _():
                    wait_out(b ^ 1)

                @pl.when(c + 1 < nchunks)
                def _():
                    fire_gathers(b ^ 1)
            return 0

        lax.fori_loop(0, nchunks // 2, body, 0)
        wait_out(0)
        wait_out(1)

    return k(ids, og_table, new_table)


def kernel(input_ids, og_table, new_table):
    B, H = input_ids.shape
    V, D = og_table.shape
    ids = input_ids.reshape(B * H).astype(jnp.int32)
    out = _sc_lookup(ids, og_table, new_table)
    return out.reshape(B, H, D)

# --- scband reference (transcript-rebuilt; emitter-appended) ---
"""Pipeline reference for scband-extended-embedding-58780922413765 (READ-ONLY COPY).

The authoritative reference and input builder live on the scoring server;
editing this copy changes nothing except your own understanding.
"""

import jax, jax.numpy as jnp
import numpy as np

NUM_OG = 1000000
NUM_NEW = 1024
EMB_DIM = 64
BATCH = 16384
HIST = 200

def setup_inputs(seed: int = 0) -> dict:
    key = jax.random.key(seed)
    k_ids, k_og, k_new = jax.random.split(key, 3)
    input_ids = jax.random.randint(k_ids, (BATCH, HIST), 0, NUM_OG + NUM_NEW, dtype=jnp.int64 if jax.config.jax_enable_x64 else jnp.int32)
    og_table = jax.random.normal(k_og, (NUM_OG, EMB_DIM), dtype=jnp.float32) * 0.02
    new_table = jax.random.normal(k_new, (NUM_NEW, EMB_DIM), dtype=jnp.float32) * 0.02
    return {"input_ids": input_ids, "og_table": og_table, "new_table": new_table}

def reference(input_ids, og_table, new_table):
    num_og = og_table.shape[0]
    is_new = input_ids >= num_og
    # Safe indices for each table (mask selects which branch contributes)
    og_idx = jnp.where(is_new, 0, input_ids)
    new_idx = jnp.where(is_new, input_ids - num_og, 0)
    og_emb = jnp.take(og_table, og_idx, axis=0)
    new_emb = jnp.take(new_table, new_idx, axis=0)
    combined = jnp.where(is_new[..., None], new_emb, og_emb)
    return combined

if __name__ == "__main__":
    import jax
    _d = setup_inputs()
    print(jax.jit(kernel)(*tuple(_d.values())))

</pallas_src>

<mosaic_0001>
#map = affine_map<(d0, d1) -> (0)>
#map1 = affine_map<(d0, d1) -> (0, 0)>
module attributes {stable_mosaic.version = 14 : i64} {
  func.func @k(%arg0: i32, %arg1: i32, %arg2: memref<3276800xi32, #tpu.memory_space<hbm>>, %arg3: memref<1000000x64xf32, #tpu.memory_space<hbm>>, %arg4: memref<1024x64xf32, #tpu.memory_space<hbm>>, %arg5: memref<3276800x64xf32, #tpu.memory_space<hbm>>, %arg6: memref<512xi32, #tpu.memory_space<vmem>>, %arg7: memref<512xi32, #tpu.memory_space<vmem>>, %arg8: memref<4x128xi32, #tpu.memory_space<vmem>>, %arg9: memref<4x128xi32, #tpu.memory_space<vmem>>, %arg10: memref<512x64xf32, #tpu.memory_space<vmem>>, %arg11: memref<512x64xf32, #tpu.memory_space<vmem>>, %arg12: memref<!tpu.dma_semaphore, #tpu.memory_space<semaphore_mem>>, %arg13: memref<!tpu.dma_semaphore, #tpu.memory_space<semaphore_mem>>, %arg14: memref<!tpu.dma_semaphore, #tpu.memory_space<semaphore_mem>>, %arg15: memref<!tpu.dma_semaphore, #tpu.memory_space<semaphore_mem>>, %arg16: memref<!tpu.dma_semaphore, #tpu.memory_space<semaphore_mem>>, %arg17: memref<!tpu.dma_semaphore, #tpu.memory_space<semaphore_mem>>, %arg18: memref<!tpu.dma_semaphore, #tpu.memory_space<semaphore_mem>>) attributes {dimension_semantics = [#tpu.dimension_semantics<core_parallel>, #tpu.dimension_semantics<subcore_parallel>], iteration_bounds = array<i64: 2, 16>, scalar_prefetch = 0 : i64, scratch_operands = 13 : i64, tpu.core_type = #tpu.core_type<sc_vector_subcore>, window_params = [{transform_indices = #map}, {transform_indices = #map1}, {transform_indices = #map1}, {transform_indices = #map1}]} {
    %mul3A = arith.constant 2 : i32
    %mul3A_0 = arith.muli %arg1, %mul3A : i32
    %add3A = arith.addi %mul3A_0, %arg0 : i32
    %mul3A_1 = arith.constant 200 : i32
    %mul3A_2 = arith.muli %add3A, %mul3A_1 : i32
    %add3A_3 = arith.constant 0 : i32
    %add3A_4 = arith.addi %mul3A_2, %add3A_3 : i32
    %mul3A_5 = arith.constant 512 : i32
    %mul3A_6 = arith.muli %add3A_4, %mul3A_5 : i32
    %dma_start3A = tpu.memref_slice %arg2[%mul3A_6] : memref<3276800xi32, #tpu.memory_space<hbm>> -> memref<512xi32, #tpu.memory_space<hbm>>
    %dma_start3A_7 = tpu.memref_slice %arg2[%mul3A_6] : memref<3276800xi32, #tpu.memory_space<hbm>> -> memref<512xi32, #tpu.memory_space<hbm>>
    tpu.enqueue_dma source(%dma_start3A_7 : memref<512xi32, #tpu.memory_space<hbm>>) target(%arg6 : memref<512xi32, #tpu.memory_space<vmem>>) target_semaphore(%arg12 : memref<!tpu.dma_semaphore, #tpu.memory_space<semaphore_mem>>)
    %add3A_8 = arith.constant 1 : i32
    %add3A_9 = arith.addi %mul3A_2, %add3A_8 : i32
    %mul3A_10 = arith.constant 512 : i32
    %mul3A_11 = arith.muli %add3A_9, %mul3A_10 : i32
    %dma_start3A_12 = tpu.memref_slice %arg2[%mul3A_11] : memref<3276800xi32, #tpu.memory_space<hbm>> -> memref<512xi32, #tpu.memory_space<hbm>>
    %dma_start3A_13 = tpu.memref_slice %arg2[%mul3A_11] : memref<3276800xi32, #tpu.memory_space<hbm>> -> memref<512xi32, #tpu.memory_space<hbm>>
    tpu.enqueue_dma source(%dma_start3A_13 : memref<512xi32, #tpu.memory_space<hbm>>) target(%arg7 : memref<512xi32, #tpu.memory_space<vmem>>) target_semaphore(%arg13 : memref<!tpu.dma_semaphore, #tpu.memory_space<semaphore_mem>>)
    %dma_wait3A = arith.constant 0 : i32
    %dma_wait3A_14 = tpu.memref_slice %arg2[%dma_wait3A] : memref<3276800xi32, #tpu.memory_space<hbm>> -> memref<512xi32, #tpu.memory_space<hbm>>
    %dma_wait3A_15 = arith.constant 0 : i32
    %dma_wait3A_16 = tpu.memref_slice %arg2[%dma_wait3A_15] : memref<3276800xi32, #tpu.memory_space<hbm>> -> memref<512xi32, #tpu.memory_space<hbm>>
    tpu.wait_dma2 semaphore(%arg12 : memref<!tpu.dma_semaphore, #tpu.memory_space<semaphore_mem>>) src(%dma_wait3A_16 : memref<512xi32, #tpu.memory_space<hbm>>) dst(%arg6 : memref<512xi32, #tpu.memory_space<vmem>>)
    %get3A = arith.constant 0 : index
    %get3A_17 = tpu.vector_load %arg6[%get3A] {strides = array<i32>} : memref<512xi32, #tpu.memory_space<vmem>>, vector<16xi32>,
    %get3A_18 = vector.shape_cast %get3A_17 : vector<16xi32> to vector<16xi32>
    %ge3A = arith.constant 1000000 : i32
    %ge3A_19 = vector.broadcast %ge3A : i32 to vector<16xi32>
    %ge3A_20 = arith.cmpi sge, %get3A_18, %ge3A_19 : vector<16xi32>
    %sub3A = arith.constant 1000000 : i32
    %sub3A_21 = vector.broadcast %sub3A : i32 to vector<16xi32>
    %sub3A_22 = arith.subi %get3A_18, %sub3A_21 : vector<16xi32>
    %select_n3A = arith.select %ge3A_20, %sub3A_22, %get3A_18 : vector<16xi1>, vector<16xi32>
    %swap3A = arith.constant 0 : i32
    %swap3A_23 = arith.index_cast %swap3A : i32 to index
    %swap3A_24 = arith.constant 0 : index
    %swap3A_25 = tpu.vector_load %arg8[%swap3A_23, %swap3A_24] {strides = array<i32>} : memref<4x128xi32, #tpu.memory_space<vmem>>, vector<1x16xi32>,
    %swap3A_26 = vector.shape_cast %swap3A_25 : vector<1x16xi32> to vector<16xi32>
    %swap3A_27 = vector.shape_cast %select_n3A : vector<16xi32> to vector<1x16xi32>
    tpu.vector_store %arg8[%swap3A_23, %swap3A_24], %swap3A_27 {strides = array<i32>} : memref<4x128xi32, #tpu.memory_space<vmem>>, vector<1x16xi32>,
    %get3A_28 = arith.constant 16 : index
    %get3A_29 = tpu.vector_load %arg6[%get3A_28] {strides = array<i32>} : memref<512xi32, #tpu.memory_space<vmem>>, vector<16xi32>,
    %get3A_30 = vector.shape_cast %get3A_29 : vector<16xi32> to vector<16xi32>
    %ge3A_31 = arith.constant 1000000 : i32
    %ge3A_32 = vector.broadcast %ge3A_31 : i32 to vector<16xi32>
    %ge3A_33 = arith.cmpi sge, %get3A_30, %ge3A_32 : vector<16xi32>
    %sub3A_34 = arith.constant 1000000 : i32
    %sub3A_35 = vector.broadcast %sub3A_34 : i32 to vector<16xi32>
    %sub3A_36 = arith.subi %get3A_30, %sub3A_35 : vector<16xi32>
    %select_n3A_37 = arith.select %ge3A_33, %sub3A_36, %get3A_30 : vector<16xi1>, vector<16xi32>
    %swap3A_38 = arith.constant 0 : i32
    %swap3A_39 = arith.index_cast %swap3A_38 : i32 to index
    %swap3A_40 = arith.constant 16 : index
    %swap3A_41 = tpu.vector_load %arg8[%swap3A_39, %swap3A_40] {strides = array<i32>} : memref<4x128xi32, #tpu.memory_space<vmem>>, vector<1x16xi32>,
    %swap3A_42 = vector.shape_cast %swap3A_41 : vector<1x16xi32> to vector<16xi32>
    %swap3A_43 = vector.shape_cast %select_n3A_37 : vector<16xi32> to vector<1x16xi32>
    tpu.vector_store %arg8[%swap3A_39, %swap3A_40], %swap3A_43 {strides = array<i32>} : memref<4x128xi32, #tpu.memory_space<vmem>>, vector<1x16xi32>,
    %get3A_44 = arith.constant 32 : index
    %get3A_45 = tpu.vector_load %arg6[%get3A_44] {strides = array<i32>} : memref<512xi32, #tpu.memory_space<vmem>>, vector<16xi32>,
    %get3A_46 = vector.shape_cast %get3A_45 : vector<16xi32> to vector<16xi32>
    %ge3A_47 = arith.constant 1000000 : i32
    %ge3A_48 = vector.broadcast %ge3A_47 : i32 to vector<16xi32>
    %ge3A_49 = arith.cmpi sge, %get3A_46, %ge3A_48 : vector<16xi32>
    %sub3A_50 = arith.constant 1000000 : i32
    %sub3A_51 = vector.broadcast %sub3A_50 : i32 to vector<16xi32>
    %sub3A_52 = arith.subi %get3A_46, %sub3A_51 : vector<16xi32>
    %select_n3A_53 = arith.select %ge3A_49, %sub3A_52, %get3A_46 : vector<16xi1>, vector<16xi32>
    %swap3A_54 = arith.constant 0 : i32
    %swap3A_55 = arith.index_cast %swap3A_54 : i32 to index
    %swap3A_56 = arith.constant 32 : index
    %swap3A_57 = tpu.vector_load %arg8[%swap3A_55, %swap3A_56] {strides = array<i32>} : memref<4x128xi32, #tpu.memory_space<vmem>>, vector<1x16xi32>,
    %swap3A_58 = vector.shape_cast %swap3A_57 : vector<1x16xi32> to vector<16xi32>
    %swap3A_59 = vector.shape_cast %select_n3A_53 : vector<16xi32> to vector<1x16xi32>
    tpu.vector_store %arg8[%swap3A_55, %swap3A_56], %swap3A_59 {strides = array<i32>} : memref<4x128xi32, #tpu.memory_space<vmem>>, vector<1x16xi32>,
    %get3A_60 = arith.constant 48 : index
    %get3A_61 = tpu.vector_load %arg6[%get3A_60] {strides = array<i32>} : memref<512xi32, #tpu.memory_space<vmem>>, vector<16xi32>,
    %get3A_62 = vector.shape_cast %get3A_61 : vector<16xi32> to vector<16xi32>
    %ge3A_63 = arith.constant 1000000 : i32
    %ge3A_64 = vector.broadcast %ge3A_63 : i32 to vector<16xi32>
    %ge3A_65 = arith.cmpi sge, %get3A_62, %ge3A_64 : vector<16xi32>
    %sub3A_66 = arith.constant 1000000 : i32
    %sub3A_67 = vector.broadcast %sub3A_66 : i32 to vector<16xi32>
    %sub3A_68 = arith.subi %get3A_62, %sub3A_67 : vector<16xi32>
    %select_n3A_69 = arith.select %ge3A_65, %sub3A_68, %get3A_62 : vector<16xi1>, vector<16xi32>
    %swap3A_70 = arith.constant 0 : i32
    %swap3A_71 = arith.index_cast %swap3A_70 : i32 to index
    %swap3A_72 = arith.constant 48 : index
    %swap3A_73 = tpu.vector_load %arg8[%swap3A_71, %swap3A_72] {strides = array<i32>} : memref<4x128xi32, #tpu.memory_space<vmem>>, vector<1x16xi32>,
    %swap3A_74 = vector.shape_cast %swap3A_73 : vector<1x16xi32> to vector<16xi32>
    %swap3A_75 = vector.shape_cast %select_n3A_69 : vector<16xi32> to vector<1x16xi32>
    tpu.vector_store %arg8[%swap3A_71, %swap3A_72], %swap3A_75 {strides = array<i32>} : memref<4x128xi32, #tpu.memory_space<vmem>>, vector<1x16xi32>,
    %get3A_76 = arith.constant 64 : index
    %get3A_77 = tpu.vector_load %arg6[%get3A_76] {strides = array<i32>} : memref<512xi32, #tpu.memory_space<vmem>>, vector<16xi32>,
    %get3A_78 = vector.shape_cast %get3A_77 : vector<16xi32> to vector<16xi32>
    %ge3A_79 = arith.constant 1000000 : i32
    %ge3A_80 = vector.broadcast %ge3A_79 : i32 to vector<16xi32>
    %ge3A_81 = arith.cmpi sge, %get3A_78, %ge3A_80 : vector<16xi32>
    %sub3A_82 = arith.constant 1000000 : i32
    %sub3A_83 = vector.broadcast %sub3A_82 : i32 to vector<16xi32>
    %sub3A_84 = arith.subi %get3A_78, %sub3A_83 : vector<16xi32>
    %select_n3A_85 = arith.select %ge3A_81, %sub3A_84, %get3A_78 : vector<16xi1>, vector<16xi32>
    %swap3A_86 = arith.constant 0 : i32
    %swap3A_87 = arith.index_cast %swap3A_86 : i32 to index
    %swap3A_88 = arith.constant 64 : index
    %swap3A_89 = tpu.vector_load %arg8[%swap3A_87, %swap3A_88] {strides = array<i32>} : memref<4x128xi32, #tpu.memory_space<vmem>>, vector<1x16xi32>,
    %swap3A_90 = vector.shape_cast %swap3A_89 : vector<1x16xi32> to vector<16xi32>
    %swap3A_91 = vector.shape_cast %select_n3A_85 : vector<16xi32> to vector<1x16xi32>
    tpu.vector_store %arg8[%swap3A_87, %swap3A_88], %swap3A_91 {strides = array<i32>} : memref<4x128xi32, #tpu.memory_space<vmem>>, vector<1x16xi32>,
    %get3A_92 = arith.constant 80 : index
    %get3A_93 = tpu.vector_load %arg6[%get3A_92] {strides = array<i32>} : memref<512xi32, #tpu.memory_space<vmem>>, vector<16xi32>,
    %get3A_94 = vector.shape_cast %get3A_93 : vector<16xi32> to vector<16xi32>
    %ge3A_95 = arith.constant 1000000 : i32
    %ge3A_96 = vector.broadcast %ge3A_95 : i32 to vector<16xi32>
    %ge3A_97 = arith.cmpi sge, %get3A_94, %ge3A_96 : vector<16xi32>
    %sub3A_98 = arith.constant 1000000 : i32
    %sub3A_99 = vector.broadcast %sub3A_98 : i32 to vector<16xi32>
    %sub3A_100 = arith.subi %get3A_94, %sub3A_99 : vector<16xi32>
    %select_n3A_101 = arith.select %ge3A_97, %sub3A_100, %get3A_94 : vector<16xi1>, vector<16xi32>
    %swap3A_102 = arith.constant 0 : i32
    %swap3A_103 = arith.index_cast %swap3A_102 : i32 to index
    %swap3A_104 = arith.constant 80 : index
    %swap3A_105 = tpu.vector_load %arg8[%swap3A_103, %swap3A_104] {strides = array<i32>} : memref<4x128xi32, #tpu.memory_space<vmem>>, vector<1x16xi32>,
    %swap3A_106 = vector.shape_cast %swap3A_105 : vector<1x16xi32> to vector<16xi32>
    %swap3A_107 = vector.shape_cast %select_n3A_101 : vector<16xi32> to vector<1x16xi32>
    tpu.vector_store %arg8[%swap3A_103, %swap3A_104], %swap3A_107 {strides = array<i32>} : memref<4x128xi32, #tpu.memory_space<vmem>>, vector<1x16xi32>,
    %get3A_108 = arith.constant 96 : index
    %get3A_109 = tpu.vector_load %arg6[%get3A_108] {strides = array<i32>} : memref<512xi32, #tpu.memory_space<vmem>>, vector<16xi32>,
    %get3A_110 = vector.shape_cast %get3A_109 : vector<16xi32> to vector<16xi32>
    %ge3A_111 = arith.constant 1000000 : i32
    %ge3A_112 = vector.broadcast %ge3A_111 : i32 to vector<16xi32>
    %ge3A_113 = arith.cmpi sge, %get3A_110, %ge3A_112 : vector<16xi32>
    %sub3A_114 = arith.constant 1000000 : i32
    %sub3A_115 = vector.broadcast %sub3A_114 : i32 to vector<16xi32>
    %sub3A_116 = arith.subi %get3A_110, %sub3A_115 : vector<16xi32>
    %select_n3A_117 = arith.select %ge3A_113, %sub3A_116, %get3A_110 : vector<16xi1>, vector<16xi32>
    %swap3A_118 = arith.constant 0 : i32
    %swap3A_119 = arith.index_cast %swap3A_118 : i32 to index
    %swap3A_120 = arith.constant 96 : index
    %swap3A_121 = tpu.vector_load %arg8[%swap3A_119, %swap3A_120] {strides = array<i32>} : memref<4x128xi32, #tpu.memory_space<vmem>>, vector<1x16xi32>,
    %swap3A_122 = vector.shape_cast %swap3A_121 : vector<1x16xi32> to vector<16xi32>
    %swap3A_123 = vector.shape_cast %select_n3A_117 : vector<16xi32> to vector<1x16xi32>
    tpu.vector_store %arg8[%swap3A_119, %swap3A_120], %swap3A_123 {strides = array<i32>} : memref<4x128xi32, #tpu.memory_space<vmem>>, vector<1x16xi32>,
    %get3A_124 = arith.constant 112 : index
    %get3A_125 = tpu.vector_load %arg6[%get3A_124] {strides = array<i32>} : memref<512xi32, #tpu.memory_space<vmem>>, vector<16xi32>,
    %get3A_126 = vector.shape_cast %get3A_125 : vector<16xi32> to vector<16xi32>
    %ge3A_127 = arith.constant 1000000 : i32
    %ge3A_128 = vector.broadcast %ge3A_127 : i32 to vector<16xi32>
    %ge3A_129 = arith.cmpi sge, %get3A_126, %ge3A_128 : vector<16xi32>
    %sub3A_130 = arith.constant 1000000 : i32
    %sub3A_131 = vector.broadcast %sub3A_130 : i32 to vector<16xi32>
    %sub3A_132 = arith.subi %get3A_126, %sub3A_131 : vector<16xi32>
    %select_n3A_133 = arith.select %ge3A_129, %sub3A_132, %get3A_126 : vector<16xi1>, vector<16xi32>
    %swap3A_134 = arith.constant 0 : i32
    %swap3A_135 = arith.index_cast %swap3A_134 : i32 to index
    %swap3A_136 = arith.constant 112 : index
    %swap3A_137 = tpu.vector_load %arg8[%swap3A_135, %swap3A_136] {strides = array<i32>} : memref<4x128xi32, #tpu.memory_space<vmem>>, vector<1x16xi32>,
    %swap3A_138 = vector.shape_cast %swap3A_137 : vector<1x16xi32> to vector<16xi32>
    %swap3A_139 = vector.shape_cast %select_n3A_133 : vector<16xi32> to vector<1x16xi32>
    tpu.vector_store %arg8[%swap3A_135, %swap3A_136], %swap3A_139 {strides = array<i32>} : memref<4x128xi32, #tpu.memory_space<vmem>>, vector<1x16xi32>,
    %get3A_140 = arith.constant 128 : index
    %get3A_141 = tpu.vector_load %arg6[%get3A_140] {strides = array<i32>} : memref<512xi32, #tpu.memory_space<vmem>>, vector<16xi32>,
    %get3A_142 = vector.shape_cast %get3A_141 : vector<16xi32> to vector<16xi32>
    %ge3A_143 = arith.constant 1000000 : i32
    %ge3A_144 = vector.broadcast %ge3A_143 : i32 to vector<16xi32>
    %ge3A_145 = arith.cmpi sge, %get3A_142, %ge3A_144 : vector<16xi32>
    %sub3A_146 = arith.constant 1000000 : i32
    %sub3A_147 = vector.broadcast %sub3A_146 : i32 to vector<16xi32>
    %sub3A_148 = arith.subi %get3A_142, %sub3A_147 : vector<16xi32>
    %select_n3A_149 = arith.select %ge3A_145, %sub3A_148, %get3A_142 : vector<16xi1>, vector<16xi32>
    %swap3A_150 = arith.constant 1 : i32
    %swap3A_151 = arith.index_cast %swap3A_150 : i32 to index
    %swap3A_152 = arith.constant 0 : index
    %swap3A_153 = tpu.vector_load %arg8[%swap3A_151, %swap3A_152] {strides = array<i32>} : memref<4x128xi32, #tpu.memory_space<vmem>>, vector<1x16xi32>,
    %swap3A_154 = vector.shape_cast %swap3A_153 : vector<1x16xi32> to vector<16xi32>
    %swap3A_155 = vector.shape_cast %select_n3A_149 : vector<16xi32> to vector<1x16xi32>
    tpu.vector_store %arg8[%swap3A_151, %swap3A_152], %swap3A_155 {strides = array<i32>} : memref<4x128xi32, #tpu.memory_space<vmem>>, vector<1x16xi32>,
    %get3A_156 = arith.constant 144 : index
    %get3A_157 = tpu.vector_load %arg6[%get3A_156] {strides = array<i32>} : memref<512xi32, #tpu.memory_space<vmem>>, vector<16xi32>,
    %get3A_158 = vector.shape_cast %get3A_157 : vector<16xi32> to vector<16xi32>
    %ge3A_159 = arith.constant 1000000 : i32
    %ge3A_160 = vector.broadcast %ge3A_159 : i32 to vector<16xi32>
    %ge3A_161 = arith.cmpi sge, %get3A_158, %ge3A_160 : vector<16xi32>
    %sub3A_162 = arith.constant 1000000 : i32
    %sub3A_163 = vector.broadcast %sub3A_162 : i32 to vector<16xi32>
    %sub3A_164 = arith.subi %get3A_158, %sub3A_163 : vector<16xi32>
    %select_n3A_165 = arith.select %ge3A_161, %sub3A_164, %get3A_158 : vector<16xi1>, vector<16xi32>
    %swap3A_166 = arith.constant 1 : i32
    %swap3A_167 = arith.index_cast %swap3A_166 : i32 to index
    %swap3A_168 = arith.constant 16 : index
    %swap3A_169 = tpu.vector_load %arg8[%swap3A_167, %swap3A_168] {strides = array<i32>} : memref<4x128xi32, #tpu.memory_space<vmem>>, vector<1x16xi32>,
    %swap3A_170 = vector.shape_cast %swap3A_169 : vector<1x16xi32> to vector<16xi32>
    %swap3A_171 = vector.shape_cast %select_n3A_165 : vector<16xi32> to vector<1x16xi32>
    tpu.vector_store %arg8[%swap3A_167, %swap3A_168], %swap3A_171 {strides = array<i32>} : memref<4x128xi32, #tpu.memory_space<vmem>>, vector<1x16xi32>,
    %get3A_172 = arith.constant 160 : index
    %get3A_173 = tpu.vector_load %arg6[%get3A_172] {strides = array<i32>} : memref<512xi32, #tpu.memory_space<vmem>>, vector<16xi32>,
    %get3A_174 = vector.shape_cast %get3A_173 : vector<16xi32> to vector<16xi32>
    %ge3A_175 = arith.constant 1000000 : i32
    %ge3A_176 = vector.broadcast %ge3A_175 : i32 to vector<16xi32>
    %ge3A_177 = arith.cmpi sge, %get3A_174, %ge3A_176 : vector<16xi32>
    %sub3A_178 = arith.constant 1000000 : i32
    %sub3A_179 = vector.broadcast %sub3A_178 : i32 to vector<16xi32>
    %sub3A_180 = arith.subi %get3A_174, %sub3A_179 : vector<16xi32>
    %select_n3A_181 = arith.select %ge3A_177, %sub3A_180, %get3A_174 : vector<16xi1>, vector<16xi32>
    %swap3A_182 = arith.constant 1 : i32
    %swap3A_183 = arith.index_cast %swap3A_182 : i32 to index
    %swap3A_184 = arith.constant 32 : index
    %swap3A_185 = tpu.vector_load %arg8[%swap3A_183, %swap3A_184] {strides = array<i32>} : memref<4x128xi32, #tpu.memory_space<vmem>>, vector<1x16xi32>,
    %swap3A_186 = vector.shape_cast %swap3A_185 : vector<1x16xi32> to vector<16xi32>
    %swap3A_187 = vector.shape_cast %select_n3A_181 : vector<16xi32> to vector<1x16xi32>
    tpu.vector_store %arg8[%swap3A_183, %swap3A_184], %swap3A_187 {strides = array<i32>} : memref<4x128xi32, #tpu.memory_space<vmem>>, vector<1x16xi32>,
    %get3A_188 = arith.constant 176 : index
    %get3A_189 = tpu.vector_load %arg6[%get3A_188] {strides = array<i32>} : memref<512xi32, #tpu.memory_space<vmem>>, vector<16xi32>,
    %get3A_190 = vector.shape_cast %get3A_189 : vector<16xi32> to vector<16xi32>
    %ge3A_191 = arith.constant 1000000 : i32
    %ge3A_192 = vector.broadcast %ge3A_191 : i32 to vector<16xi32>
    %ge3A_193 = arith.cmpi sge, %get3A_190, %ge3A_192 : vector<16xi32>
    %sub3A_194 = arith.constant 1000000 : i32
    %sub3A_195 = vector.broadcast %sub3A_194 : i32 to vector<16xi32>
    %sub3A_196 = arith.subi %get3A_190, %sub3A_195 : vector<16xi32>
    %select_n3A_197 = arith.select %ge3A_193, %sub3A_196, %get3A_190 : vector<16xi1>, vector<16xi32>
    %swap3A_198 = arith.constant 1 : i32
    %swap3A_199 = arith.index_cast %swap3A_198 : i32 to index
    %swap3A_200 = arith.constant 48 : index
    %swap3A_201 = tpu.vector_load %arg8[%swap3A_199, %swap3A_200] {strides = array<i32>} : memref<4x128xi32, #tpu.memory_space<vmem>>, vector<1x16xi32>,
    %swap3A_202 = vector.shape_cast %swap3A_201 : vector<1x16xi32> to vector<16xi32>
    %swap3A_203 = vector.shape_cast %select_n3A_197 : vector<16xi32> to vector<1x16xi32>
    tpu.vector_store %arg8[%swap3A_199, %swap3A_200], %swap3A_203 {strides = array<i32>} : memref<4x128xi32, #tpu.memory_space<vmem>>, vector<1x16xi32>,
    %get3A_204 = arith.constant 192 : index
    %get3A_205 = tpu.vector_load %arg6[%get3A_204] {strides = array<i32>} : memref<512xi32, #tpu.memory_space<vmem>>, vector<16xi32>,
    %get3A_206 = vector.shape_cast %get3A_205 : vector<16xi32> to vector<16xi32>
    %ge3A_207 = arith.constant 1000000 : i32
    %ge3A_208 = vector.broadcast %ge3A_207 : i32 to vector<16xi32>
    %ge3A_209 = arith.cmpi sge, %get3A_206, %ge3A_208 : vector<16xi32>
    %sub3A_210 = arith.constant 1000000 : i32
    %sub3A_211 = vector.broadcast %sub3A_210 : i32 to vector<16xi32>
    %sub3A_212 = arith.subi %get3A_206, %sub3A_211 : vector<16xi32>
    %select_n3A_213 = arith.select %ge3A_209, %sub3A_212, %get3A_206 : vector<16xi1>, vector<16xi32>
    %swap3A_214 = arith.constant 1 : i32
    %swap3A_215 = arith.index_cast %swap3A_214 : i32 to index
    %swap3A_216 = arith.constant 64 : index
    %swap3A_217 = tpu.vector_load %arg8[%swap3A_215, %swap3A_216] {strides = array<i32>} : memref<4x128xi32, #tpu.memory_space<vmem>>, vector<1x16xi32>,
    %swap3A_218 = vector.shape_cast %swap3A_217 : vector<1x16xi32> to vector<16xi32>
    %swap3A_219 = vector.shape_cast %select_n3A_213 : vector<16xi32> to vector<1x16xi32>
    tpu.vector_store %arg8[%swap3A_215, %swap3A_216], %swap3A_219 {strides = array<i32>} : memref<4x128xi32, #tpu.memory_space<vmem>>, vector<1x16xi32>,
    %get3A_220 = arith.constant 208 : index
    %get3A_221 = tpu.vector_load %arg6[%get3A_220] {strides = array<i32>} : memref<512xi32, #tpu.memory_space<vmem>>, vector<16xi32>,
    %get3A_222 = vector.shape_cast %get3A_221 : vector<16xi32> to vector<16xi32>
    %ge3A_223 = arith.constant 1000000 : i32
    %ge3A_224 = vector.broadcast %ge3A_223 : i32 to vector<16xi32>
    %ge3A_225 = arith.cmpi sge, %get3A_222, %ge3A_224 : vector<16xi32>
    %sub3A_226 = arith.constant 1000000 : i32
    %sub3A_227 = vector.broadcast %sub3A_226 : i32 to vector<16xi32>
    %sub3A_228 = arith.subi %get3A_222, %sub3A_227 : vector<16xi32>
    %select_n3A_229 = arith.select %ge3A_225, %sub3A_228, %get3A_222 : vector<16xi1>, vector<16xi32>
    %swap3A_230 = arith.constant 1 : i32
    %swap3A_231 = arith.index_cast %swap3A_230 : i32 to index
    %swap3A_232 = arith.constant 80 : index
    %swap3A_233 = tpu.vector_load %arg8[%swap3A_231, %swap3A_232] {strides = array<i32>} : memref<4x128xi32, #tpu.memory_space<vmem>>, vector<1x16xi32>,
    %swap3A_234 = vector.shape_cast %swap3A_233 : vector<1x16xi32> to vector<16xi32>
    %swap3A_235 = vector.shape_cast %select_n3A_229 : vector<16xi32> to vector<1x16xi32>
    tpu.vector_store %arg8[%swap3A_231, %swap3A_232], %swap3A_235 {strides = array<i32>} : memref<4x128xi32, #tpu.memory_space<vmem>>, vector<1x16xi32>,
    %get3A_236 = arith.constant 224 : index
    %get3A_237 = tpu.vector_load %arg6[%get3A_236] {strides = array<i32>} : memref<512xi32, #tpu.memory_space<vmem>>, vector<16xi32>,
    %get3A_238 = vector.shape_cast %get3A_237 : vector<16xi32> to vector<16xi32>
    %ge3A_239 = arith.constant 1000000 : i32
    %ge3A_240 = vector.broadcast %ge3A_239 : i32 to vector<16xi32>
    %ge3A_241 = arith.cmpi sge, %get3A_238, %ge3A_240 : vector<16xi32>
    %sub3A_242 = arith.constant 1000000 : i32
    %sub3A_243 = vector.broadcast %sub3A_242 : i32 to vector<16xi32>
    %sub3A_244 = arith.subi %get3A_238, %sub3A_243 : vector<16xi32>
    %select_n3A_245 = arith.select %ge3A_241, %sub3A_244, %get3A_238 : vector<16xi1>, vector<16xi32>
    %swap3A_246 = arith.constant 1 : i32
    %swap3A_247 = arith.index_cast %swap3A_246 : i32 to index
    %swap3A_248 = arith.constant 96 : index
    %swap3A_249 = tpu.vector_load %arg8[%swap3A_247, %swap3A_248] {strides = array<i32>} : memref<4x128xi32, #tpu.memory_space<vmem>>, vector<1x16xi32>,
    %swap3A_250 = vector.shape_cast %swap3A_249 : vector<1x16xi32> to vector<16xi32>
    %swap3A_251 = vector.shape_cast %select_n3A_245 : vector<16xi32> to vector<1x16xi32>
    tpu.vector_store %arg8[%swap3A_247, %swap3A_248], %swap3A_251 {strides = array<i32>} : memref<4x128xi32, #tpu.memory_space<vmem>>, vector<1x16xi32>,
    %get3A_252 = arith.constant 240 : index
    %get3A_253 = tpu.vector_load %arg6[%get3A_252] {strides = array<i32>} : memref<512xi32, #tpu.memory_space<vmem>>, vector<16xi32>,
    %get3A_254 = vector.shape_cast %get3A_253 : vector<16xi32> to vector<16xi32>
    %ge3A_255 = arith.constant 1000000 : i32
    %ge3A_256 = vector.broadcast %ge3A_255 : i32 to vector<16xi32>
    %ge3A_257 = arith.cmpi sge, %get3A_254, %ge3A_256 : vector<16xi32>
    %sub3A_258 = arith.constant 1000000 : i32
    %sub3A_259 = vector.broadcast %sub3A_258 : i32 to vector<16xi32>
    %sub3A_260 = arith.subi %get3A_254, %sub3A_259 : vector<16xi32>
    %select_n3A_261 = arith.select %ge3A_257, %sub3A_260, %get3A_254 : vector<16xi1>, vector<16xi32>
    %swap3A_262 = arith.constant 1 : i32
    %swap3A_263 = arith.index_cast %swap3A_262 : i32 to index
    %swap3A_264 = arith.constant 112 : index
    %swap3A_265 = tpu.vector_load %arg8[%swap3A_263, %swap3A_264] {strides = array<i32>} : memref<4x128xi32, #tpu.memory_space<vmem>>, vector<1x16xi32>,
    %swap3A_266 = vector.shape_cast %swap3A_265 : vector<1x16xi32> to vector<16xi32>
    %swap3A_267 = vector.shape_cast %select_n3A_261 : vector<16xi32> to vector<1x16xi32>
    tpu.vector_store %arg8[%swap3A_263, %swap3A_264], %swap3A_267 {strides = array<i32>} : memref<4x128xi32, #tpu.memory_space<vmem>>, vector<1x16xi32>,
    %get3A_268 = arith.constant 256 : index
    %get3A_269 = tpu.vector_load %arg6[%get3A_268] {strides = array<i32>} : memref<512xi32, #tpu.memory_space<vmem>>, vector<16xi32>,
    %get3A_270 = vector.shape_cast %get3A_269 : vector<16xi32> to vector<16xi32>
    %ge3A_271 = arith.constant 1000000 : i32
    %ge3A_272 = vector.broadcast %ge3A_271 : i32 to vector<16xi32>
    %ge3A_273 = arith.cmpi sge, %get3A_270, %ge3A_272 : vector<16xi32>
    %sub3A_274 = arith.constant 1000000 : i32
    %sub3A_275 = vector.broadcast %sub3A_274 : i32 to vector<16xi32>
    %sub3A_276 = arith.subi %get3A_270, %sub3A_275 : vector<16xi32>
    %select_n3A_277 = arith.select %ge3A_273, %sub3A_276, %get3A_270 : vector<16xi1>, vector<16xi32>
    %swap3A_278 = arith.constant 2 : i32
    %swap3A_279 = arith.index_cast %swap3A_278 : i32 to index
    %swap3A_280 = arith.constant 0 : index
    %swap3A_281 = tpu.vector_load %arg8[%swap3A_279, %swap3A_280] {strides = array<i32>} : memref<4x128xi32, #tpu.memory_space<vmem>>, vector<1x16xi32>,
    %swap3A_282 = vector.shape_cast %swap3A_281 : vector<1x16xi32> to vector<16xi32>
    %swap3A_283 = vector.shape_cast %select_n3A_277 : vector<16xi32> to vector<1x16xi32>
    tpu.vector_store %arg8[%swap3A_279, %swap3A_280], %swap3A_283 {strides = array<i32>} : memref<4x128xi32, #tpu.memory_space<vmem>>, vector<1x16xi32>,
    %get3A_284 = arith.constant 272 : index
    %get3A_285 = tpu.vector_load %arg6[%get3A_284] {strides = array<i32>} : memref<512xi32, #tpu.memory_space<vmem>>, vector<16xi32>,
    %get3A_286 = vector.shape_cast %get3A_285 : vector<16xi32> to vector<16xi32>
    %ge3A_287 = arith.constant 1000000 : i32
    %ge3A_288 = vector.broadcast %ge3A_287 : i32 to vector<16xi32>
    %ge3A_289 = arith.cmpi sge, %get3A_286, %ge3A_288 : vector<16xi32>
    %sub3A_290 = arith.constant 1000000 : i32
    %sub3A_291 = vector.broadcast %sub3A_290 : i32 to vector<16xi32>
    %sub3A_292 = arith.subi %get3A_286, %sub3A_291 : vector<16xi32>
    %select_n3A_293 = arith.select %ge3A_289, %sub3A_292, %get3A_286 : vector<16xi1>, vector<16xi32>
    %swap3A_294 = arith.constant 2 : i32
    %swap3A_295 = arith.index_cast %swap3A_294 : i32 to index
    %swap3A_296 = arith.constant 16 : index
    %swap3A_297 = tpu.vector_load %arg8[%swap3A_295, %swap3A_296] {strides = array<i32>} : memref<4x128xi32, #tpu.memory_space<vmem>>, vector<1x16xi32>,
    %swap3A_298 = vector.shape_cast %swap3A_297 : vector<1x16xi32> to vector<16xi32>
    %swap3A_299 = vector.shape_cast %select_n3A_293 : vector<16xi32> to vector<1x16xi32>
    tpu.vector_store %arg8[%swap3A_295, %swap3A_296], %swap3A_299 {strides = array<i32>} : memref<4x128xi32, #tpu.memory_space<vmem>>, vector<1x16xi32>,
    %get3A_300 = arith.constant 288 : index
    %get3A_301 = tpu.vector_load %arg6[%get3A_300] {strides = array<i32>} : memref<512xi32, #tpu.memory_space<vmem>>, vector<16xi32>,
    %get3A_302 = vector.shape_cast %get3A_301 : vector<16xi32> to vector<16xi32>
    %ge3A_303 = arith.constant 1000000 : i32
    %ge3A_304 = vector.broadcast %ge3A_303 : i32 to vector<16xi32>
    %ge3A_305 = arith.cmpi sge, %get3A_302, %ge3A_304 : vector<16xi32>
    %sub3A_306 = arith.constant 1000000 : i32
    %sub3A_307 = vector.broadcast %sub3A_306 : i32 to vector<16xi32>
    %sub3A_308 = arith.subi %get3A_302, %sub3A_307 : vector<16xi32>
    %select_n3A_309 = arith.select %ge3A_305, %sub3A_308, %get3A_302 : vector<16xi1>, vector<16xi32>
    %swap3A_310 = arith.constant 2 : i32
    %swap3A_311 = arith.index_cast %swap3A_310 : i32 to index
    %swap3A_312 = arith.constant 32 : index
    %swap3A_313 = tpu.vector_load %arg8[%swap3A_311, %swap3A_312] {strides = array<i32>} : memref<4x128xi32, #tpu.memory_space<vmem>>, vector<1x16xi32>,
    %swap3A_314 = vector.shape_cast %swap3A_313 : vector<1x16xi32> to vector<16xi32>
    %swap3A_315 = vector.shape_cast %select_n3A_309 : vector<16xi32> to vector<1x16xi32>
    tpu.vector_store %arg8[%swap3A_311, %swap3A_312], %swap3A_315 {strides = array<i32>} : memref<4x128xi32, #tpu.memory_space<vmem>>, vector<1x16xi32>,
    %get3A_316 = arith.constant 304 : index
    %get3A_317 = tpu.vector_load %arg6[%get3A_316] {strides = array<i32>} : memref<512xi32, #tpu.memory_space<vmem>>, vector<16xi32>,
    %get3A_318 = vector.shape_cast %get3A_317 : vector<16xi32> to vector<16xi32>
    %ge3A_319 = arith.constant 1000000 : i32
    %ge3A_320 = vector.broadcast %ge3A_319 : i32 to vector<16xi32>
    %ge3A_321 = arith.cmpi sge, %get3A_318, %ge3A_320 : vector<16xi32>
    %sub3A_322 = arith.constant 1000000 : i32
    %sub3A_323 = vector.broadcast %sub3A_322 : i32 to vector<16xi32>
    %sub3A_324 = arith.subi %get3A_318, %sub3A_323 : vector<16xi32>
    %select_n3A_325 = arith.select %ge3A_321, %sub3A_324, %get3A_318 : vector<16xi1>, vector<16xi32>
    %swap3A_326 = arith.constant 2 : i32
    %swap3A_327 = arith.index_cast %swap3A_326 : i32 to index
    %swap3A_328 = arith.constant 48 : index
    %swap3A_329 = tpu.vector_load %arg8[%swap3A_327, %swap3A_328] {strides = array<i32>} : memref<4x128xi32, #tpu.memory_space<vmem>>, vector<1x16xi32>,
    %swap3A_330 = vector.shape_cast %swap3A_329 : vector<1x16xi32> to vector<16xi32>
    %swap3A_331 = vector.shape_cast %select_n3A_325 : vector<16xi32> to vector<1x16xi32>
    tpu.vector_store %arg8[%swap3A_327, %swap3A_328], %swap3A_331 {strides = array<i32>} : memref<4x128xi32, #tpu.memory_space<vmem>>, vector<1x16xi32>,
    %get3A_332 = arith.constant 320 : index
    %get3A_333 = tpu.vector_load %arg6[%get3A_332] {strides = array<i32>} : memref<512xi32, #tpu.memory_space<vmem>>, vector<16xi32>,
    %get3A_334 = vector.shape_cast %get3A_333 : vector<16xi32> to vector<16xi32>
    %ge3A_335 = arith.constant 1000000 : i32
    %ge3A_336 = vector.broadcast %ge3A_335 : i32 to vector<16xi32>
    %ge3A_337 = arith.cmpi sge, %get3A_334, %ge3A_336 : vector<16xi32>
    %sub3A_338 = arith.constant 1000000 : i32
    %sub3A_339 = vector.broadcast %sub3A_338 : i32 to vector<16xi32>
    %sub3A_340 = arith.subi %get3A_334, %sub3A_339 : vector<16xi32>
    %select_n3A_341 = arith.select %ge3A_337, %sub3A_340, %get3A_334 : vector<16xi1>, vector<16xi32>
    %swap3A_342 = arith.constant 2 : i32
    %swap3A_343 = arith.index_cast %swap3A_342 : i32 to index
    %swap3A_344 = arith.constant 64 : index
    %swap3A_345 = tpu.vector_load %arg8[%swap3A_343, %swap3A_344] {strides = array<i32>} : memref<4x128xi32, #tpu.memory_space<vmem>>, vector<1x16xi32>,
    %swap3A_346 = vector.shape_cast %swap3A_345 : vector<1x16xi32> to vector<16xi32>
    %swap3A_347 = vector.shape_cast %select_n3A_341 : vector<16xi32> to vector<1x16xi32>
    tpu.vector_store %arg8[%swap3A_343, %swap3A_344], %swap3A_347 {strides = array<i32>} : memref<4x128xi32, #tpu.memory_space<vmem>>, vector<1x16xi32>,
    %get3A_348 = arith.constant 336 : index
    %get3A_349 = tpu.vector_load %arg6[%get3A_348] {strides = array<i32>} : memref<512xi32, #tpu.memory_space<vmem>>, vector<16xi32>,
    %get3A_350 = vector.shape_cast %get3A_349 : vector<16xi32> to vector<16xi32>
    %ge3A_351 = arith.constant 1000000 : i32
    %ge3A_352 = vector.broadcast %ge3A_351 : i32 to vector<16xi32>
    %ge3A_353 = arith.cmpi sge, %get3A_350, %ge3A_352 : vector<16xi32>
    %sub3A_354 = arith.constant 1000000 : i32
    %sub3A_355 = vector.broadcast %sub3A_354 : i32 to vector<16xi32>
    %sub3A_356 = arith.subi %get3A_350, %sub3A_355 : vector<16xi32>
    %select_n3A_357 = arith.select %ge3A_353, %sub3A_356, %get3A_350 : vector<16xi1>, vector<16xi32>
    %swap3A_358 = arith.constant 2 : i32
    %swap3A_359 = arith.index_cast %swap3A_358 : i32 to index
    %swap3A_360 = arith.constant 80 : index
    %swap3A_361 = tpu.vector_load %arg8[%swap3A_359, %swap3A_360] {strides = array<i32>} : memref<4x128xi32, #tpu.memory_space<vmem>>, vector<1x16xi32>,
    %swap3A_362 = vector.shape_cast %swap3A_361 : vector<1x16xi32> to vector<16xi32>
    %swap3A_363 = vector.shape_cast %select_n3A_357 : vector<16xi32> to vector<1x16xi32>
    tpu.vector_store %arg8[%swap3A_359, %swap3A_360], %swap3A_363 {strides = array<i32>} : memref<4x128xi32, #tpu.memory_space<vmem>>, vector<1x16xi32>,
    %get3A_364 = arith.constant 352 : index
    %get3A_365 = tpu.vector_load %arg6[%get3A_364] {strides = array<i32>} : memref<512xi32, #tpu.memory_space<vmem>>, vector<16xi32>,
    %get3A_366 = vector.shape_cast %get3A_365 : vector<16xi32> to vector<16xi32>
    %ge3A_367 = arith.constant 1000000 : i32
    %ge3A_368 = vector.broadcast %ge3A_367 : i32 to vector<16xi32>
    %ge3A_369 = arith.cmpi sge, %get3A_366, %ge3A_368 : vector<16xi32>
    %sub3A_370 = arith.constant 1000000 : i32
    %sub3A_371 = vector.broadcast %sub3A_370 : i32 to vector<16xi32>
    %sub3A_372 = arith.subi %get3A_366, %sub3A_371 : vector<16xi32>
    %select_n3A_373 = arith.select %ge3A_369, %sub3A_372, %get3A_366 : vector<16xi1>, vector<16xi32>
    %swap3A_374 = arith.constant 2 : i32
    %swap3A_375 = arith.index_cast %swap3A_374 : i32 to index
    %swap3A_376 = arith.constant 96 : index
    %swap3A_377 = tpu.vector_load %arg8[%swap3A_375, %swap3A_376] {strides = array<i32>} : memref<4x128xi32, #tpu.memory_space<vmem>>, vector<1x16xi32>,
    %swap3A_378 = vector.shape_cast %swap3A_377 : vector<1x16xi32> to vector<16xi32>
    %swap3A_379 = vector.shape_cast %select_n3A_373 : vector<16xi32> to vector<1x16xi32>
    tpu.vector_store %arg8[%swap3A_375, %swap3A_376], %swap3A_379 {strides = array<i32>} : memref<4x128xi32, #tpu.memory_space<vmem>>, vector<1x16xi32>,
    %get3A_380 = arith.constant 368 : index
    %get3A_381 = tpu.vector_load %arg6[%get3A_380] {strides = array<i32>} : memref<512xi32, #tpu.memory_space<vmem>>, vector<16xi32>,
    %get3A_382 = vector.shape_cast %get3A_381 : vector<16xi32> to vector<16xi32>
    %ge3A_383 = arith.constant 1000000 : i32
    %ge3A_384 = vector.broadcast %ge3A_383 : i32 to vector<16xi32>
    %ge3A_385 = arith.cmpi sge, %get3A_382, %ge3A_384 : vector<16xi32>
    %sub3A_386 = arith.constant 1000000 : i32
    %sub3A_387 = vector.broadcast %sub3A_386 : i32 to vector<16xi32>
    %sub3A_388 = arith.subi %get3A_382, %sub3A_387 : vector<16xi32>
    %select_n3A_389 = arith.select %ge3A_385, %sub3A_388, %get3A_382 : vector<16xi1>, vector<16xi32>
    %swap3A_390 = arith.constant 2 : i32
    %swap3A_391 = arith.index_cast %swap3A_390 : i32 to index
    %swap3A_392 = arith.constant 112 : index
    %swap3A_393 = tpu.vector_load %arg8[%swap3A_391, %swap3A_392] {strides = array<i32>} : memref<4x128xi32, #tpu.memory_space<vmem>>, vector<1x16xi32>,
    %swap3A_394 = vector.shape_cast %swap3A_393 : vector<1x16xi32> to vector<16xi32>
    %swap3A_395 = vector.shape_cast %select_n3A_389 : vector<16xi32> to vector<1x16xi32>
    tpu.vector_store %arg8[%swap3A_391, %swap3A_392], %swap3A_395 {strides = array<i32>} : memref<4x128xi32, #tpu.memory_space<vmem>>, vector<1x16xi32>,
    %get3A_396 = arith.constant 384 : index
    %get3A_397 = tpu.vector_load %arg6[%get3A_396] {strides = array<i32>} : memref<512xi32, #tpu.memory_space<vmem>>, vector<16xi32>,
    %get3A_398 = vector.shape_cast %get3A_397 : vector<16xi32> to vector<16xi32>
    %ge3A_399 = arith.constant 1000000 : i32
    %ge3A_400 = vector.broadcast %ge3A_399 : i32 to vector<16xi32>
    %ge3A_401 = arith.cmpi sge, %get3A_398, %ge3A_400 : vector<16xi32>
    %sub3A_402 = arith.constant 1000000 : i32
    %sub3A_403 = vector.broadcast %sub3A_402 : i32 to vector<16xi32>
    %sub3A_404 = arith.subi %get3A_398, %sub3A_403 : vector<16xi32>
    %select_n3A_405 = arith.select %ge3A_401, %sub3A_404, %get3A_398 : vector<16xi1>, vector<16xi32>
    %swap3A_406 = arith.constant 3 : i32
    %swap3A_407 = arith.index_cast %swap3A_406 : i32 to index
    %swap3A_408 = arith.constant 0 : index
    %swap3A_409 = tpu.vector_load %arg8[%swap3A_407, %swap3A_408] {strides = array<i32>} : memref<4x128xi32, #tpu.memory_space<vmem>>, vector<1x16xi32>,
    %swap3A_410 = vector.shape_cast %swap3A_409 : vector<1x16xi32> to vector<16xi32>
    %swap3A_411 = vector.shape_cast %select_n3A_405 : vector<16xi32> to vector<1x16xi32>
    tpu.vector_store %arg8[%swap3A_407, %swap3A_408], %swap3A_411 {strides = array<i32>} : memref<4x128xi32, #tpu.memory_space<vmem>>, vector<1x16xi32>,
    %get3A_412 = arith.constant 400 : index
    %get3A_413 = tpu.vector_load %arg6[%get3A_412] {strides = array<i32>} : memref<512xi32, #tpu.memory_space<vmem>>, vector<16xi32>,
    %get3A_414 = vector.shape_cast %get3A_413 : vector<16xi32> to vector<16xi32>
    %ge3A_415 = arith.constant 1000000 : i32
    %ge3A_416 = vector.broadcast %ge3A_415 : i32 to vector<16xi32>
    %ge3A_417 = arith.cmpi sge, %get3A_414, %ge3A_416 : vector<16xi32>
    %sub3A_418 = arith.constant 1000000 : i32
    %sub3A_419 = vector.broadcast %sub3A_418 : i32 to vector<16xi32>
    %sub3A_420 = arith.subi %get3A_414, %sub3A_419 : vector<16xi32>
    %select_n3A_421 = arith.select %ge3A_417, %sub3A_420, %get3A_414 : vector<16xi1>, vector<16xi32>
    %swap3A_422 = arith.constant 3 : i32
    %swap3A_423 = arith.index_cast %swap3A_422 : i32 to index
    %swap3A_424 = arith.constant 16 : index
    %swap3A_425 = tpu.vector_load %arg8[%swap3A_423, %swap3A_424] {strides = array<i32>} : memref<4x128xi32, #tpu.memory_space<vmem>>, vector<1x16xi32>,
    %swap3A_426 = vector.shape_cast %swap3A_425 : vector<1x16xi32> to vector<16xi32>
    %swap3A_427 = vector.shape_cast %select_n3A_421 : vector<16xi32> to vector<1x16xi32>
    tpu.vector_store %arg8[%swap3A_423, %swap3A_424], %swap3A_427 {strides = array<i32>} : memref<4x128xi32, #tpu.memory_space<vmem>>, vector<1x16xi32>,
    %get3A_428 = arith.constant 416 : index
    %get3A_429 = tpu.vector_load %arg6[%get3A_428] {strides = array<i32>} : memref<512xi32, #tpu.memory_space<vmem>>, vector<16xi32>,
    %get3A_430 = vector.shape_cast %get3A_429 : vector<16xi32> to vector<16xi32>
    %ge3A_431 = arith.constant 1000000 : i32
    %ge3A_432 = vector.broadcast %ge3A_431 : i32 to vector<16xi32>
    %ge3A_433 = arith.cmpi sge, %get3A_430, %ge3A_432 : vector<16xi32>
    %sub3A_434 = arith.constant 1000000 : i32
    %sub3A_435 = vector.broadcast %sub3A_434 : i32 to vector<16xi32>
    %sub3A_436 = arith.subi %get3A_430, %sub3A_435 : vector<16xi32>
    %select_n3A_437 = arith.select %ge3A_433, %sub3A_436, %get3A_430 : vector<16xi1>, vector<16xi32>
    %swap3A_438 = arith.constant 3 : i32
    %swap3A_439 = arith.index_cast %swap3A_438 : i32 to index
    %swap3A_440 = arith.constant 32 : index
    %swap3A_441 = tpu.vector_load %arg8[%swap3A_439, %swap3A_440] {strides = array<i32>} : memref<4x128xi32, #tpu.memory_space<vmem>>, vector<1x16xi32>,
    %swap3A_442 = vector.shape_cast %swap3A_441 : vector<1x16xi32> to vector<16xi32>
    %swap3A_443 = vector.shape_cast %select_n3A_437 : vector<16xi32> to vector<1x16xi32>
    tpu.vector_store %arg8[%swap3A_439, %swap3A_440], %swap3A_443 {strides = array<i32>} : memref<4x128xi32, #tpu.memory_space<vmem>>, vector<1x16xi32>,
    %get3A_444 = arith.constant 432 : index
    %get3A_445 = tpu.vector_load %arg6[%get3A_444] {strides = array<i32>} : memref<512xi32, #tpu.memory_space<vmem>>, vector<16xi32>,
    %get3A_446 = vector.shape_cast %get3A_445 : vector<16xi32> to vector<16xi32>
    %ge3A_447 = arith.constant 1000000 : i32
    %ge3A_448 = vector.broadcast %ge3A_447 : i32 to vector<16xi32>
    %ge3A_449 = arith.cmpi sge, %get3A_446, %ge3A_448 : vector<16xi32>
    %sub3A_450 = arith.constant 1000000 : i32
    %sub3A_451 = vector.broadcast %sub3A_450 : i32 to vector<16xi32>
    %sub3A_452 = arith.subi %get3A_446, %sub3A_451 : vector<16xi32>
    %select_n3A_453 = arith.select %ge3A_449, %sub3A_452, %get3A_446 : vector<16xi1>, vector<16xi32>
    %swap3A_454 = arith.constant 3 : i32
    %swap3A_455 = arith.index_cast %swap3A_454 : i32 to index
    %swap3A_456 = arith.constant 48 : index
    %swap3A_457 = tpu.vector_load %arg8[%swap3A_455, %swap3A_456] {strides = array<i32>} : memref<4x128xi32, #tpu.memory_space<vmem>>, vector<1x16xi32>,
    %swap3A_458 = vector.shape_cast %swap3A_457 : vector<1x16xi32> to vector<16xi32>
    %swap3A_459 = vector.shape_cast %select_n3A_453 : vector<16xi32> to vector<1x16xi32>
    tpu.vector_store %arg8[%swap3A_455, %swap3A_456], %swap3A_459 {strides = array<i32>} : memref<4x128xi32, #tpu.memory_space<vmem>>, vector<1x16xi32>,
    %get3A_460 = arith.constant 448 : index
    %get3A_461 = tpu.vector_load %arg6[%get3A_460] {strides = array<i32>} : memref<512xi32, #tpu.memory_space<vmem>>, vector<16xi32>,
    %get3A_462 = vector.shape_cast %get3A_461 : vector<16xi32> to vector<16xi32>
    %ge3A_463 = arith.constant 1000000 : i32
    %ge3A_464 = vector.broadcast %ge3A_463 : i32 to vector<16xi32>
    %ge3A_465 = arith.cmpi sge, %get3A_462, %ge3A_464 : vector<16xi32>
    %sub3A_466 = arith.constant 1000000 : i32
    %sub3A_467 = vector.broadcast %sub3A_466 : i32 to vector<16xi32>
    %sub3A_468 = arith.subi %get3A_462, %sub3A_467 : vector<16xi32>
    %select_n3A_469 = arith.select %ge3A_465, %sub3A_468, %get3A_462 : vector<16xi1>, vector<16xi32>
    %swap3A_470 = arith.constant 3 : i32
    %swap3A_471 = arith.index_cast %swap3A_470 : i32 to index
    %swap3A_472 = arith.constant 64 : index
    %swap3A_473 = tpu.vector_load %arg8[%swap3A_471, %swap3A_472] {strides = array<i32>} : memref<4x128xi32, #tpu.memory_space<vmem>>, vector<1x16xi32>,
    %swap3A_474 = vector.shape_cast %swap3A_473 : vector<1x16xi32> to vector<16xi32>
    %swap3A_475 = vector.shape_cast %select_n3A_469 : vector<16xi32> to vector<1x16xi32>
    tpu.vector_store %arg8[%swap3A_471, %swap3A_472], %swap3A_475 {strides = array<i32>} : memref<4x128xi32, #tpu.memory_space<vmem>>, vector<1x16xi32>,
    %get3A_476 = arith.constant 464 : index
    %get3A_477 = tpu.vector_load %arg6[%get3A_476] {strides = array<i32>} : memref<512xi32, #tpu.memory_space<vmem>>, vector<16xi32>,
    %get3A_478 = vector.shape_cast %get3A_477 : vector<16xi32> to vector<16xi32>
    %ge3A_479 = arith.constant 1000000 : i32
    %ge3A_480 = vector.broadcast %ge3A_479 : i32 to vector<16xi32>
    %ge3A_481 = arith.cmpi sge, %get3A_478, %ge3A_480 : vector<16xi32>
    %sub3A_482 = arith.constant 1000000 : i32
    %sub3A_483 = vector.broadcast %sub3A_482 : i32 to vector<16xi32>
    %sub3A_484 = arith.subi %get3A_478, %sub3A_483 : vector<16xi32>
    %select_n3A_485 = arith.select %ge3A_481, %sub3A_484, %get3A_478 : vector<16xi1>, vector<16xi32>
    %swap3A_486 = arith.constant 3 : i32
    %swap3A_487 = arith.index_cast %swap3A_486 : i32 to index
    %swap3A_488 = arith.constant 80 : index
    %swap3A_489 = tpu.vector_load %arg8[%swap3A_487, %swap3A_488] {strides = array<i32>} : memref<4x128xi32, #tpu.memory_space<vmem>>, vector<1x16xi32>,
    %swap3A_490 = vector.shape_cast %swap3A_489 : vector<1x16xi32> to vector<16xi32>
    %swap3A_491 = vector.shape_cast %select_n3A_485 : vector<16xi32> to vector<1x16xi32>
    tpu.vector_store %arg8[%swap3A_487, %swap3A_488], %swap3A_491 {strides = array<i32>} : memref<4x128xi32, #tpu.memory_space<vmem>>, vector<1x16xi32>,
    %get3A_492 = arith.constant 480 : index
    %get3A_493 = tpu.vector_load %arg6[%get3A_492] {strides = array<i32>} : memref<512xi32, #tpu.memory_space<vmem>>, vector<16xi32>,
    %get3A_494 = vector.shape_cast %get3A_493 : vector<16xi32> to vector<16xi32>
    %ge3A_495 = arith.constant 1000000 : i32
    %ge3A_496 = vector.broadcast %ge3A_495 : i32 to vector<16xi32>
    %ge3A_497 = arith.cmpi sge, %get3A_494, %ge3A_496 : vector<16xi32>
    %sub3A_498 = arith.constant 1000000 : i32
    %sub3A_499 = vector.broadcast %sub3A_498 : i32 to vector<16xi32>
    %sub3A_500 = arith.subi %get3A_494, %sub3A_499 : vector<16xi32>
    %select_n3A_501 = arith.select %ge3A_497, %sub3A_500, %get3A_494 : vector<16xi1>, vector<16xi32>
    %swap3A_502 = arith.constant 3 : i32
    %swap3A_503 = arith.index_cast %swap3A_502 : i32 to index
    %swap3A_504 = arith.constant 96 : index
    %swap3A_505 = tpu.vector_load %arg8[%swap3A_503, %swap3A_504] {strides = array<i32>} : memref<4x128xi32, #tpu.memory_space<vmem>>, vector<1x16xi32>,
    %swap3A_506 = vector.shape_cast %swap3A_505 : vector<1x16xi32> to vector<16xi32>
    %swap3A_507 = vector.shape_cast %select_n3A_501 : vector<16xi32> to vector<1x16xi32>
    tpu.vector_store %arg8[%swap3A_503, %swap3A_504], %swap3A_507 {strides = array<i32>} : memref<4x128xi32, #tpu.memory_space<vmem>>, vector<1x16xi32>,
    %get3A_508 = arith.constant 496 : index
    %get3A_509 = tpu.vector_load %arg6[%get3A_508] {strides = array<i32>} : memref<512xi32, #tpu.memory_space<vmem>>, vector<16xi32>,
    %get3A_510 = vector.shape_cast %get3A_509 : vector<16xi32> to vector<16xi32>
    %ge3A_511 = arith.constant 1000000 : i32
    %ge3A_512 = vector.broadcast %ge3A_511 : i32 to vector<16xi32>
    %ge3A_513 = arith.cmpi sge, %get3A_510, %ge3A_512 : vector<16xi32>
    %sub3A_514 = arith.constant 1000000 : i32
    %sub3A_515 = vector.broadcast %sub3A_514 : i32 to vector<16xi32>
    %sub3A_516 = arith.subi %get3A_510, %sub3A_515 : vector<16xi32>
    %select_n3A_517 = arith.select %ge3A_513, %sub3A_516, %get3A_510 : vector<16xi1>, vector<16xi32>
    %swap3A_518 = arith.constant 3 : i32
    %swap3A_519 = arith.index_cast %swap3A_518 : i32 to index
    %swap3A_520 = arith.constant 112 : index
    %swap3A_521 = tpu.vector_load %arg8[%swap3A_519, %swap3A_520] {strides = array<i32>} : memref<4x128xi32, #tpu.memory_space<vmem>>, vector<1x16xi32>,
    %swap3A_522 = vector.shape_cast %swap3A_521 : vector<1x16xi32> to vector<16xi32>
    %swap3A_523 = vector.shape_cast %select_n3A_517 : vector<16xi32> to vector<1x16xi32>
    tpu.vector_store %arg8[%swap3A_519, %swap3A_520], %swap3A_523 {strides = array<i32>} : memref<4x128xi32, #tpu.memory_space<vmem>>, vector<1x16xi32>,
    %dma_start3A_524 = arith.constant 0 : i32
    %dma_start3A_525 = arith.constant 0 : i32
    %dma_start3A_526 = arith.constant 0 : i32
    %dma_start3A_527 = tpu.memref_slice %arg10[%dma_start3A_525, %dma_start3A_526] : memref<512x64xf32, #tpu.memory_space<vmem>> -> memref<128x64xf32, #tpu.memory_space<vmem>>
    %dma_start3A_528 = arith.constant 0 : i32
    %dma_start3A_529 = tpu.memref_slice %arg8[%dma_start3A_524, %dma_start3A_528] : memref<4x128xi32, #tpu.memory_space<vmem>> -> memref<1x128xi32, #tpu.memory_space<vmem>>
    %dma_start3A_530 = tpu.memref_squeeze %dma_start3A_529 : memref<1x128xi32, #tpu.memory_space<vmem>> -> memref<128xi32, #tpu.memory_space<vmem>>
    %dma_start3A_531 = arith.constant 0 : i32
    %dma_start3A_532 = arith.constant 0 : i32
    %dma_start3A_533 = tpu.memref_slice %arg3[%dma_start3A_531, %dma_start3A_532] : memref<1000000x64xf32, #tpu.memory_space<hbm>> -> memref<1000000x64xf32, #tpu.memory_space<hbm>>
    tpu.enqueue_indirect_dma source(%dma_start3A_533 : memref<1000000x64xf32, #tpu.memory_space<hbm>>) target(%dma_start3A_527 : memref<128x64xf32, #tpu.memory_space<vmem>>) offsets(%dma_start3A_530 : memref<128xi32, #tpu.memory_space<vmem>>) semaphore(%arg14 : memref<!tpu.dma_semaphore, #tpu.memory_space<semaphore_mem>>)
    %dma_start3A_534 = arith.constant 1 : i32
    %dma_start3A_535 = arith.constant 128 : i32
    %dma_start3A_536 = arith.constant 0 : i32
    %dma_start3A_537 = tpu.memref_slice %arg10[%dma_start3A_535, %dma_start3A_536] : memref<512x64xf32, #tpu.memory_space<vmem>> -> memref<128x64xf32, #tpu.memory_space<vmem>>
    %dma_start3A_538 = arith.constant 0 : i32
    %dma_start3A_539 = tpu.memref_slice %arg8[%dma_start3A_534, %dma_start3A_538] : memref<4x128xi32, #tpu.memory_space<vmem>> -> memref<1x128xi32, #tpu.memory_space<vmem>>
    %dma_start3A_540 = tpu.memref_squeeze %dma_start3A_539 : memref<1x128xi32, #tpu.memory_space<vmem>> -> memref<128xi32, #tpu.memory_space<vmem>>
    %dma_start3A_541 = arith.constant 0 : i32
    %dma_start3A_542 = arith.constant 0 : i32
    %dma_start3A_543 = tpu.memref_slice %arg3[%dma_start3A_541, %dma_start3A_542] : memref<1000000x64xf32, #tpu.memory_space<hbm>> -> memref<1000000x64xf32, #tpu.memory_space<hbm>>
    tpu.enqueue_indirect_dma source(%dma_start3A_543 : memref<1000000x64xf32, #tpu.memory_space<hbm>>) target(%dma_start3A_537 : memref<128x64xf32, #tpu.memory_space<vmem>>) offsets(%dma_start3A_540 : memref<128xi32, #tpu.memory_space<vmem>>) semaphore(%arg14 : memref<!tpu.dma_semaphore, #tpu.memory_space<semaphore_mem>>)
    %dma_start3A_544 = arith.constant 2 : i32
    %dma_start3A_545 = arith.constant 256 : i32
    %dma_start3A_546 = arith.constant 0 : i32
    %dma_start3A_547 = tpu.memref_slice %arg10[%dma_start3A_545, %dma_start3A_546] : memref<512x64xf32, #tpu.memory_space<vmem>> -> memref<128x64xf32, #tpu.memory_space<vmem>>
    %dma_start3A_548 = arith.constant 0 : i32
    %dma_start3A_549 = tpu.memref_slice %arg8[%dma_start3A_544, %dma_start3A_548] : memref<4x128xi32, #tpu.memory_space<vmem>> -> memref<1x128xi32, #tpu.memory_space<vmem>>
    %dma_start3A_550 = tpu.memref_squeeze %dma_start3A_549 : memref<1x128xi32, #tpu.memory_space<vmem>> -> memref<128xi32, #tpu.memory_space<vmem>>
    %dma_start3A_551 = arith.constant 0 : i32
    %dma_start3A_552 = arith.constant 0 : i32
    %dma_start3A_553 = tpu.memref_slice %arg3[%dma_start3A_551, %dma_start3A_552] : memref<1000000x64xf32, #tpu.memory_space<hbm>> -> memref<1000000x64xf32, #tpu.memory_space<hbm>>
    tpu.enqueue_indirect_dma source(%dma_start3A_553 : memref<1000000x64xf32, #tpu.memory_space<hbm>>) target(%dma_start3A_547 : memref<128x64xf32, #tpu.memory_space<vmem>>) offsets(%dma_start3A_550 : memref<128xi32, #tpu.memory_space<vmem>>) semaphore(%arg14 : memref<!tpu.dma_semaphore, #tpu.memory_space<semaphore_mem>>)
    %dma_start3A_554 = arith.constant 3 : i32
    %dma_start3A_555 = arith.constant 384 : i32
    %dma_start3A_556 = arith.constant 0 : i32
    %dma_start3A_557 = tpu.memref_slice %arg10[%dma_start3A_555, %dma_start3A_556] : memref<512x64xf32, #tpu.memory_space<vmem>> -> memref<128x64xf32, #tpu.memory_space<vmem>>
    %dma_start3A_558 = arith.constant 0 : i32
    %dma_start3A_559 = tpu.memref_slice %arg8[%dma_start3A_554, %dma_start3A_558] : memref<4x128xi32, #tpu.memory_space<vmem>> -> memref<1x128xi32, #tpu.memory_space<vmem>>
    %dma_start3A_560 = tpu.memref_squeeze %dma_start3A_559 : memref<1x128xi32, #tpu.memory_space<vmem>> -> memref<128xi32, #tpu.memory_space<vmem>>
    %dma_start3A_561 = arith.constant 0 : i32
    %dma_start3A_562 = arith.constant 0 : i32
    %dma_start3A_563 = tpu.memref_slice %arg3[%dma_start3A_561, %dma_start3A_562] : memref<1000000x64xf32, #tpu.memory_space<hbm>> -> memref<1000000x64xf32, #tpu.memory_space<hbm>>
    tpu.enqueue_indirect_dma source(%dma_start3A_563 : memref<1000000x64xf32, #tpu.memory_space<hbm>>) target(%dma_start3A_557 : memref<128x64xf32, #tpu.memory_space<vmem>>) offsets(%dma_start3A_560 : memref<128xi32, #tpu.memory_space<vmem>>) semaphore(%arg14 : memref<!tpu.dma_semaphore, #tpu.memory_space<semaphore_mem>>)
    %scan3A = arith.constant 0 : i32
    %scan3A_564 = arith.constant 0 : i32
    %scan3A_565 = arith.constant 100 : i32
    %scan3A_566 = arith.addi %scan3A_564, %scan3A_565 : i32
    %scan3A_567 = arith.constant 1 : i32
    %scan3A_568 = scf.for %scan3A_582 = %scan3A_564 to %scan3A_566 step %scan3A_567 iter_args(%scan3A_583 = %scan3A) -> (i32)  : i32 {
      %mul3A_584 = arith.constant 2 : i32
      %mul3A_585 = arith.muli %mul3A_584, %scan3A_582 : i32
      %add3A_586 = arith.constant 0 : i32
      %add3A_587 = arith.addi %mul3A_585, %add3A_586 : i32
      %dma_wait3A_588 = arith.constant 0 : i32
      %dma_wait3A_589 = arith.constant 0 : i32
      %dma_wait3A_590 = arith.constant 0 : i32
      %dma_wait3A_591 = tpu.memref_slice %arg10[%dma_wait3A_589, %dma_wait3A_590] : memref<512x64xf32, #tpu.memory_space<vmem>> -> memref<128x64xf32, #tpu.memory_space<vmem>>
      %dma_wait3A_592 = arith.constant 0 : i32
      %dma_wait3A_593 = tpu.memref_slice %arg8[%dma_wait3A_588, %dma_wait3A_592] : memref<4x128xi32, #tpu.memory_space<vmem>> -> memref<1x128xi32, #tpu.memory_space<vmem>>
      %dma_wait3A_594 = tpu.memref_squeeze %dma_wait3A_593 : memref<1x128xi32, #tpu.memory_space<vmem>> -> memref<128xi32, #tpu.memory_space<vmem>>
      %dma_wait3A_595 = arith.constant 0 : i32
      %dma_wait3A_596 = arith.constant 0 : i32
      %dma_wait3A_597 = tpu.memref_slice %arg3[%dma_wait3A_595, %dma_wait3A_596] : memref<1000000x64xf32, #tpu.memory_space<hbm>> -> memref<1000000x64xf32, #tpu.memory_space<hbm>>
      tpu.wait_indirect_dma semaphore(%arg14 : memref<!tpu.dma_semaphore, #tpu.memory_space<semaphore_mem>>) src(%dma_wait3A_597 : memref<1000000x64xf32, #tpu.memory_space<hbm>>) dst(%dma_wait3A_591 : memref<128x64xf32, #tpu.memory_space<vmem>>)
      %dma_wait3A_598 = arith.constant 1 : i32
      %dma_wait3A_599 = arith.constant 128 : i32
      %dma_wait3A_600 = arith.constant 0 : i32
      %dma_wait3A_601 = tpu.memref_slice %arg10[%dma_wait3A_599, %dma_wait3A_600] : memref<512x64xf32, #tpu.memory_space<vmem>> -> memref<128x64xf32, #tpu.memory_space<vmem>>
      %dma_wait3A_602 = arith.constant 0 : i32
      %dma_wait3A_603 = tpu.memref_slice %arg8[%dma_wait3A_598, %dma_wait3A_602] : memref<4x128xi32, #tpu.memory_space<vmem>> -> memref<1x128xi32, #tpu.memory_space<vmem>>
      %dma_wait3A_604 = tpu.memref_squeeze %dma_wait3A_603 : memref<1x128xi32, #tpu.memory_space<vmem>> -> memref<128xi32, #tpu.memory_space<vmem>>
      %dma_wait3A_605 = arith.constant 0 : i32
      %dma_wait3A_606 = arith.constant 0 : i32
      %dma_wait3A_607 = tpu.memref_slice %arg3[%dma_wait3A_605, %dma_wait3A_606] : memref<1000000x64xf32, #tpu.memory_space<hbm>> -> memref<1000000x64xf32, #tpu.memory_space<hbm>>
      tpu.wait_indirect_dma semaphore(%arg14 : memref<!tpu.dma_semaphore, #tpu.memory_space<semaphore_mem>>) src(%dma_wait3A_607 : memref<1000000x64xf32, #tpu.memory_space<hbm>>) dst(%dma_wait3A_601 : memref<128x64xf32, #tpu.memory_space<vmem>>)
      %dma_wait3A_608 = arith.constant 2 : i32
      %dma_wait3A_609 = arith.constant 256 : i32
      %dma_wait3A_610 = arith.constant 0 : i32
      %dma_wait3A_611 = tpu.memref_slice %arg10[%dma_wait3A_609, %dma_wait3A_610] : memref<512x64xf32, #tpu.memory_space<vmem>> -> memref<128x64xf32, #tpu.memory_space<vmem>>
      %dma_wait3A_612 = arith.constant 0 : i32
      %dma_wait3A_613 = tpu.memref_slice %arg8[%dma_wait3A_608, %dma_wait3A_612] : memref<4x128xi32, #tpu.memory_space<vmem>> -> memref<1x128xi32, #tpu.memory_space<vmem>>
      %dma_wait3A_614 = tpu.memref_squeeze %dma_wait3A_613 : memref<1x128xi32, #tpu.memory_space<vmem>> -> memref<128xi32, #tpu.memory_space<vmem>>
      %dma_wait3A_615 = arith.constant 0 : i32
      %dma_wait3A_616 = arith.constant 0 : i32
      %dma_wait3A_617 = tpu.memref_slice %arg3[%dma_wait3A_615, %dma_wait3A_616] : memref<1000000x64xf32, #tpu.memory_space<hbm>> -> memref<1000000x64xf32, #tpu.memory_space<hbm>>
      tpu.wait_indirect_dma semaphore(%arg14 : memref<!tpu.dma_semaphore, #tpu.memory_space<semaphore_mem>>) src(%dma_wait3A_617 : memref<1000000x64xf32, #tpu.memory_space<hbm>>) dst(%dma_wait3A_611 : memref<128x64xf32, #tpu.memory_space<vmem>>)
      %dma_wait3A_618 = arith.constant 3 : i32
      %dma_wait3A_619 = arith.constant 384 : i32
      %dma_wait3A_620 = arith.constant 0 : i32
      %dma_wait3A_621 = tpu.memref_slice %arg10[%dma_wait3A_619, %dma_wait3A_620] : memref<512x64xf32, #tpu.memory_space<vmem>> -> memref<128x64xf32, #tpu.memory_space<vmem>>
      %dma_wait3A_622 = arith.constant 0 : i32
      %dma_wait3A_623 = tpu.memref_slice %arg8[%dma_wait3A_618, %dma_wait3A_622] : memref<4x128xi32, #tpu.memory_space<vmem>> -> memref<1x128xi32, #tpu.memory_space<vmem>>
      %dma_wait3A_624 = tpu.memref_squeeze %dma_wait3A_623 : memref<1x128xi32, #tpu.memory_space<vmem>> -> memref<128xi32, #tpu.memory_space<vmem>>
      %dma_wait3A_625 = arith.constant 0 : i32
      %dma_wait3A_626 = arith.constant 0 : i32
      %dma_wait3A_627 = tpu.memref_slice %arg3[%dma_wait3A_625, %dma_wait3A_626] : memref<1000000x64xf32, #tpu.memory_space<hbm>> -> memref<1000000x64xf32, #tpu.memory_space<hbm>>
      tpu.wait_indirect_dma semaphore(%arg14 : memref<!tpu.dma_semaphore, #tpu.memory_space<semaphore_mem>>) src(%dma_wait3A_627 : memref<1000000x64xf32, #tpu.memory_space<hbm>>) dst(%dma_wait3A_621 : memref<128x64xf32, #tpu.memory_space<vmem>>)
      %scan3A_628 = arith.constant 0 : i32
      %scan3A_629 = arith.constant 0 : i32
      %scan3A_630 = arith.constant 32 : i32
      %scan3A_631 = arith.addi %scan3A_629, %scan3A_630 : i32
      %scan3A_632 = arith.constant 1 : i32
      %scan3A_633 = scf.for %scan3A_1783 = %scan3A_629 to %scan3A_631 step %scan3A_632 iter_args(%scan3A_1784 = %scan3A_628) -> (i32)  : i32 {
        %mul3A_1785 = arith.constant 16 : i32
        %mul3A_1786 = arith.muli %scan3A_1783, %mul3A_1785 : i32
        %get3A_1787 = arith.index_cast %mul3A_1786 : i32 to index
        %get3A_1788 = tpu.vector_load %arg6[%get3A_1787] {strides = array<i32>} : memref<512xi32, #tpu.memory_space<vmem>>, vector<16xi32>,
        %get3A_1789 = vector.shape_cast %get3A_1788 : vector<16xi32> to vector<16xi32>
        %convert_element_type3A_1790 = arith.sitofp %get3A_1789 : vector<16xi32> to vector<16xf32>
        %iota3A = tpu.iota {dimensions = array<i32: 0>} : vector<16xi32>
        %xor3A = arith.constant 1 : i32
        %xor3A_1791 = vector.broadcast %xor3A : i32 to vector<16xi32>
        %xor3A_1792 = arith.xori %iota3A, %xor3A_1791 : vector<16xi32>
        %broadcast_in_dim3A = vector.shape_cast %xor3A_1792 : vector<16xi32> to vector<16x1xi32>
        %gather3A = vector.shape_cast %broadcast_in_dim3A : vector<16x1xi32> to vector<16xi32>
        %gather3A_1793 = tpu.dynamic_gather %convert_element_type3A_1790[%gather3A] in [0] : vector<16xf32>, vector<16xi32> -> vector<16xf32>
        %max3A = arith.maximumf %convert_element_type3A_1790, %gather3A_1793 : vector<16xf32>
        %iota3A_1794 = tpu.iota {dimensions = array<i32: 0>} : vector<16xi32>
        %xor3A_1795 = arith.constant 2 : i32
        %xor3A_1796 = vector.broadcast %xor3A_1795 : i32 to vector<16xi32>
        %xor3A_1797 = arith.xori %iota3A_1794, %xor3A_1796 : vector<16xi32>
        %broadcast_in_dim3A_1798 = vector.shape_cast %xor3A_1797 : vector<16xi32> to vector<16x1xi32>
        %gather3A_1799 = vector.shape_cast %broadcast_in_dim3A_1798 : vector<16x1xi32> to vector<16xi32>
        %gather3A_1800 = tpu.dynamic_gather %max3A[%gather3A_1799] in [0] : vector<16xf32>, vector<16xi32> -> vector<16xf32>
        %max3A_1801 = arith.maximumf %max3A, %gather3A_1800 : vector<16xf32>
        %iota3A_1802 = tpu.iota {dimensions = array<i32: 0>} : vector<16xi32>
        %xor3A_1803 = arith.constant 4 : i32
        %xor3A_1804 = vector.broadcast %xor3A_1803 : i32 to vector<16xi32>
        %xor3A_1805 = arith.xori %iota3A_1802, %xor3A_1804 : vector<16xi32>
        %broadcast_in_dim3A_1806 = vector.shape_cast %xor3A_1805 : vector<16xi32> to vector<16x1xi32>
        %gather3A_1807 = vector.shape_cast %broadcast_in_dim3A_1806 : vector<16x1xi32> to vector<16xi32>
        %gather3A_1808 = tpu.dynamic_gather %max3A_1801[%gather3A_1807] in [0] : vector<16xf32>, vector<16xi32> -> vector<16xf32>
        %max3A_1809 = arith.maximumf %max3A_1801, %gather3A_1808 : vector<16xf32>
        %iota3A_1810 = tpu.iota {dimensions = array<i32: 0>} : vector<16xi32>
        %xor3A_1811 = arith.constant 8 : i32
        %xor3A_1812 = vector.broadcast %xor3A_1811 : i32 to vector<16xi32>
        %xor3A_1813 = arith.xori %iota3A_1810, %xor3A_1812 : vector<16xi32>
        %broadcast_in_dim3A_1814 = vector.shape_cast %xor3A_1813 : vector<16xi32> to vector<16x1xi32>
        %gather3A_1815 = vector.shape_cast %broadcast_in_dim3A_1814 : vector<16x1xi32> to vector<16xi32>
        %gather3A_1816 = tpu.dynamic_gather %max3A_1809[%gather3A_1815] in [0] : vector<16xf32>, vector<16xi32> -> vector<16xf32>
        %max3A_1817 = arith.maximumf %max3A_1809, %gather3A_1816 : vector<16xf32>
        %slice3A = vector.extract_strided_slice %max3A_1817 {offsets = [0], sizes = [1], strides = [1]} : vector<16xf32> to vector<1xf32>
        %squeeze3A = vector.extract %slice3A[0] : f32 from vector<1xf32>
        %ge3A_1818 = arith.constant 1.000000e+06 : f32
        %ge3A_1819 = arith.cmpf oge, %squeeze3A, %ge3A_1818 : f32
        %convert_element_type3A_1820 = arith.extui %ge3A_1819 : i1 to i32
        %cond3A_1821 = arith.constant 0 : i32
        %cond3A_1822 = arith.cmpi ne, %convert_element_type3A_1820, %cond3A_1821 : i32
        scf.if %cond3A_1822 {
          %slice3A_1824 = vector.extract_strided_slice %get3A_1789 {offsets = [0], sizes = [1], strides = [1]} : vector<16xi32> to vector<1xi32>
          %squeeze3A_1825 = vector.extract %slice3A_1824[0] : i32 from vector<1xi32>
          %ge3A_1826 = arith.constant 1000000 : i32
          %ge3A_1827 = arith.cmpi sge, %squeeze3A_1825, %ge3A_1826 : i32
          %convert_element_type3A_1828 = arith.extui %ge3A_1827 : i1 to i32
          %cond3A_1829 = arith.constant 0 : i32
          %cond3A_1830 = arith.cmpi ne, %convert_element_type3A_1828, %cond3A_1829 : i32
          scf.if %cond3A_1830 {
            %sub3A_1936 = arith.constant 1000000 : i32
            %sub3A_1937 = arith.subi %squeeze3A_1825, %sub3A_1936 : i32
            %mul3A_1938 = arith.constant 16 : i32
            %mul3A_1939 = arith.muli %scan3A_1783, %mul3A_1938 : i32
            %add3A_1940 = arith.constant 0 : i32
            %add3A_1941 = arith.addi %mul3A_1939, %add3A_1940 : i32
            %dma_start3A_1942 = arith.constant 0 : i32
            %dma_start3A_1943 = tpu.memref_slice %arg10[%add3A_1941, %dma_start3A_1942] : memref<512x64xf32, #tpu.memory_space<vmem>> -> memref<1x64xf32, #tpu.memory_space<vmem>>
            %dma_start3A_1944 = arith.constant 0 : i32
            %dma_start3A_1945 = tpu.memref_slice %arg4[%sub3A_1937, %dma_start3A_1944] : memref<1024x64xf32, #tpu.memory_space<hbm>> -> memref<1x64xf32, #tpu.memory_space<hbm>>
            %dma_start3A_1946 = arith.constant 0 : i32
            %dma_start3A_1947 = tpu.memref_slice %arg10[%add3A_1941, %dma_start3A_1946] : memref<512x64xf32, #tpu.memory_space<vmem>> -> memref<1x64xf32, #tpu.memory_space<vmem>>
            %dma_start3A_1948 = arith.constant 0 : i32
            %dma_start3A_1949 = tpu.memref_slice %arg4[%sub3A_1937, %dma_start3A_1948] : memref<1024x64xf32, #tpu.memory_space<hbm>> -> memref<1x64xf32, #tpu.memory_space<hbm>>
            tpu.enqueue_dma source(%dma_start3A_1949 : memref<1x64xf32, #tpu.memory_space<hbm>>) target(%dma_start3A_1947 : memref<1x64xf32, #tpu.memory_space<vmem>>) target_semaphore(%arg18 : memref<!tpu.dma_semaphore, #tpu.memory_space<semaphore_mem>>)
            %dma_wait3A_1950 = arith.constant 0 : i32
            %dma_wait3A_1951 = tpu.memref_slice %arg10[%add3A_1941, %dma_wait3A_1950] : memref<512x64xf32, #tpu.memory_space<vmem>> -> memref<1x64xf32, #tpu.memory_space<vmem>>
            %dma_wait3A_1952 = arith.constant 0 : i32
            %dma_wait3A_1953 = tpu.memref_slice %arg4[%sub3A_1937, %dma_wait3A_1952] : memref<1024x64xf32, #tpu.memory_space<hbm>> -> memref<1x64xf32, #tpu.memory_space<hbm>>
            %dma_wait3A_1954 = arith.constant 0 : i32
            %dma_wait3A_1955 = tpu.memref_slice %arg10[%add3A_1941, %dma_wait3A_1954] : memref<512x64xf32, #tpu.memory_space<vmem>> -> memref<1x64xf32, #tpu.memory_space<vmem>>
            %dma_wait3A_1956 = arith.constant 0 : i32
            %dma_wait3A_1957 = tpu.memref_slice %arg4[%sub3A_1937, %dma_wait3A_1956] : memref<1024x64xf32, #tpu.memory_space<hbm>> -> memref<1x64xf32, #tpu.memory_space<hbm>>
            tpu.wait_dma2 semaphore(%arg18 : memref<!tpu.dma_semaphore, #tpu.memory_space<semaphore_mem>>) src(%dma_wait3A_1957 : memref<1x64xf32, #tpu.memory_space<hbm>>) dst(%dma_wait3A_1955 : memref<1x64xf32, #tpu.memory_space<vmem>>)
          } else {
          }
          %slice3A_1831 = vector.extract_strided_slice %get3A_1789 {offsets = [1], sizes = [1], strides = [1]} : vector<16xi32> to vector<1xi32>
          %squeeze3A_1832 = vector.extract %slice3A_1831[0] : i32 from vector<1xi32>
          %ge3A_1833 = arith.constant 1000000 : i32
          %ge3A_1834 = arith.cmpi sge, %squeeze3A_1832, %ge3A_1833 : i32
          %convert_element_type3A_1835 = arith.extui %ge3A_1834 : i1 to i32
          %cond3A_1836 = arith.constant 0 : i32
          %cond3A_1837 = arith.cmpi ne, %convert_element_type3A_1835, %cond3A_1836 : i32
          scf.if %cond3A_1837 {
            %sub3A_1936 = arith.constant 1000000 : i32
            %sub3A_1937 = arith.subi %squeeze3A_1832, %sub3A_1936 : i32
            %mul3A_1938 = arith.constant 16 : i32
            %mul3A_1939 = arith.muli %scan3A_1783, %mul3A_1938 : i32
            %add3A_1940 = arith.constant 1 : i32
            %add3A_1941 = arith.addi %mul3A_1939, %add3A_1940 : i32
            %dma_start3A_1942 = arith.constant 0 : i32
            %dma_start3A_1943 = tpu.memref_slice %arg10[%add3A_1941, %dma_start3A_1942] : memref<512x64xf32, #tpu.memory_space<vmem>> -> memref<1x64xf32, #tpu.memory_space<vmem>>
            %dma_start3A_1944 = arith.constant 0 : i32
            %dma_start3A_1945 = tpu.memref_slice %arg4[%sub3A_1937, %dma_start3A_1944] : memref<1024x64xf32, #tpu.memory_space<hbm>> -> memref<1x64xf32, #tpu.memory_space<hbm>>
            %dma_start3A_1946 = arith.constant 0 : i32
            %dma_start3A_1947 = tpu.memref_slice %arg10[%add3A_1941, %dma_start3A_1946] : memref<512x64xf32, #tpu.memory_space<vmem>> -> memref<1x64xf32, #tpu.memory_space<vmem>>
            %dma_start3A_1948 = arith.constant 0 : i32
            %dma_start3A_1949 = tpu.memref_slice %arg4[%sub3A_1937, %dma_start3A_1948] : memref<1024x64xf32, #tpu.memory_space<hbm>> -> memref<1x64xf32, #tpu.memory_space<hbm>>
            tpu.enqueue_dma source(%dma_start3A_1949 : memref<1x64xf32, #tpu.memory_space<hbm>>) target(%dma_start3A_1947 : memref<1x64xf32, #tpu.memory_space<vmem>>) target_semaphore(%arg18 : memref<!tpu.dma_semaphore, #tpu.memory_space<semaphore_mem>>)
            %dma_wait3A_1950 = arith.constant 0 : i32
            %dma_wait3A_1951 = tpu.memref_slice %arg10[%add3A_1941, %dma_wait3A_1950] : memref<512x64xf32, #tpu.memory_space<vmem>> -> memref<1x64xf32, #tpu.memory_space<vmem>>
            %dma_wait3A_1952 = arith.constant 0 : i32
            %dma_wait3A_1953 = tpu.memref_slice %arg4[%sub3A_1937, %dma_wait3A_1952] : memref<1024x64xf32, #tpu.memory_space<hbm>> -> memref<1x64xf32, #tpu.memory_space<hbm>>
            %dma_wait3A_1954 = arith.constant 0 : i32
            %dma_wait3A_1955 = tpu.memref_slice %arg10[%add3A_1941, %dma_wait3A_1954] : memref<512x64xf32, #tpu.memory_space<vmem>> -> memref<1x64xf32, #tpu.memory_space<vmem>>
            %dma_wait3A_1956 = arith.constant 0 : i32
            %dma_wait3A_1957 = tpu.memref_slice %arg4[%sub3A_1937, %dma_wait3A_1956] : memref<1024x64xf32, #tpu.memory_space<hbm>> -> memref<1x64xf32, #tpu.memory_space<hbm>>
            tpu.wait_dma2 semaphore(%arg18 : memref<!tpu.dma_semaphore, #tpu.memory_space<semaphore_mem>>) src(%dma_wait3A_1957 : memref<1x64xf32, #tpu.memory_space<hbm>>) dst(%dma_wait3A_1955 : memref<1x64xf32, #tpu.memory_space<vmem>>)
          } else {
          }
          %slice3A_1838 = vector.extract_strided_slice %get3A_1789 {offsets = [2], sizes = [1], strides = [1]} : vector<16xi32> to vector<1xi32>
          %squeeze3A_1839 = vector.extract %slice3A_1838[0] : i32 from vector<1xi32>
          %ge3A_1840 = arith.constant 1000000 : i32
          %ge3A_1841 = arith.cmpi sge, %squeeze3A_1839, %ge3A_1840 : i32
          %convert_element_type3A_1842 = arith.extui %ge3A_1841 : i1 to i32
          %cond3A_1843 = arith.constant 0 : i32
          %cond3A_1844 = arith.cmpi ne, %convert_element_type3A_1842, %cond3A_1843 : i32
          scf.if %cond3A_1844 {
            %sub3A_1936 = arith.constant 1000000 : i32
            %sub3A_1937 = arith.subi %squeeze3A_1839, %sub3A_1936 : i32
            %mul3A_1938 = arith.constant 16 : i32
            %mul3A_1939 = arith.muli %scan3A_1783, %mul3A_1938 : i32
            %add3A_1940 = arith.constant 2 : i32
            %add3A_1941 = arith.addi %mul3A_1939, %add3A_1940 : i32
            %dma_start3A_1942 = arith.constant 0 : i32
            %dma_start3A_1943 = tpu.memref_slice %arg10[%add3A_1941, %dma_start3A_1942] : memref<512x64xf32, #tpu.memory_space<vmem>> -> memref<1x64xf32, #tpu.memory_space<vmem>>
            %dma_start3A_1944 = arith.constant 0 : i32
            %dma_start3A_1945 = tpu.memref_slice %arg4[%sub3A_1937, %dma_start3A_1944] : memref<1024x64xf32, #tpu.memory_space<hbm>> -> memref<1x64xf32, #tpu.memory_space<hbm>>
            %dma_start3A_1946 = arith.constant 0 : i32
            %dma_start3A_1947 = tpu.memref_slice %arg10[%add3A_1941, %dma_start3A_1946] : memref<512x64xf32, #tpu.memory_space<vmem>> -> memref<1x64xf32, #tpu.memory_space<vmem>>
            %dma_start3A_1948 = arith.constant 0 : i32
            %dma_start3A_1949 = tpu.memref_slice %arg4[%sub3A_1937, %dma_start3A_1948] : memref<1024x64xf32, #tpu.memory_space<hbm>> -> memref<1x64xf32, #tpu.memory_space<hbm>>
            tpu.enqueue_dma source(%dma_start3A_1949 : memref<1x64xf32, #tpu.memory_space<hbm>>) target(%dma_start3A_1947 : memref<1x64xf32, #tpu.memory_space<vmem>>) target_semaphore(%arg18 : memref<!tpu.dma_semaphore, #tpu.memory_space<semaphore_mem>>)
            %dma_wait3A_1950 = arith.constant 0 : i32
            %dma_wait3A_1951 = tpu.memref_slice %arg10[%add3A_1941, %dma_wait3A_1950] : memref<512x64xf32, #tpu.memory_space<vmem>> -> memref<1x64xf32, #tpu.memory_space<vmem>>
            %dma_wait3A_1952 = arith.constant 0 : i32
            %dma_wait3A_1953 = tpu.memref_slice %arg4[%sub3A_1937, %dma_wait3A_1952] : memref<1024x64xf32, #tpu.memory_space<hbm>> -> memref<1x64xf32, #tpu.memory_space<hbm>>
            %dma_wait3A_1954 = arith.constant 0 : i32
            %dma_wait3A_1955 = tpu.memref_slice %arg10[%add3A_1941, %dma_wait3A_1954] : memref<512x64xf32, #tpu.memory_space<vmem>> -> memref<1x64xf32, #tpu.memory_space<vmem>>
            %dma_wait3A_1956 = arith.constant 0 : i32
            %dma_wait3A_1957 = tpu.memref_slice %arg4[%sub3A_1937, %dma_wait3A_1956] : memref<1024x64xf32, #tpu.memory_space<hbm>> -> memref<1x64xf32, #tpu.memory_space<hbm>>
            tpu.wait_dma2 semaphore(%arg18 : memref<!tpu.dma_semaphore, #tpu.memory_space<semaphore_mem>>) src(%dma_wait3A_1957 : memref<1x64xf32, #tpu.memory_space<hbm>>) dst(%dma_wait3A_1955 : memref<1x64xf32, #tpu.memory_space<vmem>>)
          } else {
          }
          %slice3A_1845 = vector.extract_strided_slice %get3A_1789 {offsets = [3], sizes = [1], strides = [1]} : vector<16xi32> to vector<1xi32>
          %squeeze3A_1846 = vector.extract %slice3A_1845[0] : i32 from vector<1xi32>
          %ge3A_1847 = arith.constant 1000000 : i32
          %ge3A_1848 = arith.cmpi sge, %squeeze3A_1846, %ge3A_1847 : i32
          %convert_element_type3A_1849 = arith.extui %ge3A_1848 : i1 to i32
          %cond3A_1850 = arith.constant 0 : i32
          %cond3A_1851 = arith.cmpi ne, %convert_element_type3A_1849, %cond3A_1850 : i32
          scf.if %cond3A_1851 {
            %sub3A_1936 = arith.constant 1000000 : i32
            %sub3A_1937 = arith.subi %squeeze3A_1846, %sub3A_1936 : i32
            %mul3A_1938 = arith.constant 16 : i32
            %mul3A_1939 = arith.muli %scan3A_1783, %mul3A_1938 : i32
            %add3A_1940 = arith.constant 3 : i32
            %add3A_1941 = arith.addi %mul3A_1939, %add3A_1940 : i32
            %dma_start3A_1942 = arith.constant 0 : i32
            %dma_start3A_1943 = tpu.memref_slice %arg10[%add3A_1941, %dma_start3A_1942] : memref<512x64xf32, #tpu.memory_space<vmem>> -> memref<1x64xf32, #tpu.memory_space<vmem>>
            %dma_start3A_1944 = arith.constant 0 : i32
            %dma_start3A_1945 = tpu.memref_slice %arg4[%sub3A_1937, %dma_start3A_1944] : memref<1024x64xf32, #tpu.memory_space<hbm>> -> memref<1x64xf32, #tpu.memory_space<hbm>>
            %dma_start3A_1946 = arith.constant 0 : i32
            %dma_start3A_1947 = tpu.memref_slice %arg10[%add3A_1941, %dma_start3A_1946] : memref<512x64xf32, #tpu.memory_space<vmem>> -> memref<1x64xf32, #tpu.memory_space<vmem>>
            %dma_start3A_1948 = arith.constant 0 : i32
            %dma_start3A_1949 = tpu.memref_slice %arg4[%sub3A_1937, %dma_start3A_1948] : memref<1024x64xf32, #tpu.memory_space<hbm>> -> memref<1x64xf32, #tpu.memory_space<hbm>>
            tpu.enqueue_dma source(%dma_start3A_1949 : memref<1x64xf32, #tpu.memory_space<hbm>>) target(%dma_start3A_1947 : memref<1x64xf32, #tpu.memory_space<vmem>>) target_semaphore(%arg18 : memref<!tpu.dma_semaphore, #tpu.memory_space<semaphore_mem>>)
            %dma_wait3A_1950 = arith.constant 0 : i32
            %dma_wait3A_1951 = tpu.memref_slice %arg10[%add3A_1941, %dma_wait3A_1950] : memref<512x64xf32, #tpu.memory_space<vmem>> -> memref<1x64xf32, #tpu.memory_space<vmem>>
            %dma_wait3A_1952 = arith.constant 0 : i32
            %dma_wait3A_1953 = tpu.memref_slice %arg4[%sub3A_1937, %dma_wait3A_1952] : memref<1024x64xf32, #tpu.memory_space<hbm>> -> memref<1x64xf32, #tpu.memory_space<hbm>>
            %dma_wait3A_1954 = arith.constant 0 : i32
            %dma_wait3A_1955 = tpu.memref_slice %arg10[%add3A_1941, %dma_wait3A_1954] : memref<512x64xf32, #tpu.memory_space<vmem>> -> memref<1x64xf32, #tpu.memory_space<vmem>>
            %dma_wait3A_1956 = arith.constant 0 : i32
            %dma_wait3A_1957 = tpu.memref_slice %arg4[%sub3A_1937, %dma_wait3A_1956] : memref<1024x64xf32, #tpu.memory_space<hbm>> -> memref<1x64xf32, #tpu.memory_space<hbm>>
            tpu.wait_dma2 semaphore(%arg18 : memref<!tpu.dma_semaphore, #tpu.memory_space<semaphore_mem>>) src(%dma_wait3A_1957 : memref<1x64xf32, #tpu.memory_space<hbm>>) dst(%dma_wait3A_1955 : memref<1x64xf32, #tpu.memory_space<vmem>>)
          } else {
          }
          %slice3A_1852 = vector.extract_strided_slice %get3A_1789 {offsets = [4], sizes = [1], strides = [1]} : vector<16xi32> to vector<1xi32>
          %squeeze3A_1853 = vector.extract %slice3A_1852[0] : i32 from vector<1xi32>
          %ge3A_1854 = arith.constant 1000000 : i32
          %ge3A_1855 = arith.cmpi sge, %squeeze3A_1853, %ge3A_1854 : i32
          %convert_element_type3A_1856 = arith.extui %ge3A_1855 : i1 to i32
          %cond3A_1857 = arith.constant 0 : i32
          %cond3A_1858 = arith.cmpi ne, %convert_element_type3A_1856, %cond3A_1857 : i32
          scf.if %cond3A_1858 {
            %sub3A_1936 = arith.constant 1000000 : i32
            %sub3A_1937 = arith.subi %squeeze3A_1853, %sub3A_1936 : i32
            %mul3A_1938 = arith.constant 16 : i32
            %mul3A_1939 = arith.muli %scan3A_1783, %mul3A_1938 : i32
            %add3A_1940 = arith.constant 4 : i32
            %add3A_1941 = arith.addi %mul3A_1939, %add3A_1940 : i32
            %dma_start3A_1942 = arith.constant 0 : i32
            %dma_start3A_1943 = tpu.memref_slice %arg10[%add3A_1941, %dma_start3A_1942] : memref<512x64xf32, #tpu.memory_space<vmem>> -> memref<1x64xf32, #tpu.memory_space<vmem>>
            %dma_start3A_1944 = arith.constant 0 : i32
            %dma_start3A_1945 = tpu.memref_slice %arg4[%sub3A_1937, %dma_start3A_1944] : memref<1024x64xf32, #tpu.memory_space<hbm>> -> memref<1x64xf32, #tpu.memory_space<hbm>>
            %dma_start3A_1946 = arith.constant 0 : i32
            %dma_start3A_1947 = tpu.memref_slice %arg10[%add3A_1941, %dma_start3A_1946] : memref<512x64xf32, #tpu.memory_space<vmem>> -> memref<1x64xf32, #tpu.memory_space<vmem>>
            %dma_start3A_1948 = arith.constant 0 : i32
            %dma_start3A_1949 = tpu.memref_slice %arg4[%sub3A_1937, %dma_start3A_1948] : memref<1024x64xf32, #tpu.memory_space<hbm>> -> memref<1x64xf32, #tpu.memory_space<hbm>>
            tpu.enqueue_dma source(%dma_start3A_1949 : memref<1x64xf32, #tpu.memory_space<hbm>>) target(%dma_start3A_1947 : memref<1x64xf32, #tpu.memory_space<vmem>>) target_semaphore(%arg18 : memref<!tpu.dma_semaphore, #tpu.memory_space<semaphore_mem>>)
            %dma_wait3A_1950 = arith.constant 0 : i32
            %dma_wait3A_1951 = tpu.memref_slice %arg10[%add3A_1941, %dma_wait3A_1950] : memref<512x64xf32, #tpu.memory_space<vmem>> -> memref<1x64xf32, #tpu.memory_space<vmem>>
            %dma_wait3A_1952 = arith.constant 0 : i32
            %dma_wait3A_1953 = tpu.memref_slice %arg4[%sub3A_1937, %dma_wait3A_1952] : memref<1024x64xf32, #tpu.memory_space<hbm>> -> memref<1x64xf32, #tpu.memory_space<hbm>>
            %dma_wait3A_1954 = arith.constant 0 : i32
            %dma_wait3A_1955 = tpu.memref_slice %arg10[%add3A_1941, %dma_wait3A_1954] : memref<512x64xf32, #tpu.memory_space<vmem>> -> memref<1x64xf32, #tpu.memory_space<vmem>>
            %dma_wait3A_1956 = arith.constant 0 : i32
            %dma_wait3A_1957 = tpu.memref_slice %arg4[%sub3A_1937, %dma_wait3A_1956] : memref<1024x64xf32, #tpu.memory_space<hbm>> -> memref<1x64xf32, #tpu.memory_space<hbm>>
            tpu.wait_dma2 semaphore(%arg18 : memref<!tpu.dma_semaphore, #tpu.memory_space<semaphore_mem>>) src(%dma_wait3A_1957 : memref<1x64xf32, #tpu.memory_space<hbm>>) dst(%dma_wait3A_1955 : memref<1x64xf32, #tpu.memory_space<vmem>>)
          } else {
          }
          %slice3A_1859 = vector.extract_strided_slice %get3A_1789 {offsets = [5], sizes = [1], strides = [1]} : vector<16xi32> to vector<1xi32>
          %squeeze3A_1860 = vector.extract %slice3A_1859[0] : i32 from vector<1xi32>
          %ge3A_1861 = arith.constant 1000000 : i32
          %ge3A_1862 = arith.cmpi sge, %squeeze3A_1860, %ge3A_1861 : i32
          %convert_element_type3A_1863 = arith.extui %ge3A_1862 : i1 to i32
          %cond3A_1864 = arith.constant 0 : i32
          %cond3A_1865 = arith.cmpi ne, %convert_element_type3A_1863, %cond3A_1864 : i32
          scf.if %cond3A_1865 {
            %sub3A_1936 = arith.constant 1000000 : i32
            %sub3A_1937 = arith.subi %squeeze3A_1860, %sub3A_1936 : i32
            %mul3A_1938 = arith.constant 16 : i32
            %mul3A_1939 = arith.muli %scan3A_1783, %mul3A_1938 : i32
            %add3A_1940 = arith.constant 5 : i32
            %add3A_1941 = arith.addi %mul3A_1939, %add3A_1940 : i32
            %dma_start3A_1942 = arith.constant 0 : i32
            %dma_start3A_1943 = tpu.memref_slice %arg10[%add3A_1941, %dma_start3A_1942] : memref<512x64xf32, #tpu.memory_space<vmem>> -> memref<1x64xf32, #tpu.memory_space<vmem>>
            %dma_start3A_1944 = arith.constant 0 : i32
            %dma_start3A_1945 = tpu.memref_slice %arg4[%sub3A_1937, %dma_start3A_1944] : memref<1024x64xf32, #tpu.memory_space<hbm>> -> memref<1x64xf32, #tpu.memory_space<hbm>>
            %dma_start3A_1946 = arith.constant 0 : i32
            %dma_start3A_1947 = tpu.memref_slice %arg10[%add3A_1941, %dma_start3A_1946] : memref<512x64xf32, #tpu.memory_space<vmem>> -> memref<1x64xf32, #tpu.memory_space<vmem>>
            %dma_start3A_1948 = arith.constant 0 : i32
            %dma_start3A_1949 = tpu.memref_slice %arg4[%sub3A_1937, %dma_start3A_1948] : memref<1024x64xf32, #tpu.memory_space<hbm>> -> memref<1x64xf32, #tpu.memory_space<hbm>>
            tpu.enqueue_dma source(%dma_start3A_1949 : memref<1x64xf32, #tpu.memory_space<hbm>>) target(%dma_start3A_1947 : memref<1x64xf32, #tpu.memory_space<vmem>>) target_semaphore(%arg18 : memref<!tpu.dma_semaphore, #tpu.memory_space<semaphore_mem>>)
            %dma_wait3A_1950 = arith.constant 0 : i32
            %dma_wait3A_1951 = tpu.memref_slice %arg10[%add3A_1941, %dma_wait3A_1950] : memref<512x64xf32, #tpu.memory_space<vmem>> -> memref<1x64xf32, #tpu.memory_space<vmem>>
            %dma_wait3A_1952 = arith.constant 0 : i32
            %dma_wait3A_1953 = tpu.memref_slice %arg4[%sub3A_1937, %dma_wait3A_1952] : memref<1024x64xf32, #tpu.memory_space<hbm>> -> memref<1x64xf32, #tpu.memory_space<hbm>>
            %dma_wait3A_1954 = arith.constant 0 : i32
            %dma_wait3A_1955 = tpu.memref_slice %arg10[%add3A_1941, %dma_wait3A_1954] : memref<512x64xf32, #tpu.memory_space<vmem>> -> memref<1x64xf32, #tpu.memory_space<vmem>>
            %dma_wait3A_1956 = arith.constant 0 : i32
            %dma_wait3A_1957 = tpu.memref_slice %arg4[%sub3A_1937, %dma_wait3A_1956] : memref<1024x64xf32, #tpu.memory_space<hbm>> -> memref<1x64xf32, #tpu.memory_space<hbm>>
            tpu.wait_dma2 semaphore(%arg18 : memref<!tpu.dma_semaphore, #tpu.memory_space<semaphore_mem>>) src(%dma_wait3A_1957 : memref<1x64xf32, #tpu.memory_space<hbm>>) dst(%dma_wait3A_1955 : memref<1x64xf32, #tpu.memory_space<vmem>>)
          } else {
          }
          %slice3A_1866 = vector.extract_strided_slice %get3A_1789 {offsets = [6], sizes = [1], strides = [1]} : vector<16xi32> to vector<1xi32>
          %squeeze3A_1867 = vector.extract %slice3A_1866[0] : i32 from vector<1xi32>
          %ge3A_1868 = arith.constant 1000000 : i32
          %ge3A_1869 = arith.cmpi sge, %squeeze3A_1867, %ge3A_1868 : i32
          %convert_element_type3A_1870 = arith.extui %ge3A_1869 : i1 to i32
          %cond3A_1871 = arith.constant 0 : i32
          %cond3A_1872 = arith.cmpi ne, %convert_element_type3A_1870, %cond3A_1871 : i32
          scf.if %cond3A_1872 {
            %sub3A_1936 = arith.constant 1000000 : i32
            %sub3A_1937 = arith.subi %squeeze3A_1867, %sub3A_1936 : i32
            %mul3A_1938 = arith.constant 16 : i32
            %mul3A_1939 = arith.muli %scan3A_1783, %mul3A_1938 : i32
            %add3A_1940 = arith.constant 6 : i32
            %add3A_1941 = arith.addi %mul3A_1939, %add3A_1940 : i32
            %dma_start3A_1942 = arith.constant 0 : i32
            %dma_start3A_1943 = tpu.memref_slice %arg10[%add3A_1941, %dma_start3A_1942] : memref<512x64xf32, #tpu.memory_space<vmem>> -> memref<1x64xf32, #tpu.memory_space<vmem>>
            %dma_start3A_1944 = arith.constant 0 : i32
            %dma_start3A_1945 = tpu.memref_slice %arg4[%sub3A_1937, %dma_start3A_1944] : memref<1024x64xf32, #tpu.memory_space<hbm>> -> memref<1x64xf32, #tpu.memory_space<hbm>>
            %dma_start3A_1946 = arith.constant 0 : i32
            %dma_start3A_1947 = tpu.memref_slice %arg10[%add3A_1941, %dma_start3A_1946] : memref<512x64xf32, #tpu.memory_space<vmem>> -> memref<1x64xf32, #tpu.memory_space<vmem>>
            %dma_start3A_1948 = arith.constant 0 : i32
            %dma_start3A_1949 = tpu.memref_slice %arg4[%sub3A_1937, %dma_start3A_1948] : memref<1024x64xf32, #tpu.memory_space<hbm>> -> memref<1x64xf32, #tpu.memory_space<hbm>>
            tpu.enqueue_dma source(%dma_start3A_1949 : memref<1x64xf32, #tpu.memory_space<hbm>>) target(%dma_start3A_1947 : memref<1x64xf32, #tpu.memory_space<vmem>>) target_semaphore(%arg18 : memref<!tpu.dma_semaphore, #tpu.memory_space<semaphore_mem>>)
            %dma_wait3A_1950 = arith.constant 0 : i32
            %dma_wait3A_1951 = tpu.memref_slice %arg10[%add3A_1941, %dma_wait3A_1950] : memref<512x64xf32, #tpu.memory_space<vmem>> -> memref<1x64xf32, #tpu.memory_space<vmem>>
            %dma_wait3A_1952 = arith.constant 0 : i32
            %dma_wait3A_1953 = tpu.memref_slice %arg4[%sub3A_1937, %dma_wait3A_1952] : memref<1024x64xf32, #tpu.memory_space<hbm>> -> memref<1x64xf32, #tpu.memory_space<hbm>>
            %dma_wait3A_1954 = arith.constant 0 : i32
            %dma_wait3A_1955 = tpu.memref_slice %arg10[%add3A_1941, %dma_wait3A_1954] : memref<512x64xf32, #tpu.memory_space<vmem>> -> memref<1x64xf32, #tpu.memory_space<vmem>>
            %dma_wait3A_1956 = arith.constant 0 : i32
            %dma_wait3A_1957 = tpu.memref_slice %arg4[%sub3A_1937, %dma_wait3A_1956] : memref<1024x64xf32, #tpu.memory_space<hbm>> -> memref<1x64xf32, #tpu.memory_space<hbm>>
            tpu.wait_dma2 semaphore(%arg18 : memref<!tpu.dma_semaphore, #tpu.memory_space<semaphore_mem>>) src(%dma_wait3A_1957 : memref<1x64xf32, #tpu.memory_space<hbm>>) dst(%dma_wait3A_1955 : memref<1x64xf32, #tpu.memory_space<vmem>>)
          } else {
          }
          %slice3A_1873 = vector.extract_strided_slice %get3A_1789 {offsets = [7], sizes = [1], strides = [1]} : vector<16xi32> to vector<1xi32>
          %squeeze3A_1874 = vector.extract %slice3A_1873[0] : i32 from vector<1xi32>
          %ge3A_1875 = arith.constant 1000000 : i32
          %ge3A_1876 = arith.cmpi sge, %squeeze3A_1874, %ge3A_1875 : i32
          %convert_element_type3A_1877 = arith.extui %ge3A_1876 : i1 to i32
          %cond3A_1878 = arith.constant 0 : i32
          %cond3A_1879 = arith.cmpi ne, %convert_element_type3A_1877, %cond3A_1878 : i32
          scf.if %cond3A_1879 {
            %sub3A_1936 = arith.constant 1000000 : i32
            %sub3A_1937 = arith.subi %squeeze3A_1874, %sub3A_1936 : i32
            %mul3A_1938 = arith.constant 16 : i32
            %mul3A_1939 = arith.muli %scan3A_1783, %mul3A_1938 : i32
            %add3A_1940 = arith.constant 7 : i32
            %add3A_1941 = arith.addi %mul3A_1939, %add3A_1940 : i32
            %dma_start3A_1942 = arith.constant 0 : i32
            %dma_start3A_1943 = tpu.memref_slice %arg10[%add3A_1941, %dma_start3A_1942] : memref<512x64xf32, #tpu.memory_space<vmem>> -> memref<1x64xf32, #tpu.memory_space<vmem>>
            %dma_start3A_1944 = arith.constant 0 : i32
            %dma_start3A_1945 = tpu.memref_slice %arg4[%sub3A_1937, %dma_start3A_1944] : memref<1024x64xf32, #tpu.memory_space<hbm>> -> memref<1x64xf32, #tpu.memory_space<hbm>>
            %dma_start3A_1946 = arith.constant 0 : i32
            %dma_start3A_1947 = tpu.memref_slice %arg10[%add3A_1941, %dma_start3A_1946] : memref<512x64xf32, #tpu.memory_space<vmem>> -> memref<1x64xf32, #tpu.memory_space<vmem>>
            %dma_start3A_1948 = arith.constant 0 : i32
            %dma_start3A_1949 = tpu.memref_slice %arg4[%sub3A_1937, %dma_start3A_1948] : memref<1024x64xf32, #tpu.memory_space<hbm>> -> memref<1x64xf32, #tpu.memory_space<hbm>>
            tpu.enqueue_dma source(%dma_start3A_1949 : memref<1x64xf32, #tpu.memory_space<hbm>>) target(%dma_start3A_1947 : memref<1x64xf32, #tpu.memory_space<vmem>>) target_semaphore(%arg18 : memref<!tpu.dma_semaphore, #tpu.memory_space<semaphore_mem>>)
            %dma_wait3A_1950 = arith.constant 0 : i32
            %dma_wait3A_1951 = tpu.memref_slice %arg10[%add3A_1941, %dma_wait3A_1950] : memref<512x64xf32, #tpu.memory_space<vmem>> -> memref<1x64xf32, #tpu.memory_space<vmem>>
            %dma_wait3A_1952 = arith.constant 0 : i32
            %dma_wait3A_1953 = tpu.memref_slice %arg4[%sub3A_1937, %dma_wait3A_1952] : memref<1024x64xf32, #tpu.memory_space<hbm>> -> memref<1x64xf32, #tpu.memory_space<hbm>>
            %dma_wait3A_1954 = arith.constant 0 : i32
            %dma_wait3A_1955 = tpu.memref_slice %arg10[%add3A_1941, %dma_wait3A_1954] : memref<512x64xf32, #tpu.memory_space<vmem>> -> memref<1x64xf32, #tpu.memory_space<vmem>>
            %dma_wait3A_1956 = arith.constant 0 : i32
            %dma_wait3A_1957 = tpu.memref_slice %arg4[%sub3A_1937, %dma_wait3A_1956] : memref<1024x64xf32, #tpu.memory_space<hbm>> -> memref<1x64xf32, #tpu.memory_space<hbm>>
            tpu.wait_dma2 semaphore(%arg18 : memref<!tpu.dma_semaphore, #tpu.memory_space<semaphore_mem>>) src(%dma_wait3A_1957 : memref<1x64xf32, #tpu.memory_space<hbm>>) dst(%dma_wait3A_1955 : memref<1x64xf32, #tpu.memory_space<vmem>>)
          } else {
          }
          %slice3A_1880 = vector.extract_strided_slice %get3A_1789 {offsets = [8], sizes = [1], strides = [1]} : vector<16xi32> to vector<1xi32>
          %squeeze3A_1881 = vector.extract %slice3A_1880[0] : i32 from vector<1xi32>
          %ge3A_1882 = arith.constant 1000000 : i32
          %ge3A_1883 = arith.cmpi sge, %squeeze3A_1881, %ge3A_1882 : i32
          %convert_element_type3A_1884 = arith.extui %ge3A_1883 : i1 to i32
          %cond3A_1885 = arith.constant 0 : i32
          %cond3A_1886 = arith.cmpi ne, %convert_element_type3A_1884, %cond3A_1885 : i32
          scf.if %cond3A_1886 {
            %sub3A_1936 = arith.constant 1000000 : i32
            %sub3A_1937 = arith.subi %squeeze3A_1881, %sub3A_1936 : i32
            %mul3A_1938 = arith.constant 16 : i32
            %mul3A_1939 = arith.muli %scan3A_1783, %mul3A_1938 : i32
            %add3A_1940 = arith.constant 8 : i32
            %add3A_1941 = arith.addi %mul3A_1939, %add3A_1940 : i32
            %dma_start3A_1942 = arith.constant 0 : i32
            %dma_start3A_1943 = tpu.memref_slice %arg10[%add3A_1941, %dma_start3A_1942] : memref<512x64xf32, #tpu.memory_space<vmem>> -> memref<1x64xf32, #tpu.memory_space<vmem>>
            %dma_start3A_1944 = arith.constant 0 : i32
            %dma_start3A_1945 = tpu.memref_slice %arg4[%sub3A_1937, %dma_start3A_1944] : memref<1024x64xf32, #tpu.memory_space<hbm>> -> memref<1x64xf32, #tpu.memory_space<hbm>>
            %dma_start3A_1946 = arith.constant 0 : i32
            %dma_start3A_1947 = tpu.memref_slice %arg10[%add3A_1941, %dma_start3A_1946] : memref<512x64xf32, #tpu.memory_space<vmem>> -> memref<1x64xf32, #tpu.memory_space<vmem>>
            %dma_start3A_1948 = arith.constant 0 : i32
            %dma_start3A_1949 = tpu.memref_slice %arg4[%sub3A_1937, %dma_start3A_1948] : memref<1024x64xf32, #tpu.memory_space<hbm>> -> memref<1x64xf32, #tpu.memory_space<hbm>>
            tpu.enqueue_dma source(%dma_start3A_1949 : memref<1x64xf32, #tpu.memory_space<hbm>>) target(%dma_start3A_1947 : memref<1x64xf32, #tpu.memory_space<vmem>>) target_semaphore(%arg18 : memref<!tpu.dma_semaphore, #tpu.memory_space<semaphore_mem>>)
            %dma_wait3A_1950 = arith.constant 0 : i32
            %dma_wait3A_1951 = tpu.memref_slice %arg10[%add3A_1941, %dma_wait3A_1950] : memref<512x64xf32, #tpu.memory_space<vmem>> -> memref<1x64xf32, #tpu.memory_space<vmem>>
            %dma_wait3A_1952 = arith.constant 0 : i32
            %dma_wait3A_1953 = tpu.memref_slice %arg4[%sub3A_1937, %dma_wait3A_1952] : memref<1024x64xf32, #tpu.memory_space<hbm>> -> memref<1x64xf32, #tpu.memory_space<hbm>>
            %dma_wait3A_1954 = arith.constant 0 : i32
            %dma_wait3A_1955 = tpu.memref_slice %arg10[%add3A_1941, %dma_wait3A_1954] : memref<512x64xf32, #tpu.memory_space<vmem>> -> memref<1x64xf32, #tpu.memory_space<vmem>>
            %dma_wait3A_1956 = arith.constant 0 : i32
            %dma_wait3A_1957 = tpu.memref_slice %arg4[%sub3A_1937, %dma_wait3A_1956] : memref<1024x64xf32, #tpu.memory_space<hbm>> -> memref<1x64xf32, #tpu.memory_space<hbm>>
            tpu.wait_dma2 semaphore(%arg18 : memref<!tpu.dma_semaphore, #tpu.memory_space<semaphore_mem>>) src(%dma_wait3A_1957 : memref<1x64xf32, #tpu.memory_space<hbm>>) dst(%dma_wait3A_1955 : memref<1x64xf32, #tpu.memory_space<vmem>>)
          } else {
          }
          %slice3A_1887 = vector.extract_strided_slice %get3A_1789 {offsets = [9], sizes = [1], strides = [1]} : vector<16xi32> to vector<1xi32>
          %squeeze3A_1888 = vector.extract %slice3A_1887[0] : i32 from vector<1xi32>
          %ge3A_1889 = arith.constant 1000000 : i32
          %ge3A_1890 = arith.cmpi sge, %squeeze3A_1888, %ge3A_1889 : i32
          %convert_element_type3A_1891 = arith.extui %ge3A_1890 : i1 to i32
          %cond3A_1892 = arith.constant 0 : i32
          %cond3A_1893 = arith.cmpi ne, %convert_element_type3A_1891, %cond3A_1892 : i32
          scf.if %cond3A_1893 {
            %sub3A_1936 = arith.constant 1000000 : i32
            %sub3A_1937 = arith.subi %squeeze3A_1888, %sub3A_1936 : i32
            %mul3A_1938 = arith.constant 16 : i32
            %mul3A_1939 = arith.muli %scan3A_1783, %mul3A_1938 : i32
            %add3A_1940 = arith.constant 9 : i32
            %add3A_1941 = arith.addi %mul3A_1939, %add3A_1940 : i32
            %dma_start3A_1942 = arith.constant 0 : i32
            %dma_start3A_1943 = tpu.memref_slice %arg10[%add3A_1941, %dma_start3A_1942] : memref<512x64xf32, #tpu.memory_space<vmem>> -> memref<1x64xf32, #tpu.memory_space<vmem>>
            %dma_start3A_1944 = arith.constant 0 : i32
            %dma_start3A_1945 = tpu.memref_slice %arg4[%sub3A_1937, %dma_start3A_1944] : memref<1024x64xf32, #tpu.memory_space<hbm>> -> memref<1x64xf32, #tpu.memory_space<hbm>>
            %dma_start3A_1946 = arith.constant 0 : i32
            %dma_start3A_1947 = tpu.memref_slice %arg10[%add3A_1941, %dma_start3A_1946] : memref<512x64xf32, #tpu.memory_space<vmem>> -> memref<1x64xf32, #tpu.memory_space<vmem>>
            %dma_start3A_1948 = arith.constant 0 : i32
            %dma_start3A_1949 = tpu.memref_slice %arg4[%sub3A_1937, %dma_start3A_1948] : memref<1024x64xf32, #tpu.memory_space<hbm>> -> memref<1x64xf32, #tpu.memory_space<hbm>>
            tpu.enqueue_dma source(%dma_start3A_1949 : memref<1x64xf32, #tpu.memory_space<hbm>>) target(%dma_start3A_1947 : memref<1x64xf32, #tpu.memory_space<vmem>>) target_semaphore(%arg18 : memref<!tpu.dma_semaphore, #tpu.memory_space<semaphore_mem>>)
            %dma_wait3A_1950 = arith.constant 0 : i32
            %dma_wait3A_1951 = tpu.memref_slice %arg10[%add3A_1941, %dma_wait3A_1950] : memref<512x64xf32, #tpu.memory_space<vmem>> -> memref<1x64xf32, #tpu.memory_space<vmem>>
            %dma_wait3A_1952 = arith.constant 0 : i32
            %dma_wait3A_1953 = tpu.memref_slice %arg4[%sub3A_1937, %dma_wait3A_1952] : memref<1024x64xf32, #tpu.memory_space<hbm>> -> memref<1x64xf32, #tpu.memory_space<hbm>>
            %dma_wait3A_1954 = arith.constant 0 : i32
            %dma_wait3A_1955 = tpu.memref_slice %arg10[%add3A_1941, %dma_wait3A_1954] : memref<512x64xf32, #tpu.memory_space<vmem>> -> memref<1x64xf32, #tpu.memory_space<vmem>>
            %dma_wait3A_1956 = arith.constant 0 : i32
            %dma_wait3A_1957 = tpu.memref_slice %arg4[%sub3A_1937, %dma_wait3A_1956] : memref<1024x64xf32, #tpu.memory_space<hbm>> -> memref<1x64xf32, #tpu.memory_space<hbm>>
            tpu.wait_dma2 semaphore(%arg18 : memref<!tpu.dma_semaphore, #tpu.memory_space<semaphore_mem>>) src(%dma_wait3A_1957 : memref<1x64xf32, #tpu.memory_space<hbm>>) dst(%dma_wait3A_1955 : memref<1x64xf32, #tpu.memory_space<vmem>>)
          } else {
          }
          %slice3A_1894 = vector.extract_strided_slice %get3A_1789 {offsets = [10], sizes = [1], strides = [1]} : vector<16xi32> to vector<1xi32>
          %squeeze3A_1895 = vector.extract %slice3A_1894[0] : i32 from vector<1xi32>
          %ge3A_1896 = arith.constant 1000000 : i32
          %ge3A_1897 = arith.cmpi sge, %squeeze3A_1895, %ge3A_1896 : i32
          %convert_element_type3A_1898 = arith.extui %ge3A_1897 : i1 to i32
          %cond3A_1899 = arith.constant 0 : i32
          %cond3A_1900 = arith.cmpi ne, %convert_element_type3A_1898, %cond3A_1899 : i32
          scf.if %cond3A_1900 {
            %sub3A_1936 = arith.constant 1000000 : i32
            %sub3A_1937 = arith.subi %squeeze3A_1895, %sub3A_1936 : i32
            %mul3A_1938 = arith.constant 16 : i32
            %mul3A_1939 = arith.muli %scan3A_1783, %mul3A_1938 : i32
            %add3A_1940 = arith.constant 10 : i32
            %add3A_1941 = arith.addi %mul3A_1939, %add3A_1940 : i32
            %dma_start3A_1942 = arith.constant 0 : i32
            %dma_start3A_1943 = tpu.memref_slice %arg10[%add3A_1941, %dma_start3A_1942] : memref<512x64xf32, #tpu.memory_space<vmem>> -> memref<1x64xf32, #tpu.memory_space<vmem>>
            %dma_start3A_1944 = arith.constant 0 : i32
            %dma_start3A_1945 = tpu.memref_slice %arg4[%sub3A_1937, %dma_start3A_1944] : memref<1024x64xf32, #tpu.memory_space<hbm>> -> memref<1x64xf32, #tpu.memory_space<hbm>>
            %dma_start3A_1946 = arith.constant 0 : i32
            %dma_start3A_1947 = tpu.memref_slice %arg10[%add3A_1941, %dma_start3A_1946] : memref<512x64xf32, #tpu.memory_space<vmem>> -> memref<1x64xf32, #tpu.memory_space<vmem>>
            %dma_start3A_1948 = arith.constant 0 : i32
            %dma_start3A_1949 = tpu.memref_slice %arg4[%sub3A_1937, %dma_start3A_1948] : memref<1024x64xf32, #tpu.memory_space<hbm>> -> memref<1x64xf32, #tpu.memory_space<hbm>>
            tpu.enqueue_dma source(%dma_start3A_1949 : memref<1x64xf32, #tpu.memory_space<hbm>>) target(%dma_start3A_1947 : memref<1x64xf32, #tpu.memory_space<vmem>>) target_semaphore(%arg18 : memref<!tpu.dma_semaphore, #tpu.memory_space<semaphore_mem>>)
            %dma_wait3A_1950 = arith.constant 0 : i32
            %dma_wait3A_1951 = tpu.memref_slice %arg10[%add3A_1941, %dma_wait3A_1950] : memref<512x64xf32, #tpu.memory_space<vmem>> -> memref<1x64xf32, #tpu.memory_space<vmem>>
            %dma_wait3A_1952 = arith.constant 0 : i32
            %dma_wait3A_1953 = tpu.memref_slice %arg4[%sub3A_1937, %dma_wait3A_1952] : memref<1024x64xf32, #tpu.memory_space<hbm>> -> memref<1x64xf32, #tpu.memory_space<hbm>>
            %dma_wait3A_1954 = arith.constant 0 : i32
            %dma_wait3A_1955 = tpu.memref_slice %arg10[%add3A_1941, %dma_wait3A_1954] : memref<512x64xf32, #tpu.memory_space<vmem>> -> memref<1x64xf32, #tpu.memory_space<vmem>>
            %dma_wait3A_1956 = arith.constant 0 : i32
            %dma_wait3A_1957 = tpu.memref_slice %arg4[%sub3A_1937, %dma_wait3A_1956] : memref<1024x64xf32, #tpu.memory_space<hbm>> -> memref<1x64xf32, #tpu.memory_space<hbm>>
            tpu.wait_dma2 semaphore(%arg18 : memref<!tpu.dma_semaphore, #tpu.memory_space<semaphore_mem>>) src(%dma_wait3A_1957 : memref<1x64xf32, #tpu.memory_space<hbm>>) dst(%dma_wait3A_1955 : memref<1x64xf32, #tpu.memory_space<vmem>>)
          } else {
          }
          %slice3A_1901 = vector.extract_strided_slice %get3A_1789 {offsets = [11], sizes = [1], strides = [1]} : vector<16xi32> to vector<1xi32>
          %squeeze3A_1902 = vector.extract %slice3A_1901[0] : i32 from vector<1xi32>
          %ge3A_1903 = arith.constant 1000000 : i32
          %ge3A_1904 = arith.cmpi sge, %squeeze3A_1902, %ge3A_1903 : i32
          %convert_element_type3A_1905 = arith.extui %ge3A_1904 : i1 to i32
          %cond3A_1906 = arith.constant 0 : i32
          %cond3A_1907 = arith.cmpi ne, %convert_element_type3A_1905, %cond3A_1906 : i32
          scf.if %cond3A_1907 {
            %sub3A_1936 = arith.constant 1000000 : i32
            %sub3A_1937 = arith.subi %squeeze3A_1902, %sub3A_1936 : i32
            %mul3A_1938 = arith.constant 16 : i32
            %mul3A_1939 = arith.muli %scan3A_1783, %mul3A_1938 : i32
            %add3A_1940 = arith.constant 11 : i32
            %add3A_1941 = arith.addi %mul3A_1939, %add3A_1940 : i32
            %dma_start3A_1942 = arith.constant 0 : i32
            %dma_start3A_1943 = tpu.memref_slice %arg10[%add3A_1941, %dma_start3A_1942] : memref<512x64xf32, #tpu.memory_space<vmem>> -> memref<1x64xf32, #tpu.memory_space<vmem>>
            %dma_start3A_1944 = arith.constant 0 : i32
            %dma_start3A_1945 = tpu.memref_slice %arg4[%sub3A_1937, %dma_start3A_1944] : memref<1024x64xf32, #tpu.memory_space<hbm>> -> memref<1x64xf32, #tpu.memory_space<hbm>>
            %dma_start3A_1946 = arith.constant 0 : i32
            %dma_start3A_1947 = tpu.memref_slice %arg10[%add3A_1941, %dma_start3A_1946] : memref<512x64xf32, #tpu.memory_space<vmem>> -> memref<1x64xf32, #tpu.memory_space<vmem>>
            %dma_start3A_1948 = arith.constant 0 : i32
            %dma_start3A_1949 = tpu.memref_slice %arg4[%sub3A_1937, %dma_start3A_1948] : memref<1024x64xf32, #tpu.memory_space<hbm>> -> memref<1x64xf32, #tpu.memory_space<hbm>>
            tpu.enqueue_dma source(%dma_start3A_1949 : memref<1x64xf32, #tpu.memory_space<hbm>>) target(%dma_start3A_1947 : memref<1x64xf32, #tpu.memory_space<vmem>>) target_semaphore(%arg18 : memref<!tpu.dma_semaphore, #tpu.memory_space<semaphore_mem>>)
            %dma_wait3A_1950 = arith.constant 0 : i32
            %dma_wait3A_1951 = tpu.memref_slice %arg10[%add3A_1941, %dma_wait3A_1950] : memref<512x64xf32, #tpu.memory_space<vmem>> -> memref<1x64xf32, #tpu.memory_space<vmem>>
            %dma_wait3A_1952 = arith.constant 0 : i32
            %dma_wait3A_1953 = tpu.memref_slice %arg4[%sub3A_1937, %dma_wait3A_1952] : memref<1024x64xf32, #tpu.memory_space<hbm>> -> memref<1x64xf32, #tpu.memory_space<hbm>>
            %dma_wait3A_1954 = arith.constant 0 : i32
            %dma_wait3A_1955 = tpu.memref_slice %arg10[%add3A_1941, %dma_wait3A_1954] : memref<512x64xf32, #tpu.memory_space<vmem>> -> memref<1x64xf32, #tpu.memory_space<vmem>>
            %dma_wait3A_1956 = arith.constant 0 : i32
            %dma_wait3A_1957 = tpu.memref_slice %arg4[%sub3A_1937, %dma_wait3A_1956] : memref<1024x64xf32, #tpu.memory_space<hbm>> -> memref<1x64xf32, #tpu.memory_space<hbm>>
            tpu.wait_dma2 semaphore(%arg18 : memref<!tpu.dma_semaphore, #tpu.memory_space<semaphore_mem>>) src(%dma_wait3A_1957 : memref<1x64xf32, #tpu.memory_space<hbm>>) dst(%dma_wait3A_1955 : memref<1x64xf32, #tpu.memory_space<vmem>>)
          } else {
          }
          %slice3A_1908 = vector.extract_strided_slice %get3A_1789 {offsets = [12], sizes = [1], strides = [1]} : vector<16xi32> to vector<1xi32>
          %squeeze3A_1909 = vector.extract %slice3A_1908[0] : i32 from vector<1xi32>
          %ge3A_1910 = arith.constant 1000000 : i32
          %ge3A_1911 = arith.cmpi sge, %squeeze3A_1909, %ge3A_1910 : i32
          %convert_element_type3A_1912 = arith.extui %ge3A_1911 : i1 to i32
          %cond3A_1913 = arith.constant 0 : i32
          %cond3A_1914 = arith.cmpi ne, %convert_element_type3A_1912, %cond3A_1913 : i32
          scf.if %cond3A_1914 {
            %sub3A_1936 = arith.constant 1000000 : i32
            %sub3A_1937 = arith.subi %squeeze3A_1909, %sub3A_1936 : i32
            %mul3A_1938 = arith.constant 16 : i32
            %mul3A_1939 = arith.muli %scan3A_1783, %mul3A_1938 : i32
            %add3A_1940 = arith.constant 12 : i32
            %add3A_1941 = arith.addi %mul3A_1939, %add3A_1940 : i32
            %dma_start3A_1942 = arith.constant 0 : i32
            %dma_start3A_1943 = tpu.memref_slice %arg10[%add3A_1941, %dma_start3A_1942] : memref<512x64xf32, #tpu.memory_space<vmem>> -> memref<1x64xf32, #tpu.memory_space<vmem>>
            %dma_start3A_1944 = arith.constant 0 : i32
            %dma_start3A_1945 = tpu.memref_slice %arg4[%sub3A_1937, %dma_start3A_1944] : memref<1024x64xf32, #tpu.memory_space<hbm>> -> memref<1x64xf32, #tpu.memory_space<hbm>>
            %dma_start3A_1946 = arith.constant 0 : i32
            %dma_start3A_1947 = tpu.memref_slice %arg10[%add3A_1941, %dma_start3A_1946] : memref<512x64xf32, #tpu.memory_space<vmem>> -> memref<1x64xf32, #tpu.memory_space<vmem>>
            %dma_start3A_1948 = arith.constant 0 : i32
            %dma_start3A_1949 = tpu.memref_slice %arg4[%sub3A_1937, %dma_start3A_1948] : memref<1024x64xf32, #tpu.memory_space<hbm>> -> memref<1x64xf32, #tpu.memory_space<hbm>>
            tpu.enqueue_dma source(%dma_start3A_1949 : memref<1x64xf32, #tpu.memory_space<hbm>>) target(%dma_start3A_1947 : memref<1x64xf32, #tpu.memory_space<vmem>>) target_semaphore(%arg18 : memref<!tpu.dma_semaphore, #tpu.memory_space<semaphore_mem>>)
            %dma_wait3A_1950 = arith.constant 0 : i32
            %dma_wait3A_1951 = tpu.memref_slice %arg10[%add3A_1941, %dma_wait3A_1950] : memref<512x64xf32, #tpu.memory_space<vmem>> -> memref<1x64xf32, #tpu.memory_space<vmem>>
            %dma_wait3A_1952 = arith.constant 0 : i32
            %dma_wait3A_1953 = tpu.memref_slice %arg4[%sub3A_1937, %dma_wait3A_1952] : memref<1024x64xf32, #tpu.memory_space<hbm>> -> memref<1x64xf32, #tpu.memory_space<hbm>>
            %dma_wait3A_1954 = arith.constant 0 : i32
            %dma_wait3A_1955 = tpu.memref_slice %arg10[%add3A_1941, %dma_wait3A_1954] : memref<512x64xf32, #tpu.memory_space<vmem>> -> memref<1x64xf32, #tpu.memory_space<vmem>>
            %dma_wait3A_1956 = arith.constant 0 : i32
            %dma_wait3A_1957 = tpu.memref_slice %arg4[%sub3A_1937, %dma_wait3A_1956] : memref<1024x64xf32, #tpu.memory_space<hbm>> -> memref<1x64xf32, #tpu.memory_space<hbm>>
            tpu.wait_dma2 semaphore(%arg18 : memref<!tpu.dma_semaphore, #tpu.memory_space<semaphore_mem>>) src(%dma_wait3A_1957 : memref<1x64xf32, #tpu.memory_space<hbm>>) dst(%dma_wait3A_1955 : memref<1x64xf32, #tpu.memory_space<vmem>>)
          } else {
          }
          %slice3A_1915 = vector.extract_strided_slice %get3A_1789 {offsets = [13], sizes = [1], strides = [1]} : vector<16xi32> to vector<1xi32>
          %squeeze3A_1916 = vector.extract %slice3A_1915[0] : i32 from vector<1xi32>
          %ge3A_1917 = arith.constant 1000000 : i32
          %ge3A_1918 = arith.cmpi sge, %squeeze3A_1916, %ge3A_1917 : i32
          %convert_element_type3A_1919 = arith.extui %ge3A_1918 : i1 to i32
          %cond3A_1920 = arith.constant 0 : i32
          %cond3A_1921 = arith.cmpi ne, %convert_element_type3A_1919, %cond3A_1920 : i32
          scf.if %cond3A_1921 {
            %sub3A_1936 = arith.constant 1000000 : i32
            %sub3A_1937 = arith.subi %squeeze3A_1916, %sub3A_1936 : i32
            %mul3A_1938 = arith.constant 16 : i32
            %mul3A_1939 = arith.muli %scan3A_1783, %mul3A_1938 : i32
            %add3A_1940 = arith.constant 13 : i32
            %add3A_1941 = arith.addi %mul3A_1939, %add3A_1940 : i32
            %dma_start3A_1942 = arith.constant 0 : i32
            %dma_start3A_1943 = tpu.memref_slice %arg10[%add3A_1941, %dma_start3A_1942] : memref<512x64xf32, #tpu.memory_space<vmem>> -> memref<1x64xf32, #tpu.memory_space<vmem>>
            %dma_start3A_1944 = arith.constant 0 : i32
            %dma_start3A_1945 = tpu.memref_slice %arg4[%sub3A_1937, %dma_start3A_1944] : memref<1024x64xf32, #tpu.memory_space<hbm>> -> memref<1x64xf32, #tpu.memory_space<hbm>>
            %dma_start3A_1946 = arith.constant 0 : i32
            %dma_start3A_1947 = tpu.memref_slice %arg10[%add3A_1941, %dma_start3A_1946] : memref<512x64xf32, #tpu.memory_space<vmem>> -> memref<1x64xf32, #tpu.memory_space<vmem>>
            %dma_start3A_1948 = arith.constant 0 : i32
            %dma_start3A_1949 = tpu.memref_slice %arg4[%sub3A_1937, %dma_start3A_1948] : memref<1024x64xf32, #tpu.memory_space<hbm>> -> memref<1x64xf32, #tpu.memory_space<hbm>>
            tpu.enqueue_dma source(%dma_start3A_1949 : memref<1x64xf32, #tpu.memory_space<hbm>>) target(%dma_start3A_1947 : memref<1x64xf32, #tpu.memory_space<vmem>>) target_semaphore(%arg18 : memref<!tpu.dma_semaphore, #tpu.memory_space<semaphore_mem>>)
            %dma_wait3A_1950 = arith.constant 0 : i32
            %dma_wait3A_1951 = tpu.memref_slice %arg10[%add3A_1941, %dma_wait3A_1950] : memref<512x64xf32, #tpu.memory_space<vmem>> -> memref<1x64xf32, #tpu.memory_space<vmem>>
            %dma_wait3A_1952 = arith.constant 0 : i32
            %dma_wait3A_1953 = tpu.memref_slice %arg4[%sub3A_1937, %dma_wait3A_1952] : memref<1024x64xf32, #tpu.memory_space<hbm>> -> memref<1x64xf32, #tpu.memory_space<hbm>>
            %dma_wait3A_1954 = arith.constant 0 : i32
            %dma_wait3A_1955 = tpu.memref_slice %arg10[%add3A_1941, %dma_wait3A_1954] : memref<512x64xf32, #tpu.memory_space<vmem>> -> memref<1x64xf32, #tpu.memory_space<vmem>>
            %dma_wait3A_1956 = arith.constant 0 : i32
            %dma_wait3A_1957 = tpu.memref_slice %arg4[%sub3A_1937, %dma_wait3A_1956] : memref<1024x64xf32, #tpu.memory_space<hbm>> -> memref<1x64xf32, #tpu.memory_space<hbm>>
            tpu.wait_dma2 semaphore(%arg18 : memref<!tpu.dma_semaphore, #tpu.memory_space<semaphore_mem>>) src(%dma_wait3A_1957 : memref<1x64xf32, #tpu.memory_space<hbm>>) dst(%dma_wait3A_1955 : memref<1x64xf32, #tpu.memory_space<vmem>>)
          } else {
          }
          %slice3A_1922 = vector.extract_strided_slice %get3A_1789 {offsets = [14], sizes = [1], strides = [1]} : vector<16xi32> to vector<1xi32>
          %squeeze3A_1923 = vector.extract %slice3A_1922[0] : i32 from vector<1xi32>
          %ge3A_1924 = arith.constant 1000000 : i32
          %ge3A_1925 = arith.cmpi sge, %squeeze3A_1923, %ge3A_1924 : i32
          %convert_element_type3A_1926 = arith.extui %ge3A_1925 : i1 to i32
          %cond3A_1927 = arith.constant 0 : i32
          %cond3A_1928 = arith.cmpi ne, %convert_element_type3A_1926, %cond3A_1927 : i32
          scf.if %cond3A_1928 {
            %sub3A_1936 = arith.constant 1000000 : i32
            %sub3A_1937 = arith.subi %squeeze3A_1923, %sub3A_1936 : i32
            %mul3A_1938 = arith.constant 16 : i32
            %mul3A_1939 = arith.muli %scan3A_1783, %mul3A_1938 : i32
            %add3A_1940 = arith.constant 14 : i32
            %add3A_1941 = arith.addi %mul3A_1939, %add3A_1940 : i32
            %dma_start3A_1942 = arith.constant 0 : i32
            %dma_start3A_1943 = tpu.memref_slice %arg10[%add3A_1941, %dma_start3A_1942] : memref<512x64xf32, #tpu.memory_space<vmem>> -> memref<1x64xf32, #tpu.memory_space<vmem>>
            %dma_start3A_1944 = arith.constant 0 : i32
            %dma_start3A_1945 = tpu.memref_slice %arg4[%sub3A_1937, %dma_start3A_1944] : memref<1024x64xf32, #tpu.memory_space<hbm>> -> memref<1x64xf32, #tpu.memory_space<hbm>>
            %dma_start3A_1946 = arith.constant 0 : i32
            %dma_start3A_1947 = tpu.memref_slice %arg10[%add3A_1941, %dma_start3A_1946] : memref<512x64xf32, #tpu.memory_space<vmem>> -> memref<1x64xf32, #tpu.memory_space<vmem>>
            %dma_start3A_1948 = arith.constant 0 : i32
            %dma_start3A_1949 = tpu.memref_slice %arg4[%sub3A_1937, %dma_start3A_1948] : memref<1024x64xf32, #tpu.memory_space<hbm>> -> memref<1x64xf32, #tpu.memory_space<hbm>>
            tpu.enqueue_dma source(%dma_start3A_1949 : memref<1x64xf32, #tpu.memory_space<hbm>>) target(%dma_start3A_1947 : memref<1x64xf32, #tpu.memory_space<vmem>>) target_semaphore(%arg18 : memref<!tpu.dma_semaphore, #tpu.memory_space<semaphore_mem>>)
            %dma_wait3A_1950 = arith.constant 0 : i32
            %dma_wait3A_1951 = tpu.memref_slice %arg10[%add3A_1941, %dma_wait3A_1950] : memref<512x64xf32, #tpu.memory_space<vmem>> -> memref<1x64xf32, #tpu.memory_space<vmem>>
            %dma_wait3A_1952 = arith.constant 0 : i32
            %dma_wait3A_1953 = tpu.memref_slice %arg4[%sub3A_1937, %dma_wait3A_1952] : memref<1024x64xf32, #tpu.memory_space<hbm>> -> memref<1x64xf32, #tpu.memory_space<hbm>>
            %dma_wait3A_1954 = arith.constant 0 : i32
            %dma_wait3A_1955 = tpu.memref_slice %arg10[%add3A_1941, %dma_wait3A_1954] : memref<512x64xf32, #tpu.memory_space<vmem>> -> memref<1x64xf32, #tpu.memory_space<vmem>>
            %dma_wait3A_1956 = arith.constant 0 : i32
            %dma_wait3A_1957 = tpu.memref_slice %arg4[%sub3A_1937, %dma_wait3A_1956] : memref<1024x64xf32, #tpu.memory_space<hbm>> -> memref<1x64xf32, #tpu.memory_space<hbm>>
            tpu.wait_dma2 semaphore(%arg18 : memref<!tpu.dma_semaphore, #tpu.memory_space<semaphore_mem>>) src(%dma_wait3A_1957 : memref<1x64xf32, #tpu.memory_space<hbm>>) dst(%dma_wait3A_1955 : memref<1x64xf32, #tpu.memory_space<vmem>>)
          } else {
          }
          %slice3A_1929 = vector.extract_strided_slice %get3A_1789 {offsets = [15], sizes = [1], strides = [1]} : vector<16xi32> to vector<1xi32>
          %squeeze3A_1930 = vector.extract %slice3A_1929[0] : i32 from vector<1xi32>
          %ge3A_1931 = arith.constant 1000000 : i32
          %ge3A_1932 = arith.cmpi sge, %squeeze3A_1930, %ge3A_1931 : i32
          %convert_element_type3A_1933 = arith.extui %ge3A_1932 : i1 to i32
          %cond3A_1934 = arith.constant 0 : i32
          %cond3A_1935 = arith.cmpi ne, %convert_element_type3A_1933, %cond3A_1934 : i32
          scf.if %cond3A_1935 {
            %sub3A_1936 = arith.constant 1000000 : i32
            %sub3A_1937 = arith.subi %squeeze3A_1930, %sub3A_1936 : i32
            %mul3A_1938 = arith.constant 16 : i32
            %mul3A_1939 = arith.muli %scan3A_1783, %mul3A_1938 : i32
            %add3A_1940 = arith.constant 15 : i32
            %add3A_1941 = arith.addi %mul3A_1939, %add3A_1940 : i32
            %dma_start3A_1942 = arith.constant 0 : i32
            %dma_start3A_1943 = tpu.memref_slice %arg10[%add3A_1941, %dma_start3A_1942] : memref<512x64xf32, #tpu.memory_space<vmem>> -> memref<1x64xf32, #tpu.memory_space<vmem>>
            %dma_start3A_1944 = arith.constant 0 : i32
            %dma_start3A_1945 = tpu.memref_slice %arg4[%sub3A_1937, %dma_start3A_1944] : memref<1024x64xf32, #tpu.memory_space<hbm>> -> memref<1x64xf32, #tpu.memory_space<hbm>>
            %dma_start3A_1946 = arith.constant 0 : i32
            %dma_start3A_1947 = tpu.memref_slice %arg10[%add3A_1941, %dma_start3A_1946] : memref<512x64xf32, #tpu.memory_space<vmem>> -> memref<1x64xf32, #tpu.memory_space<vmem>>
            %dma_start3A_1948 = arith.constant 0 : i32
            %dma_start3A_1949 = tpu.memref_slice %arg4[%sub3A_1937, %dma_start3A_1948] : memref<1024x64xf32, #tpu.memory_space<hbm>> -> memref<1x64xf32, #tpu.memory_space<hbm>>
            tpu.enqueue_dma source(%dma_start3A_1949 : memref<1x64xf32, #tpu.memory_space<hbm>>) target(%dma_start3A_1947 : memref<1x64xf32, #tpu.memory_space<vmem>>) target_semaphore(%arg18 : memref<!tpu.dma_semaphore, #tpu.memory_space<semaphore_mem>>)
            %dma_wait3A_1950 = arith.constant 0 : i32
            %dma_wait3A_1951 = tpu.memref_slice %arg10[%add3A_1941, %dma_wait3A_1950] : memref<512x64xf32, #tpu.memory_space<vmem>> -> memref<1x64xf32, #tpu.memory_space<vmem>>
            %dma_wait3A_1952 = arith.constant 0 : i32
            %dma_wait3A_1953 = tpu.memref_slice %arg4[%sub3A_1937, %dma_wait3A_1952] : memref<1024x64xf32, #tpu.memory_space<hbm>> -> memref<1x64xf32, #tpu.memory_space<hbm>>
            %dma_wait3A_1954 = arith.constant 0 : i32
            %dma_wait3A_1955 = tpu.memref_slice %arg10[%add3A_1941, %dma_wait3A_1954] : memref<512x64xf32, #tpu.memory_space<vmem>> -> memref<1x64xf32, #tpu.memory_space<vmem>>
            %dma_wait3A_1956 = arith.constant 0 : i32
            %dma_wait3A_1957 = tpu.memref_slice %arg4[%sub3A_1937, %dma_wait3A_1956] : memref<1024x64xf32, #tpu.memory_space<hbm>> -> memref<1x64xf32, #tpu.memory_space<hbm>>
            tpu.wait_dma2 semaphore(%arg18 : memref<!tpu.dma_semaphore, #tpu.memory_space<semaphore_mem>>) src(%dma_wait3A_1957 : memref<1x64xf32, #tpu.memory_space<hbm>>) dst(%dma_wait3A_1955 : memref<1x64xf32, #tpu.memory_space<vmem>>)
          } else {
          }
        } else {
        }
        %scan3A_1823 = arith.constant 0 : i32
        scf.yield %scan3A_1823 : i32
      }
      %scan3A_634 = arith.constant 32 : i32
      %add3A_635 = arith.addi %mul3A_2, %add3A_587 : i32
      %mul3A_636 = arith.constant 512 : i32
      %mul3A_637 = arith.muli %add3A_635, %mul3A_636 : i32
      %dma_start3A_638 = arith.constant 0 : i32
      %dma_start3A_639 = tpu.memref_slice %arg5[%mul3A_637, %dma_start3A_638] : memref<3276800x64xf32, #tpu.memory_space<hbm>> -> memref<512x64xf32, #tpu.memory_space<hbm>>
      %dma_start3A_640 = arith.constant 0 : i32
      %dma_start3A_641 = tpu.memref_slice %arg5[%mul3A_637, %dma_start3A_640] : memref<3276800x64xf32, #tpu.memory_space<hbm>> -> memref<512x64xf32, #tpu.memory_space<hbm>>
      tpu.enqueue_dma source(%arg10 : memref<512x64xf32, #tpu.memory_space<vmem>>) target(%dma_start3A_641 : memref<512x64xf32, #tpu.memory_space<hbm>>) target_semaphore(%arg16 : memref<!tpu.dma_semaphore, #tpu.memory_space<semaphore_mem>>)
      %add3A_642 = arith.constant 1 : i32
      %add3A_643 = arith.addi %add3A_587, %add3A_642 : i32
      %lt3A = arith.constant 200 : i32
      %lt3A_644 = arith.cmpi slt, %add3A_643, %lt3A : i32
      %convert_element_type3A = arith.extui %lt3A_644 : i1 to i32
      %cond3A = arith.constant 0 : i32
      %cond3A_645 = arith.cmpi ne, %convert_element_type3A, %cond3A : i32
      scf.if %cond3A_645 {
        %dma_wait3A_1783 = arith.constant 0 : i32
        %dma_wait3A_1784 = tpu.memref_slice %arg2[%dma_wait3A_1783] : memref<3276800xi32, #tpu.memory_space<hbm>> -> memref<512xi32, #tpu.memory_space<hbm>>
        %dma_wait3A_1785 = arith.constant 0 : i32
        %dma_wait3A_1786 = tpu.memref_slice %arg2[%dma_wait3A_1785] : memref<3276800xi32, #tpu.memory_space<hbm>> -> memref<512xi32, #tpu.memory_space<hbm>>
        tpu.wait_dma2 semaphore(%arg13 : memref<!tpu.dma_semaphore, #tpu.memory_space<semaphore_mem>>) src(%dma_wait3A_1786 : memref<512xi32, #tpu.memory_space<hbm>>) dst(%arg7 : memref<512xi32, #tpu.memory_space<vmem>>)
      } else {
      }
      %get3A_646 = arith.constant 0 : index
      %get3A_647 = tpu.vector_load %arg7[%get3A_646] {strides = array<i32>} : memref<512xi32, #tpu.memory_space<vmem>>, vector<16xi32>,
      %get3A_648 = vector.shape_cast %get3A_647 : vector<16xi32> to vector<16xi32>
      %ge3A_649 = arith.constant 1000000 : i32
      %ge3A_650 = vector.broadcast %ge3A_649 : i32 to vector<16xi32>
      %ge3A_651 = arith.cmpi sge, %get3A_648, %ge3A_650 : vector<16xi32>
      %sub3A_652 = arith.constant 1000000 : i32
      %sub3A_653 = vector.broadcast %sub3A_652 : i32 to vector<16xi32>
      %sub3A_654 = arith.subi %get3A_648, %sub3A_653 : vector<16xi32>
      %select_n3A_655 = arith.select %ge3A_651, %sub3A_654, %get3A_648 : vector<16xi1>, vector<16xi32>
      %swap3A_656 = arith.constant 0 : i32
      %swap3A_657 = arith.index_cast %swap3A_656 : i32 to index
      %swap3A_658 = arith.constant 0 : index
      %swap3A_659 = tpu.vector_load %arg9[%swap3A_657, %swap3A_658] {strides = array<i32>} : memref<4x128xi32, #tpu.memory_space<vmem>>, vector<1x16xi32>,
      %swap3A_660 = vector.shape_cast %swap3A_659 : vector<1x16xi32> to vector<16xi32>
      %swap3A_661 = vector.shape_cast %select_n3A_655 : vector<16xi32> to vector<1x16xi32>
      tpu.vector_store %arg9[%swap3A_657, %swap3A_658], %swap3A_661 {strides = array<i32>} : memref<4x128xi32, #tpu.memory_space<vmem>>, vector<1x16xi32>,
      %get3A_662 = arith.constant 16 : index
      %get3A_663 = tpu.vector_load %arg7[%get3A_662] {strides = array<i32>} : memref<512xi32, #tpu.memory_space<vmem>>, vector<16xi32>,
      %get3A_664 = vector.shape_cast %get3A_663 : vector<16xi32> to vector<16xi32>
      %ge3A_665 = arith.constant 1000000 : i32
      %ge3A_666 = vector.broadcast %ge3A_665 : i32 to vector<16xi32>
      %ge3A_667 = arith.cmpi sge, %get3A_664, %ge3A_666 : vector<16xi32>
      %sub3A_668 = arith.constant 1000000 : i32
      %sub3A_669 = vector.broadcast %sub3A_668 : i32 to vector<16xi32>
      %sub3A_670 = arith.subi %get3A_664, %sub3A_669 : vector<16xi32>
      %select_n3A_671 = arith.select %ge3A_667, %sub3A_670, %get3A_664 : vector<16xi1>, vector<16xi32>
      %swap3A_672 = arith.constant 0 : i32
      %swap3A_673 = arith.index_cast %swap3A_672 : i32 to index
      %swap3A_674 = arith.constant 16 : index
      %swap3A_675 = tpu.vector_load %arg9[%swap3A_673, %swap3A_674] {strides = array<i32>} : memref<4x128xi32, #tpu.memory_space<vmem>>, vector<1x16xi32>,
      %swap3A_676 = vector.shape_cast %swap3A_675 : vector<1x16xi32> to vector<16xi32>
      %swap3A_677 = vector.shape_cast %select_n3A_671 : vector<16xi32> to vector<1x16xi32>
      tpu.vector_store %arg9[%swap3A_673, %swap3A_674], %swap3A_677 {strides = array<i32>} : memref<4x128xi32, #tpu.memory_space<vmem>>, vector<1x16xi32>,
      %get3A_678 = arith.constant 32 : index
      %get3A_679 = tpu.vector_load %arg7[%get3A_678] {strides = array<i32>} : memref<512xi32, #tpu.memory_space<vmem>>, vector<16xi32>,
      %get3A_680 = vector.shape_cast %get3A_679 : vector<16xi32> to vector<16xi32>
      %ge3A_681 = arith.constant 1000000 : i32
      %ge3A_682 = vector.broadcast %ge3A_681 : i32 to vector<16xi32>
      %ge3A_683 = arith.cmpi sge, %get3A_680, %ge3A_682 : vector<16xi32>
      %sub3A_684 = arith.constant 1000000 : i32
      %sub3A_685 = vector.broadcast %sub3A_684 : i32 to vector<16xi32>
      %sub3A_686 = arith.subi %get3A_680, %sub3A_685 : vector<16xi32>
      %select_n3A_687 = arith.select %ge3A_683, %sub3A_686, %get3A_680 : vector<16xi1>, vector<16xi32>
      %swap3A_688 = arith.constant 0 : i32
      %swap3A_689 = arith.index_cast %swap3A_688 : i32 to index
      %swap3A_690 = arith.constant 32 : index
      %swap3A_691 = tpu.vector_load %arg9[%swap3A_689, %swap3A_690] {strides = array<i32>} : memref<4x128xi32, #tpu.memory_space<vmem>>, vector<1x16xi32>,
      %swap3A_692 = vector.shape_cast %swap3A_691 : vector<1x16xi32> to vector<16xi32>
      %swap3A_693 = vector.shape_cast %select_n3A_687 : vector<16xi32> to vector<1x16xi32>
      tpu.vector_store %arg9[%swap3A_689, %swap3A_690], %swap3A_693 {strides = array<i32>} : memref<4x128xi32, #tpu.memory_space<vmem>>, vector<1x16xi32>,
      %get3A_694 = arith.constant 48 : index
      %get3A_695 = tpu.vector_load %arg7[%get3A_694] {strides = array<i32>} : memref<512xi32, #tpu.memory_space<vmem>>, vector<16xi32>,
      %get3A_696 = vector.shape_cast %get3A_695 : vector<16xi32> to vector<16xi32>
      %ge3A_697 = arith.constant 1000000 : i32
      %ge3A_698 = vector.broadcast %ge3A_697 : i32 to vector<16xi32>
      %ge3A_699 = arith.cmpi sge, %get3A_696, %ge3A_698 : vector<16xi32>
      %sub3A_700 = arith.constant 1000000 : i32
      %sub3A_701 = vector.broadcast %sub3A_700 : i32 to vector<16xi32>
      %sub3A_702 = arith.subi %get3A_696, %sub3A_701 : vector<16xi32>
      %select_n3A_703 = arith.select %ge3A_699, %sub3A_702, %get3A_696 : vector<16xi1>, vector<16xi32>
      %swap3A_704 = arith.constant 0 : i32
      %swap3A_705 = arith.index_cast %swap3A_704 : i32 to index
      %swap3A_706 = arith.constant 48 : index
      %swap3A_707 = tpu.vector_load %arg9[%swap3A_705, %swap3A_706] {strides = array<i32>} : memref<4x128xi32, #tpu.memory_space<vmem>>, vector<1x16xi32>,
      %swap3A_708 = vector.shape_cast %swap3A_707 : vector<1x16xi32> to vector<16xi32>
      %swap3A_709 = vector.shape_cast %select_n3A_703 : vector<16xi32> to vector<1x16xi32>
      tpu.vector_store %arg9[%swap3A_705, %swap3A_706], %swap3A_709 {strides = array<i32>} : memref<4x128xi32, #tpu.memory_space<vmem>>, vector<1x16xi32>,
      %get3A_710 = arith.constant 64 : index
      %get3A_711 = tpu.vector_load %arg7[%get3A_710] {strides = array<i32>} : memref<512xi32, #tpu.memory_space<vmem>>, vector<16xi32>,
      %get3A_712 = vector.shape_cast %get3A_711 : vector<16xi32> to vector<16xi32>
      %ge3A_713 = arith.constant 1000000 : i32
      %ge3A_714 = vector.broadcast %ge3A_713 : i32 to vector<16xi32>
      %ge3A_715 = arith.cmpi sge, %get3A_712, %ge3A_714 : vector<16xi32>
      %sub3A_716 = arith.constant 1000000 : i32
      %sub3A_717 = vector.broadcast %sub3A_716 : i32 to vector<16xi32>
      %sub3A_718 = arith.subi %get3A_712, %sub3A_717 : vector<16xi32>
      %select_n3A_719 = arith.select %ge3A_715, %sub3A_718, %get3A_712 : vector<16xi1>, vector<16xi32>
      %swap3A_720 = arith.constant 0 : i32
      %swap3A_721 = arith.index_cast %swap3A_720 : i32 to index
      %swap3A_722 = arith.constant 64 : index
      %swap3A_723 = tpu.vector_load %arg9[%swap3A_721, %swap3A_722] {strides = array<i32>} : memref<4x128xi32, #tpu.memory_space<vmem>>, vector<1x16xi32>,
      %swap3A_724 = vector.shape_cast %swap3A_723 : vector<1x16xi32> to vector<16xi32>
      %swap3A_725 = vector.shape_cast %select_n3A_719 : vector<16xi32> to vector<1x16xi32>
      tpu.vector_store %arg9[%swap3A_721, %swap3A_722], %swap3A_725 {strides = array<i32>} : memref<4x128xi32, #tpu.memory_space<vmem>>, vector<1x16xi32>,
      %get3A_726 = arith.constant 80 : index
      %get3A_727 = tpu.vector_load %arg7[%get3A_726] {strides = array<i32>} : memref<512xi32, #tpu.memory_space<vmem>>, vector<16xi32>,
      %get3A_728 = vector.shape_cast %get3A_727 : vector<16xi32> to vector<16xi32>
      %ge3A_729 = arith.constant 1000000 : i32
      %ge3A_730 = vector.broadcast %ge3A_729 : i32 to vector<16xi32>
      %ge3A_731 = arith.cmpi sge, %get3A_728, %ge3A_730 : vector<16xi32>
      %sub3A_732 = arith.constant 1000000 : i32
      %sub3A_733 = vector.broadcast %sub3A_732 : i32 to vector<16xi32>
      %sub3A_734 = arith.subi %get3A_728, %sub3A_733 : vector<16xi32>
      %select_n3A_735 = arith.select %ge3A_731, %sub3A_734, %get3A_728 : vector<16xi1>, vector<16xi32>
      %swap3A_736 = arith.constant 0 : i32
      %swap3A_737 = arith.index_cast %swap3A_736 : i32 to index
      %swap3A_738 = arith.constant 80 : index
      %swap3A_739 = tpu.vector_load %arg9[%swap3A_737, %swap3A_738] {strides = array<i32>} : memref<4x128xi32, #tpu.memory_space<vmem>>, vector<1x16xi32>,
      %swap3A_740 = vector.shape_cast %swap3A_739 : vector<1x16xi32> to vector<16xi32>
      %swap3A_741 = vector.shape_cast %select_n3A_735 : vector<16xi32> to vector<1x16xi32>
      tpu.vector_store %arg9[%swap3A_737, %swap3A_738], %swap3A_741 {strides = array<i32>} : memref<4x128xi32, #tpu.memory_space<vmem>>, vector<1x16xi32>,
      %get3A_742 = arith.constant 96 : index
      %get3A_743 = tpu.vector_load %arg7[%get3A_742] {strides = array<i32>} : memref<512xi32, #tpu.memory_space<vmem>>, vector<16xi32>,
      %get3A_744 = vector.shape_cast %get3A_743 : vector<16xi32> to vector<16xi32>
      %ge3A_745 = arith.constant 1000000 : i32
      %ge3A_746 = vector.broadcast %ge3A_745 : i32 to vector<16xi32>
      %ge3A_747 = arith.cmpi sge, %get3A_744, %ge3A_746 : vector<16xi32>
      %sub3A_748 = arith.constant 1000000 : i32
      %sub3A_749 = vector.broadcast %sub3A_748 : i32 to vector<16xi32>
      %sub3A_750 = arith.subi %get3A_744, %sub3A_749 : vector<16xi32>
      %select_n3A_751 = arith.select %ge3A_747, %sub3A_750, %get3A_744 : vector<16xi1>, vector<16xi32>
      %swap3A_752 = arith.constant 0 : i32
      %swap3A_753 = arith.index_cast %swap3A_752 : i32 to index
      %swap3A_754 = arith.constant 96 : index
      %swap3A_755 = tpu.vector_load %arg9[%swap3A_753, %swap3A_754] {strides = array<i32>} : memref<4x128xi32, #tpu.memory_space<vmem>>, vector<1x16xi32>,
      %swap3A_756 = vector.shape_cast %swap3A_755 : vector<1x16xi32> to vector<16xi32>
      %swap3A_757 = vector.shape_cast %select_n3A_751 : vector<16xi32> to vector<1x16xi32>
      tpu.vector_store %arg9[%swap3A_753, %swap3A_754], %swap3A_757 {strides = array<i32>} : memref<4x128xi32, #tpu.memory_space<vmem>>, vector<1x16xi32>,
      %get3A_758 = arith.constant 112 : index
      %get3A_759 = tpu.vector_load %arg7[%get3A_758] {strides = array<i32>} : memref<512xi32, #tpu.memory_space<vmem>>, vector<16xi32>,
      %get3A_760 = vector.shape_cast %get3A_759 : vector<16xi32> to vector<16xi32>
      %ge3A_761 = arith.constant 1000000 : i32
      %ge3A_762 = vector.broadcast %ge3A_761 : i32 to vector<16xi32>
      %ge3A_763 = arith.cmpi sge, %get3A_760, %ge3A_762 : vector<16xi32>
      %sub3A_764 = arith.constant 1000000 : i32
      %sub3A_765 = vector.broadcast %sub3A_764 : i32 to vector<16xi32>
      %sub3A_766 = arith.subi %get3A_760, %sub3A_765 : vector<16xi32>
      %select_n3A_767 = arith.select %ge3A_763, %sub3A_766, %get3A_760 : vector<16xi1>, vector<16xi32>
      %swap3A_768 = arith.constant 0 : i32
      %swap3A_769 = arith.index_cast %swap3A_768 : i32 to index
      %swap3A_770 = arith.constant 112 : index
      %swap3A_771 = tpu.vector_load %arg9[%swap3A_769, %swap3A_770] {strides = array<i32>} : memref<4x128xi32, #tpu.memory_space<vmem>>, vector<1x16xi32>,
      %swap3A_772 = vector.shape_cast %swap3A_771 : vector<1x16xi32> to vector<16xi32>
      %swap3A_773 = vector.shape_cast %select_n3A_767 : vector<16xi32> to vector<1x16xi32>
      tpu.vector_store %arg9[%swap3A_769, %swap3A_770], %swap3A_773 {strides = array<i32>} : memref<4x128xi32, #tpu.memory_space<vmem>>, vector<1x16xi32>,
      %get3A_774 = arith.constant 128 : index
      %get3A_775 = tpu.vector_load %arg7[%get3A_774] {strides = array<i32>} : memref<512xi32, #tpu.memory_space<vmem>>, vector<16xi32>,
      %get3A_776 = vector.shape_cast %get3A_775 : vector<16xi32> to vector<16xi32>
      %ge3A_777 = arith.constant 1000000 : i32
      %ge3A_778 = vector.broadcast %ge3A_777 : i32 to vector<16xi32>
      %ge3A_779 = arith.cmpi sge, %get3A_776, %ge3A_778 : vector<16xi32>
      %sub3A_780 = arith.constant 1000000 : i32
      %sub3A_781 = vector.broadcast %sub3A_780 : i32 to vector<16xi32>
      %sub3A_782 = arith.subi %get3A_776, %sub3A_781 : vector<16xi32>
      %select_n3A_783 = arith.select %ge3A_779, %sub3A_782, %get3A_776 : vector<16xi1>, vector<16xi32>
      %swap3A_784 = arith.constant 1 : i32
      %swap3A_785 = arith.index_cast %swap3A_784 : i32 to index
      %swap3A_786 = arith.constant 0 : index
      %swap3A_787 = tpu.vector_load %arg9[%swap3A_785, %swap3A_786] {strides = array<i32>} : memref<4x128xi32, #tpu.memory_space<vmem>>, vector<1x16xi32>,
      %swap3A_788 = vector.shape_cast %swap3A_787 : vector<1x16xi32> to vector<16xi32>
      %swap3A_789 = vector.shape_cast %select_n3A_783 : vector<16xi32> to vector<1x16xi32>
      tpu.vector_store %arg9[%swap3A_785, %swap3A_786], %swap3A_789 {strides = array<i32>} : memref<4x128xi32, #tpu.memory_space<vmem>>, vector<1x16xi32>,
      %get3A_790 = arith.constant 144 : index
      %get3A_791 = tpu.vector_load %arg7[%get3A_790] {strides = array<i32>} : memref<512xi32, #tpu.memory_space<vmem>>, vector<16xi32>,
      %get3A_792 = vector.shape_cast %get3A_791 : vector<16xi32> to vector<16xi32>
      %ge3A_793 = arith.constant 1000000 : i32
      %ge3A_794 = vector.broadcast %ge3A_793 : i32 to vector<16xi32>
      %ge3A_795 = arith.cmpi sge, %get3A_792, %ge3A_794 : vector<16xi32>
      %sub3A_796 = arith.constant 1000000 : i32
      %sub3A_797 = vector.broadcast %sub3A_796 : i32 to vector<16xi32>
      %sub3A_798 = arith.subi %get3A_792, %sub3A_797 : vector<16xi32>
      %select_n3A_799 = arith.select %ge3A_795, %sub3A_798, %get3A_792 : vector<16xi1>, vector<16xi32>
      %swap3A_800 = arith.constant 1 : i32
      %swap3A_801 = arith.index_cast %swap3A_800 : i32 to index
      %swap3A_802 = arith.constant 16 : index
      %swap3A_803 = tpu.vector_load %arg9[%swap3A_801, %swap3A_802] {strides = array<i32>} : memref<4x128xi32, #tpu.memory_space<vmem>>, vector<1x16xi32>,
      %swap3A_804 = vector.shape_cast %swap3A_803 : vector<1x16xi32> to vector<16xi32>
      %swap3A_805 = vector.shape_cast %select_n3A_799 : vector<16xi32> to vector<1x16xi32>
      tpu.vector_store %arg9[%swap3A_801, %swap3A_802], %swap3A_805 {strides = array<i32>} : memref<4x128xi32, #tpu.memory_space<vmem>>, vector<1x16xi32>,
      %get3A_806 = arith.constant 160 : index
      %get3A_807 = tpu.vector_load %arg7[%get3A_806] {strides = array<i32>} : memref<512xi32, #tpu.memory_space<vmem>>, vector<16xi32>,
      %get3A_808 = vector.shape_cast %get3A_807 : vector<16xi32> to vector<16xi32>
      %ge3A_809 = arith.constant 1000000 : i32
      %ge3A_810 = vector.broadcast %ge3A_809 : i32 to vector<16xi32>
      %ge3A_811 = arith.cmpi sge, %get3A_808, %ge3A_810 : vector<16xi32>
      %sub3A_812 = arith.constant 1000000 : i32
      %sub3A_813 = vector.broadcast %sub3A_812 : i32 to vector<16xi32>
      %sub3A_814 = arith.subi %get3A_808, %sub3A_813 : vector<16xi32>
      %select_n3A_815 = arith.select %ge3A_811, %sub3A_814, %get3A_808 : vector<16xi1>, vector<16xi32>
      %swap3A_816 = arith.constant 1 : i32
      %swap3A_817 = arith.index_cast %swap3A_816 : i32 to index
      %swap3A_818 = arith.constant 32 : index
      %swap3A_819 = tpu.vector_load %arg9[%swap3A_817, %swap3A_818] {strides = array<i32>} : memref<4x128xi32, #tpu.memory_space<vmem>>, vector<1x16xi32>,
      %swap3A_820 = vector.shape_cast %swap3A_819 : vector<1x16xi32> to vector<16xi32>
      %swap3A_821 = vector.shape_cast %select_n3A_815 : vector<16xi32> to vector<1x16xi32>
      tpu.vector_store %arg9[%swap3A_817, %swap3A_818], %swap3A_821 {strides = array<i32>} : memref<4x128xi32, #tpu.memory_space<vmem>>, vector<1x16xi32>,
      %get3A_822 = arith.constant 176 : index
      %get3A_823 = tpu.vector_load %arg7[%get3A_822] {strides = array<i32>} : memref<512xi32, #tpu.memory_space<vmem>>, vector<16xi32>,
      %get3A_824 = vector.shape_cast %get3A_823 : vector<16xi32> to vector<16xi32>
      %ge3A_825 = arith.constant 1000000 : i32
      %ge3A_826 = vector.broadcast %ge3A_825 : i32 to vector<16xi32>
      %ge3A_827 = arith.cmpi sge, %get3A_824, %ge3A_826 : vector<16xi32>
      %sub3A_828 = arith.constant 1000000 : i32
      %sub3A_829 = vector.broadcast %sub3A_828 : i32 to vector<16xi32>
      %sub3A_830 = arith.subi %get3A_824, %sub3A_829 : vector<16xi32>
      %select_n3A_831 = arith.select %ge3A_827, %sub3A_830, %get3A_824 : vector<16xi1>, vector<16xi32>
      %swap3A_832 = arith.constant 1 : i32
      %swap3A_833 = arith.index_cast %swap3A_832 : i32 to index
      %swap3A_834 = arith.constant 48 : index
      %swap3A_835 = tpu.vector_load %arg9[%swap3A_833, %swap3A_834] {strides = array<i32>} : memref<4x128xi32, #tpu.memory_space<vmem>>, vector<1x16xi32>,
      %swap3A_836 = vector.shape_cast %swap3A_835 : vector<1x16xi32> to vector<16xi32>
      %swap3A_837 = vector.shape_cast %select_n3A_831 : vector<16xi32> to vector<1x16xi32>
      tpu.vector_store %arg9[%swap3A_833, %swap3A_834], %swap3A_837 {strides = array<i32>} : memref<4x128xi32, #tpu.memory_space<vmem>>, vector<1x16xi32>,
      %get3A_838 = arith.constant 192 : index
      %get3A_839 = tpu.vector_load %arg7[%get3A_838] {strides = array<i32>} : memref<512xi32, #tpu.memory_space<vmem>>, vector<16xi32>,
      %get3A_840 = vector.shape_cast %get3A_839 : vector<16xi32> to vector<16xi32>
      %ge3A_841 = arith.constant 1000000 : i32
      %ge3A_842 = vector.broadcast %ge3A_841 : i32 to vector<16xi32>
      %ge3A_843 = arith.cmpi sge, %get3A_840, %ge3A_842 : vector<16xi32>
      %sub3A_844 = arith.constant 1000000 : i32
      %sub3A_845 = vector.broadcast %sub3A_844 : i32 to vector<16xi32>
      %sub3A_846 = arith.subi %get3A_840, %sub3A_845 : vector<16xi32>
      %select_n3A_847 = arith.select %ge3A_843, %sub3A_846, %get3A_840 : vector<16xi1>, vector<16xi32>
      %swap3A_848 = arith.constant 1 : i32
      %swap3A_849 = arith.index_cast %swap3A_848 : i32 to index
      %swap3A_850 = arith.constant 64 : index
      %swap3A_851 = tpu.vector_load %arg9[%swap3A_849, %swap3A_850] {strides = array<i32>} : memref<4x128xi32, #tpu.memory_space<vmem>>, vector<1x16xi32>,
      %swap3A_852 = vector.shape_cast %swap3A_851 : vector<1x16xi32> to vector<16xi32>
      %swap3A_853 = vector.shape_cast %select_n3A_847 : vector<16xi32> to vector<1x16xi32>
      tpu.vector_store %arg9[%swap3A_849, %swap3A_850], %swap3A_853 {strides = array<i32>} : memref<4x128xi32, #tpu.memory_space<vmem>>, vector<1x16xi32>,
      %get3A_854 = arith.constant 208 : index
      %get3A_855 = tpu.vector_load %arg7[%get3A_854] {strides = array<i32>} : memref<512xi32, #tpu.memory_space<vmem>>, vector<16xi32>,
      %get3A_856 = vector.shape_cast %get3A_855 : vector<16xi32> to vector<16xi32>
      %ge3A_857 = arith.constant 1000000 : i32
      %ge3A_858 = vector.broadcast %ge3A_857 : i32 to vector<16xi32>
      %ge3A_859 = arith.cmpi sge, %get3A_856, %ge3A_858 : vector<16xi32>
      %sub3A_860 = arith.constant 1000000 : i32
      %sub3A_861 = vector.broadcast %sub3A_860 : i32 to vector<16xi32>
      %sub3A_862 = arith.subi %get3A_856, %sub3A_861 : vector<16xi32>
      %select_n3A_863 = arith.select %ge3A_859, %sub3A_862, %get3A_856 : vector<16xi1>, vector<16xi32>
      %swap3A_864 = arith.constant 1 : i32
      %swap3A_865 = arith.index_cast %swap3A_864 : i32 to index
      %swap3A_866 = arith.constant 80 : index
      %swap3A_867 = tpu.vector_load %arg9[%swap3A_865, %swap3A_866] {strides = array<i32>} : memref<4x128xi32, #tpu.memory_space<vmem>>, vector<1x16xi32>,
      %swap3A_868 = vector.shape_cast %swap3A_867 : vector<1x16xi32> to vector<16xi32>
      %swap3A_869 = vector.shape_cast %select_n3A_863 : vector<16xi32> to vector<1x16xi32>
      tpu.vector_store %arg9[%swap3A_865, %swap3A_866], %swap3A_869 {strides = array<i32>} : memref<4x128xi32, #tpu.memory_space<vmem>>, vector<1x16xi32>,
      %get3A_870 = arith.constant 224 : index
      %get3A_871 = tpu.vector_load %arg7[%get3A_870] {strides = array<i32>} : memref<512xi32, #tpu.memory_space<vmem>>, vector<16xi32>,
      %get3A_872 = vector.shape_cast %get3A_871 : vector<16xi32> to vector<16xi32>
      %ge3A_873 = arith.constant 1000000 : i32
      %ge3A_874 = vector.broadcast %ge3A_873 : i32 to vector<16xi32>
      %ge3A_875 = arith.cmpi sge, %get3A_872, %ge3A_874 : vector<16xi32>
      %sub3A_876 = arith.constant 1000000 : i32
      %sub3A_877 = vector.broadcast %sub3A_876 : i32 to vector<16xi32>
      %sub3A_878 = arith.subi %get3A_872, %sub3A_877 : vector<16xi32>
      %select_n3A_879 = arith.select %ge3A_875, %sub3A_878, %get3A_872 : vector<16xi1>, vector<16xi32>
      %swap3A_880 = arith.constant 1 : i32
      %swap3A_881 = arith.index_cast %swap3A_880 : i32 to index
      %swap3A_882 = arith.constant 96 : index
      %swap3A_883 = tpu.vector_load %arg9[%swap3A_881, %swap3A_882] {strides = array<i32>} : memref<4x128xi32, #tpu.memory_space<vmem>>, vector<1x16xi32>,
      %swap3A_884 = vector.shape_cast %swap3A_883 : vector<1x16xi32> to vector<16xi32>
      %swap3A_885 = vector.shape_cast %select_n3A_879 : vector<16xi32> to vector<1x16xi32>
      tpu.vector_store %arg9[%swap3A_881, %swap3A_882], %swap3A_885 {strides = array<i32>} : memref<4x128xi32, #tpu.memory_space<vmem>>, vector<1x16xi32>,
      %get3A_886 = arith.constant 240 : index
      %get3A_887 = tpu.vector_load %arg7[%get3A_886] {strides = array<i32>} : memref<512xi32, #tpu.memory_space<vmem>>, vector<16xi32>,
      %get3A_888 = vector.shape_cast %get3A_887 : vector<16xi32> to vector<16xi32>
      %ge3A_889 = arith.constant 1000000 : i32
      %ge3A_890 = vector.broadcast %ge3A_889 : i32 to vector<16xi32>
      %ge3A_891 = arith.cmpi sge, %get3A_888, %ge3A_890 : vector<16xi32>
      %sub3A_892 = arith.constant 1000000 : i32
      %sub3A_893 = vector.broadcast %sub3A_892 : i32 to vector<16xi32>
      %sub3A_894 = arith.subi %get3A_888, %sub3A_893 : vector<16xi32>
      %select_n3A_895 = arith.select %ge3A_891, %sub3A_894, %get3A_888 : vector<16xi1>, vector<16xi32>
      %swap3A_896 = arith.constant 1 : i32
      %swap3A_897 = arith.index_cast %swap3A_896 : i32 to index
      %swap3A_898 = arith.constant 112 : index
      %swap3A_899 = tpu.vector_load %arg9[%swap3A_897, %swap3A_898] {strides = array<i32>} : memref<4x128xi32, #tpu.memory_space<vmem>>, vector<1x16xi32>,
      %swap3A_900 = vector.shape_cast %swap3A_899 : vector<1x16xi32> to vector<16xi32>
      %swap3A_901 = vector.shape_cast %select_n3A_895 : vector<16xi32> to vector<1x16xi32>
      tpu.vector_store %arg9[%swap3A_897, %swap3A_898], %swap3A_901 {strides = array<i32>} : memref<4x128xi32, #tpu.memory_space<vmem>>, vector<1x16xi32>,
      %get3A_902 = arith.constant 256 : index
      %get3A_903 = tpu.vector_load %arg7[%get3A_902] {strides = array<i32>} : memref<512xi32, #tpu.memory_space<vmem>>, vector<16xi32>,
      %get3A_904 = vector.shape_cast %get3A_903 : vector<16xi32> to vector<16xi32>
      %ge3A_905 = arith.constant 1000000 : i32
      %ge3A_906 = vector.broadcast %ge3A_905 : i32 to vector<16xi32>
      %ge3A_907 = arith.cmpi sge, %get3A_904, %ge3A_906 : vector<16xi32>
      %sub3A_908 = arith.constant 1000000 : i32
      %sub3A_909 = vector.broadcast %sub3A_908 : i32 to vector<16xi32>
      %sub3A_910 = arith.subi %get3A_904, %sub3A_909 : vector<16xi32>
      %select_n3A_911 = arith.select %ge3A_907, %sub3A_910, %get3A_904 : vector<16xi1>, vector<16xi32>
      %swap3A_912 = arith.constant 2 : i32
      %swap3A_913 = arith.index_cast %swap3A_912 : i32 to index
      %swap3A_914 = arith.constant 0 : index
      %swap3A_915 = tpu.vector_load %arg9[%swap3A_913, %swap3A_914] {strides = array<i32>} : memref<4x128xi32, #tpu.memory_space<vmem>>, vector<1x16xi32>,
      %swap3A_916 = vector.shape_cast %swap3A_915 : vector<1x16xi32> to vector<16xi32>
      %swap3A_917 = vector.shape_cast %select_n3A_911 : vector<16xi32> to vector<1x16xi32>
      tpu.vector_store %arg9[%swap3A_913, %swap3A_914], %swap3A_917 {strides = array<i32>} : memref<4x128xi32, #tpu.memory_space<vmem>>, vector<1x16xi32>,
      %get3A_918 = arith.constant 272 : index
      %get3A_919 = tpu.vector_load %arg7[%get3A_918] {strides = array<i32>} : memref<512xi32, #tpu.memory_space<vmem>>, vector<16xi32>,
      %get3A_920 = vector.shape_cast %get3A_919 : vector<16xi32> to vector<16xi32>
      %ge3A_921 = arith.constant 1000000 : i32
      %ge3A_922 = vector.broadcast %ge3A_921 : i32 to vector<16xi32>
      %ge3A_923 = arith.cmpi sge, %get3A_920, %ge3A_922 : vector<16xi32>
      %sub3A_924 = arith.constant 1000000 : i32
      %sub3A_925 = vector.broadcast %sub3A_924 : i32 to vector<16xi32>
      %sub3A_926 = arith.subi %get3A_920, %sub3A_925 : vector<16xi32>
      %select_n3A_927 = arith.select %ge3A_923, %sub3A_926, %get3A_920 : vector<16xi1>, vector<16xi32>
      %swap3A_928 = arith.constant 2 : i32
      %swap3A_929 = arith.index_cast %swap3A_928 : i32 to index
      %swap3A_930 = arith.constant 16 : index
      %swap3A_931 = tpu.vector_load %arg9[%swap3A_929, %swap3A_930] {strides = array<i32>} : memref<4x128xi32, #tpu.memory_space<vmem>>, vector<1x16xi32>,
      %swap3A_932 = vector.shape_cast %swap3A_931 : vector<1x16xi32> to vector<16xi32>
      %swap3A_933 = vector.shape_cast %select_n3A_927 : vector<16xi32> to vector<1x16xi32>
      tpu.vector_store %arg9[%swap3A_929, %swap3A_930], %swap3A_933 {strides = array<i32>} : memref<4x128xi32, #tpu.memory_space<vmem>>, vector<1x16xi32>,
      %get3A_934 = arith.constant 288 : index
      %get3A_935 = tpu.vector_load %arg7[%get3A_934] {strides = array<i32>} : memref<512xi32, #tpu.memory_space<vmem>>, vector<16xi32>,
      %get3A_936 = vector.shape_cast %get3A_935 : vector<16xi32> to vector<16xi32>
      %ge3A_937 = arith.constant 1000000 : i32
      %ge3A_938 = vector.broadcast %ge3A_937 : i32 to vector<16xi32>
      %ge3A_939 = arith.cmpi sge, %get3A_936, %ge3A_938 : vector<16xi32>
      %sub3A_940 = arith.constant 1000000 : i32
      %sub3A_941 = vector.broadcast %sub3A_940 : i32 to vector<16xi32>
      %sub3A_942 = arith.subi %get3A_936, %sub3A_941 : vector<16xi32>
      %select_n3A_943 = arith.select %ge3A_939, %sub3A_942, %get3A_936 : vector<16xi1>, vector<16xi32>
      %swap3A_944 = arith.constant 2 : i32
      %swap3A_945 = arith.index_cast %swap3A_944 : i32 to index
      %swap3A_946 = arith.constant 32 : index
      %swap3A_947 = tpu.vector_load %arg9[%swap3A_945, %swap3A_946] {strides = array<i32>} : memref<4x128xi32, #tpu.memory_space<vmem>>, vector<1x16xi32>,
      %swap3A_948 = vector.shape_cast %swap3A_947 : vector<1x16xi32> to vector<16xi32>
      %swap3A_949 = vector.shape_cast %select_n3A_943 : vector<16xi32> to vector<1x16xi32>
      tpu.vector_store %arg9[%swap3A_945, %swap3A_946], %swap3A_949 {strides = array<i32>} : memref<4x128xi32, #tpu.memory_space<vmem>>, vector<1x16xi32>,
      %get3A_950 = arith.constant 304 : index
      %get3A_951 = tpu.vector_load %arg7[%get3A_950] {strides = array<i32>} : memref<512xi32, #tpu.memory_space<vmem>>, vector<16xi32>,
      %get3A_952 = vector.shape_cast %get3A_951 : vector<16xi32> to vector<16xi32>
      %ge3A_953 = arith.constant 1000000 : i32
      %ge3A_954 = vector.broadcast %ge3A_953 : i32 to vector<16xi32>
      %ge3A_955 = arith.cmpi sge, %get3A_952, %ge3A_954 : vector<16xi32>
      %sub3A_956 = arith.constant 1000000 : i32
      %sub3A_957 = vector.broadcast %sub3A_956 : i32 to vector<16xi32>
      %sub3A_958 = arith.subi %get3A_952, %sub3A_957 : vector<16xi32>
      %select_n3A_959 = arith.select %ge3A_955, %sub3A_958, %get3A_952 : vector<16xi1>, vector<16xi32>
      %swap3A_960 = arith.constant 2 : i32
      %swap3A_961 = arith.index_cast %swap3A_960 : i32 to index
      %swap3A_962 = arith.constant 48 : index
      %swap3A_963 = tpu.vector_load %arg9[%swap3A_961, %swap3A_962] {strides = array<i32>} : memref<4x128xi32, #tpu.memory_space<vmem>>, vector<1x16xi32>,
      %swap3A_964 = vector.shape_cast %swap3A_963 : vector<1x16xi32> to vector<16xi32>
      %swap3A_965 = vector.shape_cast %select_n3A_959 : vector<16xi32> to vector<1x16xi32>
      tpu.vector_store %arg9[%swap3A_961, %swap3A_962], %swap3A_965 {strides = array<i32>} : memref<4x128xi32, #tpu.memory_space<vmem>>, vector<1x16xi32>,
      %get3A_966 = arith.constant 320 : index
      %get3A_967 = tpu.vector_load %arg7[%get3A_966] {strides = array<i32>} : memref<512xi32, #tpu.memory_space<vmem>>, vector<16xi32>,
      %get3A_968 = vector.shape_cast %get3A_967 : vector<16xi32> to vector<16xi32>
      %ge3A_969 = arith.constant 1000000 : i32
      %ge3A_970 = vector.broadcast %ge3A_969 : i32 to vector<16xi32>
      %ge3A_971 = arith.cmpi sge, %get3A_968, %ge3A_970 : vector<16xi32>
      %sub3A_972 = arith.constant 1000000 : i32
      %sub3A_973 = vector.broadcast %sub3A_972 : i32 to vector<16xi32>
      %sub3A_974 = arith.subi %get3A_968, %sub3A_973 : vector<16xi32>
      %select_n3A_975 = arith.select %ge3A_971, %sub3A_974, %get3A_968 : vector<16xi1>, vector<16xi32>
      %swap3A_976 = arith.constant 2 : i32
      %swap3A_977 = arith.index_cast %swap3A_976 : i32 to index
      %swap3A_978 = arith.constant 64 : index
      %swap3A_979 = tpu.vector_load %arg9[%swap3A_977, %swap3A_978] {strides = array<i32>} : memref<4x128xi32, #tpu.memory_space<vmem>>, vector<1x16xi32>,
      %swap3A_980 = vector.shape_cast %swap3A_979 : vector<1x16xi32> to vector<16xi32>
      %swap3A_981 = vector.shape_cast %select_n3A_975 : vector<16xi32> to vector<1x16xi32>
      tpu.vector_store %arg9[%swap3A_977, %swap3A_978], %swap3A_981 {strides = array<i32>} : memref<4x128xi32, #tpu.memory_space<vmem>>, vector<1x16xi32>,
      %get3A_982 = arith.constant 336 : index
      %get3A_983 = tpu.vector_load %arg7[%get3A_982] {strides = array<i32>} : memref<512xi32, #tpu.memory_space<vmem>>, vector<16xi32>,
      %get3A_984 = vector.shape_cast %get3A_983 : vector<16xi32> to vector<16xi32>
      %ge3A_985 = arith.constant 1000000 : i32
      %ge3A_986 = vector.broadcast %ge3A_985 : i32 to vector<16xi32>
      %ge3A_987 = arith.cmpi sge, %get3A_984, %ge3A_986 : vector<16xi32>
      %sub3A_988 = arith.constant 1000000 : i32
      %sub3A_989 = vector.broadcast %sub3A_988 : i32 to vector<16xi32>
      %sub3A_990 = arith.subi %get3A_984, %sub3A_989 : vector<16xi32>
      %select_n3A_991 = arith.select %ge3A_987, %sub3A_990, %get3A_984 : vector<16xi1>, vector<16xi32>
      %swap3A_992 = arith.constant 2 : i32
      %swap3A_993 = arith.index_cast %swap3A_992 : i32 to index
      %swap3A_994 = arith.constant 80 : index
      %swap3A_995 = tpu.vector_load %arg9[%swap3A_993, %swap3A_994] {strides = array<i32>} : memref<4x128xi32, #tpu.memory_space<vmem>>, vector<1x16xi32>,
      %swap3A_996 = vector.shape_cast %swap3A_995 : vector<1x16xi32> to vector<16xi32>
      %swap3A_997 = vector.shape_cast %select_n3A_991 : vector<16xi32> to vector<1x16xi32>
      tpu.vector_store %arg9[%swap3A_993, %swap3A_994], %swap3A_997 {strides = array<i32>} : memref<4x128xi32, #tpu.memory_space<vmem>>, vector<1x16xi32>,
      %get3A_998 = arith.constant 352 : index
      %get3A_999 = tpu.vector_load %arg7[%get3A_998] {strides = array<i32>} : memref<512xi32, #tpu.memory_space<vmem>>, vector<16xi32>,
      %get3A_1000 = vector.shape_cast %get3A_999 : vector<16xi32> to vector<16xi32>
      %ge3A_1001 = arith.constant 1000000 : i32
      %ge3A_1002 = vector.broadcast %ge3A_1001 : i32 to vector<16xi32>
      %ge3A_1003 = arith.cmpi sge, %get3A_1000, %ge3A_1002 : vector<16xi32>
      %sub3A_1004 = arith.constant 1000000 : i32
      %sub3A_1005 = vector.broadcast %sub3A_1004 : i32 to vector<16xi32>
      %sub3A_1006 = arith.subi %get3A_1000, %sub3A_1005 : vector<16xi32>
      %select_n3A_1007 = arith.select %ge3A_1003, %sub3A_1006, %get3A_1000 : vector<16xi1>, vector<16xi32>
      %swap3A_1008 = arith.constant 2 : i32
      %swap3A_1009 = arith.index_cast %swap3A_1008 : i32 to index
      %swap3A_1010 = arith.constant 96 : index
      %swap3A_1011 = tpu.vector_load %arg9[%swap3A_1009, %swap3A_1010] {strides = array<i32>} : memref<4x128xi32, #tpu.memory_space<vmem>>, vector<1x16xi32>,
      %swap3A_1012 = vector.shape_cast %swap3A_1011 : vector<1x16xi32> to vector<16xi32>
      %swap3A_1013 = vector.shape_cast %select_n3A_1007 : vector<16xi32> to vector<1x16xi32>
      tpu.vector_store %arg9[%swap3A_1009, %swap3A_1010], %swap3A_1013 {strides = array<i32>} : memref<4x128xi32, #tpu.memory_space<vmem>>, vector<1x16xi32>,
      %get3A_1014 = arith.constant 368 : index
      %get3A_1015 = tpu.vector_load %arg7[%get3A_1014] {strides = array<i32>} : memref<512xi32, #tpu.memory_space<vmem>>, vector<16xi32>,
      %get3A_1016 = vector.shape_cast %get3A_1015 : vector<16xi32> to vector<16xi32>
      %ge3A_1017 = arith.constant 1000000 : i32
      %ge3A_1018 = vector.broadcast %ge3A_1017 : i32 to vector<16xi32>
      %ge3A_1019 = arith.cmpi sge, %get3A_1016, %ge3A_1018 : vector<16xi32>
      %sub3A_1020 = arith.constant 1000000 : i32
      %sub3A_1021 = vector.broadcast %sub3A_1020 : i32 to vector<16xi32>
      %sub3A_1022 = arith.subi %get3A_1016, %sub3A_1021 : vector<16xi32>
      %select_n3A_1023 = arith.select %ge3A_1019, %sub3A_1022, %get3A_1016 : vector<16xi1>, vector<16xi32>
      %swap3A_1024 = arith.constant 2 : i32
      %swap3A_1025 = arith.index_cast %swap3A_1024 : i32 to index
      %swap3A_1026 = arith.constant 112 : index
      %swap3A_1027 = tpu.vector_load %arg9[%swap3A_1025, %swap3A_1026] {strides = array<i32>} : memref<4x128xi32, #tpu.memory_space<vmem>>, vector<1x16xi32>,
      %swap3A_1028 = vector.shape_cast %swap3A_1027 : vector<1x16xi32> to vector<16xi32>
      %swap3A_1029 = vector.shape_cast %select_n3A_1023 : vector<16xi32> to vector<1x16xi32>
      tpu.vector_store %arg9[%swap3A_1025, %swap3A_1026], %swap3A_1029 {strides = array<i32>} : memref<4x128xi32, #tpu.memory_space<vmem>>, vector<1x16xi32>,
      %get3A_1030 = arith.constant 384 : index
      %get3A_1031 = tpu.vector_load %arg7[%get3A_1030] {strides = array<i32>} : memref<512xi32, #tpu.memory_space<vmem>>, vector<16xi32>,
      %get3A_1032 = vector.shape_cast %get3A_1031 : vector<16xi32> to vector<16xi32>
      %ge3A_1033 = arith.constant 1000000 : i32
      %ge3A_1034 = vector.broadcast %ge3A_1033 : i32 to vector<16xi32>
      %ge3A_1035 = arith.cmpi sge, %get3A_1032, %ge3A_1034 : vector<16xi32>
      %sub3A_1036 = arith.constant 1000000 : i32
      %sub3A_1037 = vector.broadcast %sub3A_1036 : i32 to vector<16xi32>
      %sub3A_1038 = arith.subi %get3A_1032, %sub3A_1037 : vector<16xi32>
      %select_n3A_1039 = arith.select %ge3A_1035, %sub3A_1038, %get3A_1032 : vector<16xi1>, vector<16xi32>
      %swap3A_1040 = arith.constant 3 : i32
      %swap3A_1041 = arith.index_cast %swap3A_1040 : i32 to index
      %swap3A_1042 = arith.constant 0 : index
      %swap3A_1043 = tpu.vector_load %arg9[%swap3A_1041, %swap3A_1042] {strides = array<i32>} : memref<4x128xi32, #tpu.memory_space<vmem>>, vector<1x16xi32>,
      %swap3A_1044 = vector.shape_cast %swap3A_1043 : vector<1x16xi32> to vector<16xi32>
      %swap3A_1045 = vector.shape_cast %select_n3A_1039 : vector<16xi32> to vector<1x16xi32>
      tpu.vector_store %arg9[%swap3A_1041, %swap3A_1042], %swap3A_1045 {strides = array<i32>} : memref<4x128xi32, #tpu.memory_space<vmem>>, vector<1x16xi32>,
      %get3A_1046 = arith.constant 400 : index
      %get3A_1047 = tpu.vector_load %arg7[%get3A_1046] {strides = array<i32>} : memref<512xi32, #tpu.memory_space<vmem>>, vector<16xi32>,
      %get3A_1048 = vector.shape_cast %get3A_1047 : vector<16xi32> to vector<16xi32>
      %ge3A_1049 = arith.constant 1000000 : i32
      %ge3A_1050 = vector.broadcast %ge3A_1049 : i32 to vector<16xi32>
      %ge3A_1051 = arith.cmpi sge, %get3A_1048, %ge3A_1050 : vector<16xi32>
      %sub3A_1052 = arith.constant 1000000 : i32
      %sub3A_1053 = vector.broadcast %sub3A_1052 : i32 to vector<16xi32>
      %sub3A_1054 = arith.subi %get3A_1048, %sub3A_1053 : vector<16xi32>
      %select_n3A_1055 = arith.select %ge3A_1051, %sub3A_1054, %get3A_1048 : vector<16xi1>, vector<16xi32>
      %swap3A_1056 = arith.constant 3 : i32
      %swap3A_1057 = arith.index_cast %swap3A_1056 : i32 to index
      %swap3A_1058 = arith.constant 16 : index
      %swap3A_1059 = tpu.vector_load %arg9[%swap3A_1057, %swap3A_1058] {strides = array<i32>} : memref<4x128xi32, #tpu.memory_space<vmem>>, vector<1x16xi32>,
      %swap3A_1060 = vector.shape_cast %swap3A_1059 : vector<1x16xi32> to vector<16xi32>
      %swap3A_1061 = vector.shape_cast %select_n3A_1055 : vector<16xi32> to vector<1x16xi32>
      tpu.vector_store %arg9[%swap3A_1057, %swap3A_1058], %swap3A_1061 {strides = array<i32>} : memref<4x128xi32, #tpu.memory_space<vmem>>, vector<1x16xi32>,
      %get3A_1062 = arith.constant 416 : index
      %get3A_1063 = tpu.vector_load %arg7[%get3A_1062] {strides = array<i32>} : memref<512xi32, #tpu.memory_space<vmem>>, vector<16xi32>,
      %get3A_1064 = vector.shape_cast %get3A_1063 : vector<16xi32> to vector<16xi32>
      %ge3A_1065 = arith.constant 1000000 : i32
      %ge3A_1066 = vector.broadcast %ge3A_1065 : i32 to vector<16xi32>
      %ge3A_1067 = arith.cmpi sge, %get3A_1064, %ge3A_1066 : vector<16xi32>
      %sub3A_1068 = arith.constant 1000000 : i32
      %sub3A_1069 = vector.broadcast %sub3A_1068 : i32 to vector<16xi32>
      %sub3A_1070 = arith.subi %get3A_1064, %sub3A_1069 : vector<16xi32>
      %select_n3A_1071 = arith.select %ge3A_1067, %sub3A_1070, %get3A_1064 : vector<16xi1>, vector<16xi32>
      %swap3A_1072 = arith.constant 3 : i32
      %swap3A_1073 = arith.index_cast %swap3A_1072 : i32 to index
      %swap3A_1074 = arith.constant 32 : index
      %swap3A_1075 = tpu.vector_load %arg9[%swap3A_1073, %swap3A_1074] {strides = array<i32>} : memref<4x128xi32, #tpu.memory_space<vmem>>, vector<1x16xi32>,
      %swap3A_1076 = vector.shape_cast %swap3A_1075 : vector<1x16xi32> to vector<16xi32>
      %swap3A_1077 = vector.shape_cast %select_n3A_1071 : vector<16xi32> to vector<1x16xi32>
      tpu.vector_store %arg9[%swap3A_1073, %swap3A_1074], %swap3A_1077 {strides = array<i32>} : memref<4x128xi32, #tpu.memory_space<vmem>>, vector<1x16xi32>,
      %get3A_1078 = arith.constant 432 : index
      %get3A_1079 = tpu.vector_load %arg7[%get3A_1078] {strides = array<i32>} : memref<512xi32, #tpu.memory_space<vmem>>, vector<16xi32>,
      %get3A_1080 = vector.shape_cast %get3A_1079 : vector<16xi32> to vector<16xi32>
      %ge3A_1081 = arith.constant 1000000 : i32
      %ge3A_1082 = vector.broadcast %ge3A_1081 : i32 to vector<16xi32>
      %ge3A_1083 = arith.cmpi sge, %get3A_1080, %ge3A_1082 : vector<16xi32>
      %sub3A_1084 = arith.constant 1000000 : i32
      %sub3A_1085 = vector.broadcast %sub3A_1084 : i32 to vector<16xi32>
      %sub3A_1086 = arith.subi %get3A_1080, %sub3A_1085 : vector<16xi32>
      %select_n3A_1087 = arith.select %ge3A_1083, %sub3A_1086, %get3A_1080 : vector<16xi1>, vector<16xi32>
      %swap3A_1088 = arith.constant 3 : i32
      %swap3A_1089 = arith.index_cast %swap3A_1088 : i32 to index
      %swap3A_1090 = arith.constant 48 : index
      %swap3A_1091 = tpu.vector_load %arg9[%swap3A_1089, %swap3A_1090] {strides = array<i32>} : memref<4x128xi32, #tpu.memory_space<vmem>>, vector<1x16xi32>,
      %swap3A_1092 = vector.shape_cast %swap3A_1091 : vector<1x16xi32> to vector<16xi32>
      %swap3A_1093 = vector.shape_cast %select_n3A_1087 : vector<16xi32> to vector<1x16xi32>
      tpu.vector_store %arg9[%swap3A_1089, %swap3A_1090], %swap3A_1093 {strides = array<i32>} : memref<4x128xi32, #tpu.memory_space<vmem>>, vector<1x16xi32>,
      %get3A_1094 = arith.constant 448 : index
      %get3A_1095 = tpu.vector_load %arg7[%get3A_1094] {strides = array<i32>} : memref<512xi32, #tpu.memory_space<vmem>>, vector<16xi32>,
      %get3A_1096 = vector.shape_cast %get3A_1095 : vector<16xi32> to vector<16xi32>
      %ge3A_1097 = arith.constant 1000000 : i32
      %ge3A_1098 = vector.broadcast %ge3A_1097 : i32 to vector<16xi32>
      %ge3A_1099 = arith.cmpi sge, %get3A_1096, %ge3A_1098 : vector<16xi32>
      %sub3A_1100 = arith.constant 1000000 : i32
      %sub3A_1101 = vector.broadcast %sub3A_1100 : i32 to vector<16xi32>
      %sub3A_1102 = arith.subi %get3A_1096, %sub3A_1101 : vector<16xi32>
      %select_n3A_1103 = arith.select %ge3A_1099, %sub3A_1102, %get3A_1096 : vector<16xi1>, vector<16xi32>
      %swap3A_1104 = arith.constant 3 : i32
      %swap3A_1105 = arith.index_cast %swap3A_1104 : i32 to index
      %swap3A_1106 = arith.constant 64 : index
      %swap3A_1107 = tpu.vector_load %arg9[%swap3A_1105, %swap3A_1106] {strides = array<i32>} : memref<4x128xi32, #tpu.memory_space<vmem>>, vector<1x16xi32>,
      %swap3A_1108 = vector.shape_cast %swap3A_1107 : vector<1x16xi32> to vector<16xi32>
      %swap3A_1109 = vector.shape_cast %select_n3A_1103 : vector<16xi32> to vector<1x16xi32>
      tpu.vector_store %arg9[%swap3A_1105, %swap3A_1106], %swap3A_1109 {strides = array<i32>} : memref<4x128xi32, #tpu.memory_space<vmem>>, vector<1x16xi32>,
      %get3A_1110 = arith.constant 464 : index
      %get3A_1111 = tpu.vector_load %arg7[%get3A_1110] {strides = array<i32>} : memref<512xi32, #tpu.memory_space<vmem>>, vector<16xi32>,
      %get3A_1112 = vector.shape_cast %get3A_1111 : vector<16xi32> to vector<16xi32>
      %ge3A_1113 = arith.constant 1000000 : i32
      %ge3A_1114 = vector.broadcast %ge3A_1113 : i32 to vector<16xi32>
      %ge3A_1115 = arith.cmpi sge, %get3A_1112, %ge3A_1114 : vector<16xi32>
      %sub3A_1116 = arith.constant 1000000 : i32
      %sub3A_1117 = vector.broadcast %sub3A_1116 : i32 to vector<16xi32>
      %sub3A_1118 = arith.subi %get3A_1112, %sub3A_1117 : vector<16xi32>
      %select_n3A_1119 = arith.select %ge3A_1115, %sub3A_1118, %get3A_1112 : vector<16xi1>, vector<16xi32>
      %swap3A_1120 = arith.constant 3 : i32
      %swap3A_1121 = arith.index_cast %swap3A_1120 : i32 to index
      %swap3A_1122 = arith.constant 80 : index
      %swap3A_1123 = tpu.vector_load %arg9[%swap3A_1121, %swap3A_1122] {strides = array<i32>} : memref<4x128xi32, #tpu.memory_space<vmem>>, vector<1x16xi32>,
      %swap3A_1124 = vector.shape_cast %swap3A_1123 : vector<1x16xi32> to vector<16xi32>
      %swap3A_1125 = vector.shape_cast %select_n3A_1119 : vector<16xi32> to vector<1x16xi32>
      tpu.vector_store %arg9[%swap3A_1121, %swap3A_1122], %swap3A_1125 {strides = array<i32>} : memref<4x128xi32, #tpu.memory_space<vmem>>, vector<1x16xi32>,
      %get3A_1126 = arith.constant 480 : index
      %get3A_1127 = tpu.vector_load %arg7[%get3A_1126] {strides = array<i32>} : memref<512xi32, #tpu.memory_space<vmem>>, vector<16xi32>,
      %get3A_1128 = vector.shape_cast %get3A_1127 : vector<16xi32> to vector<16xi32>
      %ge3A_1129 = arith.constant 1000000 : i32
      %ge3A_1130 = vector.broadcast %ge3A_1129 : i32 to vector<16xi32>
      %ge3A_1131 = arith.cmpi sge, %get3A_1128, %ge3A_1130 : vector<16xi32>
      %sub3A_1132 = arith.constant 1000000 : i32
      %sub3A_1133 = vector.broadcast %sub3A_1132 : i32 to vector<16xi32>
      %sub3A_1134 = arith.subi %get3A_1128, %sub3A_1133 : vector<16xi32>
      %select_n3A_1135 = arith.select %ge3A_1131, %sub3A_1134, %get3A_1128 : vector<16xi1>, vector<16xi32>
      %swap3A_1136 = arith.constant 3 : i32
      %swap3A_1137 = arith.index_cast %swap3A_1136 : i32 to index
      %swap3A_1138 = arith.constant 96 : index
      %swap3A_1139 = tpu.vector_load %arg9[%swap3A_1137, %swap3A_1138] {strides = array<i32>} : memref<4x128xi32, #tpu.memory_space<vmem>>, vector<1x16xi32>,
      %swap3A_1140 = vector.shape_cast %swap3A_1139 : vector<1x16xi32> to vector<16xi32>
      %swap3A_1141 = vector.shape_cast %select_n3A_1135 : vector<16xi32> to vector<1x16xi32>
      tpu.vector_store %arg9[%swap3A_1137, %swap3A_1138], %swap3A_1141 {strides = array<i32>} : memref<4x128xi32, #tpu.memory_space<vmem>>, vector<1x16xi32>,
      %get3A_1142 = arith.constant 496 : index
      %get3A_1143 = tpu.vector_load %arg7[%get3A_1142] {strides = array<i32>} : memref<512xi32, #tpu.memory_space<vmem>>, vector<16xi32>,
      %get3A_1144 = vector.shape_cast %get3A_1143 : vector<16xi32> to vector<16xi32>
      %ge3A_1145 = arith.constant 1000000 : i32
      %ge3A_1146 = vector.broadcast %ge3A_1145 : i32 to vector<16xi32>
      %ge3A_1147 = arith.cmpi sge, %get3A_1144, %ge3A_1146 : vector<16xi32>
      %sub3A_1148 = arith.constant 1000000 : i32
      %sub3A_1149 = vector.broadcast %sub3A_1148 : i32 to vector<16xi32>
      %sub3A_1150 = arith.subi %get3A_1144, %sub3A_1149 : vector<16xi32>
      %select_n3A_1151 = arith.select %ge3A_1147, %sub3A_1150, %get3A_1144 : vector<16xi1>, vector<16xi32>
      %swap3A_1152 = arith.constant 3 : i32
      %swap3A_1153 = arith.index_cast %swap3A_1152 : i32 to index
      %swap3A_1154 = arith.constant 112 : index
      %swap3A_1155 = tpu.vector_load %arg9[%swap3A_1153, %swap3A_1154] {strides = array<i32>} : memref<4x128xi32, #tpu.memory_space<vmem>>, vector<1x16xi32>,
      %swap3A_1156 = vector.shape_cast %swap3A_1155 : vector<1x16xi32> to vector<16xi32>
      %swap3A_1157 = vector.shape_cast %select_n3A_1151 : vector<16xi32> to vector<1x16xi32>
      tpu.vector_store %arg9[%swap3A_1153, %swap3A_1154], %swap3A_1157 {strides = array<i32>} : memref<4x128xi32, #tpu.memory_space<vmem>>, vector<1x16xi32>,
      %add3A_1158 = arith.constant 2 : i32
      %add3A_1159 = arith.addi %add3A_587, %add3A_1158 : i32
      %lt3A_1160 = arith.constant 200 : i32
      %lt3A_1161 = arith.cmpi slt, %add3A_1159, %lt3A_1160 : i32
      %convert_element_type3A_1162 = arith.extui %lt3A_1161 : i1 to i32
      %cond3A_1163 = arith.constant 0 : i32
      %cond3A_1164 = arith.cmpi ne, %convert_element_type3A_1162, %cond3A_1163 : i32
      scf.if %cond3A_1164 {
        %add3A_1783 = arith.constant 2 : i32
        %add3A_1784 = arith.addi %add3A_587, %add3A_1783 : i32
        %add3A_1785 = arith.addi %mul3A_2, %add3A_1784 : i32
        %mul3A_1786 = arith.constant 512 : i32
        %mul3A_1787 = arith.muli %add3A_1785, %mul3A_1786 : i32
        %dma_start3A_1788 = tpu.memref_slice %arg2[%mul3A_1787] : memref<3276800xi32, #tpu.memory_space<hbm>> -> memref<512xi32, #tpu.memory_space<hbm>>
        %dma_start3A_1789 = tpu.memref_slice %arg2[%mul3A_1787] : memref<3276800xi32, #tpu.memory_space<hbm>> -> memref<512xi32, #tpu.memory_space<hbm>>
        tpu.enqueue_dma source(%dma_start3A_1789 : memref<512xi32, #tpu.memory_space<hbm>>) target(%arg6 : memref<512xi32, #tpu.memory_space<vmem>>) target_semaphore(%arg12 : memref<!tpu.dma_semaphore, #tpu.memory_space<semaphore_mem>>)
      } else {
      }
      %ge3A_1165 = arith.constant 1 : i32
      %ge3A_1166 = arith.cmpi sge, %add3A_587, %ge3A_1165 : i32
      %add3A_1167 = arith.constant 1 : i32
      %add3A_1168 = arith.addi %add3A_587, %add3A_1167 : i32
      %lt3A_1169 = arith.constant 200 : i32
      %lt3A_1170 = arith.cmpi slt, %add3A_1168, %lt3A_1169 : i32
      %and3A = arith.andi %ge3A_1166, %lt3A_1170 : i1
      %convert_element_type3A_1171 = arith.extui %and3A : i1 to i32
      %cond3A_1172 = arith.constant 0 : i32
      %cond3A_1173 = arith.cmpi ne, %convert_element_type3A_1171, %cond3A_1172 : i32
      scf.if %cond3A_1173 {
        %dma_wait3A_1783 = arith.constant 0 : i32
        %dma_wait3A_1784 = arith.constant 0 : i32
        %dma_wait3A_1785 = tpu.memref_slice %arg5[%dma_wait3A_1783, %dma_wait3A_1784] : memref<3276800x64xf32, #tpu.memory_space<hbm>> -> memref<512x64xf32, #tpu.memory_space<hbm>>
        %dma_wait3A_1786 = arith.constant 0 : i32
        %dma_wait3A_1787 = arith.constant 0 : i32
        %dma_wait3A_1788 = tpu.memref_slice %arg5[%dma_wait3A_1786, %dma_wait3A_1787] : memref<3276800x64xf32, #tpu.memory_space<hbm>> -> memref<512x64xf32, #tpu.memory_space<hbm>>
        tpu.wait_dma2 semaphore(%arg17 : memref<!tpu.dma_semaphore, #tpu.memory_space<semaphore_mem>>) src(%arg11 : memref<512x64xf32, #tpu.memory_space<vmem>>) dst(%dma_wait3A_1788 : memref<512x64xf32, #tpu.memory_space<hbm>>)
      } else {
      }
      %add3A_1174 = arith.constant 1 : i32
      %add3A_1175 = arith.addi %add3A_587, %add3A_1174 : i32
      %lt3A_1176 = arith.constant 200 : i32
      %lt3A_1177 = arith.cmpi slt, %add3A_1175, %lt3A_1176 : i32
      %convert_element_type3A_1178 = arith.extui %lt3A_1177 : i1 to i32
      %cond3A_1179 = arith.constant 0 : i32
      %cond3A_1180 = arith.cmpi ne, %convert_element_type3A_1178, %cond3A_1179 : i32
      scf.if %cond3A_1180 {
        %dma_start3A_1783 = arith.constant 0 : i32
        %dma_start3A_1784 = arith.constant 0 : i32
        %dma_start3A_1785 = arith.constant 0 : i32
        %dma_start3A_1786 = tpu.memref_slice %arg11[%dma_start3A_1784, %dma_start3A_1785] : memref<512x64xf32, #tpu.memory_space<vmem>> -> memref<128x64xf32, #tpu.memory_space<vmem>>
        %dma_start3A_1787 = arith.constant 0 : i32
        %dma_start3A_1788 = tpu.memref_slice %arg9[%dma_start3A_1783, %dma_start3A_1787] : memref<4x128xi32, #tpu.memory_space<vmem>> -> memref<1x128xi32, #tpu.memory_space<vmem>>
        %dma_start3A_1789 = tpu.memref_squeeze %dma_start3A_1788 : memref<1x128xi32, #tpu.memory_space<vmem>> -> memref<128xi32, #tpu.memory_space<vmem>>
        %dma_start3A_1790 = arith.constant 0 : i32
        %dma_start3A_1791 = arith.constant 0 : i32
        %dma_start3A_1792 = tpu.memref_slice %arg3[%dma_start3A_1790, %dma_start3A_1791] : memref<1000000x64xf32, #tpu.memory_space<hbm>> -> memref<1000000x64xf32, #tpu.memory_space<hbm>>
        tpu.enqueue_indirect_dma source(%dma_start3A_1792 : memref<1000000x64xf32, #tpu.memory_space<hbm>>) target(%dma_start3A_1786 : memref<128x64xf32, #tpu.memory_space<vmem>>) offsets(%dma_start3A_1789 : memref<128xi32, #tpu.memory_space<vmem>>) semaphore(%arg15 : memref<!tpu.dma_semaphore, #tpu.memory_space<semaphore_mem>>)
        %dma_start3A_1793 = arith.constant 1 : i32
        %dma_start3A_1794 = arith.constant 128 : i32
        %dma_start3A_1795 = arith.constant 0 : i32
        %dma_start3A_1796 = tpu.memref_slice %arg11[%dma_start3A_1794, %dma_start3A_1795] : memref<512x64xf32, #tpu.memory_space<vmem>> -> memref<128x64xf32, #tpu.memory_space<vmem>>
        %dma_start3A_1797 = arith.constant 0 : i32
        %dma_start3A_1798 = tpu.memref_slice %arg9[%dma_start3A_1793, %dma_start3A_1797] : memref<4x128xi32, #tpu.memory_space<vmem>> -> memref<1x128xi32, #tpu.memory_space<vmem>>
        %dma_start3A_1799 = tpu.memref_squeeze %dma_start3A_1798 : memref<1x128xi32, #tpu.memory_space<vmem>> -> memref<128xi32, #tpu.memory_space<vmem>>
        %dma_start3A_1800 = arith.constant 0 : i32
        %dma_start3A_1801 = arith.constant 0 : i32
        %dma_start3A_1802 = tpu.memref_slice %arg3[%dma_start3A_1800, %dma_start3A_1801] : memref<1000000x64xf32, #tpu.memory_space<hbm>> -> memref<1000000x64xf32, #tpu.memory_space<hbm>>
        tpu.enqueue_indirect_dma source(%dma_start3A_1802 : memref<1000000x64xf32, #tpu.memory_space<hbm>>) target(%dma_start3A_1796 : memref<128x64xf32, #tpu.memory_space<vmem>>) offsets(%dma_start3A_1799 : memref<128xi32, #tpu.memory_space<vmem>>) semaphore(%arg15 : memref<!tpu.dma_semaphore, #tpu.memory_space<semaphore_mem>>)
        %dma_start3A_1803 = arith.constant 2 : i32
        %dma_start3A_1804 = arith.constant 256 : i32
        %dma_start3A_1805 = arith.constant 0 : i32
        %dma_start3A_1806 = tpu.memref_slice %arg11[%dma_start3A_1804, %dma_start3A_1805] : memref<512x64xf32, #tpu.memory_space<vmem>> -> memref<128x64xf32, #tpu.memory_space<vmem>>
        %dma_start3A_1807 = arith.constant 0 : i32
        %dma_start3A_1808 = tpu.memref_slice %arg9[%dma_start3A_1803, %dma_start3A_1807] : memref<4x128xi32, #tpu.memory_space<vmem>> -> memref<1x128xi32, #tpu.memory_space<vmem>>
        %dma_start3A_1809 = tpu.memref_squeeze %dma_start3A_1808 : memref<1x128xi32, #tpu.memory_space<vmem>> -> memref<128xi32, #tpu.memory_space<vmem>>
        %dma_start3A_1810 = arith.constant 0 : i32
        %dma_start3A_1811 = arith.constant 0 : i32
        %dma_start3A_1812 = tpu.memref_slice %arg3[%dma_start3A_1810, %dma_start3A_1811] : memref<1000000x64xf32, #tpu.memory_space<hbm>> -> memref<1000000x64xf32, #tpu.memory_space<hbm>>
        tpu.enqueue_indirect_dma source(%dma_start3A_1812 : memref<1000000x64xf32, #tpu.memory_space<hbm>>) target(%dma_start3A_1806 : memref<128x64xf32, #tpu.memory_space<vmem>>) offsets(%dma_start3A_1809 : memref<128xi32, #tpu.memory_space<vmem>>) semaphore(%arg15 : memref<!tpu.dma_semaphore, #tpu.memory_space<semaphore_mem>>)
        %dma_start3A_1813 = arith.constant 3 : i32
        %dma_start3A_1814 = arith.constant 384 : i32
        %dma_start3A_1815 = arith.constant 0 : i32
        %dma_start3A_1816 = tpu.memref_slice %arg11[%dma_start3A_1814, %dma_start3A_1815] : memref<512x64xf32, #tpu.memory_space<vmem>> -> memref<128x64xf32, #tpu.memory_space<vmem>>
        %dma_start3A_1817 = arith.constant 0 : i32
        %dma_start3A_1818 = tpu.memref_slice %arg9[%dma_start3A_1813, %dma_start3A_1817] : memref<4x128xi32, #tpu.memory_space<vmem>> -> memref<1x128xi32, #tpu.memory_space<vmem>>
        %dma_start3A_1819 = tpu.memref_squeeze %dma_start3A_1818 : memref<1x128xi32, #tpu.memory_space<vmem>> -> memref<128xi32, #tpu.memory_space<vmem>>
        %dma_start3A_1820 = arith.constant 0 : i32
        %dma_start3A_1821 = arith.constant 0 : i32
        %dma_start3A_1822 = tpu.memref_slice %arg3[%dma_start3A_1820, %dma_start3A_1821] : memref<1000000x64xf32, #tpu.memory_space<hbm>> -> memref<1000000x64xf32, #tpu.memory_space<hbm>>
        tpu.enqueue_indirect_dma source(%dma_start3A_1822 : memref<1000000x64xf32, #tpu.memory_space<hbm>>) target(%dma_start3A_1816 : memref<128x64xf32, #tpu.memory_space<vmem>>) offsets(%dma_start3A_1819 : memref<128xi32, #tpu.memory_space<vmem>>) semaphore(%arg15 : memref<!tpu.dma_semaphore, #tpu.memory_space<semaphore_mem>>)
      } else {
      }
      %mul3A_1181 = arith.constant 2 : i32
      %mul3A_1182 = arith.muli %mul3A_1181, %scan3A_582 : i32
      %add3A_1183 = arith.constant 1 : i32
      %add3A_1184 = arith.addi %mul3A_1182, %add3A_1183 : i32
      %dma_wait3A_1185 = arith.constant 0 : i32
      %dma_wait3A_1186 = arith.constant 0 : i32
      %dma_wait3A_1187 = arith.constant 0 : i32
      %dma_wait3A_1188 = tpu.memref_slice %arg11[%dma_wait3A_1186, %dma_wait3A_1187] : memref<512x64xf32, #tpu.memory_space<vmem>> -> memref<128x64xf32, #tpu.memory_space<vmem>>
      %dma_wait3A_1189 = arith.constant 0 : i32
      %dma_wait3A_1190 = tpu.memref_slice %arg9[%dma_wait3A_1185, %dma_wait3A_1189] : memref<4x128xi32, #tpu.memory_space<vmem>> -> memref<1x128xi32, #tpu.memory_space<vmem>>
      %dma_wait3A_1191 = tpu.memref_squeeze %dma_wait3A_1190 : memref<1x128xi32, #tpu.memory_space<vmem>> -> memref<128xi32, #tpu.memory_space<vmem>>
      %dma_wait3A_1192 = arith.constant 0 : i32
      %dma_wait3A_1193 = arith.constant 0 : i32
      %dma_wait3A_1194 = tpu.memref_slice %arg3[%dma_wait3A_1192, %dma_wait3A_1193] : memref<1000000x64xf32, #tpu.memory_space<hbm>> -> memref<1000000x64xf32, #tpu.memory_space<hbm>>
      tpu.wait_indirect_dma semaphore(%arg15 : memref<!tpu.dma_semaphore, #tpu.memory_space<semaphore_mem>>) src(%dma_wait3A_1194 : memref<1000000x64xf32, #tpu.memory_space<hbm>>) dst(%dma_wait3A_1188 : memref<128x64xf32, #tpu.memory_space<vmem>>)
      %dma_wait3A_1195 = arith.constant 1 : i32
      %dma_wait3A_1196 = arith.constant 128 : i32
      %dma_wait3A_1197 = arith.constant 0 : i32
      %dma_wait3A_1198 = tpu.memref_slice %arg11[%dma_wait3A_1196, %dma_wait3A_1197] : memref<512x64xf32, #tpu.memory_space<vmem>> -> memref<128x64xf32, #tpu.memory_space<vmem>>
      %dma_wait3A_1199 = arith.constant 0 : i32
      %dma_wait3A_1200 = tpu.memref_slice %arg9[%dma_wait3A_1195, %dma_wait3A_1199] : memref<4x128xi32, #tpu.memory_space<vmem>> -> memref<1x128xi32, #tpu.memory_space<vmem>>
      %dma_wait3A_1201 = tpu.memref_squeeze %dma_wait3A_1200 : memref<1x128xi32, #tpu.memory_space<vmem>> -> memref<128xi32, #tpu.memory_space<vmem>>
      %dma_wait3A_1202 = arith.constant 0 : i32
      %dma_wait3A_1203 = arith.constant 0 : i32
      %dma_wait3A_1204 = tpu.memref_slice %arg3[%dma_wait3A_1202, %dma_wait3A_1203] : memref<1000000x64xf32, #tpu.memory_space<hbm>> -> memref<1000000x64xf32, #tpu.memory_space<hbm>>
      tpu.wait_indirect_dma semaphore(%arg15 : memref<!tpu.dma_semaphore, #tpu.memory_space<semaphore_mem>>) src(%dma_wait3A_1204 : memref<1000000x64xf32, #tpu.memory_space<hbm>>) dst(%dma_wait3A_1198 : memref<128x64xf32, #tpu.memory_space<vmem>>)
      %dma_wait3A_1205 = arith.constant 2 : i32
      %dma_wait3A_1206 = arith.constant 256 : i32
      %dma_wait3A_1207 = arith.constant 0 : i32
      %dma_wait3A_1208 = tpu.memref_slice %arg11[%dma_wait3A_1206, %dma_wait3A_1207] : memref<512x64xf32, #tpu.memory_space<vmem>> -> memref<128x64xf32, #tpu.memory_space<vmem>>
      %dma_wait3A_1209 = arith.constant 0 : i32
      %dma_wait3A_1210 = tpu.memref_slice %arg9[%dma_wait3A_1205, %dma_wait3A_1209] : memref<4x128xi32, #tpu.memory_space<vmem>> -> memref<1x128xi32, #tpu.memory_space<vmem>>
      %dma_wait3A_1211 = tpu.memref_squeeze %dma_wait3A_1210 : memref<1x128xi32, #tpu.memory_space<vmem>> -> memref<128xi32, #tpu.memory_space<vmem>>
      %dma_wait3A_1212 = arith.constant 0 : i32
      %dma_wait3A_1213 = arith.constant 0 : i32
      %dma_wait3A_1214 = tpu.memref_slice %arg3[%dma_wait3A_1212, %dma_wait3A_1213] : memref<1000000x64xf32, #tpu.memory_space<hbm>> -> memref<1000000x64xf32, #tpu.memory_space<hbm>>
      tpu.wait_indirect_dma semaphore(%arg15 : memref<!tpu.dma_semaphore, #tpu.memory_space<semaphore_mem>>) src(%dma_wait3A_1214 : memref<1000000x64xf32, #tpu.memory_space<hbm>>) dst(%dma_wait3A_1208 : memref<128x64xf32, #tpu.memory_space<vmem>>)
      %dma_wait3A_1215 = arith.constant 3 : i32
      %dma_wait3A_1216 = arith.constant 384 : i32
      %dma_wait3A_1217 = arith.constant 0 : i32
      %dma_wait3A_1218 = tpu.memref_slice %arg11[%dma_wait3A_1216, %dma_wait3A_1217] : memref<512x64xf32, #tpu.memory_space<vmem>> -> memref<128x64xf32, #tpu.memory_space<vmem>>
      %dma_wait3A_1219 = arith.constant 0 : i32
      %dma_wait3A_1220 = tpu.memref_slice %arg9[%dma_wait3A_1215, %dma_wait3A_1219] : memref<4x128xi32, #tpu.memory_space<vmem>> -> memref<1x128xi32, #tpu.memory_space<vmem>>
      %dma_wait3A_1221 = tpu.memref_squeeze %dma_wait3A_1220 : memref<1x128xi32, #tpu.memory_space<vmem>> -> memref<128xi32, #tpu.memory_space<vmem>>
      %dma_wait3A_1222 = arith.constant 0 : i32
      %dma_wait3A_1223 = arith.constant 0 : i32
      %dma_wait3A_1224 = tpu.memref_slice %arg3[%dma_wait3A_1222, %dma_wait3A_1223] : memref<1000000x64xf32, #tpu.memory_space<hbm>> -> memref<1000000x64xf32, #tpu.memory_space<hbm>>
      tpu.wait_indirect_dma semaphore(%arg15 : memref<!tpu.dma_semaphore, #tpu.memory_space<semaphore_mem>>) src(%dma_wait3A_1224 : memref<1000000x64xf32, #tpu.memory_space<hbm>>) dst(%dma_wait3A_1218 : memref<128x64xf32, #tpu.memory_space<vmem>>)
      %scan3A_1225 = arith.constant 0 : i32
      %scan3A_1226 = arith.constant 0 : i32
      %scan3A_1227 = arith.constant 32 : i32
      %scan3A_1228 = arith.addi %scan3A_1226, %scan3A_1227 : i32
      %scan3A_1229 = arith.constant 1 : i32
      %scan3A_1230 = scf.for %scan3A_1783 = %scan3A_1226 to %scan3A_1228 step %scan3A_1229 iter_args(%scan3A_1784 = %scan3A_1225) -> (i32)  : i32 {
        %mul3A_1785 = arith.constant 16 : i32
        %mul3A_1786 = arith.muli %scan3A_1783, %mul3A_1785 : i32
        %get3A_1787 = arith.index_cast %mul3A_1786 : i32 to index
        %get3A_1788 = tpu.vector_load %arg7[%get3A_1787] {strides = array<i32>} : memref<512xi32, #tpu.memory_space<vmem>>, vector<16xi32>,
        %get3A_1789 = vector.shape_cast %get3A_1788 : vector<16xi32> to vector<16xi32>
        %convert_element_type3A_1790 = arith.sitofp %get3A_1789 : vector<16xi32> to vector<16xf32>
        %iota3A = tpu.iota {dimensions = array<i32: 0>} : vector<16xi32>
        %xor3A = arith.constant 1 : i32
        %xor3A_1791 = vector.broadcast %xor3A : i32 to vector<16xi32>
        %xor3A_1792 = arith.xori %iota3A, %xor3A_1791 : vector<16xi32>
        %broadcast_in_dim3A = vector.shape_cast %xor3A_1792 : vector<16xi32> to vector<16x1xi32>
        %gather3A = vector.shape_cast %broadcast_in_dim3A : vector<16x1xi32> to vector<16xi32>
        %gather3A_1793 = tpu.dynamic_gather %convert_element_type3A_1790[%gather3A] in [0] : vector<16xf32>, vector<16xi32> -> vector<16xf32>
        %max3A = arith.maximumf %convert_element_type3A_1790, %gather3A_1793 : vector<16xf32>
        %iota3A_1794 = tpu.iota {dimensions = array<i32: 0>} : vector<16xi32>
        %xor3A_1795 = arith.constant 2 : i32
        %xor3A_1796 = vector.broadcast %xor3A_1795 : i32 to vector<16xi32>
        %xor3A_1797 = arith.xori %iota3A_1794, %xor3A_1796 : vector<16xi32>
        %broadcast_in_dim3A_1798 = vector.shape_cast %xor3A_1797 : vector<16xi32> to vector<16x1xi32>
        %gather3A_1799 = vector.shape_cast %broadcast_in_dim3A_1798 : vector<16x1xi32> to vector<16xi32>
        %gather3A_1800 = tpu.dynamic_gather %max3A[%gather3A_1799] in [0] : vector<16xf32>, vector<16xi32> -> vector<16xf32>
        %max3A_1801 = arith.maximumf %max3A, %gather3A_1800 : vector<16xf32>
        %iota3A_1802 = tpu.iota {dimensions = array<i32: 0>} : vector<16xi32>
        %xor3A_1803 = arith.constant 4 : i32
        %xor3A_1804 = vector.broadcast %xor3A_1803 : i32 to vector<16xi32>
        %xor3A_1805 = arith.xori %iota3A_1802, %xor3A_1804 : vector<16xi32>
        %broadcast_in_dim3A_1806 = vector.shape_cast %xor3A_1805 : vector<16xi32> to vector<16x1xi32>
        %gather3A_1807 = vector.shape_cast %broadcast_in_dim3A_1806 : vector<16x1xi32> to vector<16xi32>
        %gather3A_1808 = tpu.dynamic_gather %max3A_1801[%gather3A_1807] in [0] : vector<16xf32>, vector<16xi32> -> vector<16xf32>
        %max3A_1809 = arith.maximumf %max3A_1801, %gather3A_1808 : vector<16xf32>
        %iota3A_1810 = tpu.iota {dimensions = array<i32: 0>} : vector<16xi32>
        %xor3A_1811 = arith.constant 8 : i32
        %xor3A_1812 = vector.broadcast %xor3A_1811 : i32 to vector<16xi32>
        %xor3A_1813 = arith.xori %iota3A_1810, %xor3A_1812 : vector<16xi32>
        %broadcast_in_dim3A_1814 = vector.shape_cast %xor3A_1813 : vector<16xi32> to vector<16x1xi32>
        %gather3A_1815 = vector.shape_cast %broadcast_in_dim3A_1814 : vector<16x1xi32> to vector<16xi32>
        %gather3A_1816 = tpu.dynamic_gather %max3A_1809[%gather3A_1815] in [0] : vector<16xf32>, vector<16xi32> -> vector<16xf32>
        %max3A_1817 = arith.maximumf %max3A_1809, %gather3A_1816 : vector<16xf32>
        %slice3A = vector.extract_strided_slice %max3A_1817 {offsets = [0], sizes = [1], strides = [1]} : vector<16xf32> to vector<1xf32>
        %squeeze3A = vector.extract %slice3A[0] : f32 from vector<1xf32>
        %ge3A_1818 = arith.constant 1.000000e+06 : f32
        %ge3A_1819 = arith.cmpf oge, %squeeze3A, %ge3A_1818 : f32
        %convert_element_type3A_1820 = arith.extui %ge3A_1819 : i1 to i32
        %cond3A_1821 = arith.constant 0 : i32
        %cond3A_1822 = arith.cmpi ne, %convert_element_type3A_1820, %cond3A_1821 : i32
        scf.if %cond3A_1822 {
          %slice3A_1824 = vector.extract_strided_slice %get3A_1789 {offsets = [0], sizes = [1], strides = [1]} : vector<16xi32> to vector<1xi32>
          %squeeze3A_1825 = vector.extract %slice3A_1824[0] : i32 from vector<1xi32>
          %ge3A_1826 = arith.constant 1000000 : i32
          %ge3A_1827 = arith.cmpi sge, %squeeze3A_1825, %ge3A_1826 : i32
          %convert_element_type3A_1828 = arith.extui %ge3A_1827 : i1 to i32
          %cond3A_1829 = arith.constant 0 : i32
          %cond3A_1830 = arith.cmpi ne, %convert_element_type3A_1828, %cond3A_1829 : i32
          scf.if %cond3A_1830 {
            %sub3A_1936 = arith.constant 1000000 : i32
            %sub3A_1937 = arith.subi %squeeze3A_1825, %sub3A_1936 : i32
            %mul3A_1938 = arith.constant 16 : i32
            %mul3A_1939 = arith.muli %scan3A_1783, %mul3A_1938 : i32
            %add3A_1940 = arith.constant 0 : i32
            %add3A_1941 = arith.addi %mul3A_1939, %add3A_1940 : i32
            %dma_start3A_1942 = arith.constant 0 : i32
            %dma_start3A_1943 = tpu.memref_slice %arg11[%add3A_1941, %dma_start3A_1942] : memref<512x64xf32, #tpu.memory_space<vmem>> -> memref<1x64xf32, #tpu.memory_space<vmem>>
            %dma_start3A_1944 = arith.constant 0 : i32
            %dma_start3A_1945 = tpu.memref_slice %arg4[%sub3A_1937, %dma_start3A_1944] : memref<1024x64xf32, #tpu.memory_space<hbm>> -> memref<1x64xf32, #tpu.memory_space<hbm>>
            %dma_start3A_1946 = arith.constant 0 : i32
            %dma_start3A_1947 = tpu.memref_slice %arg11[%add3A_1941, %dma_start3A_1946] : memref<512x64xf32, #tpu.memory_space<vmem>> -> memref<1x64xf32, #tpu.memory_space<vmem>>
            %dma_start3A_1948 = arith.constant 0 : i32
            %dma_start3A_1949 = tpu.memref_slice %arg4[%sub3A_1937, %dma_start3A_1948] : memref<1024x64xf32, #tpu.memory_space<hbm>> -> memref<1x64xf32, #tpu.memory_space<hbm>>
            tpu.enqueue_dma source(%dma_start3A_1949 : memref<1x64xf32, #tpu.memory_space<hbm>>) target(%dma_start3A_1947 : memref<1x64xf32, #tpu.memory_space<vmem>>) target_semaphore(%arg18 : memref<!tpu.dma_semaphore, #tpu.memory_space<semaphore_mem>>)
            %dma_wait3A_1950 = arith.constant 0 : i32
            %dma_wait3A_1951 = tpu.memref_slice %arg11[%add3A_1941, %dma_wait3A_1950] : memref<512x64xf32, #tpu.memory_space<vmem>> -> memref<1x64xf32, #tpu.memory_space<vmem>>
            %dma_wait3A_1952 = arith.constant 0 : i32
            %dma_wait3A_1953 = tpu.memref_slice %arg4[%sub3A_1937, %dma_wait3A_1952] : memref<1024x64xf32, #tpu.memory_space<hbm>> -> memref<1x64xf32, #tpu.memory_space<hbm>>
            %dma_wait3A_1954 = arith.constant 0 : i32
            %dma_wait3A_1955 = tpu.memref_slice %arg11[%add3A_1941, %dma_wait3A_1954] : memref<512x64xf32, #tpu.memory_space<vmem>> -> memref<1x64xf32, #tpu.memory_space<vmem>>
            %dma_wait3A_1956 = arith.constant 0 : i32
            %dma_wait3A_1957 = tpu.memref_slice %arg4[%sub3A_1937, %dma_wait3A_1956] : memref<1024x64xf32, #tpu.memory_space<hbm>> -> memref<1x64xf32, #tpu.memory_space<hbm>>
            tpu.wait_dma2 semaphore(%arg18 : memref<!tpu.dma_semaphore, #tpu.memory_space<semaphore_mem>>) src(%dma_wait3A_1957 : memref<1x64xf32, #tpu.memory_space<hbm>>) dst(%dma_wait3A_1955 : memref<1x64xf32, #tpu.memory_space<vmem>>)
          } else {
          }
          %slice3A_1831 = vector.extract_strided_slice %get3A_1789 {offsets = [1], sizes = [1], strides = [1]} : vector<16xi32> to vector<1xi32>
          %squeeze3A_1832 = vector.extract %slice3A_1831[0] : i32 from vector<1xi32>
          %ge3A_1833 = arith.constant 1000000 : i32
          %ge3A_1834 = arith.cmpi sge, %squeeze3A_1832, %ge3A_1833 : i32
          %convert_element_type3A_1835 = arith.extui %ge3A_1834 : i1 to i32
          %cond3A_1836 = arith.constant 0 : i32
          %cond3A_1837 = arith.cmpi ne, %convert_element_type3A_1835, %cond3A_1836 : i32
          scf.if %cond3A_1837 {
            %sub3A_1936 = arith.constant 1000000 : i32
            %sub3A_1937 = arith.subi %squeeze3A_1832, %sub3A_1936 : i32
            %mul3A_1938 = arith.constant 16 : i32
            %mul3A_1939 = arith.muli %scan3A_1783, %mul3A_1938 : i32
            %add3A_1940 = arith.constant 1 : i32
            %add3A_1941 = arith.addi %mul3A_1939, %add3A_1940 : i32
            %dma_start3A_1942 = arith.constant 0 : i32
            %dma_start3A_1943 = tpu.memref_slice %arg11[%add3A_1941, %dma_start3A_1942] : memref<512x64xf32, #tpu.memory_space<vmem>> -> memref<1x64xf32, #tpu.memory_space<vmem>>
            %dma_start3A_1944 = arith.constant 0 : i32
            %dma_start3A_1945 = tpu.memref_slice %arg4[%sub3A_1937, %dma_start3A_1944] : memref<1024x64xf32, #tpu.memory_space<hbm>> -> memref<1x64xf32, #tpu.memory_space<hbm>>
            %dma_start3A_1946 = arith.constant 0 : i32
            %dma_start3A_1947 = tpu.memref_slice %arg11[%add3A_1941, %dma_start3A_1946] : memref<512x64xf32, #tpu.memory_space<vmem>> -> memref<1x64xf32, #tpu.memory_space<vmem>>
            %dma_start3A_1948 = arith.constant 0 : i32
            %dma_start3A_1949 = tpu.memref_slice %arg4[%sub3A_1937, %dma_start3A_1948] : memref<1024x64xf32, #tpu.memory_space<hbm>> -> memref<1x64xf32, #tpu.memory_space<hbm>>
            tpu.enqueue_dma source(%dma_start3A_1949 : memref<1x64xf32, #tpu.memory_space<hbm>>) target(%dma_start3A_1947 : memref<1x64xf32, #tpu.memory_space<vmem>>) target_semaphore(%arg18 : memref<!tpu.dma_semaphore, #tpu.memory_space<semaphore_mem>>)
            %dma_wait3A_1950 = arith.constant 0 : i32
            %dma_wait3A_1951 = tpu.memref_slice %arg11[%add3A_1941, %dma_wait3A_1950] : memref<512x64xf32, #tpu.memory_space<vmem>> -> memref<1x64xf32, #tpu.memory_space<vmem>>
            %dma_wait3A_1952 = arith.constant 0 : i32
            %dma_wait3A_1953 = tpu.memref_slice %arg4[%sub3A_1937, %dma_wait3A_1952] : memref<1024x64xf32, #tpu.memory_space<hbm>> -> memref<1x64xf32, #tpu.memory_space<hbm>>
            %dma_wait3A_1954 = arith.constant 0 : i32
            %dma_wait3A_1955 = tpu.memref_slice %arg11[%add3A_1941, %dma_wait3A_1954] : memref<512x64xf32, #tpu.memory_space<vmem>> -> memref<1x64xf32, #tpu.memory_space<vmem>>
            %dma_wait3A_1956 = arith.constant 0 : i32
            %dma_wait3A_1957 = tpu.memref_slice %arg4[%sub3A_1937, %dma_wait3A_1956] : memref<1024x64xf32, #tpu.memory_space<hbm>> -> memref<1x64xf32, #tpu.memory_space<hbm>>
            tpu.wait_dma2 semaphore(%arg18 : memref<!tpu.dma_semaphore, #tpu.memory_space<semaphore_mem>>) src(%dma_wait3A_1957 : memref<1x64xf32, #tpu.memory_space<hbm>>) dst(%dma_wait3A_1955 : memref<1x64xf32, #tpu.memory_space<vmem>>)
          } else {
          }
          %slice3A_1838 = vector.extract_strided_slice %get3A_1789 {offsets = [2], sizes = [1], strides = [1]} : vector<16xi32> to vector<1xi32>
          %squeeze3A_1839 = vector.extract %slice3A_1838[0] : i32 from vector<1xi32>
          %ge3A_1840 = arith.constant 1000000 : i32
          %ge3A_1841 = arith.cmpi sge, %squeeze3A_1839, %ge3A_1840 : i32
          %convert_element_type3A_1842 = arith.extui %ge3A_1841 : i1 to i32
          %cond3A_1843 = arith.constant 0 : i32
          %cond3A_1844 = arith.cmpi ne, %convert_element_type3A_1842, %cond3A_1843 : i32
          scf.if %cond3A_1844 {
            %sub3A_1936 = arith.constant 1000000 : i32
            %sub3A_1937 = arith.subi %squeeze3A_1839, %sub3A_1936 : i32
            %mul3A_1938 = arith.constant 16 : i32
            %mul3A_1939 = arith.muli %scan3A_1783, %mul3A_1938 : i32
            %add3A_1940 = arith.constant 2 : i32
            %add3A_1941 = arith.addi %mul3A_1939, %add3A_1940 : i32
            %dma_start3A_1942 = arith.constant 0 : i32
            %dma_start3A_1943 = tpu.memref_slice %arg11[%add3A_1941, %dma_start3A_1942] : memref<512x64xf32, #tpu.memory_space<vmem>> -> memref<1x64xf32, #tpu.memory_space<vmem>>
            %dma_start3A_1944 = arith.constant 0 : i32
            %dma_start3A_1945 = tpu.memref_slice %arg4[%sub3A_1937, %dma_start3A_1944] : memref<1024x64xf32, #tpu.memory_space<hbm>> -> memref<1x64xf32, #tpu.memory_space<hbm>>
            %dma_start3A_1946 = arith.constant 0 : i32
            %dma_start3A_1947 = tpu.memref_slice %arg11[%add3A_1941, %dma_start3A_1946] : memref<512x64xf32, #tpu.memory_space<vmem>> -> memref<1x64xf32, #tpu.memory_space<vmem>>
            %dma_start3A_1948 = arith.constant 0 : i32
            %dma_start3A_1949 = tpu.memref_slice %arg4[%sub3A_1937, %dma_start3A_1948] : memref<1024x64xf32, #tpu.memory_space<hbm>> -> memref<1x64xf32, #tpu.memory_space<hbm>>
            tpu.enqueue_dma source(%dma_start3A_1949 : memref<1x64xf32, #tpu.memory_space<hbm>>) target(%dma_start3A_1947 : memref<1x64xf32, #tpu.memory_space<vmem>>) target_semaphore(%arg18 : memref<!tpu.dma_semaphore, #tpu.memory_space<semaphore_mem>>)
            %dma_wait3A_1950 = arith.constant 0 : i32
            %dma_wait3A_1951 = tpu.memref_slice %arg11[%add3A_1941, %dma_wait3A_1950] : memref<512x64xf32, #tpu.memory_space<vmem>> -> memref<1x64xf32, #tpu.memory_space<vmem>>
            %dma_wait3A_1952 = arith.constant 0 : i32
            %dma_wait3A_1953 = tpu.memref_slice %arg4[%sub3A_1937, %dma_wait3A_1952] : memref<1024x64xf32, #tpu.memory_space<hbm>> -> memref<1x64xf32, #tpu.memory_space<hbm>>
            %dma_wait3A_1954 = arith.constant 0 : i32
            %dma_wait3A_1955 = tpu.memref_slice %arg11[%add3A_1941, %dma_wait3A_1954] : memref<512x64xf32, #tpu.memory_space<vmem>> -> memref<1x64xf32, #tpu.memory_space<vmem>>
            %dma_wait3A_1956 = arith.constant 0 : i32
            %dma_wait3A_1957 = tpu.memref_slice %arg4[%sub3A_1937, %dma_wait3A_1956] : memref<1024x64xf32, #tpu.memory_space<hbm>> -> memref<1x64xf32, #tpu.memory_space<hbm>>
            tpu.wait_dma2 semaphore(%arg18 : memref<!tpu.dma_semaphore, #tpu.memory_space<semaphore_mem>>) src(%dma_wait3A_1957 : memref<1x64xf32, #tpu.memory_space<hbm>>) dst(%dma_wait3A_1955 : memref<1x64xf32, #tpu.memory_space<vmem>>)
          } else {
          }
          %slice3A_1845 = vector.extract_strided_slice %get3A_1789 {offsets = [3], sizes = [1], strides = [1]} : vector<16xi32> to vector<1xi32>
          %squeeze3A_1846 = vector.extract %slice3A_1845[0] : i32 from vector<1xi32>
          %ge3A_1847 = arith.constant 1000000 : i32
          %ge3A_1848 = arith.cmpi sge, %squeeze3A_1846, %ge3A_1847 : i32
          %convert_element_type3A_1849 = arith.extui %ge3A_1848 : i1 to i32
          %cond3A_1850 = arith.constant 0 : i32
          %cond3A_1851 = arith.cmpi ne, %convert_element_type3A_1849, %cond3A_1850 : i32
          scf.if %cond3A_1851 {
            %sub3A_1936 = arith.constant 1000000 : i32
            %sub3A_1937 = arith.subi %squeeze3A_1846, %sub3A_1936 : i32
            %mul3A_1938 = arith.constant 16 : i32
            %mul3A_1939 = arith.muli %scan3A_1783, %mul3A_1938 : i32
            %add3A_1940 = arith.constant 3 : i32
            %add3A_1941 = arith.addi %mul3A_1939, %add3A_1940 : i32
            %dma_start3A_1942 = arith.constant 0 : i32
            %dma_start3A_1943 = tpu.memref_slice %arg11[%add3A_1941, %dma_start3A_1942] : memref<512x64xf32, #tpu.memory_space<vmem>> -> memref<1x64xf32, #tpu.memory_space<vmem>>
            %dma_start3A_1944 = arith.constant 0 : i32
            %dma_start3A_1945 = tpu.memref_slice %arg4[%sub3A_1937, %dma_start3A_1944] : memref<1024x64xf32, #tpu.memory_space<hbm>> -> memref<1x64xf32, #tpu.memory_space<hbm>>
            %dma_start3A_1946 = arith.constant 0 : i32
            %dma_start3A_1947 = tpu.memref_slice %arg11[%add3A_1941, %dma_start3A_1946] : memref<512x64xf32, #tpu.memory_space<vmem>> -> memref<1x64xf32, #tpu.memory_space<vmem>>
            %dma_start3A_1948 = arith.constant 0 : i32
            %dma_start3A_1949 = tpu.memref_slice %arg4[%sub3A_1937, %dma_start3A_1948] : memref<1024x64xf32, #tpu.memory_space<hbm>> -> memref<1x64xf32, #tpu.memory_space<hbm>>
            tpu.enqueue_dma source(%dma_start3A_1949 : memref<1x64xf32, #tpu.memory_space<hbm>>) target(%dma_start3A_1947 : memref<1x64xf32, #tpu.memory_space<vmem>>) target_semaphore(%arg18 : memref<!tpu.dma_semaphore, #tpu.memory_space<semaphore_mem>>)
            %dma_wait3A_1950 = arith.constant 0 : i32
            %dma_wait3A_1951 = tpu.memref_slice %arg11[%add3A_1941, %dma_wait3A_1950] : memref<512x64xf32, #tpu.memory_space<vmem>> -> memref<1x64xf32, #tpu.memory_space<vmem>>
            %dma_wait3A_1952 = arith.constant 0 : i32
            %dma_wait3A_1953 = tpu.memref_slice %arg4[%sub3A_1937, %dma_wait3A_1952] : memref<1024x64xf32, #tpu.memory_space<hbm>> -> memref<1x64xf32, #tpu.memory_space<hbm>>
            %dma_wait3A_1954 = arith.constant 0 : i32
            %dma_wait3A_1955 = tpu.memref_slice %arg11[%add3A_1941, %dma_wait3A_1954] : memref<512x64xf32, #tpu.memory_space<vmem>> -> memref<1x64xf32, #tpu.memory_space<vmem>>
            %dma_wait3A_1956 = arith.constant 0 : i32
            %dma_wait3A_1957 = tpu.memref_slice %arg4[%sub3A_1937, %dma_wait3A_1956] : memref<1024x64xf32, #tpu.memory_space<hbm>> -> memref<1x64xf32, #tpu.memory_space<hbm>>
            tpu.wait_dma2 semaphore(%arg18 : memref<!tpu.dma_semaphore, #tpu.memory_space<semaphore_mem>>) src(%dma_wait3A_1957 : memref<1x64xf32, #tpu.memory_space<hbm>>) dst(%dma_wait3A_1955 : memref<1x64xf32, #tpu.memory_space<vmem>>)
          } else {
          }
          %slice3A_1852 = vector.extract_strided_slice %get3A_1789 {offsets = [4], sizes = [1], strides = [1]} : vector<16xi32> to vector<1xi32>
          %squeeze3A_1853 = vector.extract %slice3A_1852[0] : i32 from vector<1xi32>
          %ge3A_1854 = arith.constant 1000000 : i32
          %ge3A_1855 = arith.cmpi sge, %squeeze3A_1853, %ge3A_1854 : i32
          %convert_element_type3A_1856 = arith.extui %ge3A_1855 : i1 to i32
          %cond3A_1857 = arith.constant 0 : i32
          %cond3A_1858 = arith.cmpi ne, %convert_element_type3A_1856, %cond3A_1857 : i32
          scf.if %cond3A_1858 {
            %sub3A_1936 = arith.constant 1000000 : i32
            %sub3A_1937 = arith.subi %squeeze3A_1853, %sub3A_1936 : i32
            %mul3A_1938 = arith.constant 16 : i32
            %mul3A_1939 = arith.muli %scan3A_1783, %mul3A_1938 : i32
            %add3A_1940 = arith.constant 4 : i32
            %add3A_1941 = arith.addi %mul3A_1939, %add3A_1940 : i32
            %dma_start3A_1942 = arith.constant 0 : i32
            %dma_start3A_1943 = tpu.memref_slice %arg11[%add3A_1941, %dma_start3A_1942] : memref<512x64xf32, #tpu.memory_space<vmem>> -> memref<1x64xf32, #tpu.memory_space<vmem>>
            %dma_start3A_1944 = arith.constant 0 : i32
            %dma_start3A_1945 = tpu.memref_slice %arg4[%sub3A_1937, %dma_start3A_1944] : memref<1024x64xf32, #tpu.memory_space<hbm>> -> memref<1x64xf32, #tpu.memory_space<hbm>>
            %dma_start3A_1946 = arith.constant 0 : i32
            %dma_start3A_1947 = tpu.memref_slice %arg11[%add3A_1941, %dma_start3A_1946] : memref<512x64xf32, #tpu.memory_space<vmem>> -> memref<1x64xf32, #tpu.memory_space<vmem>>
            %dma_start3A_1948 = arith.constant 0 : i32
            %dma_start3A_1949 = tpu.memref_slice %arg4[%sub3A_1937, %dma_start3A_1948] : memref<1024x64xf32, #tpu.memory_space<hbm>> -> memref<1x64xf32, #tpu.memory_space<hbm>>
            tpu.enqueue_dma source(%dma_start3A_1949 : memref<1x64xf32, #tpu.memory_space<hbm>>) target(%dma_start3A_1947 : memref<1x64xf32, #tpu.memory_space<vmem>>) target_semaphore(%arg18 : memref<!tpu.dma_semaphore, #tpu.memory_space<semaphore_mem>>)
            %dma_wait3A_1950 = arith.constant 0 : i32
            %dma_wait3A_1951 = tpu.memref_slice %arg11[%add3A_1941, %dma_wait3A_1950] : memref<512x64xf32, #tpu.memory_space<vmem>> -> memref<1x64xf32, #tpu.memory_space<vmem>>
            %dma_wait3A_1952 = arith.constant 0 : i32
            %dma_wait3A_1953 = tpu.memref_slice %arg4[%sub3A_1937, %dma_wait3A_1952] : memref<1024x64xf32, #tpu.memory_space<hbm>> -> memref<1x64xf32, #tpu.memory_space<hbm>>
            %dma_wait3A_1954 = arith.constant 0 : i32
            %dma_wait3A_1955 = tpu.memref_slice %arg11[%add3A_1941, %dma_wait3A_1954] : memref<512x64xf32, #tpu.memory_space<vmem>> -> memref<1x64xf32, #tpu.memory_space<vmem>>
            %dma_wait3A_1956 = arith.constant 0 : i32
            %dma_wait3A_1957 = tpu.memref_slice %arg4[%sub3A_1937, %dma_wait3A_1956] : memref<1024x64xf32, #tpu.memory_space<hbm>> -> memref<1x64xf32, #tpu.memory_space<hbm>>
            tpu.wait_dma2 semaphore(%arg18 : memref<!tpu.dma_semaphore, #tpu.memory_space<semaphore_mem>>) src(%dma_wait3A_1957 : memref<1x64xf32, #tpu.memory_space<hbm>>) dst(%dma_wait3A_1955 : memref<1x64xf32, #tpu.memory_space<vmem>>)
          } else {
          }
          %slice3A_1859 = vector.extract_strided_slice %get3A_1789 {offsets = [5], sizes = [1], strides = [1]} : vector<16xi32> to vector<1xi32>
          %squeeze3A_1860 = vector.extract %slice3A_1859[0] : i32 from vector<1xi32>
          %ge3A_1861 = arith.constant 1000000 : i32
          %ge3A_1862 = arith.cmpi sge, %squeeze3A_1860, %ge3A_1861 : i32
          %convert_element_type3A_1863 = arith.extui %ge3A_1862 : i1 to i32
          %cond3A_1864 = arith.constant 0 : i32
          %cond3A_1865 = arith.cmpi ne, %convert_element_type3A_1863, %cond3A_1864 : i32
          scf.if %cond3A_1865 {
            %sub3A_1936 = arith.constant 1000000 : i32
            %sub3A_1937 = arith.subi %squeeze3A_1860, %sub3A_1936 : i32
            %mul3A_1938 = arith.constant 16 : i32
            %mul3A_1939 = arith.muli %scan3A_1783, %mul3A_1938 : i32
            %add3A_1940 = arith.constant 5 : i32
            %add3A_1941 = arith.addi %mul3A_1939, %add3A_1940 : i32
            %dma_start3A_1942 = arith.constant 0 : i32
            %dma_start3A_1943 = tpu.memref_slice %arg11[%add3A_1941, %dma_start3A_1942] : memref<512x64xf32, #tpu.memory_space<vmem>> -> memref<1x64xf32, #tpu.memory_space<vmem>>
            %dma_start3A_1944 = arith.constant 0 : i32
            %dma_start3A_1945 = tpu.memref_slice %arg4[%sub3A_1937, %dma_start3A_1944] : memref<1024x64xf32, #tpu.memory_space<hbm>> -> memref<1x64xf32, #tpu.memory_space<hbm>>
            %dma_start3A_1946 = arith.constant 0 : i32
            %dma_start3A_1947 = tpu.memref_slice %arg11[%add3A_1941, %dma_start3A_1946] : memref<512x64xf32, #tpu.memory_space<vmem>> -> memref<1x64xf32, #tpu.memory_space<vmem>>
            %dma_start3A_1948 = arith.constant 0 : i32
            %dma_start3A_1949 = tpu.memref_slice %arg4[%sub3A_1937, %dma_start3A_1948] : memref<1024x64xf32, #tpu.memory_space<hbm>> -> memref<1x64xf32, #tpu.memory_space<hbm>>
            tpu.enqueue_dma source(%dma_start3A_1949 : memref<1x64xf32, #tpu.memory_space<hbm>>) target(%dma_start3A_1947 : memref<1x64xf32, #tpu.memory_space<vmem>>) target_semaphore(%arg18 : memref<!tpu.dma_semaphore, #tpu.memory_space<semaphore_mem>>)
            %dma_wait3A_1950 = arith.constant 0 : i32
            %dma_wait3A_1951 = tpu.memref_slice %arg11[%add3A_1941, %dma_wait3A_1950] : memref<512x64xf32, #tpu.memory_space<vmem>> -> memref<1x64xf32, #tpu.memory_space<vmem>>
            %dma_wait3A_1952 = arith.constant 0 : i32
            %dma_wait3A_1953 = tpu.memref_slice %arg4[%sub3A_1937, %dma_wait3A_1952] : memref<1024x64xf32, #tpu.memory_space<hbm>> -> memref<1x64xf32, #tpu.memory_space<hbm>>
            %dma_wait3A_1954 = arith.constant 0 : i32
            %dma_wait3A_1955 = tpu.memref_slice %arg11[%add3A_1941, %dma_wait3A_1954] : memref<512x64xf32, #tpu.memory_space<vmem>> -> memref<1x64xf32, #tpu.memory_space<vmem>>
            %dma_wait3A_1956 = arith.constant 0 : i32
            %dma_wait3A_1957 = tpu.memref_slice %arg4[%sub3A_1937, %dma_wait3A_1956] : memref<1024x64xf32, #tpu.memory_space<hbm>> -> memref<1x64xf32, #tpu.memory_space<hbm>>
            tpu.wait_dma2 semaphore(%arg18 : memref<!tpu.dma_semaphore, #tpu.memory_space<semaphore_mem>>) src(%dma_wait3A_1957 : memref<1x64xf32, #tpu.memory_space<hbm>>) dst(%dma_wait3A_1955 : memref<1x64xf32, #tpu.memory_space<vmem>>)
          } else {
          }
          %slice3A_1866 = vector.extract_strided_slice %get3A_1789 {offsets = [6], sizes = [1], strides = [1]} : vector<16xi32> to vector<1xi32>
          %squeeze3A_1867 = vector.extract %slice3A_1866[0] : i32 from vector<1xi32>
          %ge3A_1868 = arith.constant 1000000 : i32
          %ge3A_1869 = arith.cmpi sge, %squeeze3A_1867, %ge3A_1868 : i32
          %convert_element_type3A_1870 = arith.extui %ge3A_1869 : i1 to i32
          %cond3A_1871 = arith.constant 0 : i32
          %cond3A_1872 = arith.cmpi ne, %convert_element_type3A_1870, %cond3A_1871 : i32
          scf.if %cond3A_1872 {
            %sub3A_1936 = arith.constant 1000000 : i32
            %sub3A_1937 = arith.subi %squeeze3A_1867, %sub3A_1936 : i32
            %mul3A_1938 = arith.constant 16 : i32
            %mul3A_1939 = arith.muli %scan3A_1783, %mul3A_1938 : i32
            %add3A_1940 = arith.constant 6 : i32
            %add3A_1941 = arith.addi %mul3A_1939, %add3A_1940 : i32
            %dma_start3A_1942 = arith.constant 0 : i32
            %dma_start3A_1943 = tpu.memref_slice %arg11[%add3A_1941, %dma_start3A_1942] : memref<512x64xf32, #tpu.memory_space<vmem>> -> memref<1x64xf32, #tpu.memory_space<vmem>>
            %dma_start3A_1944 = arith.constant 0 : i32
            %dma_start3A_1945 = tpu.memref_slice %arg4[%sub3A_1937, %dma_start3A_1944] : memref<1024x64xf32, #tpu.memory_space<hbm>> -> memref<1x64xf32, #tpu.memory_space<hbm>>
            %dma_start3A_1946 = arith.constant 0 : i32
            %dma_start3A_1947 = tpu.memref_slice %arg11[%add3A_1941, %dma_start3A_1946] : memref<512x64xf32, #tpu.memory_space<vmem>> -> memref<1x64xf32, #tpu.memory_space<vmem>>
            %dma_start3A_1948 = arith.constant 0 : i32
            %dma_start3A_1949 = tpu.memref_slice %arg4[%sub3A_1937, %dma_start3A_1948] : memref<1024x64xf32, #tpu.memory_space<hbm>> -> memref<1x64xf32, #tpu.memory_space<hbm>>
            tpu.enqueue_dma source(%dma_start3A_1949 : memref<1x64xf32, #tpu.memory_space<hbm>>) target(%dma_start3A_1947 : memref<1x64xf32, #tpu.memory_space<vmem>>) target_semaphore(%arg18 : memref<!tpu.dma_semaphore, #tpu.memory_space<semaphore_mem>>)
            %dma_wait3A_1950 = arith.constant 0 : i32
            %dma_wait3A_1951 = tpu.memref_slice %arg11[%add3A_1941, %dma_wait3A_1950] : memref<512x64xf32, #tpu.memory_space<vmem>> -> memref<1x64xf32, #tpu.memory_space<vmem>>
            %dma_wait3A_1952 = arith.constant 0 : i32
            %dma_wait3A_1953 = tpu.memref_slice %arg4[%sub3A_1937, %dma_wait3A_1952] : memref<1024x64xf32, #tpu.memory_space<hbm>> -> memref<1x64xf32, #tpu.memory_space<hbm>>
            %dma_wait3A_1954 = arith.constant 0 : i32
            %dma_wait3A_1955 = tpu.memref_slice %arg11[%add3A_1941, %dma_wait3A_1954] : memref<512x64xf32, #tpu.memory_space<vmem>> -> memref<1x64xf32, #tpu.memory_space<vmem>>
            %dma_wait3A_1956 = arith.constant 0 : i32
            %dma_wait3A_1957 = tpu.memref_slice %arg4[%sub3A_1937, %dma_wait3A_1956] : memref<1024x64xf32, #tpu.memory_space<hbm>> -> memref<1x64xf32, #tpu.memory_space<hbm>>
            tpu.wait_dma2 semaphore(%arg18 : memref<!tpu.dma_semaphore, #tpu.memory_space<semaphore_mem>>) src(%dma_wait3A_1957 : memref<1x64xf32, #tpu.memory_space<hbm>>) dst(%dma_wait3A_1955 : memref<1x64xf32, #tpu.memory_space<vmem>>)
          } else {
          }
          %slice3A_1873 = vector.extract_strided_slice %get3A_1789 {offsets = [7], sizes = [1], strides = [1]} : vector<16xi32> to vector<1xi32>
          %squeeze3A_1874 = vector.extract %slice3A_1873[0] : i32 from vector<1xi32>
          %ge3A_1875 = arith.constant 1000000 : i32
          %ge3A_1876 = arith.cmpi sge, %squeeze3A_1874, %ge3A_1875 : i32
          %convert_element_type3A_1877 = arith.extui %ge3A_1876 : i1 to i32
          %cond3A_1878 = arith.constant 0 : i32
          %cond3A_1879 = arith.cmpi ne, %convert_element_type3A_1877, %cond3A_1878 : i32
          scf.if %cond3A_1879 {
            %sub3A_1936 = arith.constant 1000000 : i32
            %sub3A_1937 = arith.subi %squeeze3A_1874, %sub3A_1936 : i32
            %mul3A_1938 = arith.constant 16 : i32
            %mul3A_1939 = arith.muli %scan3A_1783, %mul3A_1938 : i32
            %add3A_1940 = arith.constant 7 : i32
            %add3A_1941 = arith.addi %mul3A_1939, %add3A_1940 : i32
            %dma_start3A_1942 = arith.constant 0 : i32
            %dma_start3A_1943 = tpu.memref_slice %arg11[%add3A_1941, %dma_start3A_1942] : memref<512x64xf32, #tpu.memory_space<vmem>> -> memref<1x64xf32, #tpu.memory_space<vmem>>
            %dma_start3A_1944 = arith.constant 0 : i32
            %dma_start3A_1945 = tpu.memref_slice %arg4[%sub3A_1937, %dma_start3A_1944] : memref<1024x64xf32, #tpu.memory_space<hbm>> -> memref<1x64xf32, #tpu.memory_space<hbm>>
            %dma_start3A_1946 = arith.constant 0 : i32
            %dma_start3A_1947 = tpu.memref_slice %arg11[%add3A_1941, %dma_start3A_1946] : memref<512x64xf32, #tpu.memory_space<vmem>> -> memref<1x64xf32, #tpu.memory_space<vmem>>
            %dma_start3A_1948 = arith.constant 0 : i32
            %dma_start3A_1949 = tpu.memref_slice %arg4[%sub3A_1937, %dma_start3A_1948] : memref<1024x64xf32, #tpu.memory_space<hbm>> -> memref<1x64xf32, #tpu.memory_space<hbm>>
            tpu.enqueue_dma source(%dma_start3A_1949 : memref<1x64xf32, #tpu.memory_space<hbm>>) target(%dma_start3A_1947 : memref<1x64xf32, #tpu.memory_space<vmem>>) target_semaphore(%arg18 : memref<!tpu.dma_semaphore, #tpu.memory_space<semaphore_mem>>)
            %dma_wait3A_1950 = arith.constant 0 : i32
            %dma_wait3A_1951 = tpu.memref_slice %arg11[%add3A_1941, %dma_wait3A_1950] : memref<512x64xf32, #tpu.memory_space<vmem>> -> memref<1x64xf32, #tpu.memory_space<vmem>>
            %dma_wait3A_1952 = arith.constant 0 : i32
            %dma_wait3A_1953 = tpu.memref_slice %arg4[%sub3A_1937, %dma_wait3A_1952] : memref<1024x64xf32, #tpu.memory_space<hbm>> -> memref<1x64xf32, #tpu.memory_space<hbm>>
            %dma_wait3A_1954 = arith.constant 0 : i32
            %dma_wait3A_1955 = tpu.memref_slice %arg11[%add3A_1941, %dma_wait3A_1954] : memref<512x64xf32, #tpu.memory_space<vmem>> -> memref<1x64xf32, #tpu.memory_space<vmem>>
            %dma_wait3A_1956 = arith.constant 0 : i32
            %dma_wait3A_1957 = tpu.memref_slice %arg4[%sub3A_1937, %dma_wait3A_1956] : memref<1024x64xf32, #tpu.memory_space<hbm>> -> memref<1x64xf32, #tpu.memory_space<hbm>>
            tpu.wait_dma2 semaphore(%arg18 : memref<!tpu.dma_semaphore, #tpu.memory_space<semaphore_mem>>) src(%dma_wait3A_1957 : memref<1x64xf32, #tpu.memory_space<hbm>>) dst(%dma_wait3A_1955 : memref<1x64xf32, #tpu.memory_space<vmem>>)
          } else {
          }
          %slice3A_1880 = vector.extract_strided_slice %get3A_1789 {offsets = [8], sizes = [1], strides = [1]} : vector<16xi32> to vector<1xi32>
          %squeeze3A_1881 = vector.extract %slice3A_1880[0] : i32 from vector<1xi32>
          %ge3A_1882 = arith.constant 1000000 : i32
          %ge3A_1883 = arith.cmpi sge, %squeeze3A_1881, %ge3A_1882 : i32
          %convert_element_type3A_1884 = arith.extui %ge3A_1883 : i1 to i32
          %cond3A_1885 = arith.constant 0 : i32
          %cond3A_1886 = arith.cmpi ne, %convert_element_type3A_1884, %cond3A_1885 : i32
          scf.if %cond3A_1886 {
            %sub3A_1936 = arith.constant 1000000 : i32
            %sub3A_1937 = arith.subi %squeeze3A_1881, %sub3A_1936 : i32
            %mul3A_1938 = arith.constant 16 : i32
            %mul3A_1939 = arith.muli %scan3A_1783, %mul3A_1938 : i32
            %add3A_1940 = arith.constant 8 : i32
            %add3A_1941 = arith.addi %mul3A_1939, %add3A_1940 : i32
            %dma_start3A_1942 = arith.constant 0 : i32
            %dma_start3A_1943 = tpu.memref_slice %arg11[%add3A_1941, %dma_start3A_1942] : memref<512x64xf32, #tpu.memory_space<vmem>> -> memref<1x64xf32, #tpu.memory_space<vmem>>
            %dma_start3A_1944 = arith.constant 0 : i32
            %dma_start3A_1945 = tpu.memref_slice %arg4[%sub3A_1937, %dma_start3A_1944] : memref<1024x64xf32, #tpu.memory_space<hbm>> -> memref<1x64xf32, #tpu.memory_space<hbm>>
            %dma_start3A_1946 = arith.constant 0 : i32
            %dma_start3A_1947 = tpu.memref_slice %arg11[%add3A_1941, %dma_start3A_1946] : memref<512x64xf32, #tpu.memory_space<vmem>> -> memref<1x64xf32, #tpu.memory_space<vmem>>
            %dma_start3A_1948 = arith.constant 0 : i32
            %dma_start3A_1949 = tpu.memref_slice %arg4[%sub3A_1937, %dma_start3A_1948] : memref<1024x64xf32, #tpu.memory_space<hbm>> -> memref<1x64xf32, #tpu.memory_space<hbm>>
            tpu.enqueue_dma source(%dma_start3A_1949 : memref<1x64xf32, #tpu.memory_space<hbm>>) target(%dma_start3A_1947 : memref<1x64xf32, #tpu.memory_space<vmem>>) target_semaphore(%arg18 : memref<!tpu.dma_semaphore, #tpu.memory_space<semaphore_mem>>)
            %dma_wait3A_1950 = arith.constant 0 : i32
            %dma_wait3A_1951 = tpu.memref_slice %arg11[%add3A_1941, %dma_wait3A_1950] : memref<512x64xf32, #tpu.memory_space<vmem>> -> memref<1x64xf32, #tpu.memory_space<vmem>>
            %dma_wait3A_1952 = arith.constant 0 : i32
            %dma_wait3A_1953 = tpu.memref_slice %arg4[%sub3A_1937, %dma_wait3A_1952] : memref<1024x64xf32, #tpu.memory_space<hbm>> -> memref<1x64xf32, #tpu.memory_space<hbm>>
            %dma_wait3A_1954 = arith.constant 0 : i32
            %dma_wait3A_1955 = tpu.memref_slice %arg11[%add3A_1941, %dma_wait3A_1954] : memref<512x64xf32, #tpu.memory_space<vmem>> -> memref<1x64xf32, #tpu.memory_space<vmem>>
            %dma_wait3A_1956 = arith.constant 0 : i32
            %dma_wait3A_1957 = tpu.memref_slice %arg4[%sub3A_1937, %dma_wait3A_1956] : memref<1024x64xf32, #tpu.memory_space<hbm>> -> memref<1x64xf32, #tpu.memory_space<hbm>>
            tpu.wait_dma2 semaphore(%arg18 : memref<!tpu.dma_semaphore, #tpu.memory_space<semaphore_mem>>) src(%dma_wait3A_1957 : memref<1x64xf32, #tpu.memory_space<hbm>>) dst(%dma_wait3A_1955 : memref<1x64xf32, #tpu.memory_space<vmem>>)
          } else {
          }
          %slice3A_1887 = vector.extract_strided_slice %get3A_1789 {offsets = [9], sizes = [1], strides = [1]} : vector<16xi32> to vector<1xi32>
          %squeeze3A_1888 = vector.extract %slice3A_1887[0] : i32 from vector<1xi32>
          %ge3A_1889 = arith.constant 1000000 : i32
          %ge3A_1890 = arith.cmpi sge, %squeeze3A_1888, %ge3A_1889 : i32
          %convert_element_type3A_1891 = arith.extui %ge3A_1890 : i1 to i32
          %cond3A_1892 = arith.constant 0 : i32
          %cond3A_1893 = arith.cmpi ne, %convert_element_type3A_1891, %cond3A_1892 : i32
          scf.if %cond3A_1893 {
            %sub3A_1936 = arith.constant 1000000 : i32
            %sub3A_1937 = arith.subi %squeeze3A_1888, %sub3A_1936 : i32
            %mul3A_1938 = arith.constant 16 : i32
            %mul3A_1939 = arith.muli %scan3A_1783, %mul3A_1938 : i32
            %add3A_1940 = arith.constant 9 : i32
            %add3A_1941 = arith.addi %mul3A_1939, %add3A_1940 : i32
            %dma_start3A_1942 = arith.constant 0 : i32
            %dma_start3A_1943 = tpu.memref_slice %arg11[%add3A_1941, %dma_start3A_1942] : memref<512x64xf32, #tpu.memory_space<vmem>> -> memref<1x64xf32, #tpu.memory_space<vmem>>
            %dma_start3A_1944 = arith.constant 0 : i32
            %dma_start3A_1945 = tpu.memref_slice %arg4[%sub3A_1937, %dma_start3A_1944] : memref<1024x64xf32, #tpu.memory_space<hbm>> -> memref<1x64xf32, #tpu.memory_space<hbm>>
            %dma_start3A_1946 = arith.constant 0 : i32
            %dma_start3A_1947 = tpu.memref_slice %arg11[%add3A_1941, %dma_start3A_1946] : memref<512x64xf32, #tpu.memory_space<vmem>> -> memref<1x64xf32, #tpu.memory_space<vmem>>
            %dma_start3A_1948 = arith.constant 0 : i32
            %dma_start3A_1949 = tpu.memref_slice %arg4[%sub3A_1937, %dma_start3A_1948] : memref<1024x64xf32, #tpu.memory_space<hbm>> -> memref<1x64xf32, #tpu.memory_space<hbm>>
            tpu.enqueue_dma source(%dma_start3A_1949 : memref<1x64xf32, #tpu.memory_space<hbm>>) target(%dma_start3A_1947 : memref<1x64xf32, #tpu.memory_space<vmem>>) target_semaphore(%arg18 : memref<!tpu.dma_semaphore, #tpu.memory_space<semaphore_mem>>)
            %dma_wait3A_1950 = arith.constant 0 : i32
            %dma_wait3A_1951 = tpu.memref_slice %arg11[%add3A_1941, %dma_wait3A_1950] : memref<512x64xf32, #tpu.memory_space<vmem>> -> memref<1x64xf32, #tpu.memory_space<vmem>>
            %dma_wait3A_1952 = arith.constant 0 : i32
            %dma_wait3A_1953 = tpu.memref_slice %arg4[%sub3A_1937, %dma_wait3A_1952] : memref<1024x64xf32, #tpu.memory_space<hbm>> -> memref<1x64xf32, #tpu.memory_space<hbm>>
            %dma_wait3A_1954 = arith.constant 0 : i32
            %dma_wait3A_1955 = tpu.memref_slice %arg11[%add3A_1941, %dma_wait3A_1954] : memref<512x64xf32, #tpu.memory_space<vmem>> -> memref<1x64xf32, #tpu.memory_space<vmem>>
            %dma_wait3A_1956 = arith.constant 0 : i32
            %dma_wait3A_1957 = tpu.memref_slice %arg4[%sub3A_1937, %dma_wait3A_1956] : memref<1024x64xf32, #tpu.memory_space<hbm>> -> memref<1x64xf32, #tpu.memory_space<hbm>>
            tpu.wait_dma2 semaphore(%arg18 : memref<!tpu.dma_semaphore, #tpu.memory_space<semaphore_mem>>) src(%dma_wait3A_1957 : memref<1x64xf32, #tpu.memory_space<hbm>>) dst(%dma_wait3A_1955 : memref<1x64xf32, #tpu.memory_space<vmem>>)
          } else {
          }
          %slice3A_1894 = vector.extract_strided_slice %get3A_1789 {offsets = [10], sizes = [1], strides = [1]} : vector<16xi32> to vector<1xi32>
          %squeeze3A_1895 = vector.extract %slice3A_1894[0] : i32 from vector<1xi32>
          %ge3A_1896 = arith.constant 1000000 : i32
          %ge3A_1897 = arith.cmpi sge, %squeeze3A_1895, %ge3A_1896 : i32
          %convert_element_type3A_1898 = arith.extui %ge3A_1897 : i1 to i32
          %cond3A_1899 = arith.constant 0 : i32
          %cond3A_1900 = arith.cmpi ne, %convert_element_type3A_1898, %cond3A_1899 : i32
          scf.if %cond3A_1900 {
            %sub3A_1936 = arith.constant 1000000 : i32
            %sub3A_1937 = arith.subi %squeeze3A_1895, %sub3A_1936 : i32
            %mul3A_1938 = arith.constant 16 : i32
            %mul3A_1939 = arith.muli %scan3A_1783, %mul3A_1938 : i32
            %add3A_1940 = arith.constant 10 : i32
            %add3A_1941 = arith.addi %mul3A_1939, %add3A_1940 : i32
            %dma_start3A_1942 = arith.constant 0 : i32
            %dma_start3A_1943 = tpu.memref_slice %arg11[%add3A_1941, %dma_start3A_1942] : memref<512x64xf32, #tpu.memory_space<vmem>> -> memref<1x64xf32, #tpu.memory_space<vmem>>
            %dma_start3A_1944 = arith.constant 0 : i32
            %dma_start3A_1945 = tpu.memref_slice %arg4[%sub3A_1937, %dma_start3A_1944] : memref<1024x64xf32, #tpu.memory_space<hbm>> -> memref<1x64xf32, #tpu.memory_space<hbm>>
            %dma_start3A_1946 = arith.constant 0 : i32
            %dma_start3A_1947 = tpu.memref_slice %arg11[%add3A_1941, %dma_start3A_1946] : memref<512x64xf32, #tpu.memory_space<vmem>> -> memref<1x64xf32, #tpu.memory_space<vmem>>
            %dma_start3A_1948 = arith.constant 0 : i32
            %dma_start3A_1949 = tpu.memref_slice %arg4[%sub3A_1937, %dma_start3A_1948] : memref<1024x64xf32, #tpu.memory_space<hbm>> -> memref<1x64xf32, #tpu.memory_space<hbm>>
            tpu.enqueue_dma source(%dma_start3A_1949 : memref<1x64xf32, #tpu.memory_space<hbm>>) target(%dma_start3A_1947 : memref<1x64xf32, #tpu.memory_space<vmem>>) target_semaphore(%arg18 : memref<!tpu.dma_semaphore, #tpu.memory_space<semaphore_mem>>)
            %dma_wait3A_1950 = arith.constant 0 : i32
            %dma_wait3A_1951 = tpu.memref_slice %arg11[%add3A_1941, %dma_wait3A_1950] : memref<512x64xf32, #tpu.memory_space<vmem>> -> memref<1x64xf32, #tpu.memory_space<vmem>>
            %dma_wait3A_1952 = arith.constant 0 : i32
            %dma_wait3A_1953 = tpu.memref_slice %arg4[%sub3A_1937, %dma_wait3A_1952] : memref<1024x64xf32, #tpu.memory_space<hbm>> -> memref<1x64xf32, #tpu.memory_space<hbm>>
            %dma_wait3A_1954 = arith.constant 0 : i32
            %dma_wait3A_1955 = tpu.memref_slice %arg11[%add3A_1941, %dma_wait3A_1954] : memref<512x64xf32, #tpu.memory_space<vmem>> -> memref<1x64xf32, #tpu.memory_space<vmem>>
            %dma_wait3A_1956 = arith.constant 0 : i32
            %dma_wait3A_1957 = tpu.memref_slice %arg4[%sub3A_1937, %dma_wait3A_1956] : memref<1024x64xf32, #tpu.memory_space<hbm>> -> memref<1x64xf32, #tpu.memory_space<hbm>>
            tpu.wait_dma2 semaphore(%arg18 : memref<!tpu.dma_semaphore, #tpu.memory_space<semaphore_mem>>) src(%dma_wait3A_1957 : memref<1x64xf32, #tpu.memory_space<hbm>>) dst(%dma_wait3A_1955 : memref<1x64xf32, #tpu.memory_space<vmem>>)
          } else {
          }
          %slice3A_1901 = vector.extract_strided_slice %get3A_1789 {offsets = [11], sizes = [1], strides = [1]} : vector<16xi32> to vector<1xi32>
          %squeeze3A_1902 = vector.extract %slice3A_1901[0] : i32 from vector<1xi32>
          %ge3A_1903 = arith.constant 1000000 : i32
          %ge3A_1904 = arith.cmpi sge, %squeeze3A_1902, %ge3A_1903 : i32
          %convert_element_type3A_1905 = arith.extui %ge3A_1904 : i1 to i32
          %cond3A_1906 = arith.constant 0 : i32
          %cond3A_1907 = arith.cmpi ne, %convert_element_type3A_1905, %cond3A_1906 : i32
          scf.if %cond3A_1907 {
            %sub3A_1936 = arith.constant 1000000 : i32
            %sub3A_1937 = arith.subi %squeeze3A_1902, %sub3A_1936 : i32
            %mul3A_1938 = arith.constant 16 : i32
            %mul3A_1939 = arith.muli %scan3A_1783, %mul3A_1938 : i32
            %add3A_1940 = arith.constant 11 : i32
            %add3A_1941 = arith.addi %mul3A_1939, %add3A_1940 : i32
            %dma_start3A_1942 = arith.constant 0 : i32
            %dma_start3A_1943 = tpu.memref_slice %arg11[%add3A_1941, %dma_start3A_1942] : memref<512x64xf32, #tpu.memory_space<vmem>> -> memref<1x64xf32, #tpu.memory_space<vmem>>
            %dma_start3A_1944 = arith.constant 0 : i32
            %dma_start3A_1945 = tpu.memref_slice %arg4[%sub3A_1937, %dma_start3A_1944] : memref<1024x64xf32, #tpu.memory_space<hbm>> -> memref<1x64xf32, #tpu.memory_space<hbm>>
            %dma_start3A_1946 = arith.constant 0 : i32
            %dma_start3A_1947 = tpu.memref_slice %arg11[%add3A_1941, %dma_start3A_1946] : memref<512x64xf32, #tpu.memory_space<vmem>> -> memref<1x64xf32, #tpu.memory_space<vmem>>
            %dma_start3A_1948 = arith.constant 0 : i32
            %dma_start3A_1949 = tpu.memref_slice %arg4[%sub3A_1937, %dma_start3A_1948] : memref<1024x64xf32, #tpu.memory_space<hbm>> -> memref<1x64xf32, #tpu.memory_space<hbm>>
            tpu.enqueue_dma source(%dma_start3A_1949 : memref<1x64xf32, #tpu.memory_space<hbm>>) target(%dma_start3A_1947 : memref<1x64xf32, #tpu.memory_space<vmem>>) target_semaphore(%arg18 : memref<!tpu.dma_semaphore, #tpu.memory_space<semaphore_mem>>)
            %dma_wait3A_1950 = arith.constant 0 : i32
            %dma_wait3A_1951 = tpu.memref_slice %arg11[%add3A_1941, %dma_wait3A_1950] : memref<512x64xf32, #tpu.memory_space<vmem>> -> memref<1x64xf32, #tpu.memory_space<vmem>>
            %dma_wait3A_1952 = arith.constant 0 : i32
            %dma_wait3A_1953 = tpu.memref_slice %arg4[%sub3A_1937, %dma_wait3A_1952] : memref<1024x64xf32, #tpu.memory_space<hbm>> -> memref<1x64xf32, #tpu.memory_space<hbm>>
            %dma_wait3A_1954 = arith.constant 0 : i32
            %dma_wait3A_1955 = tpu.memref_slice %arg11[%add3A_1941, %dma_wait3A_1954] : memref<512x64xf32, #tpu.memory_space<vmem>> -> memref<1x64xf32, #tpu.memory_space<vmem>>
            %dma_wait3A_1956 = arith.constant 0 : i32
            %dma_wait3A_1957 = tpu.memref_slice %arg4[%sub3A_1937, %dma_wait3A_1956] : memref<1024x64xf32, #tpu.memory_space<hbm>> -> memref<1x64xf32, #tpu.memory_space<hbm>>
            tpu.wait_dma2 semaphore(%arg18 : memref<!tpu.dma_semaphore, #tpu.memory_space<semaphore_mem>>) src(%dma_wait3A_1957 : memref<1x64xf32, #tpu.memory_space<hbm>>) dst(%dma_wait3A_1955 : memref<1x64xf32, #tpu.memory_space<vmem>>)
          } else {
          }
          %slice3A_1908 = vector.extract_strided_slice %get3A_1789 {offsets = [12], sizes = [1], strides = [1]} : vector<16xi32> to vector<1xi32>
          %squeeze3A_1909 = vector.extract %slice3A_1908[0] : i32 from vector<1xi32>
          %ge3A_1910 = arith.constant 1000000 : i32
          %ge3A_1911 = arith.cmpi sge, %squeeze3A_1909, %ge3A_1910 : i32
          %convert_element_type3A_1912 = arith.extui %ge3A_1911 : i1 to i32
          %cond3A_1913 = arith.constant 0 : i32
          %cond3A_1914 = arith.cmpi ne, %convert_element_type3A_1912, %cond3A_1913 : i32
          scf.if %cond3A_1914 {
            %sub3A_1936 = arith.constant 1000000 : i32
            %sub3A_1937 = arith.subi %squeeze3A_1909, %sub3A_1936 : i32
            %mul3A_1938 = arith.constant 16 : i32
            %mul3A_1939 = arith.muli %scan3A_1783, %mul3A_1938 : i32
            %add3A_1940 = arith.constant 12 : i32
            %add3A_1941 = arith.addi %mul3A_1939, %add3A_1940 : i32
            %dma_start3A_1942 = arith.constant 0 : i32
            %dma_start3A_1943 = tpu.memref_slice %arg11[%add3A_1941, %dma_start3A_1942] : memref<512x64xf32, #tpu.memory_space<vmem>> -> memref<1x64xf32, #tpu.memory_space<vmem>>
            %dma_start3A_1944 = arith.constant 0 : i32
            %dma_start3A_1945 = tpu.memref_slice %arg4[%sub3A_1937, %dma_start3A_1944] : memref<1024x64xf32, #tpu.memory_space<hbm>> -> memref<1x64xf32, #tpu.memory_space<hbm>>
            %dma_start3A_1946 = arith.constant 0 : i32
            %dma_start3A_1947 = tpu.memref_slice %arg11[%add3A_1941, %dma_start3A_1946] : memref<512x64xf32, #tpu.memory_space<vmem>> -> memref<1x64xf32, #tpu.memory_space<vmem>>
            %dma_start3A_1948 = arith.constant 0 : i32
            %dma_start3A_1949 = tpu.memref_slice %arg4[%sub3A_1937, %dma_start3A_1948] : memref<1024x64xf32, #tpu.memory_space<hbm>> -> memref<1x64xf32, #tpu.memory_space<hbm>>
            tpu.enqueue_dma source(%dma_start3A_1949 : memref<1x64xf32, #tpu.memory_space<hbm>>) target(%dma_start3A_1947 : memref<1x64xf32, #tpu.memory_space<vmem>>) target_semaphore(%arg18 : memref<!tpu.dma_semaphore, #tpu.memory_space<semaphore_mem>>)
            %dma_wait3A_1950 = arith.constant 0 : i32
            %dma_wait3A_1951 = tpu.memref_slice %arg11[%add3A_1941, %dma_wait3A_1950] : memref<512x64xf32, #tpu.memory_space<vmem>> -> memref<1x64xf32, #tpu.memory_space<vmem>>
            %dma_wait3A_1952 = arith.constant 0 : i32
            %dma_wait3A_1953 = tpu.memref_slice %arg4[%sub3A_1937, %dma_wait3A_1952] : memref<1024x64xf32, #tpu.memory_space<hbm>> -> memref<1x64xf32, #tpu.memory_space<hbm>>
            %dma_wait3A_1954 = arith.constant 0 : i32
            %dma_wait3A_1955 = tpu.memref_slice %arg11[%add3A_1941, %dma_wait3A_1954] : memref<512x64xf32, #tpu.memory_space<vmem>> -> memref<1x64xf32, #tpu.memory_space<vmem>>
            %dma_wait3A_1956 = arith.constant 0 : i32
            %dma_wait3A_1957 = tpu.memref_slice %arg4[%sub3A_1937, %dma_wait3A_1956] : memref<1024x64xf32, #tpu.memory_space<hbm>> -> memref<1x64xf32, #tpu.memory_space<hbm>>
            tpu.wait_dma2 semaphore(%arg18 : memref<!tpu.dma_semaphore, #tpu.memory_space<semaphore_mem>>) src(%dma_wait3A_1957 : memref<1x64xf32, #tpu.memory_space<hbm>>) dst(%dma_wait3A_1955 : memref<1x64xf32, #tpu.memory_space<vmem>>)
          } else {
          }
          %slice3A_1915 = vector.extract_strided_slice %get3A_1789 {offsets = [13], sizes = [1], strides = [1]} : vector<16xi32> to vector<1xi32>
          %squeeze3A_1916 = vector.extract %slice3A_1915[0] : i32 from vector<1xi32>
          %ge3A_1917 = arith.constant 1000000 : i32
          %ge3A_1918 = arith.cmpi sge, %squeeze3A_1916, %ge3A_1917 : i32
          %convert_element_type3A_1919 = arith.extui %ge3A_1918 : i1 to i32
          %cond3A_1920 = arith.constant 0 : i32
          %cond3A_1921 = arith.cmpi ne, %convert_element_type3A_1919, %cond3A_1920 : i32
          scf.if %cond3A_1921 {
            %sub3A_1936 = arith.constant 1000000 : i32
            %sub3A_1937 = arith.subi %squeeze3A_1916, %sub3A_1936 : i32
            %mul3A_1938 = arith.constant 16 : i32
            %mul3A_1939 = arith.muli %scan3A_1783, %mul3A_1938 : i32
            %add3A_1940 = arith.constant 13 : i32
            %add3A_1941 = arith.addi %mul3A_1939, %add3A_1940 : i32
            %dma_start3A_1942 = arith.constant 0 : i32
            %dma_start3A_1943 = tpu.memref_slice %arg11[%add3A_1941, %dma_start3A_1942] : memref<512x64xf32, #tpu.memory_space<vmem>> -> memref<1x64xf32, #tpu.memory_space<vmem>>
            %dma_start3A_1944 = arith.constant 0 : i32
            %dma_start3A_1945 = tpu.memref_slice %arg4[%sub3A_1937, %dma_start3A_1944] : memref<1024x64xf32, #tpu.memory_space<hbm>> -> memref<1x64xf32, #tpu.memory_space<hbm>>
            %dma_start3A_1946 = arith.constant 0 : i32
            %dma_start3A_1947 = tpu.memref_slice %arg11[%add3A_1941, %dma_start3A_1946] : memref<512x64xf32, #tpu.memory_space<vmem>> -> memref<1x64xf32, #tpu.memory_space<vmem>>
            %dma_start3A_1948 = arith.constant 0 : i32
            %dma_start3A_1949 = tpu.memref_slice %arg4[%sub3A_1937, %dma_start3A_1948] : memref<1024x64xf32, #tpu.memory_space<hbm>> -> memref<1x64xf32, #tpu.memory_space<hbm>>
            tpu.enqueue_dma source(%dma_start3A_1949 : memref<1x64xf32, #tpu.memory_space<hbm>>) target(%dma_start3A_1947 : memref<1x64xf32, #tpu.memory_space<vmem>>) target_semaphore(%arg18 : memref<!tpu.dma_semaphore, #tpu.memory_space<semaphore_mem>>)
            %dma_wait3A_1950 = arith.constant 0 : i32
            %dma_wait3A_1951 = tpu.memref_slice %arg11[%add3A_1941, %dma_wait3A_1950] : memref<512x64xf32, #tpu.memory_space<vmem>> -> memref<1x64xf32, #tpu.memory_space<vmem>>
            %dma_wait3A_1952 = arith.constant 0 : i32
            %dma_wait3A_1953 = tpu.memref_slice %arg4[%sub3A_1937, %dma_wait3A_1952] : memref<1024x64xf32, #tpu.memory_space<hbm>> -> memref<1x64xf32, #tpu.memory_space<hbm>>
            %dma_wait3A_1954 = arith.constant 0 : i32
            %dma_wait3A_1955 = tpu.memref_slice %arg11[%add3A_1941, %dma_wait3A_1954] : memref<512x64xf32, #tpu.memory_space<vmem>> -> memref<1x64xf32, #tpu.memory_space<vmem>>
            %dma_wait3A_1956 = arith.constant 0 : i32
            %dma_wait3A_1957 = tpu.memref_slice %arg4[%sub3A_1937, %dma_wait3A_1956] : memref<1024x64xf32, #tpu.memory_space<hbm>> -> memref<1x64xf32, #tpu.memory_space<hbm>>
            tpu.wait_dma2 semaphore(%arg18 : memref<!tpu.dma_semaphore, #tpu.memory_space<semaphore_mem>>) src(%dma_wait3A_1957 : memref<1x64xf32, #tpu.memory_space<hbm>>) dst(%dma_wait3A_1955 : memref<1x64xf32, #tpu.memory_space<vmem>>)
          } else {
          }
          %slice3A_1922 = vector.extract_strided_slice %get3A_1789 {offsets = [14], sizes = [1], strides = [1]} : vector<16xi32> to vector<1xi32>
          %squeeze3A_1923 = vector.extract %slice3A_1922[0] : i32 from vector<1xi32>
          %ge3A_1924 = arith.constant 1000000 : i32
          %ge3A_1925 = arith.cmpi sge, %squeeze3A_1923, %ge3A_1924 : i32
          %convert_element_type3A_1926 = arith.extui %ge3A_1925 : i1 to i32
          %cond3A_1927 = arith.constant 0 : i32
          %cond3A_1928 = arith.cmpi ne, %convert_element_type3A_1926, %cond3A_1927 : i32
          scf.if %cond3A_1928 {
            %sub3A_1936 = arith.constant 1000000 : i32
            %sub3A_1937 = arith.subi %squeeze3A_1923, %sub3A_1936 : i32
            %mul3A_1938 = arith.constant 16 : i32
            %mul3A_1939 = arith.muli %scan3A_1783, %mul3A_1938 : i32
            %add3A_1940 = arith.constant 14 : i32
            %add3A_1941 = arith.addi %mul3A_1939, %add3A_1940 : i32
            %dma_start3A_1942 = arith.constant 0 : i32
            %dma_start3A_1943 = tpu.memref_slice %arg11[%add3A_1941, %dma_start3A_1942] : memref<512x64xf32, #tpu.memory_space<vmem>> -> memref<1x64xf32, #tpu.memory_space<vmem>>
            %dma_start3A_1944 = arith.constant 0 : i32
            %dma_start3A_1945 = tpu.memref_slice %arg4[%sub3A_1937, %dma_start3A_1944] : memref<1024x64xf32, #tpu.memory_space<hbm>> -> memref<1x64xf32, #tpu.memory_space<hbm>>
            %dma_start3A_1946 = arith.constant 0 : i32
            %dma_start3A_1947 = tpu.memref_slice %arg11[%add3A_1941, %dma_start3A_1946] : memref<512x64xf32, #tpu.memory_space<vmem>> -> memref<1x64xf32, #tpu.memory_space<vmem>>
            %dma_start3A_1948 = arith.constant 0 : i32
            %dma_start3A_1949 = tpu.memref_slice %arg4[%sub3A_1937, %dma_start3A_1948] : memref<1024x64xf32, #tpu.memory_space<hbm>> -> memref<1x64xf32, #tpu.memory_space<hbm>>
            tpu.enqueue_dma source(%dma_start3A_1949 : memref<1x64xf32, #tpu.memory_space<hbm>>) target(%dma_start3A_1947 : memref<1x64xf32, #tpu.memory_space<vmem>>) target_semaphore(%arg18 : memref<!tpu.dma_semaphore, #tpu.memory_space<semaphore_mem>>)
            %dma_wait3A_1950 = arith.constant 0 : i32
            %dma_wait3A_1951 = tpu.memref_slice %arg11[%add3A_1941, %dma_wait3A_1950] : memref<512x64xf32, #tpu.memory_space<vmem>> -> memref<1x64xf32, #tpu.memory_space<vmem>>
            %dma_wait3A_1952 = arith.constant 0 : i32
            %dma_wait3A_1953 = tpu.memref_slice %arg4[%sub3A_1937, %dma_wait3A_1952] : memref<1024x64xf32, #tpu.memory_space<hbm>> -> memref<1x64xf32, #tpu.memory_space<hbm>>
            %dma_wait3A_1954 = arith.constant 0 : i32
            %dma_wait3A_1955 = tpu.memref_slice %arg11[%add3A_1941, %dma_wait3A_1954] : memref<512x64xf32, #tpu.memory_space<vmem>> -> memref<1x64xf32, #tpu.memory_space<vmem>>
            %dma_wait3A_1956 = arith.constant 0 : i32
            %dma_wait3A_1957 = tpu.memref_slice %arg4[%sub3A_1937, %dma_wait3A_1956] : memref<1024x64xf32, #tpu.memory_space<hbm>> -> memref<1x64xf32, #tpu.memory_space<hbm>>
            tpu.wait_dma2 semaphore(%arg18 : memref<!tpu.dma_semaphore, #tpu.memory_space<semaphore_mem>>) src(%dma_wait3A_1957 : memref<1x64xf32, #tpu.memory_space<hbm>>) dst(%dma_wait3A_1955 : memref<1x64xf32, #tpu.memory_space<vmem>>)
          } else {
          }
          %slice3A_1929 = vector.extract_strided_slice %get3A_1789 {offsets = [15], sizes = [1], strides = [1]} : vector<16xi32> to vector<1xi32>
          %squeeze3A_1930 = vector.extract %slice3A_1929[0] : i32 from vector<1xi32>
          %ge3A_1931 = arith.constant 1000000 : i32
          %ge3A_1932 = arith.cmpi sge, %squeeze3A_1930, %ge3A_1931 : i32
          %convert_element_type3A_1933 = arith.extui %ge3A_1932 : i1 to i32
          %cond3A_1934 = arith.constant 0 : i32
          %cond3A_1935 = arith.cmpi ne, %convert_element_type3A_1933, %cond3A_1934 : i32
          scf.if %cond3A_1935 {
            %sub3A_1936 = arith.constant 1000000 : i32
            %sub3A_1937 = arith.subi %squeeze3A_1930, %sub3A_1936 : i32
            %mul3A_1938 = arith.constant 16 : i32
            %mul3A_1939 = arith.muli %scan3A_1783, %mul3A_1938 : i32
            %add3A_1940 = arith.constant 15 : i32
            %add3A_1941 = arith.addi %mul3A_1939, %add3A_1940 : i32
            %dma_start3A_1942 = arith.constant 0 : i32
            %dma_start3A_1943 = tpu.memref_slice %arg11[%add3A_1941, %dma_start3A_1942] : memref<512x64xf32, #tpu.memory_space<vmem>> -> memref<1x64xf32, #tpu.memory_space<vmem>>
            %dma_start3A_1944 = arith.constant 0 : i32
            %dma_start3A_1945 = tpu.memref_slice %arg4[%sub3A_1937, %dma_start3A_1944] : memref<1024x64xf32, #tpu.memory_space<hbm>> -> memref<1x64xf32, #tpu.memory_space<hbm>>
            %dma_start3A_1946 = arith.constant 0 : i32
            %dma_start3A_1947 = tpu.memref_slice %arg11[%add3A_1941, %dma_start3A_1946] : memref<512x64xf32, #tpu.memory_space<vmem>> -> memref<1x64xf32, #tpu.memory_space<vmem>>
            %dma_start3A_1948 = arith.constant 0 : i32
            %dma_start3A_1949 = tpu.memref_slice %arg4[%sub3A_1937, %dma_start3A_1948] : memref<1024x64xf32, #tpu.memory_space<hbm>> -> memref<1x64xf32, #tpu.memory_space<hbm>>
            tpu.enqueue_dma source(%dma_start3A_1949 : memref<1x64xf32, #tpu.memory_space<hbm>>) target(%dma_start3A_1947 : memref<1x64xf32, #tpu.memory_space<vmem>>) target_semaphore(%arg18 : memref<!tpu.dma_semaphore, #tpu.memory_space<semaphore_mem>>)
            %dma_wait3A_1950 = arith.constant 0 : i32
            %dma_wait3A_1951 = tpu.memref_slice %arg11[%add3A_1941, %dma_wait3A_1950] : memref<512x64xf32, #tpu.memory_space<vmem>> -> memref<1x64xf32, #tpu.memory_space<vmem>>
            %dma_wait3A_1952 = arith.constant 0 : i32
            %dma_wait3A_1953 = tpu.memref_slice %arg4[%sub3A_1937, %dma_wait3A_1952] : memref<1024x64xf32, #tpu.memory_space<hbm>> -> memref<1x64xf32, #tpu.memory_space<hbm>>
            %dma_wait3A_1954 = arith.constant 0 : i32
            %dma_wait3A_1955 = tpu.memref_slice %arg11[%add3A_1941, %dma_wait3A_1954] : memref<512x64xf32, #tpu.memory_space<vmem>> -> memref<1x64xf32, #tpu.memory_space<vmem>>
            %dma_wait3A_1956 = arith.constant 0 : i32
            %dma_wait3A_1957 = tpu.memref_slice %arg4[%sub3A_1937, %dma_wait3A_1956] : memref<1024x64xf32, #tpu.memory_space<hbm>> -> memref<1x64xf32, #tpu.memory_space<hbm>>
            tpu.wait_dma2 semaphore(%arg18 : memref<!tpu.dma_semaphore, #tpu.memory_space<semaphore_mem>>) src(%dma_wait3A_1957 : memref<1x64xf32, #tpu.memory_space<hbm>>) dst(%dma_wait3A_1955 : memref<1x64xf32, #tpu.memory_space<vmem>>)
          } else {
          }
        } else {
        }
        %scan3A_1823 = arith.constant 0 : i32
        scf.yield %scan3A_1823 : i32
      }
      %scan3A_1231 = arith.constant 32 : i32
      %add3A_1232 = arith.addi %mul3A_2, %add3A_1184 : i32
      %mul3A_1233 = arith.constant 512 : i32
      %mul3A_1234 = arith.muli %add3A_1232, %mul3A_1233 : i32
      %dma_start3A_1235 = arith.constant 0 : i32
      %dma_start3A_1236 = tpu.memref_slice %arg5[%mul3A_1234, %dma_start3A_1235] : memref<3276800x64xf32, #tpu.memory_space<hbm>> -> memref<512x64xf32, #tpu.memory_space<hbm>>
      %dma_start3A_1237 = arith.constant 0 : i32
      %dma_start3A_1238 = tpu.memref_slice %arg5[%mul3A_1234, %dma_start3A_1237] : memref<3276800x64xf32, #tpu.memory_space<hbm>> -> memref<512x64xf32, #tpu.memory_space<hbm>>
      tpu.enqueue_dma source(%arg11 : memref<512x64xf32, #tpu.memory_space<vmem>>) target(%dma_start3A_1238 : memref<512x64xf32, #tpu.memory_space<hbm>>) target_semaphore(%arg17 : memref<!tpu.dma_semaphore, #tpu.memory_space<semaphore_mem>>)
      %add3A_1239 = arith.constant 1 : i32
      %add3A_1240 = arith.addi %add3A_1184, %add3A_1239 : i32
      %lt3A_1241 = arith.constant 200 : i32
      %lt3A_1242 = arith.cmpi slt, %add3A_1240, %lt3A_1241 : i32
      %convert_element_type3A_1243 = arith.extui %lt3A_1242 : i1 to i32
      %cond3A_1244 = arith.constant 0 : i32
      %cond3A_1245 = arith.cmpi ne, %convert_element_type3A_1243, %cond3A_1244 : i32
      scf.if %cond3A_1245 {
        %dma_wait3A_1783 = arith.constant 0 : i32
        %dma_wait3A_1784 = tpu.memref_slice %arg2[%dma_wait3A_1783] : memref<3276800xi32, #tpu.memory_space<hbm>> -> memref<512xi32, #tpu.memory_space<hbm>>
        %dma_wait3A_1785 = arith.constant 0 : i32
        %dma_wait3A_1786 = tpu.memref_slice %arg2[%dma_wait3A_1785] : memref<3276800xi32, #tpu.memory_space<hbm>> -> memref<512xi32, #tpu.memory_space<hbm>>
        tpu.wait_dma2 semaphore(%arg12 : memref<!tpu.dma_semaphore, #tpu.memory_space<semaphore_mem>>) src(%dma_wait3A_1786 : memref<512xi32, #tpu.memory_space<hbm>>) dst(%arg6 : memref<512xi32, #tpu.memory_space<vmem>>)
      } else {
      }
      %get3A_1246 = arith.constant 0 : index
      %get3A_1247 = tpu.vector_load %arg6[%get3A_1246] {strides = array<i32>} : memref<512xi32, #tpu.memory_space<vmem>>, vector<16xi32>,
      %get3A_1248 = vector.shape_cast %get3A_1247 : vector<16xi32> to vector<16xi32>
      %ge3A_1249 = arith.constant 1000000 : i32
      %ge3A_1250 = vector.broadcast %ge3A_1249 : i32 to vector<16xi32>
      %ge3A_1251 = arith.cmpi sge, %get3A_1248, %ge3A_1250 : vector<16xi32>
      %sub3A_1252 = arith.constant 1000000 : i32
      %sub3A_1253 = vector.broadcast %sub3A_1252 : i32 to vector<16xi32>
      %sub3A_1254 = arith.subi %get3A_1248, %sub3A_1253 : vector<16xi32>
      %select_n3A_1255 = arith.select %ge3A_1251, %sub3A_1254, %get3A_1248 : vector<16xi1>, vector<16xi32>
      %swap3A_1256 = arith.constant 0 : i32
      %swap3A_1257 = arith.index_cast %swap3A_1256 : i32 to index
      %swap3A_1258 = arith.constant 0 : index
      %swap3A_1259 = tpu.vector_load %arg8[%swap3A_1257, %swap3A_1258] {strides = array<i32>} : memref<4x128xi32, #tpu.memory_space<vmem>>, vector<1x16xi32>,
      %swap3A_1260 = vector.shape_cast %swap3A_1259 : vector<1x16xi32> to vector<16xi32>
      %swap3A_1261 = vector.shape_cast %select_n3A_1255 : vector<16xi32> to vector<1x16xi32>
      tpu.vector_store %arg8[%swap3A_1257, %swap3A_1258], %swap3A_1261 {strides = array<i32>} : memref<4x128xi32, #tpu.memory_space<vmem>>, vector<1x16xi32>,
      %get3A_1262 = arith.constant 16 : index
      %get3A_1263 = tpu.vector_load %arg6[%get3A_1262] {strides = array<i32>} : memref<512xi32, #tpu.memory_space<vmem>>, vector<16xi32>,
      %get3A_1264 = vector.shape_cast %get3A_1263 : vector<16xi32> to vector<16xi32>
      %ge3A_1265 = arith.constant 1000000 : i32
      %ge3A_1266 = vector.broadcast %ge3A_1265 : i32 to vector<16xi32>
      %ge3A_1267 = arith.cmpi sge, %get3A_1264, %ge3A_1266 : vector<16xi32>
      %sub3A_1268 = arith.constant 1000000 : i32
      %sub3A_1269 = vector.broadcast %sub3A_1268 : i32 to vector<16xi32>
      %sub3A_1270 = arith.subi %get3A_1264, %sub3A_1269 : vector<16xi32>
      %select_n3A_1271 = arith.select %ge3A_1267, %sub3A_1270, %get3A_1264 : vector<16xi1>, vector<16xi32>
      %swap3A_1272 = arith.constant 0 : i32
      %swap3A_1273 = arith.index_cast %swap3A_1272 : i32 to index
      %swap3A_1274 = arith.constant 16 : index
      %swap3A_1275 = tpu.vector_load %arg8[%swap3A_1273, %swap3A_1274] {strides = array<i32>} : memref<4x128xi32, #tpu.memory_space<vmem>>, vector<1x16xi32>,
      %swap3A_1276 = vector.shape_cast %swap3A_1275 : vector<1x16xi32> to vector<16xi32>
      %swap3A_1277 = vector.shape_cast %select_n3A_1271 : vector<16xi32> to vector<1x16xi32>
      tpu.vector_store %arg8[%swap3A_1273, %swap3A_1274], %swap3A_1277 {strides = array<i32>} : memref<4x128xi32, #tpu.memory_space<vmem>>, vector<1x16xi32>,
      %get3A_1278 = arith.constant 32 : index
      %get3A_1279 = tpu.vector_load %arg6[%get3A_1278] {strides = array<i32>} : memref<512xi32, #tpu.memory_space<vmem>>, vector<16xi32>,
      %get3A_1280 = vector.shape_cast %get3A_1279 : vector<16xi32> to vector<16xi32>
      %ge3A_1281 = arith.constant 1000000 : i32
      %ge3A_1282 = vector.broadcast %ge3A_1281 : i32 to vector<16xi32>
      %ge3A_1283 = arith.cmpi sge, %get3A_1280, %ge3A_1282 : vector<16xi32>
      %sub3A_1284 = arith.constant 1000000 : i32
      %sub3A_1285 = vector.broadcast %sub3A_1284 : i32 to vector<16xi32>
      %sub3A_1286 = arith.subi %get3A_1280, %sub3A_1285 : vector<16xi32>
      %select_n3A_1287 = arith.select %ge3A_1283, %sub3A_1286, %get3A_1280 : vector<16xi1>, vector<16xi32>
      %swap3A_1288 = arith.constant 0 : i32
      %swap3A_1289 = arith.index_cast %swap3A_1288 : i32 to index
      %swap3A_1290 = arith.constant 32 : index
      %swap3A_1291 = tpu.vector_load %arg8[%swap3A_1289, %swap3A_1290] {strides = array<i32>} : memref<4x128xi32, #tpu.memory_space<vmem>>, vector<1x16xi32>,
      %swap3A_1292 = vector.shape_cast %swap3A_1291 : vector<1x16xi32> to vector<16xi32>
      %swap3A_1293 = vector.shape_cast %select_n3A_1287 : vector<16xi32> to vector<1x16xi32>
      tpu.vector_store %arg8[%swap3A_1289, %swap3A_1290], %swap3A_1293 {strides = array<i32>} : memref<4x128xi32, #tpu.memory_space<vmem>>, vector<1x16xi32>,
      %get3A_1294 = arith.constant 48 : index
      %get3A_1295 = tpu.vector_load %arg6[%get3A_1294] {strides = array<i32>} : memref<512xi32, #tpu.memory_space<vmem>>, vector<16xi32>,
      %get3A_1296 = vector.shape_cast %get3A_1295 : vector<16xi32> to vector<16xi32>
      %ge3A_1297 = arith.constant 1000000 : i32
      %ge3A_1298 = vector.broadcast %ge3A_1297 : i32 to vector<16xi32>
      %ge3A_1299 = arith.cmpi sge, %get3A_1296, %ge3A_1298 : vector<16xi32>
      %sub3A_1300 = arith.constant 1000000 : i32
      %sub3A_1301 = vector.broadcast %sub3A_1300 : i32 to vector<16xi32>
      %sub3A_1302 = arith.subi %get3A_1296, %sub3A_1301 : vector<16xi32>
      %select_n3A_1303 = arith.select %ge3A_1299, %sub3A_1302, %get3A_1296 : vector<16xi1>, vector<16xi32>
      %swap3A_1304 = arith.constant 0 : i32
      %swap3A_1305 = arith.index_cast %swap3A_1304 : i32 to index
      %swap3A_1306 = arith.constant 48 : index
      %swap3A_1307 = tpu.vector_load %arg8[%swap3A_1305, %swap3A_1306] {strides = array<i32>} : memref<4x128xi32, #tpu.memory_space<vmem>>, vector<1x16xi32>,
      %swap3A_1308 = vector.shape_cast %swap3A_1307 : vector<1x16xi32> to vector<16xi32>
      %swap3A_1309 = vector.shape_cast %select_n3A_1303 : vector<16xi32> to vector<1x16xi32>
      tpu.vector_store %arg8[%swap3A_1305, %swap3A_1306], %swap3A_1309 {strides = array<i32>} : memref<4x128xi32, #tpu.memory_space<vmem>>, vector<1x16xi32>,
      %get3A_1310 = arith.constant 64 : index
      %get3A_1311 = tpu.vector_load %arg6[%get3A_1310] {strides = array<i32>} : memref<512xi32, #tpu.memory_space<vmem>>, vector<16xi32>,
      %get3A_1312 = vector.shape_cast %get3A_1311 : vector<16xi32> to vector<16xi32>
      %ge3A_1313 = arith.constant 1000000 : i32
      %ge3A_1314 = vector.broadcast %ge3A_1313 : i32 to vector<16xi32>
      %ge3A_1315 = arith.cmpi sge, %get3A_1312, %ge3A_1314 : vector<16xi32>
      %sub3A_1316 = arith.constant 1000000 : i32
      %sub3A_1317 = vector.broadcast %sub3A_1316 : i32 to vector<16xi32>
      %sub3A_1318 = arith.subi %get3A_1312, %sub3A_1317 : vector<16xi32>
      %select_n3A_1319 = arith.select %ge3A_1315, %sub3A_1318, %get3A_1312 : vector<16xi1>, vector<16xi32>
      %swap3A_1320 = arith.constant 0 : i32
      %swap3A_1321 = arith.index_cast %swap3A_1320 : i32 to index
      %swap3A_1322 = arith.constant 64 : index
      %swap3A_1323 = tpu.vector_load %arg8[%swap3A_1321, %swap3A_1322] {strides = array<i32>} : memref<4x128xi32, #tpu.memory_space<vmem>>, vector<1x16xi32>,
      %swap3A_1324 = vector.shape_cast %swap3A_1323 : vector<1x16xi32> to vector<16xi32>
      %swap3A_1325 = vector.shape_cast %select_n3A_1319 : vector<16xi32> to vector<1x16xi32>
      tpu.vector_store %arg8[%swap3A_1321, %swap3A_1322], %swap3A_1325 {strides = array<i32>} : memref<4x128xi32, #tpu.memory_space<vmem>>, vector<1x16xi32>,
      %get3A_1326 = arith.constant 80 : index
      %get3A_1327 = tpu.vector_load %arg6[%get3A_1326] {strides = array<i32>} : memref<512xi32, #tpu.memory_space<vmem>>, vector<16xi32>,
      %get3A_1328 = vector.shape_cast %get3A_1327 : vector<16xi32> to vector<16xi32>
      %ge3A_1329 = arith.constant 1000000 : i32
      %ge3A_1330 = vector.broadcast %ge3A_1329 : i32 to vector<16xi32>
      %ge3A_1331 = arith.cmpi sge, %get3A_1328, %ge3A_1330 : vector<16xi32>
      %sub3A_1332 = arith.constant 1000000 : i32
      %sub3A_1333 = vector.broadcast %sub3A_1332 : i32 to vector<16xi32>
      %sub3A_1334 = arith.subi %get3A_1328, %sub3A_1333 : vector<16xi32>
      %select_n3A_1335 = arith.select %ge3A_1331, %sub3A_1334, %get3A_1328 : vector<16xi1>, vector<16xi32>
      %swap3A_1336 = arith.constant 0 : i32
      %swap3A_1337 = arith.index_cast %swap3A_1336 : i32 to index
      %swap3A_1338 = arith.constant 80 : index
      %swap3A_1339 = tpu.vector_load %arg8[%swap3A_1337, %swap3A_1338] {strides = array<i32>} : memref<4x128xi32, #tpu.memory_space<vmem>>, vector<1x16xi32>,
      %swap3A_1340 = vector.shape_cast %swap3A_1339 : vector<1x16xi32> to vector<16xi32>
      %swap3A_1341 = vector.shape_cast %select_n3A_1335 : vector<16xi32> to vector<1x16xi32>
      tpu.vector_store %arg8[%swap3A_1337, %swap3A_1338], %swap3A_1341 {strides = array<i32>} : memref<4x128xi32, #tpu.memory_space<vmem>>, vector<1x16xi32>,
      %get3A_1342 = arith.constant 96 : index
      %get3A_1343 = tpu.vector_load %arg6[%get3A_1342] {strides = array<i32>} : memref<512xi32, #tpu.memory_space<vmem>>, vector<16xi32>,
      %get3A_1344 = vector.shape_cast %get3A_1343 : vector<16xi32> to vector<16xi32>
      %ge3A_1345 = arith.constant 1000000 : i32
      %ge3A_1346 = vector.broadcast %ge3A_1345 : i32 to vector<16xi32>
      %ge3A_1347 = arith.cmpi sge, %get3A_1344, %ge3A_1346 : vector<16xi32>
      %sub3A_1348 = arith.constant 1000000 : i32
      %sub3A_1349 = vector.broadcast %sub3A_1348 : i32 to vector<16xi32>
      %sub3A_1350 = arith.subi %get3A_1344, %sub3A_1349 : vector<16xi32>
      %select_n3A_1351 = arith.select %ge3A_1347, %sub3A_1350, %get3A_1344 : vector<16xi1>, vector<16xi32>
      %swap3A_1352 = arith.constant 0 : i32
      %swap3A_1353 = arith.index_cast %swap3A_1352 : i32 to index
      %swap3A_1354 = arith.constant 96 : index
      %swap3A_1355 = tpu.vector_load %arg8[%swap3A_1353, %swap3A_1354] {strides = array<i32>} : memref<4x128xi32, #tpu.memory_space<vmem>>, vector<1x16xi32>,
      %swap3A_1356 = vector.shape_cast %swap3A_1355 : vector<1x16xi32> to vector<16xi32>
      %swap3A_1357 = vector.shape_cast %select_n3A_1351 : vector<16xi32> to vector<1x16xi32>
      tpu.vector_store %arg8[%swap3A_1353, %swap3A_1354], %swap3A_1357 {strides = array<i32>} : memref<4x128xi32, #tpu.memory_space<vmem>>, vector<1x16xi32>,
      %get3A_1358 = arith.constant 112 : index
      %get3A_1359 = tpu.vector_load %arg6[%get3A_1358] {strides = array<i32>} : memref<512xi32, #tpu.memory_space<vmem>>, vector<16xi32>,
      %get3A_1360 = vector.shape_cast %get3A_1359 : vector<16xi32> to vector<16xi32>
      %ge3A_1361 = arith.constant 1000000 : i32
      %ge3A_1362 = vector.broadcast %ge3A_1361 : i32 to vector<16xi32>
      %ge3A_1363 = arith.cmpi sge, %get3A_1360, %ge3A_1362 : vector<16xi32>
      %sub3A_1364 = arith.constant 1000000 : i32
      %sub3A_1365 = vector.broadcast %sub3A_1364 : i32 to vector<16xi32>
      %sub3A_1366 = arith.subi %get3A_1360, %sub3A_1365 : vector<16xi32>
      %select_n3A_1367 = arith.select %ge3A_1363, %sub3A_1366, %get3A_1360 : vector<16xi1>, vector<16xi32>
      %swap3A_1368 = arith.constant 0 : i32
      %swap3A_1369 = arith.index_cast %swap3A_1368 : i32 to index
      %swap3A_1370 = arith.constant 112 : index
      %swap3A_1371 = tpu.vector_load %arg8[%swap3A_1369, %swap3A_1370] {strides = array<i32>} : memref<4x128xi32, #tpu.memory_space<vmem>>, vector<1x16xi32>,
      %swap3A_1372 = vector.shape_cast %swap3A_1371 : vector<1x16xi32> to vector<16xi32>
      %swap3A_1373 = vector.shape_cast %select_n3A_1367 : vector<16xi32> to vector<1x16xi32>
      tpu.vector_store %arg8[%swap3A_1369, %swap3A_1370], %swap3A_1373 {strides = array<i32>} : memref<4x128xi32, #tpu.memory_space<vmem>>, vector<1x16xi32>,
      %get3A_1374 = arith.constant 128 : index
      %get3A_1375 = tpu.vector_load %arg6[%get3A_1374] {strides = array<i32>} : memref<512xi32, #tpu.memory_space<vmem>>, vector<16xi32>,
      %get3A_1376 = vector.shape_cast %get3A_1375 : vector<16xi32> to vector<16xi32>
      %ge3A_1377 = arith.constant 1000000 : i32
      %ge3A_1378 = vector.broadcast %ge3A_1377 : i32 to vector<16xi32>
      %ge3A_1379 = arith.cmpi sge, %get3A_1376, %ge3A_1378 : vector<16xi32>
      %sub3A_1380 = arith.constant 1000000 : i32
      %sub3A_1381 = vector.broadcast %sub3A_1380 : i32 to vector<16xi32>
      %sub3A_1382 = arith.subi %get3A_1376, %sub3A_1381 : vector<16xi32>
      %select_n3A_1383 = arith.select %ge3A_1379, %sub3A_1382, %get3A_1376 : vector<16xi1>, vector<16xi32>
      %swap3A_1384 = arith.constant 1 : i32
      %swap3A_1385 = arith.index_cast %swap3A_1384 : i32 to index
      %swap3A_1386 = arith.constant 0 : index
      %swap3A_1387 = tpu.vector_load %arg8[%swap3A_1385, %swap3A_1386] {strides = array<i32>} : memref<4x128xi32, #tpu.memory_space<vmem>>, vector<1x16xi32>,
      %swap3A_1388 = vector.shape_cast %swap3A_1387 : vector<1x16xi32> to vector<16xi32>
      %swap3A_1389 = vector.shape_cast %select_n3A_1383 : vector<16xi32> to vector<1x16xi32>
      tpu.vector_store %arg8[%swap3A_1385, %swap3A_1386], %swap3A_1389 {strides = array<i32>} : memref<4x128xi32, #tpu.memory_space<vmem>>, vector<1x16xi32>,
      %get3A_1390 = arith.constant 144 : index
      %get3A_1391 = tpu.vector_load %arg6[%get3A_1390] {strides = array<i32>} : memref<512xi32, #tpu.memory_space<vmem>>, vector<16xi32>,
      %get3A_1392 = vector.shape_cast %get3A_1391 : vector<16xi32> to vector<16xi32>
      %ge3A_1393 = arith.constant 1000000 : i32
      %ge3A_1394 = vector.broadcast %ge3A_1393 : i32 to vector<16xi32>
      %ge3A_1395 = arith.cmpi sge, %get3A_1392, %ge3A_1394 : vector<16xi32>
      %sub3A_1396 = arith.constant 1000000 : i32
      %sub3A_1397 = vector.broadcast %sub3A_1396 : i32 to vector<16xi32>
      %sub3A_1398 = arith.subi %get3A_1392, %sub3A_1397 : vector<16xi32>
      %select_n3A_1399 = arith.select %ge3A_1395, %sub3A_1398, %get3A_1392 : vector<16xi1>, vector<16xi32>
      %swap3A_1400 = arith.constant 1 : i32
      %swap3A_1401 = arith.index_cast %swap3A_1400 : i32 to index
      %swap3A_1402 = arith.constant 16 : index
      %swap3A_1403 = tpu.vector_load %arg8[%swap3A_1401, %swap3A_1402] {strides = array<i32>} : memref<4x128xi32, #tpu.memory_space<vmem>>, vector<1x16xi32>,
      %swap3A_1404 = vector.shape_cast %swap3A_1403 : vector<1x16xi32> to vector<16xi32>
      %swap3A_1405 = vector.shape_cast %select_n3A_1399 : vector<16xi32> to vector<1x16xi32>
      tpu.vector_store %arg8[%swap3A_1401, %swap3A_1402], %swap3A_1405 {strides = array<i32>} : memref<4x128xi32, #tpu.memory_space<vmem>>, vector<1x16xi32>,
      %get3A_1406 = arith.constant 160 : index
      %get3A_1407 = tpu.vector_load %arg6[%get3A_1406] {strides = array<i32>} : memref<512xi32, #tpu.memory_space<vmem>>, vector<16xi32>,
      %get3A_1408 = vector.shape_cast %get3A_1407 : vector<16xi32> to vector<16xi32>
      %ge3A_1409 = arith.constant 1000000 : i32
      %ge3A_1410 = vector.broadcast %ge3A_1409 : i32 to vector<16xi32>
      %ge3A_1411 = arith.cmpi sge, %get3A_1408, %ge3A_1410 : vector<16xi32>
      %sub3A_1412 = arith.constant 1000000 : i32
      %sub3A_1413 = vector.broadcast %sub3A_1412 : i32 to vector<16xi32>
      %sub3A_1414 = arith.subi %get3A_1408, %sub3A_1413 : vector<16xi32>
      %select_n3A_1415 = arith.select %ge3A_1411, %sub3A_1414, %get3A_1408 : vector<16xi1>, vector<16xi32>
      %swap3A_1416 = arith.constant 1 : i32
      %swap3A_1417 = arith.index_cast %swap3A_1416 : i32 to index
      %swap3A_1418 = arith.constant 32 : index
      %swap3A_1419 = tpu.vector_load %arg8[%swap3A_1417, %swap3A_1418] {strides = array<i32>} : memref<4x128xi32, #tpu.memory_space<vmem>>, vector<1x16xi32>,
      %swap3A_1420 = vector.shape_cast %swap3A_1419 : vector<1x16xi32> to vector<16xi32>
      %swap3A_1421 = vector.shape_cast %select_n3A_1415 : vector<16xi32> to vector<1x16xi32>
      tpu.vector_store %arg8[%swap3A_1417, %swap3A_1418], %swap3A_1421 {strides = array<i32>} : memref<4x128xi32, #tpu.memory_space<vmem>>, vector<1x16xi32>,
      %get3A_1422 = arith.constant 176 : index
      %get3A_1423 = tpu.vector_load %arg6[%get3A_1422] {strides = array<i32>} : memref<512xi32, #tpu.memory_space<vmem>>, vector<16xi32>,
      %get3A_1424 = vector.shape_cast %get3A_1423 : vector<16xi32> to vector<16xi32>
      %ge3A_1425 = arith.constant 1000000 : i32
      %ge3A_1426 = vector.broadcast %ge3A_1425 : i32 to vector<16xi32>
      %ge3A_1427 = arith.cmpi sge, %get3A_1424, %ge3A_1426 : vector<16xi32>
      %sub3A_1428 = arith.constant 1000000 : i32
      %sub3A_1429 = vector.broadcast %sub3A_1428 : i32 to vector<16xi32>
      %sub3A_1430 = arith.subi %get3A_1424, %sub3A_1429 : vector<16xi32>
      %select_n3A_1431 = arith.select %ge3A_1427, %sub3A_1430, %get3A_1424 : vector<16xi1>, vector<16xi32>
      %swap3A_1432 = arith.constant 1 : i32
      %swap3A_1433 = arith.index_cast %swap3A_1432 : i32 to index
      %swap3A_1434 = arith.constant 48 : index
      %swap3A_1435 = tpu.vector_load %arg8[%swap3A_1433, %swap3A_1434] {strides = array<i32>} : memref<4x128xi32, #tpu.memory_space<vmem>>, vector<1x16xi32>,
      %swap3A_1436 = vector.shape_cast %swap3A_1435 : vector<1x16xi32> to vector<16xi32>
      %swap3A_1437 = vector.shape_cast %select_n3A_1431 : vector<16xi32> to vector<1x16xi32>
      tpu.vector_store %arg8[%swap3A_1433, %swap3A_1434], %swap3A_1437 {strides = array<i32>} : memref<4x128xi32, #tpu.memory_space<vmem>>, vector<1x16xi32>,
      %get3A_1438 = arith.constant 192 : index
      %get3A_1439 = tpu.vector_load %arg6[%get3A_1438] {strides = array<i32>} : memref<512xi32, #tpu.memory_space<vmem>>, vector<16xi32>,
      %get3A_1440 = vector.shape_cast %get3A_1439 : vector<16xi32> to vector<16xi32>
      %ge3A_1441 = arith.constant 1000000 : i32
      %ge3A_1442 = vector.broadcast %ge3A_1441 : i32 to vector<16xi32>
      %ge3A_1443 = arith.cmpi sge, %get3A_1440, %ge3A_1442 : vector<16xi32>
      %sub3A_1444 = arith.constant 1000000 : i32
      %sub3A_1445 = vector.broadcast %sub3A_1444 : i32 to vector<16xi32>
      %sub3A_1446 = arith.subi %get3A_1440, %sub3A_1445 : vector<16xi32>
      %select_n3A_1447 = arith.select %ge3A_1443, %sub3A_1446, %get3A_1440 : vector<16xi1>, vector<16xi32>
      %swap3A_1448 = arith.constant 1 : i32
      %swap3A_1449 = arith.index_cast %swap3A_1448 : i32 to index
      %swap3A_1450 = arith.constant 64 : index
      %swap3A_1451 = tpu.vector_load %arg8[%swap3A_1449, %swap3A_1450] {strides = array<i32>} : memref<4x128xi32, #tpu.memory_space<vmem>>, vector<1x16xi32>,
      %swap3A_1452 = vector.shape_cast %swap3A_1451 : vector<1x16xi32> to vector<16xi32>
      %swap3A_1453 = vector.shape_cast %select_n3A_1447 : vector<16xi32> to vector<1x16xi32>
      tpu.vector_store %arg8[%swap3A_1449, %swap3A_1450], %swap3A_1453 {strides = array<i32>} : memref<4x128xi32, #tpu.memory_space<vmem>>, vector<1x16xi32>,
      %get3A_1454 = arith.constant 208 : index
      %get3A_1455 = tpu.vector_load %arg6[%get3A_1454] {strides = array<i32>} : memref<512xi32, #tpu.memory_space<vmem>>, vector<16xi32>,
      %get3A_1456 = vector.shape_cast %get3A_1455 : vector<16xi32> to vector<16xi32>
      %ge3A_1457 = arith.constant 1000000 : i32
      %ge3A_1458 = vector.broadcast %ge3A_1457 : i32 to vector<16xi32>
      %ge3A_1459 = arith.cmpi sge, %get3A_1456, %ge3A_1458 : vector<16xi32>
      %sub3A_1460 = arith.constant 1000000 : i32
      %sub3A_1461 = vector.broadcast %sub3A_1460 : i32 to vector<16xi32>
      %sub3A_1462 = arith.subi %get3A_1456, %sub3A_1461 : vector<16xi32>
      %select_n3A_1463 = arith.select %ge3A_1459, %sub3A_1462, %get3A_1456 : vector<16xi1>, vector<16xi32>
      %swap3A_1464 = arith.constant 1 : i32
      %swap3A_1465 = arith.index_cast %swap3A_1464 : i32 to index
      %swap3A_1466 = arith.constant 80 : index
      %swap3A_1467 = tpu.vector_load %arg8[%swap3A_1465, %swap3A_1466] {strides = array<i32>} : memref<4x128xi32, #tpu.memory_space<vmem>>, vector<1x16xi32>,
      %swap3A_1468 = vector.shape_cast %swap3A_1467 : vector<1x16xi32> to vector<16xi32>
      %swap3A_1469 = vector.shape_cast %select_n3A_1463 : vector<16xi32> to vector<1x16xi32>
      tpu.vector_store %arg8[%swap3A_1465, %swap3A_1466], %swap3A_1469 {strides = array<i32>} : memref<4x128xi32, #tpu.memory_space<vmem>>, vector<1x16xi32>,
      %get3A_1470 = arith.constant 224 : index
      %get3A_1471 = tpu.vector_load %arg6[%get3A_1470] {strides = array<i32>} : memref<512xi32, #tpu.memory_space<vmem>>, vector<16xi32>,
      %get3A_1472 = vector.shape_cast %get3A_1471 : vector<16xi32> to vector<16xi32>
      %ge3A_1473 = arith.constant 1000000 : i32
      %ge3A_1474 = vector.broadcast %ge3A_1473 : i32 to vector<16xi32>
      %ge3A_1475 = arith.cmpi sge, %get3A_1472, %ge3A_1474 : vector<16xi32>
      %sub3A_1476 = arith.constant 1000000 : i32
      %sub3A_1477 = vector.broadcast %sub3A_1476 : i32 to vector<16xi32>
      %sub3A_1478 = arith.subi %get3A_1472, %sub3A_1477 : vector<16xi32>
      %select_n3A_1479 = arith.select %ge3A_1475, %sub3A_1478, %get3A_1472 : vector<16xi1>, vector<16xi32>
      %swap3A_1480 = arith.constant 1 : i32
      %swap3A_1481 = arith.index_cast %swap3A_1480 : i32 to index
      %swap3A_1482 = arith.constant 96 : index
      %swap3A_1483 = tpu.vector_load %arg8[%swap3A_1481, %swap3A_1482] {strides = array<i32>} : memref<4x128xi32, #tpu.memory_space<vmem>>, vector<1x16xi32>,
      %swap3A_1484 = vector.shape_cast %swap3A_1483 : vector<1x16xi32> to vector<16xi32>
      %swap3A_1485 = vector.shape_cast %select_n3A_1479 : vector<16xi32> to vector<1x16xi32>
      tpu.vector_store %arg8[%swap3A_1481, %swap3A_1482], %swap3A_1485 {strides = array<i32>} : memref<4x128xi32, #tpu.memory_space<vmem>>, vector<1x16xi32>,
      %get3A_1486 = arith.constant 240 : index
      %get3A_1487 = tpu.vector_load %arg6[%get3A_1486] {strides = array<i32>} : memref<512xi32, #tpu.memory_space<vmem>>, vector<16xi32>,
      %get3A_1488 = vector.shape_cast %get3A_1487 : vector<16xi32> to vector<16xi32>
      %ge3A_1489 = arith.constant 1000000 : i32
      %ge3A_1490 = vector.broadcast %ge3A_1489 : i32 to vector<16xi32>
      %ge3A_1491 = arith.cmpi sge, %get3A_1488, %ge3A_1490 : vector<16xi32>
      %sub3A_1492 = arith.constant 1000000 : i32
      %sub3A_1493 = vector.broadcast %sub3A_1492 : i32 to vector<16xi32>
      %sub3A_1494 = arith.subi %get3A_1488, %sub3A_1493 : vector<16xi32>
      %select_n3A_1495 = arith.select %ge3A_1491, %sub3A_1494, %get3A_1488 : vector<16xi1>, vector<16xi32>
      %swap3A_1496 = arith.constant 1 : i32
      %swap3A_1497 = arith.index_cast %swap3A_1496 : i32 to index
      %swap3A_1498 = arith.constant 112 : index
      %swap3A_1499 = tpu.vector_load %arg8[%swap3A_1497, %swap3A_1498] {strides = array<i32>} : memref<4x128xi32, #tpu.memory_space<vmem>>, vector<1x16xi32>,
      %swap3A_1500 = vector.shape_cast %swap3A_1499 : vector<1x16xi32> to vector<16xi32>
      %swap3A_1501 = vector.shape_cast %select_n3A_1495 : vector<16xi32> to vector<1x16xi32>
      tpu.vector_store %arg8[%swap3A_1497, %swap3A_1498], %swap3A_1501 {strides = array<i32>} : memref<4x128xi32, #tpu.memory_space<vmem>>, vector<1x16xi32>,
      %get3A_1502 = arith.constant 256 : index
      %get3A_1503 = tpu.vector_load %arg6[%get3A_1502] {strides = array<i32>} : memref<512xi32, #tpu.memory_space<vmem>>, vector<16xi32>,
      %get3A_1504 = vector.shape_cast %get3A_1503 : vector<16xi32> to vector<16xi32>
      %ge3A_1505 = arith.constant 1000000 : i32
      %ge3A_1506 = vector.broadcast %ge3A_1505 : i32 to vector<16xi32>
      %ge3A_1507 = arith.cmpi sge, %get3A_1504, %ge3A_1506 : vector<16xi32>
      %sub3A_1508 = arith.constant 1000000 : i32
      %sub3A_1509 = vector.broadcast %sub3A_1508 : i32 to vector<16xi32>
      %sub3A_1510 = arith.subi %get3A_1504, %sub3A_1509 : vector<16xi32>
      %select_n3A_1511 = arith.select %ge3A_1507, %sub3A_1510, %get3A_1504 : vector<16xi1>, vector<16xi32>
      %swap3A_1512 = arith.constant 2 : i32
      %swap3A_1513 = arith.index_cast %swap3A_1512 : i32 to index
      %swap3A_1514 = arith.constant 0 : index
      %swap3A_1515 = tpu.vector_load %arg8[%swap3A_1513, %swap3A_1514] {strides = array<i32>} : memref<4x128xi32, #tpu.memory_space<vmem>>, vector<1x16xi32>,
      %swap3A_1516 = vector.shape_cast %swap3A_1515 : vector<1x16xi32> to vector<16xi32>
      %swap3A_1517 = vector.shape_cast %select_n3A_1511 : vector<16xi32> to vector<1x16xi32>
      tpu.vector_store %arg8[%swap3A_1513, %swap3A_1514], %swap3A_1517 {strides = array<i32>} : memref<4x128xi32, #tpu.memory_space<vmem>>, vector<1x16xi32>,
      %get3A_1518 = arith.constant 272 : index
      %get3A_1519 = tpu.vector_load %arg6[%get3A_1518] {strides = array<i32>} : memref<512xi32, #tpu.memory_space<vmem>>, vector<16xi32>,
      %get3A_1520 = vector.shape_cast %get3A_1519 : vector<16xi32> to vector<16xi32>
      %ge3A_1521 = arith.constant 1000000 : i32
      %ge3A_1522 = vector.broadcast %ge3A_1521 : i32 to vector<16xi32>
      %ge3A_1523 = arith.cmpi sge, %get3A_1520, %ge3A_1522 : vector<16xi32>
      %sub3A_1524 = arith.constant 1000000 : i32
      %sub3A_1525 = vector.broadcast %sub3A_1524 : i32 to vector<16xi32>
      %sub3A_1526 = arith.subi %get3A_1520, %sub3A_1525 : vector<16xi32>
      %select_n3A_1527 = arith.select %ge3A_1523, %sub3A_1526, %get3A_1520 : vector<16xi1>, vector<16xi32>
      %swap3A_1528 = arith.constant 2 : i32
      %swap3A_1529 = arith.index_cast %swap3A_1528 : i32 to index
      %swap3A_1530 = arith.constant 16 : index
      %swap3A_1531 = tpu.vector_load %arg8[%swap3A_1529, %swap3A_1530] {strides = array<i32>} : memref<4x128xi32, #tpu.memory_space<vmem>>, vector<1x16xi32>,
      %swap3A_1532 = vector.shape_cast %swap3A_1531 : vector<1x16xi32> to vector<16xi32>
      %swap3A_1533 = vector.shape_cast %select_n3A_1527 : vector<16xi32> to vector<1x16xi32>
      tpu.vector_store %arg8[%swap3A_1529, %swap3A_1530], %swap3A_1533 {strides = array<i32>} : memref<4x128xi32, #tpu.memory_space<vmem>>, vector<1x16xi32>,
      %get3A_1534 = arith.constant 288 : index
      %get3A_1535 = tpu.vector_load %arg6[%get3A_1534] {strides = array<i32>} : memref<512xi32, #tpu.memory_space<vmem>>, vector<16xi32>,
      %get3A_1536 = vector.shape_cast %get3A_1535 : vector<16xi32> to vector<16xi32>
      %ge3A_1537 = arith.constant 1000000 : i32
      %ge3A_1538 = vector.broadcast %ge3A_1537 : i32 to vector<16xi32>
      %ge3A_1539 = arith.cmpi sge, %get3A_1536, %ge3A_1538 : vector<16xi32>
      %sub3A_1540 = arith.constant 1000000 : i32
      %sub3A_1541 = vector.broadcast %sub3A_1540 : i32 to vector<16xi32>
      %sub3A_1542 = arith.subi %get3A_1536, %sub3A_1541 : vector<16xi32>
      %select_n3A_1543 = arith.select %ge3A_1539, %sub3A_1542, %get3A_1536 : vector<16xi1>, vector<16xi32>
      %swap3A_1544 = arith.constant 2 : i32
      %swap3A_1545 = arith.index_cast %swap3A_1544 : i32 to index
      %swap3A_1546 = arith.constant 32 : index
      %swap3A_1547 = tpu.vector_load %arg8[%swap3A_1545, %swap3A_1546] {strides = array<i32>} : memref<4x128xi32, #tpu.memory_space<vmem>>, vector<1x16xi32>,
      %swap3A_1548 = vector.shape_cast %swap3A_1547 : vector<1x16xi32> to vector<16xi32>
      %swap3A_1549 = vector.shape_cast %select_n3A_1543 : vector<16xi32> to vector<1x16xi32>
      tpu.vector_store %arg8[%swap3A_1545, %swap3A_1546], %swap3A_1549 {strides = array<i32>} : memref<4x128xi32, #tpu.memory_space<vmem>>, vector<1x16xi32>,
      %get3A_1550 = arith.constant 304 : index
      %get3A_1551 = tpu.vector_load %arg6[%get3A_1550] {strides = array<i32>} : memref<512xi32, #tpu.memory_space<vmem>>, vector<16xi32>,
      %get3A_1552 = vector.shape_cast %get3A_1551 : vector<16xi32> to vector<16xi32>
      %ge3A_1553 = arith.constant 1000000 : i32
      %ge3A_1554 = vector.broadcast %ge3A_1553 : i32 to vector<16xi32>
      %ge3A_1555 = arith.cmpi sge, %get3A_1552, %ge3A_1554 : vector<16xi32>
      %sub3A_1556 = arith.constant 1000000 : i32
      %sub3A_1557 = vector.broadcast %sub3A_1556 : i32 to vector<16xi32>
      %sub3A_1558 = arith.subi %get3A_1552, %sub3A_1557 : vector<16xi32>
      %select_n3A_1559 = arith.select %ge3A_1555, %sub3A_1558, %get3A_1552 : vector<16xi1>, vector<16xi32>
      %swap3A_1560 = arith.constant 2 : i32
      %swap3A_1561 = arith.index_cast %swap3A_1560 : i32 to index
      %swap3A_1562 = arith.constant 48 : index
      %swap3A_1563 = tpu.vector_load %arg8[%swap3A_1561, %swap3A_1562] {strides = array<i32>} : memref<4x128xi32, #tpu.memory_space<vmem>>, vector<1x16xi32>,
      %swap3A_1564 = vector.shape_cast %swap3A_1563 : vector<1x16xi32> to vector<16xi32>
      %swap3A_1565 = vector.shape_cast %select_n3A_1559 : vector<16xi32> to vector<1x16xi32>
      tpu.vector_store %arg8[%swap3A_1561, %swap3A_1562], %swap3A_1565 {strides = array<i32>} : memref<4x128xi32, #tpu.memory_space<vmem>>, vector<1x16xi32>,
      %get3A_1566 = arith.constant 320 : index
      %get3A_1567 = tpu.vector_load %arg6[%get3A_1566] {strides = array<i32>} : memref<512xi32, #tpu.memory_space<vmem>>, vector<16xi32>,
      %get3A_1568 = vector.shape_cast %get3A_1567 : vector<16xi32> to vector<16xi32>
      %ge3A_1569 = arith.constant 1000000 : i32
      %ge3A_1570 = vector.broadcast %ge3A_1569 : i32 to vector<16xi32>
      %ge3A_1571 = arith.cmpi sge, %get3A_1568, %ge3A_1570 : vector<16xi32>
      %sub3A_1572 = arith.constant 1000000 : i32
      %sub3A_1573 = vector.broadcast %sub3A_1572 : i32 to vector<16xi32>
      %sub3A_1574 = arith.subi %get3A_1568, %sub3A_1573 : vector<16xi32>
      %select_n3A_1575 = arith.select %ge3A_1571, %sub3A_1574, %get3A_1568 : vector<16xi1>, vector<16xi32>
      %swap3A_1576 = arith.constant 2 : i32
      %swap3A_1577 = arith.index_cast %swap3A_1576 : i32 to index
      %swap3A_1578 = arith.constant 64 : index
      %swap3A_1579 = tpu.vector_load %arg8[%swap3A_1577, %swap3A_1578] {strides = array<i32>} : memref<4x128xi32, #tpu.memory_space<vmem>>, vector<1x16xi32>,
      %swap3A_1580 = vector.shape_cast %swap3A_1579 : vector<1x16xi32> to vector<16xi32>
      %swap3A_1581 = vector.shape_cast %select_n3A_1575 : vector<16xi32> to vector<1x16xi32>
      tpu.vector_store %arg8[%swap3A_1577, %swap3A_1578], %swap3A_1581 {strides = array<i32>} : memref<4x128xi32, #tpu.memory_space<vmem>>, vector<1x16xi32>,
      %get3A_1582 = arith.constant 336 : index
      %get3A_1583 = tpu.vector_load %arg6[%get3A_1582] {strides = array<i32>} : memref<512xi32, #tpu.memory_space<vmem>>, vector<16xi32>,
      %get3A_1584 = vector.shape_cast %get3A_1583 : vector<16xi32> to vector<16xi32>
      %ge3A_1585 = arith.constant 1000000 : i32
      %ge3A_1586 = vector.broadcast %ge3A_1585 : i32 to vector<16xi32>
      %ge3A_1587 = arith.cmpi sge, %get3A_1584, %ge3A_1586 : vector<16xi32>
      %sub3A_1588 = arith.constant 1000000 : i32
      %sub3A_1589 = vector.broadcast %sub3A_1588 : i32 to vector<16xi32>
      %sub3A_1590 = arith.subi %get3A_1584, %sub3A_1589 : vector<16xi32>
      %select_n3A_1591 = arith.select %ge3A_1587, %sub3A_1590, %get3A_1584 : vector<16xi1>, vector<16xi32>
      %swap3A_1592 = arith.constant 2 : i32
      %swap3A_1593 = arith.index_cast %swap3A_1592 : i32 to index
      %swap3A_1594 = arith.constant 80 : index
      %swap3A_1595 = tpu.vector_load %arg8[%swap3A_1593, %swap3A_1594] {strides = array<i32>} : memref<4x128xi32, #tpu.memory_space<vmem>>, vector<1x16xi32>,
      %swap3A_1596 = vector.shape_cast %swap3A_1595 : vector<1x16xi32> to vector<16xi32>
      %swap3A_1597 = vector.shape_cast %select_n3A_1591 : vector<16xi32> to vector<1x16xi32>
      tpu.vector_store %arg8[%swap3A_1593, %swap3A_1594], %swap3A_1597 {strides = array<i32>} : memref<4x128xi32, #tpu.memory_space<vmem>>, vector<1x16xi32>,
      %get3A_1598 = arith.constant 352 : index
      %get3A_1599 = tpu.vector_load %arg6[%get3A_1598] {strides = array<i32>} : memref<512xi32, #tpu.memory_space<vmem>>, vector<16xi32>,
      %get3A_1600 = vector.shape_cast %get3A_1599 : vector<16xi32> to vector<16xi32>
      %ge3A_1601 = arith.constant 1000000 : i32
      %ge3A_1602 = vector.broadcast %ge3A_1601 : i32 to vector<16xi32>
      %ge3A_1603 = arith.cmpi sge, %get3A_1600, %ge3A_1602 : vector<16xi32>
      %sub3A_1604 = arith.constant 1000000 : i32
      %sub3A_1605 = vector.broadcast %sub3A_1604 : i32 to vector<16xi32>
      %sub3A_1606 = arith.subi %get3A_1600, %sub3A_1605 : vector<16xi32>
      %select_n3A_1607 = arith.select %ge3A_1603, %sub3A_1606, %get3A_1600 : vector<16xi1>, vector<16xi32>
      %swap3A_1608 = arith.constant 2 : i32
      %swap3A_1609 = arith.index_cast %swap3A_1608 : i32 to index
      %swap3A_1610 = arith.constant 96 : index
      %swap3A_1611 = tpu.vector_load %arg8[%swap3A_1609, %swap3A_1610] {strides = array<i32>} : memref<4x128xi32, #tpu.memory_space<vmem>>, vector<1x16xi32>,
      %swap3A_1612 = vector.shape_cast %swap3A_1611 : vector<1x16xi32> to vector<16xi32>
      %swap3A_1613 = vector.shape_cast %select_n3A_1607 : vector<16xi32> to vector<1x16xi32>
      tpu.vector_store %arg8[%swap3A_1609, %swap3A_1610], %swap3A_1613 {strides = array<i32>} : memref<4x128xi32, #tpu.memory_space<vmem>>, vector<1x16xi32>,
      %get3A_1614 = arith.constant 368 : index
      %get3A_1615 = tpu.vector_load %arg6[%get3A_1614] {strides = array<i32>} : memref<512xi32, #tpu.memory_space<vmem>>, vector<16xi32>,
      %get3A_1616 = vector.shape_cast %get3A_1615 : vector<16xi32> to vector<16xi32>
      %ge3A_1617 = arith.constant 1000000 : i32
      %ge3A_1618 = vector.broadcast %ge3A_1617 : i32 to vector<16xi32>
      %ge3A_1619 = arith.cmpi sge, %get3A_1616, %ge3A_1618 : vector<16xi32>
      %sub3A_1620 = arith.constant 1000000 : i32
      %sub3A_1621 = vector.broadcast %sub3A_1620 : i32 to vector<16xi32>
      %sub3A_1622 = arith.subi %get3A_1616, %sub3A_1621 : vector<16xi32>
      %select_n3A_1623 = arith.select %ge3A_1619, %sub3A_1622, %get3A_1616 : vector<16xi1>, vector<16xi32>
      %swap3A_1624 = arith.constant 2 : i32
      %swap3A_1625 = arith.index_cast %swap3A_1624 : i32 to index
      %swap3A_1626 = arith.constant 112 : index
      %swap3A_1627 = tpu.vector_load %arg8[%swap3A_1625, %swap3A_1626] {strides = array<i32>} : memref<4x128xi32, #tpu.memory_space<vmem>>, vector<1x16xi32>,
      %swap3A_1628 = vector.shape_cast %swap3A_1627 : vector<1x16xi32> to vector<16xi32>
      %swap3A_1629 = vector.shape_cast %select_n3A_1623 : vector<16xi32> to vector<1x16xi32>
      tpu.vector_store %arg8[%swap3A_1625, %swap3A_1626], %swap3A_1629 {strides = array<i32>} : memref<4x128xi32, #tpu.memory_space<vmem>>, vector<1x16xi32>,
      %get3A_1630 = arith.constant 384 : index
      %get3A_1631 = tpu.vector_load %arg6[%get3A_1630] {strides = array<i32>} : memref<512xi32, #tpu.memory_space<vmem>>, vector<16xi32>,
      %get3A_1632 = vector.shape_cast %get3A_1631 : vector<16xi32> to vector<16xi32>
      %ge3A_1633 = arith.constant 1000000 : i32
      %ge3A_1634 = vector.broadcast %ge3A_1633 : i32 to vector<16xi32>
      %ge3A_1635 = arith.cmpi sge, %get3A_1632, %ge3A_1634 : vector<16xi32>
      %sub3A_1636 = arith.constant 1000000 : i32
      %sub3A_1637 = vector.broadcast %sub3A_1636 : i32 to vector<16xi32>
      %sub3A_1638 = arith.subi %get3A_1632, %sub3A_1637 : vector<16xi32>
      %select_n3A_1639 = arith.select %ge3A_1635, %sub3A_1638, %get3A_1632 : vector<16xi1>, vector<16xi32>
      %swap3A_1640 = arith.constant 3 : i32
      %swap3A_1641 = arith.index_cast %swap3A_1640 : i32 to index
      %swap3A_1642 = arith.constant 0 : index
      %swap3A_1643 = tpu.vector_load %arg8[%swap3A_1641, %swap3A_1642] {strides = array<i32>} : memref<4x128xi32, #tpu.memory_space<vmem>>, vector<1x16xi32>,
      %swap3A_1644 = vector.shape_cast %swap3A_1643 : vector<1x16xi32> to vector<16xi32>
      %swap3A_1645 = vector.shape_cast %select_n3A_1639 : vector<16xi32> to vector<1x16xi32>
      tpu.vector_store %arg8[%swap3A_1641, %swap3A_1642], %swap3A_1645 {strides = array<i32>} : memref<4x128xi32, #tpu.memory_space<vmem>>, vector<1x16xi32>,
      %get3A_1646 = arith.constant 400 : index
      %get3A_1647 = tpu.vector_load %arg6[%get3A_1646] {strides = array<i32>} : memref<512xi32, #tpu.memory_space<vmem>>, vector<16xi32>,
      %get3A_1648 = vector.shape_cast %get3A_1647 : vector<16xi32> to vector<16xi32>
      %ge3A_1649 = arith.constant 1000000 : i32
      %ge3A_1650 = vector.broadcast %ge3A_1649 : i32 to vector<16xi32>
      %ge3A_1651 = arith.cmpi sge, %get3A_1648, %ge3A_1650 : vector<16xi32>
      %sub3A_1652 = arith.constant 1000000 : i32
      %sub3A_1653 = vector.broadcast %sub3A_1652 : i32 to vector<16xi32>
      %sub3A_1654 = arith.subi %get3A_1648, %sub3A_1653 : vector<16xi32>
      %select_n3A_1655 = arith.select %ge3A_1651, %sub3A_1654, %get3A_1648 : vector<16xi1>, vector<16xi32>
      %swap3A_1656 = arith.constant 3 : i32
      %swap3A_1657 = arith.index_cast %swap3A_1656 : i32 to index
      %swap3A_1658 = arith.constant 16 : index
      %swap3A_1659 = tpu.vector_load %arg8[%swap3A_1657, %swap3A_1658] {strides = array<i32>} : memref<4x128xi32, #tpu.memory_space<vmem>>, vector<1x16xi32>,
      %swap3A_1660 = vector.shape_cast %swap3A_1659 : vector<1x16xi32> to vector<16xi32>
      %swap3A_1661 = vector.shape_cast %select_n3A_1655 : vector<16xi32> to vector<1x16xi32>
      tpu.vector_store %arg8[%swap3A_1657, %swap3A_1658], %swap3A_1661 {strides = array<i32>} : memref<4x128xi32, #tpu.memory_space<vmem>>, vector<1x16xi32>,
      %get3A_1662 = arith.constant 416 : index
      %get3A_1663 = tpu.vector_load %arg6[%get3A_1662] {strides = array<i32>} : memref<512xi32, #tpu.memory_space<vmem>>, vector<16xi32>,
      %get3A_1664 = vector.shape_cast %get3A_1663 : vector<16xi32> to vector<16xi32>
      %ge3A_1665 = arith.constant 1000000 : i32
      %ge3A_1666 = vector.broadcast %ge3A_1665 : i32 to vector<16xi32>
      %ge3A_1667 = arith.cmpi sge, %get3A_1664, %ge3A_1666 : vector<16xi32>
      %sub3A_1668 = arith.constant 1000000 : i32
      %sub3A_1669 = vector.broadcast %sub3A_1668 : i32 to vector<16xi32>
      %sub3A_1670 = arith.subi %get3A_1664, %sub3A_1669 : vector<16xi32>
      %select_n3A_1671 = arith.select %ge3A_1667, %sub3A_1670, %get3A_1664 : vector<16xi1>, vector<16xi32>
      %swap3A_1672 = arith.constant 3 : i32
      %swap3A_1673 = arith.index_cast %swap3A_1672 : i32 to index
      %swap3A_1674 = arith.constant 32 : index
      %swap3A_1675 = tpu.vector_load %arg8[%swap3A_1673, %swap3A_1674] {strides = array<i32>} : memref<4x128xi32, #tpu.memory_space<vmem>>, vector<1x16xi32>,
      %swap3A_1676 = vector.shape_cast %swap3A_1675 : vector<1x16xi32> to vector<16xi32>
      %swap3A_1677 = vector.shape_cast %select_n3A_1671 : vector<16xi32> to vector<1x16xi32>
      tpu.vector_store %arg8[%swap3A_1673, %swap3A_1674], %swap3A_1677 {strides = array<i32>} : memref<4x128xi32, #tpu.memory_space<vmem>>, vector<1x16xi32>,
      %get3A_1678 = arith.constant 432 : index
      %get3A_1679 = tpu.vector_load %arg6[%get3A_1678] {strides = array<i32>} : memref<512xi32, #tpu.memory_space<vmem>>, vector<16xi32>,
      %get3A_1680 = vector.shape_cast %get3A_1679 : vector<16xi32> to vector<16xi32>
      %ge3A_1681 = arith.constant 1000000 : i32
      %ge3A_1682 = vector.broadcast %ge3A_1681 : i32 to vector<16xi32>
      %ge3A_1683 = arith.cmpi sge, %get3A_1680, %ge3A_1682 : vector<16xi32>
      %sub3A_1684 = arith.constant 1000000 : i32
      %sub3A_1685 = vector.broadcast %sub3A_1684 : i32 to vector<16xi32>
      %sub3A_1686 = arith.subi %get3A_1680, %sub3A_1685 : vector<16xi32>
      %select_n3A_1687 = arith.select %ge3A_1683, %sub3A_1686, %get3A_1680 : vector<16xi1>, vector<16xi32>
      %swap3A_1688 = arith.constant 3 : i32
      %swap3A_1689 = arith.index_cast %swap3A_1688 : i32 to index
      %swap3A_1690 = arith.constant 48 : index
      %swap3A_1691 = tpu.vector_load %arg8[%swap3A_1689, %swap3A_1690] {strides = array<i32>} : memref<4x128xi32, #tpu.memory_space<vmem>>, vector<1x16xi32>,
      %swap3A_1692 = vector.shape_cast %swap3A_1691 : vector<1x16xi32> to vector<16xi32>
      %swap3A_1693 = vector.shape_cast %select_n3A_1687 : vector<16xi32> to vector<1x16xi32>
      tpu.vector_store %arg8[%swap3A_1689, %swap3A_1690], %swap3A_1693 {strides = array<i32>} : memref<4x128xi32, #tpu.memory_space<vmem>>, vector<1x16xi32>,
      %get3A_1694 = arith.constant 448 : index
      %get3A_1695 = tpu.vector_load %arg6[%get3A_1694] {strides = array<i32>} : memref<512xi32, #tpu.memory_space<vmem>>, vector<16xi32>,
      %get3A_1696 = vector.shape_cast %get3A_1695 : vector<16xi32> to vector<16xi32>
      %ge3A_1697 = arith.constant 1000000 : i32
      %ge3A_1698 = vector.broadcast %ge3A_1697 : i32 to vector<16xi32>
      %ge3A_1699 = arith.cmpi sge, %get3A_1696, %ge3A_1698 : vector<16xi32>
      %sub3A_1700 = arith.constant 1000000 : i32
      %sub3A_1701 = vector.broadcast %sub3A_1700 : i32 to vector<16xi32>
      %sub3A_1702 = arith.subi %get3A_1696, %sub3A_1701 : vector<16xi32>
      %select_n3A_1703 = arith.select %ge3A_1699, %sub3A_1702, %get3A_1696 : vector<16xi1>, vector<16xi32>
      %swap3A_1704 = arith.constant 3 : i32
      %swap3A_1705 = arith.index_cast %swap3A_1704 : i32 to index
      %swap3A_1706 = arith.constant 64 : index
      %swap3A_1707 = tpu.vector_load %arg8[%swap3A_1705, %swap3A_1706] {strides = array<i32>} : memref<4x128xi32, #tpu.memory_space<vmem>>, vector<1x16xi32>,
      %swap3A_1708 = vector.shape_cast %swap3A_1707 : vector<1x16xi32> to vector<16xi32>
      %swap3A_1709 = vector.shape_cast %select_n3A_1703 : vector<16xi32> to vector<1x16xi32>
      tpu.vector_store %arg8[%swap3A_1705, %swap3A_1706], %swap3A_1709 {strides = array<i32>} : memref<4x128xi32, #tpu.memory_space<vmem>>, vector<1x16xi32>,
      %get3A_1710 = arith.constant 464 : index
      %get3A_1711 = tpu.vector_load %arg6[%get3A_1710] {strides = array<i32>} : memref<512xi32, #tpu.memory_space<vmem>>, vector<16xi32>,
      %get3A_1712 = vector.shape_cast %get3A_1711 : vector<16xi32> to vector<16xi32>
      %ge3A_1713 = arith.constant 1000000 : i32
      %ge3A_1714 = vector.broadcast %ge3A_1713 : i32 to vector<16xi32>
      %ge3A_1715 = arith.cmpi sge, %get3A_1712, %ge3A_1714 : vector<16xi32>
      %sub3A_1716 = arith.constant 1000000 : i32
      %sub3A_1717 = vector.broadcast %sub3A_1716 : i32 to vector<16xi32>
      %sub3A_1718 = arith.subi %get3A_1712, %sub3A_1717 : vector<16xi32>
      %select_n3A_1719 = arith.select %ge3A_1715, %sub3A_1718, %get3A_1712 : vector<16xi1>, vector<16xi32>
      %swap3A_1720 = arith.constant 3 : i32
      %swap3A_1721 = arith.index_cast %swap3A_1720 : i32 to index
      %swap3A_1722 = arith.constant 80 : index
      %swap3A_1723 = tpu.vector_load %arg8[%swap3A_1721, %swap3A_1722] {strides = array<i32>} : memref<4x128xi32, #tpu.memory_space<vmem>>, vector<1x16xi32>,
      %swap3A_1724 = vector.shape_cast %swap3A_1723 : vector<1x16xi32> to vector<16xi32>
      %swap3A_1725 = vector.shape_cast %select_n3A_1719 : vector<16xi32> to vector<1x16xi32>
      tpu.vector_store %arg8[%swap3A_1721, %swap3A_1722], %swap3A_1725 {strides = array<i32>} : memref<4x128xi32, #tpu.memory_space<vmem>>, vector<1x16xi32>,
      %get3A_1726 = arith.constant 480 : index
      %get3A_1727 = tpu.vector_load %arg6[%get3A_1726] {strides = array<i32>} : memref<512xi32, #tpu.memory_space<vmem>>, vector<16xi32>,
      %get3A_1728 = vector.shape_cast %get3A_1727 : vector<16xi32> to vector<16xi32>
      %ge3A_1729 = arith.constant 1000000 : i32
      %ge3A_1730 = vector.broadcast %ge3A_1729 : i32 to vector<16xi32>
      %ge3A_1731 = arith.cmpi sge, %get3A_1728, %ge3A_1730 : vector<16xi32>
      %sub3A_1732 = arith.constant 1000000 : i32
      %sub3A_1733 = vector.broadcast %sub3A_1732 : i32 to vector<16xi32>
      %sub3A_1734 = arith.subi %get3A_1728, %sub3A_1733 : vector<16xi32>
      %select_n3A_1735 = arith.select %ge3A_1731, %sub3A_1734, %get3A_1728 : vector<16xi1>, vector<16xi32>
      %swap3A_1736 = arith.constant 3 : i32
      %swap3A_1737 = arith.index_cast %swap3A_1736 : i32 to index
      %swap3A_1738 = arith.constant 96 : index
      %swap3A_1739 = tpu.vector_load %arg8[%swap3A_1737, %swap3A_1738] {strides = array<i32>} : memref<4x128xi32, #tpu.memory_space<vmem>>, vector<1x16xi32>,
      %swap3A_1740 = vector.shape_cast %swap3A_1739 : vector<1x16xi32> to vector<16xi32>
      %swap3A_1741 = vector.shape_cast %select_n3A_1735 : vector<16xi32> to vector<1x16xi32>
      tpu.vector_store %arg8[%swap3A_1737, %swap3A_1738], %swap3A_1741 {strides = array<i32>} : memref<4x128xi32, #tpu.memory_space<vmem>>, vector<1x16xi32>,
      %get3A_1742 = arith.constant 496 : index
      %get3A_1743 = tpu.vector_load %arg6[%get3A_1742] {strides = array<i32>} : memref<512xi32, #tpu.memory_space<vmem>>, vector<16xi32>,
      %get3A_1744 = vector.shape_cast %get3A_1743 : vector<16xi32> to vector<16xi32>
      %ge3A_1745 = arith.constant 1000000 : i32
      %ge3A_1746 = vector.broadcast %ge3A_1745 : i32 to vector<16xi32>
      %ge3A_1747 = arith.cmpi sge, %get3A_1744, %ge3A_1746 : vector<16xi32>
      %sub3A_1748 = arith.constant 1000000 : i32
      %sub3A_1749 = vector.broadcast %sub3A_1748 : i32 to vector<16xi32>
      %sub3A_1750 = arith.subi %get3A_1744, %sub3A_1749 : vector<16xi32>
      %select_n3A_1751 = arith.select %ge3A_1747, %sub3A_1750, %get3A_1744 : vector<16xi1>, vector<16xi32>
      %swap3A_1752 = arith.constant 3 : i32
      %swap3A_1753 = arith.index_cast %swap3A_1752 : i32 to index
      %swap3A_1754 = arith.constant 112 : index
      %swap3A_1755 = tpu.vector_load %arg8[%swap3A_1753, %swap3A_1754] {strides = array<i32>} : memref<4x128xi32, #tpu.memory_space<vmem>>, vector<1x16xi32>,
      %swap3A_1756 = vector.shape_cast %swap3A_1755 : vector<1x16xi32> to vector<16xi32>
      %swap3A_1757 = vector.shape_cast %select_n3A_1751 : vector<16xi32> to vector<1x16xi32>
      tpu.vector_store %arg8[%swap3A_1753, %swap3A_1754], %swap3A_1757 {strides = array<i32>} : memref<4x128xi32, #tpu.memory_space<vmem>>, vector<1x16xi32>,
      %add3A_1758 = arith.constant 2 : i32
      %add3A_1759 = arith.addi %add3A_1184, %add3A_1758 : i32
      %lt3A_1760 = arith.constant 200 : i32
      %lt3A_1761 = arith.cmpi slt, %add3A_1759, %lt3A_1760 : i32
      %convert_element_type3A_1762 = arith.extui %lt3A_1761 : i1 to i32
      %cond3A_1763 = arith.constant 0 : i32
      %cond3A_1764 = arith.cmpi ne, %convert_element_type3A_1762, %cond3A_1763 : i32
      scf.if %cond3A_1764 {
        %add3A_1783 = arith.constant 2 : i32
        %add3A_1784 = arith.addi %add3A_1184, %add3A_1783 : i32
        %add3A_1785 = arith.addi %mul3A_2, %add3A_1784 : i32
        %mul3A_1786 = arith.constant 512 : i32
        %mul3A_1787 = arith.muli %add3A_1785, %mul3A_1786 : i32
        %dma_start3A_1788 = tpu.memref_slice %arg2[%mul3A_1787] : memref<3276800xi32, #tpu.memory_space<hbm>> -> memref<512xi32, #tpu.memory_space<hbm>>
        %dma_start3A_1789 = tpu.memref_slice %arg2[%mul3A_1787] : memref<3276800xi32, #tpu.memory_space<hbm>> -> memref<512xi32, #tpu.memory_space<hbm>>
        tpu.enqueue_dma source(%dma_start3A_1789 : memref<512xi32, #tpu.memory_space<hbm>>) target(%arg7 : memref<512xi32, #tpu.memory_space<vmem>>) target_semaphore(%arg13 : memref<!tpu.dma_semaphore, #tpu.memory_space<semaphore_mem>>)
      } else {
      }
      %ge3A_1765 = arith.constant 1 : i32
      %ge3A_1766 = arith.cmpi sge, %add3A_1184, %ge3A_1765 : i32
      %add3A_1767 = arith.constant 1 : i32
      %add3A_1768 = arith.addi %add3A_1184, %add3A_1767 : i32
      %lt3A_1769 = arith.constant 200 : i32
      %lt3A_1770 = arith.cmpi slt, %add3A_1768, %lt3A_1769 : i32
      %and3A_1771 = arith.andi %ge3A_1766, %lt3A_1770 : i1
      %convert_element_type3A_1772 = arith.extui %and3A_1771 : i1 to i32
      %cond3A_1773 = arith.constant 0 : i32
      %cond3A_1774 = arith.cmpi ne, %convert_element_type3A_1772, %cond3A_1773 : i32
      scf.if %cond3A_1774 {
        %dma_wait3A_1783 = arith.constant 0 : i32
        %dma_wait3A_1784 = arith.constant 0 : i32
        %dma_wait3A_1785 = tpu.memref_slice %arg5[%dma_wait3A_1783, %dma_wait3A_1784] : memref<3276800x64xf32, #tpu.memory_space<hbm>> -> memref<512x64xf32, #tpu.memory_space<hbm>>
        %dma_wait3A_1786 = arith.constant 0 : i32
        %dma_wait3A_1787 = arith.constant 0 : i32
        %dma_wait3A_1788 = tpu.memref_slice %arg5[%dma_wait3A_1786, %dma_wait3A_1787] : memref<3276800x64xf32, #tpu.memory_space<hbm>> -> memref<512x64xf32, #tpu.memory_space<hbm>>
        tpu.wait_dma2 semaphore(%arg16 : memref<!tpu.dma_semaphore, #tpu.memory_space<semaphore_mem>>) src(%arg10 : memref<512x64xf32, #tpu.memory_space<vmem>>) dst(%dma_wait3A_1788 : memref<512x64xf32, #tpu.memory_space<hbm>>)
      } else {
      }
      %add3A_1775 = arith.constant 1 : i32
      %add3A_1776 = arith.addi %add3A_1184, %add3A_1775 : i32
      %lt3A_1777 = arith.constant 200 : i32
      %lt3A_1778 = arith.cmpi slt, %add3A_1776, %lt3A_1777 : i32
      %convert_element_type3A_1779 = arith.extui %lt3A_1778 : i1 to i32
      %cond3A_1780 = arith.constant 0 : i32
      %cond3A_1781 = arith.cmpi ne, %convert_element_type3A_1779, %cond3A_1780 : i32
      scf.if %cond3A_1781 {
        %dma_start3A_1783 = arith.constant 0 : i32
        %dma_start3A_1784 = arith.constant 0 : i32
        %dma_start3A_1785 = arith.constant 0 : i32
        %dma_start3A_1786 = tpu.memref_slice %arg10[%dma_start3A_1784, %dma_start3A_1785] : memref<512x64xf32, #tpu.memory_space<vmem>> -> memref<128x64xf32, #tpu.memory_space<vmem>>
        %dma_start3A_1787 = arith.constant 0 : i32
        %dma_start3A_1788 = tpu.memref_slice %arg8[%dma_start3A_1783, %dma_start3A_1787] : memref<4x128xi32, #tpu.memory_space<vmem>> -> memref<1x128xi32, #tpu.memory_space<vmem>>
        %dma_start3A_1789 = tpu.memref_squeeze %dma_start3A_1788 : memref<1x128xi32, #tpu.memory_space<vmem>> -> memref<128xi32, #tpu.memory_space<vmem>>
        %dma_start3A_1790 = arith.constant 0 : i32
        %dma_start3A_1791 = arith.constant 0 : i32
        %dma_start3A_1792 = tpu.memref_slice %arg3[%dma_start3A_1790, %dma_start3A_1791] : memref<1000000x64xf32, #tpu.memory_space<hbm>> -> memref<1000000x64xf32, #tpu.memory_space<hbm>>
        tpu.enqueue_indirect_dma source(%dma_start3A_1792 : memref<1000000x64xf32, #tpu.memory_space<hbm>>) target(%dma_start3A_1786 : memref<128x64xf32, #tpu.memory_space<vmem>>) offsets(%dma_start3A_1789 : memref<128xi32, #tpu.memory_space<vmem>>) semaphore(%arg14 : memref<!tpu.dma_semaphore, #tpu.memory_space<semaphore_mem>>)
        %dma_start3A_1793 = arith.constant 1 : i32
        %dma_start3A_1794 = arith.constant 128 : i32
        %dma_start3A_1795 = arith.constant 0 : i32
        %dma_start3A_1796 = tpu.memref_slice %arg10[%dma_start3A_1794, %dma_start3A_1795] : memref<512x64xf32, #tpu.memory_space<vmem>> -> memref<128x64xf32, #tpu.memory_space<vmem>>
        %dma_start3A_1797 = arith.constant 0 : i32
        %dma_start3A_1798 = tpu.memref_slice %arg8[%dma_start3A_1793, %dma_start3A_1797] : memref<4x128xi32, #tpu.memory_space<vmem>> -> memref<1x128xi32, #tpu.memory_space<vmem>>
        %dma_start3A_1799 = tpu.memref_squeeze %dma_start3A_1798 : memref<1x128xi32, #tpu.memory_space<vmem>> -> memref<128xi32, #tpu.memory_space<vmem>>
        %dma_start3A_1800 = arith.constant 0 : i32
        %dma_start3A_1801 = arith.constant 0 : i32
        %dma_start3A_1802 = tpu.memref_slice %arg3[%dma_start3A_1800, %dma_start3A_1801] : memref<1000000x64xf32, #tpu.memory_space<hbm>> -> memref<1000000x64xf32, #tpu.memory_space<hbm>>
        tpu.enqueue_indirect_dma source(%dma_start3A_1802 : memref<1000000x64xf32, #tpu.memory_space<hbm>>) target(%dma_start3A_1796 : memref<128x64xf32, #tpu.memory_space<vmem>>) offsets(%dma_start3A_1799 : memref<128xi32, #tpu.memory_space<vmem>>) semaphore(%arg14 : memref<!tpu.dma_semaphore, #tpu.memory_space<semaphore_mem>>)
        %dma_start3A_1803 = arith.constant 2 : i32
        %dma_start3A_1804 = arith.constant 256 : i32
        %dma_start3A_1805 = arith.constant 0 : i32
        %dma_start3A_1806 = tpu.memref_slice %arg10[%dma_start3A_1804, %dma_start3A_1805] : memref<512x64xf32, #tpu.memory_space<vmem>> -> memref<128x64xf32, #tpu.memory_space<vmem>>
        %dma_start3A_1807 = arith.constant 0 : i32
        %dma_start3A_1808 = tpu.memref_slice %arg8[%dma_start3A_1803, %dma_start3A_1807] : memref<4x128xi32, #tpu.memory_space<vmem>> -> memref<1x128xi32, #tpu.memory_space<vmem>>
        %dma_start3A_1809 = tpu.memref_squeeze %dma_start3A_1808 : memref<1x128xi32, #tpu.memory_space<vmem>> -> memref<128xi32, #tpu.memory_space<vmem>>
        %dma_start3A_1810 = arith.constant 0 : i32
        %dma_start3A_1811 = arith.constant 0 : i32
        %dma_start3A_1812 = tpu.memref_slice %arg3[%dma_start3A_1810, %dma_start3A_1811] : memref<1000000x64xf32, #tpu.memory_space<hbm>> -> memref<1000000x64xf32, #tpu.memory_space<hbm>>
        tpu.enqueue_indirect_dma source(%dma_start3A_1812 : memref<1000000x64xf32, #tpu.memory_space<hbm>>) target(%dma_start3A_1806 : memref<128x64xf32, #tpu.memory_space<vmem>>) offsets(%dma_start3A_1809 : memref<128xi32, #tpu.memory_space<vmem>>) semaphore(%arg14 : memref<!tpu.dma_semaphore, #tpu.memory_space<semaphore_mem>>)
        %dma_start3A_1813 = arith.constant 3 : i32
        %dma_start3A_1814 = arith.constant 384 : i32
        %dma_start3A_1815 = arith.constant 0 : i32
        %dma_start3A_1816 = tpu.memref_slice %arg10[%dma_start3A_1814, %dma_start3A_1815] : memref<512x64xf32, #tpu.memory_space<vmem>> -> memref<128x64xf32, #tpu.memory_space<vmem>>
        %dma_start3A_1817 = arith.constant 0 : i32
        %dma_start3A_1818 = tpu.memref_slice %arg8[%dma_start3A_1813, %dma_start3A_1817] : memref<4x128xi32, #tpu.memory_space<vmem>> -> memref<1x128xi32, #tpu.memory_space<vmem>>
        %dma_start3A_1819 = tpu.memref_squeeze %dma_start3A_1818 : memref<1x128xi32, #tpu.memory_space<vmem>> -> memref<128xi32, #tpu.memory_space<vmem>>
        %dma_start3A_1820 = arith.constant 0 : i32
        %dma_start3A_1821 = arith.constant 0 : i32
        %dma_start3A_1822 = tpu.memref_slice %arg3[%dma_start3A_1820, %dma_start3A_1821] : memref<1000000x64xf32, #tpu.memory_space<hbm>> -> memref<1000000x64xf32, #tpu.memory_space<hbm>>
        tpu.enqueue_indirect_dma source(%dma_start3A_1822 : memref<1000000x64xf32, #tpu.memory_space<hbm>>) target(%dma_start3A_1816 : memref<128x64xf32, #tpu.memory_space<vmem>>) offsets(%dma_start3A_1819 : memref<128xi32, #tpu.memory_space<vmem>>) semaphore(%arg14 : memref<!tpu.dma_semaphore, #tpu.memory_space<semaphore_mem>>)
      } else {
      }
      %scan3A_1782 = arith.constant 0 : i32
      scf.yield %scan3A_1782 : i32
    }
    %scan3A_569 = arith.constant 100 : i32
    %dma_wait3A_570 = arith.constant 0 : i32
    %dma_wait3A_571 = arith.constant 0 : i32
    %dma_wait3A_572 = tpu.memref_slice %arg5[%dma_wait3A_570, %dma_wait3A_571] : memref<3276800x64xf32, #tpu.memory_space<hbm>> -> memref<512x64xf32, #tpu.memory_space<hbm>>
    %dma_wait3A_573 = arith.constant 0 : i32
    %dma_wait3A_574 = arith.constant 0 : i32
    %dma_wait3A_575 = tpu.memref_slice %arg5[%dma_wait3A_573, %dma_wait3A_574] : memref<3276800x64xf32, #tpu.memory_space<hbm>> -> memref<512x64xf32, #tpu.memory_space<hbm>>
    tpu.wait_dma2 semaphore(%arg16 : memref<!tpu.dma_semaphore, #tpu.memory_space<semaphore_mem>>) src(%arg10 : memref<512x64xf32, #tpu.memory_space<vmem>>) dst(%dma_wait3A_575 : memref<512x64xf32, #tpu.memory_space<hbm>>)
    %dma_wait3A_576 = arith.constant 0 : i32
    %dma_wait3A_577 = arith.constant 0 : i32
    %dma_wait3A_578 = tpu.memref_slice %arg5[%dma_wait3A_576, %dma_wait3A_577] : memref<3276800x64xf32, #tpu.memory_space<hbm>> -> memref<512x64xf32, #tpu.memory_space<hbm>>
    %dma_wait3A_579 = arith.constant 0 : i32
    %dma_wait3A_580 = arith.constant 0 : i32
    %dma_wait3A_581 = tpu.memref_slice %arg5[%dma_wait3A_579, %dma_wait3A_580] : memref<3276800x64xf32, #tpu.memory_space<hbm>> -> memref<512x64xf32, #tpu.memory_space<hbm>>
    tpu.wait_dma2 semaphore(%arg17 : memref<!tpu.dma_semaphore, #tpu.memory_space<semaphore_mem>>) src(%arg11 : memref<512x64xf32, #tpu.memory_space<vmem>>) dst(%dma_wait3A_581 : memref<512x64xf32, #tpu.memory_space<hbm>>)
    return
  }
}

</mosaic_0001>

<sc_bundles>
// kernel: _sc_lookup.3.cloned.1.call-start
scs
__scs_entry_jumppad:
0x0: {  	(pc) =	sbr.rel $0x88, $3  }
0x1: {  	(tag) =	ssettag $0x0;
	lr =	simm.s32 $0x1  }
0x2: {  	[smem:$0x3F9E] =	sst lr;
	_ =	strace $0xD0000000  }
0x3: {  	_ = 	snop  }
0x4: {  	_ = 	snop  }
0x5: {  	_ = 	snop  }
0x6: {  	_ = 	snop  }
0x7: {  	_ = 	snop  }
__scs_overlays_trampoline_lowered:
0x8: {  	[smem:$0x3FAD] =	sst s0  }
0x9: {  	[smem:$0x3FAE] =	sst s1  }
0xa: {  	[smem:$0x3FAF] =	sst s2  }
0xb: {  	[smem:$0x3FB0] =	sst s3  }
0xc: {  	[smem:$0x3FB1] =	sst s4  }
0xd: {  	[smem:$0x3FB2] =	sst s5  }
0xe: {  	[smem:$0x3FB3] =	sst s6  }
0xf: {  	[smem:$0x3FB4] =	sst s7  }
0x10: {  	[smem:$0x3FB5] =	sst s8  }
0x11: {  	[smem:$0x3FB6] =	sst s9;
	s0 =	simm.s32 @!p0 $0x0  }
0x12: {  	s1 =	sld [smem:$0x3F9C];
	s0 =	simm.s32 @p0 $0x1  }
0x13: {  	[smem:$0x3FB7] =	sst s0;
	s0 =	simm.s32 @!p1 $0x0  }
0x14: {  	s2 =	sld [smem:$0x3F9B];
	s0 =	simm.s32 @p1 $0x1  }
0x15: {  	[smem:$0x3FB8] =	sst s0;
	s0 =	simm.s32 @!p2 $0x0  }
0x16: {  	s3 =	sld [smem:$0x3FDB];
	s0 =	simm.s32 @p2 $0x1  }
0x17: {  	s4 =	simm.s32 $0x1BF5;
	[smem:$0x3FBA] =	sst s0  }
0x18: {  	s0 =	sld [smem:$0x3F9D];
	_ =	swait.ge [sflag:s4], $0x0  }
0x19: {  	s7 =	sld [smem:$0x3F9E]  }
0x1a: {  	s8 =	sadd.s32 $0xFFFFE003, lr  }
0x1b: {  	s9 =	sadd.s32 $0xFFFFFEF7, lr;
	s5 =	simm.s32 $0xFFFFFFFF;
	p2 =	slt.u32 s8, $0xFFFFF086  }
0x1c: {  	p1 =	slt.u32 s9, $0xF7A;
	s5 =	simm.s32 @!p2 $0x0  }
0x1d: {  	s5 =	simm.s32 @p1 $0x1;
	p0 =	seq.s32 s7, s2  }
0x1e: {  	s7 =	smul.u32 @!p0 $0xF7A, s2;
	p2 =	seq.s32 @!p0 s5, $0x0  }
0x1f: {  	s9 =	smul.u32 $0xF7A, s1;
	s8 =	simm.s32 @!p0 $0x1BF5;
	p2 =	por !p2, p0  }
0x20: {  	[sflag:s8] =	ssyncset.s32 @!p0 $0xFFFFF086;
	s6 =	sadd.s32 @!p0 s3, s7;
	s7 =	simm.s32 @!p0 $0x108  }
0x21: {  	s3 =	sadd.s32 s3, s9;
	s6 =	sadd.s32 @!p0 $0x88, s6;
	s7 =	simm.s32 @p2 $0x1082  }
0x22: {  	[simem:s7], [sflag:s8] =	dma.local @!p0 [hbm:s6], $0xF7A  }
0x23: {  	s9 =	sor.u32 $0xD0000000, s2;
	s6 =	simm.s32 $0x108;
	_ =	swait.ge @!p0 [sflag:s8], $0x0  }
0x24: {  	s3 =	sadd.s32 $0x88, s3;
	s6 =	simm.s32 @!p1 $0x1082;
	[sflag:s4] =	ssyncset.s32 $0xFFFFF086  }
0x25: {  	[simem:s6], [sflag:s4] =	dma.local [hbm:s3], $0xF7A  }
0x26: {  	[smem:$0x3F9E] =	sst s1;
	(tag) =	ssettag s2;
	_ =	strace s9  }
0x27: {  	s1 =	sld [smem:$0x3FAE]  }
0x28: {  	s2 =	sld [smem:$0x3FAF]  }
0x29: {  	s4 =	sld [smem:$0x3FB1]  }
0x2a: {  	p0 =	seq.s32 s5, $0x0;
	s5 =	sld [smem:$0x3FB2]  }
0x2b: {  	s6 =	sld [smem:$0x3FB3]  }
0x2c: {  	s7 =	sld [smem:$0x3FB4]  }
0x2d: {  	s3 =	simm.s32 $0x108;
	s8 =	sld [smem:$0x3FB5]  }
0x2e: {  	s3 =	simm.s32 @!p0 $0x1082;
	s9 =	sld [smem:$0x3FB6]  }
0x2f: {  	lr =	sadd.s32 s0, s3;
	s0 =	sld [smem:$0x3FAD]  }
0x30: {  	s3 =	sld [smem:$0x3FB0]  }
0x31: {  	[smem:$0x3FB9] =	sst s10  }
0x32: {  	s10 =	sld [smem:$0x3FB7];
	_ =	sdelay $0x3  }
0x33: {  	p0 =	seq.s32 s10, $0x1;
	s10 =	sld [smem:$0x3FB9];
	_ =	sdelay $0x3  }
0x34: {  	[smem:$0x3FB9] =	sst s10  }
0x35: {  	s10 =	sld [smem:$0x3FB8];
	_ =	sdelay $0x3  }
0x36: {  	p1 =	seq.s32 s10, $0x1;
	s10 =	sld [smem:$0x3FB9];
	_ =	sdelay $0x3  }
0x37: {  	[smem:$0x3FB9] =	sst s10  }
0x38: {  	s10 =	sld [smem:$0x3FBA]  }
0x39: {  	_ = 	snop;
	(pc) =	sbr.ind lr, $3  }
0x3a: {  	_ = 	snop  }
0x3b: {  	_ = 	snop  }
0x3c: {  	p2 =	seq.s32 s10, $0x1;
	s10 =	sld [smem:$0x3FB9]  }
0x3d: {  	_ =	shalt  }
0x3e: {  	_ =	shalt  }
0x3f: {  	_ =	shalt  }
0x40: {  	_ =	shalt  }
0x41: {  	_ =	shalt  }
0x42: {  	_ =	shalt  }
0x43: {  	_ =	shalt  }
0x44: {  	_ =	shalt  }
0x45: {  	_ =	shalt  }
0x46: {  	_ =	shalt  }
0x47: {  	_ =	shalt  }
0x48: {  	_ =	shalt  }
0x49: {  	_ =	shalt  }
0x4a: {  	_ =	shalt  }
0x4b: {  	_ =	shalt  }
0x4c: {  	_ =	shalt  }
0x4d: {  	_ =	shalt  }
0x4e: {  	_ =	shalt  }
0x4f: {  	_ =	shalt  }
0x50: {  	_ =	shalt  }
0x51: {  	_ =	shalt  }
0x52: {  	_ =	shalt  }
0x53: {  	_ =	shalt  }
0x54: {  	_ =	shalt  }
0x55: {  	_ =	shalt  }
0x56: {  	_ =	shalt  }
0x57: {  	_ =	shalt  }
0x58: {  	_ =	shalt  }
0x59: {  	_ =	shalt  }
0x5a: {  	_ =	shalt  }
0x5b: {  	_ =	shalt  }
0x5c: {  	_ =	shalt  }
0x5d: {  	_ =	shalt  }
0x5e: {  	_ =	shalt  }
0x5f: {  	_ =	shalt  }
0x60: {  	_ =	shalt  }
0x61: {  	_ =	shalt  }
0x62: {  	_ =	shalt  }
0x63: {  	_ =	shalt  }
0x64: {  	_ =	shalt  }
0x65: {  	_ =	shalt  }
0x66: {  	_ =	shalt  }
0x67: {  	_ =	shalt  }
0x68: {  	_ =	shalt  }
0x69: {  	_ =	shalt  }
0x6a: {  	_ =	shalt  }
0x6b: {  	_ =	shalt  }
0x6c: {  	_ =	shalt  }
0x6d: {  	_ =	shalt  }
0x6e: {  	_ =	shalt  }
0x6f: {  	_ =	shalt  }
0x70: {  	_ =	shalt  }
0x71: {  	_ =	shalt  }
0x72: {  	_ =	shalt  }
0x73: {  	_ =	shalt  }
0x74: {  	_ =	shalt  }
0x75: {  	_ =	shalt  }
0x76: {  	_ =	shalt  }
0x77: {  	_ =	shalt  }
0x78: {  	_ =	shalt  }
0x79: {  	_ =	shalt  }
0x7a: {  	_ =	shalt  }
0x7b: {  	_ =	shalt  }
0x7c: {  	_ =	shalt  }
0x7d: {  	_ =	shalt  }
0x7e: {  	_ =	shalt  }
0x7f: {  	_ =	shalt  }
0x80: {  	_ =	shalt  }
0x81: {  	_ =	shalt  }
0x82: {  	_ =	shalt  }
0x83: {  	_ =	shalt  }
0x84: {  	_ =	shalt  }
0x85: {  	_ =	shalt  }
0x86: {  	_ =	shalt  }
0x87: {  	_ =	shalt  }
.Lfunc_end0:
.L_simem_size_0:
called_computation.1_lowered:
.L_overlay_start_0:
0x88: {  	s2 =	sld [smem:$0x3FD9]  }
0x89: {  	s3 =	sld [smem:$0x3FFE];
	_ =	sdelay $0x1  }
0x8a: {  	s1 =	srdreg.scid  }
0x8b: {  	s0 =	sand.u32 $0x1, s1  }
0x8c: {  	s17 =	sshll.u32 s0, $0xA;
	s2 =	sadd.s32 s3, s2  }
0x8d: {  	s2 =	sadd.s32 s2, s17  }
0x8e: {  	[smem:$0x3FC5] =	sst s2  }
0x8f: {  	_ = 	snop  }
0x90: {  	s2 =	sld [smem:$0x3FC9]  }
0x91: {  	s18 =	sld [smem:$0x3FD0];
	(tm) =	ssettm $0x1  }
0x92: {  	s4 =	sld [smem:$0x3FFB];
	_ =	sdelay $0x3  }
0x93: {  	_ =	strace s4  }
0x94: {  	s4 =	sld [smem:$0x3FFC];
	_ =	sdelay $0x3  }
0x95: {  	_ =	strace s4  }
0x96: {  	s4 =	sld [smem:$0x3FFD];
	_ =	sdelay $0x3  }
0x97: {  	_ =	strace s4  }
0x98: {  	_ =	strace $0x8FFFFFFF  }
0x99: {  	s19 =	sld [smem:$0x3FDB];
	_ =	sdelay $0x1  }
0x9a: {  	s5 =	simm.s32 $_scs_section_size  }
0x9b: {  	s6 =	simm.s32 $_size__tile_overlayer_lowered;
	s7 =	simm.s32 $_tile_overlayer_lowered  }
0x9c: {  	s22 =	simm.s32 $0x1BFF;
	s21 =	sshll.u32 s7, $0x1;
	s4 =	sadd.s32 s5, s19  }
0x9d: {  	s8 =	simm.s32 $0x0;
	s20 =	sshll.u32 s6, $0x1;
	s6 =	sadd.s32 s21, s4  }
0x9e: {  	[timem:s8], [sflag:s22] =	dma.local [hbm:s6], s20  }
0x9f: {  	_ =	swait.ge [sflag:s22], s20  }
0xa0: {  	s5 =	ssub.s32 $0x0, s20;
	[sflag:s22] =	ssyncset.done $0x0  }
0xa1: {  	[sflag:s22] =	ssyncadd.s32 s5;
	_ =	sdelay $0x1  }
0xa2: {  	s23 =	simm.s32 $0x1B8B  }
0xa3: {  	_ =	swait.ge [sflag:s23], $0x1  }
0xa4: {  	[sflag:s23] =	ssyncset.done $0x0  }
0xa5: {  	s25 =	simm.s32 $0x1B8E;
	s24 =	sld [smem:$0x3FFE];
	[sflag:s23] =	ssyncadd.s32 $0xFFFFFFFF  }
0xa6: {  	s26 =	simm.s32 $execute0_lowered;
	[smem:$0x3FD2] =	sst s25  }
0xa7: {  	s6 =	sshll.u32 s26, $0x1;
	_ =	strace $0x80000046;
	[dreg:$0x1] =	wrdreg $0xFFFFFFFF  }
0xa8: {  	s28 =	simm.s32 $_size_execute0_lowered;
	s4 =	sadd.s32 s4, s6;
	[dreg:$0x0] =	wrdreg $0x0  }
0xa9: {  	s6 =	sshll.u32 s28, $0x1;
	[dreg:$0x2] =	wrdreg s4  }
0xaa: {  	[dreg:$0x3] =	wrdreg s6  }
0xab: {  	[dreg:$0x4] =	wrdreg $0xC0  }
0xac: {  	_ =	task [dreg:s8], $0x5FFFF  }
0xad: {  	[dreg:$0x1] =	wrdreg $0xFFFFFFFF  }
0xae: {  	[dreg:$0x0] =	wrdreg $0x60  }
0xaf: {  	[dreg:$0x2] =	wrdreg s2  }
0xb0: {  	[dreg:$0x3] =	wrdreg s24  }
0xb1: {  	[dreg:$0x4] =	wrdreg s18  }
0xb2: {  	[dreg:$0x5] =	wrdreg $0x9  }
0xb3: {  	_ =	task.clear_ibuf [dreg:s8], $0x6FFFF;
	_ =	strace $0x90000046  }
0xb4: {  	s29 =	simm.s32 $0x9;
	_ =	strace $0x80000048  }
0xb5: {  	_ =	swait.ge [sflag:s29], $0x1  }
0xb6: {  	[sflag:s29] =	ssyncadd.s32 $0xFFFFFFFF  }
0xb7: {  	_ =	strace $0x90000048  }
0xb8: {  	_ =	sfence  }
0xb9: {  	s30 =	sld [smem:$0x0];
	_ =	sdelay $0x2  }
0xba: {  	s31 =	sshll.u32 s1, $0xD;
	s1 =	sshrl.u32 s1, $0x2  }
0xbb: {  	s3 =	sand.u32 $0x4000, s31;
	s1 =	sadd.s32 s1, s30  }
0xbc: {  	s0 =	sor.u32 s3, s0;
	s1 =	sshll.u32 s1, $0x11  }
0xbd: {  	s0 =	sor.u32 s1, s0  }
0xbe: {  	s0 =	sadd.s32 $0x8F2B, s0  }
0xbf: {  	[sflag:s0] =	ssyncadd.remote.s32 $0x1  }
0xc0: {  	_ =	sfence.sel $0xFFFF  }
0xc1: {  	[dreg:$0x0] =	wrdreg $0xFFFFFFFF;
	(pc) =	sbr.abs _section_cstart, $3  }
0xc2: {  	[dreg:$0x1] =	wrdreg $0xFFFFFFFF  }
0xc3: {  	_ =	task.clear_ibuf [dreg:s8], $0x2FFFF;
	_ =	strace $0x9FFFFFFF  }
0xc4: {  	(tm) =	ssettm $0x7FFFFFFF  }
0xc5: {  	_ =	shalt  }
tec
execute0_lowered:
.L_overlay_start_1:
0x0: {  	(tag) =	ssettag $0x1  }
0x1: {  	s1 =	rddreg [dreg:$0x0]  }
0x2: {  	s0 =	rddreg [dreg:$0x1]  }
0x3: {  	s3 =	rddreg [dreg:$0x2]  }
0x4: {  	s2 =	srdreg.scid;
	s5 =	stileid.u32  }
0x5: {  	s4 =	simm.s32 $0x0;
	s16 =	simm.s32 $0x800;
	s21 =	simm.s32 $0x80  }
0x6: {  	s28 =	simm.s32 $0x600;
	s29 =	simm.s32 $0x8800;
	s30 =	simm.s32 $0x680  }
0x7: {  	v0 =	vimm.s32 $0xEFCDAB89;
	s31 =	simm.s32 $0xA800;
	s13 =	simm.s32 $0xE800;
	s18 =	simm.s32 $0x5  }
0x8: {  	v1 =	vimm.s32 $0x67452301;
	v2 =	vimm.s32 $0xDCFE98BA;
	v3 =	vimm.s32 $0x54761032;
	s14 =	simm.s32 $0x6;
	s2 =	sand.u32 $0x1, s2;
	s5 =	sshll.u32 s5, $0x1  }
0x9: {  	v4 =	vimm.s32 $0xBA98FEDC;
	v5 =	vimm.s32 $0xFEDCBA98;
	s17 =	simm.s32 $0x0;
	[smem:$0x7FF] =	sst s4;
	s6 =	sor.u32 s2, s5  }
0xa: {  	v6 =	vimm.s32 $0x32107654;
	v7 =	vimm.s32 $0x76543210;
	s7 =	sadd.s32 $0x800, s0;
	v0 =	vunpack.c.l.s4.s8 v0;
	s2 =	ssub.s32 $0x2, s2;
	s8 =	smul.u32 $0x3200, s6  }
0xb: {  	v1 =	vunpack.c.l.s4.s8 v1;
	v2 =	vunpack.c.l.s4.s8 v2;
	v3 =	vunpack.c.l.s4.s8 v3;
	_ =	strace $0x80000047;
	s9 =	sshrl.u32 s2, $0x1;
	s6 =	smul.u32 $0xC8, s6  }
0xc: {  	v5 =	vunpack.c.l.s4.s8 v5;
	v4 =	vunpack.c.l.s4.s8 v4;
	v6 =	vunpack.c.l.s4.s8 v6;
	s5 =	sadd.s32 $0x2800, s0;
	s25 =	ssub.s32 s2, s9;
	s9 =	simm.s32 $0x780  }
.Ltmp0:
0xd: {  	v7 =	vunpack.c.l.s4.s8 v7;
	v0 =	vunpack.c.0.s8.s32 v0;
	v1 =	vunpack.c.0.s8.s32 v1;
	s26 =	sadd.s32 s1, s8;
	s10 =	sor.u32 $0x2, s6;
	(pc) =	sbr.rel .LBB2_1-.Ltmp0, $4  }
0xe: {  	v2 =	vunpack.c.0.s8.s32 v2;
	v3 =	vunpack.c.0.s8.s32 v3;
	v5 =	vunpack.c.0.s8.s32 v5;
	s11 =	sor.u32 $0x1, s6;
	s12 =	sor.u32 $0x3, s6;
	s0 =	smax.u32 s25, $0x1  }
0xf: {  	v4 =	vunpack.c.0.s8.s32 v4;
	v6 =	vunpack.c.0.s8.s32 v6;
	v7 =	vunpack.c.0.s8.s32 v7;
	s25 =	simm.s32 $0x3;
	s8 =	simm.s32 $0x4;
	[dreg:$0x4] =	wrdreg s26  }
0x10: {  	v0 =	vcombine.low v1, v0;
	v1 =	vcombine.low v3, v2;
	v3 =	vand.u32 $0xF, v5;
	s2 =	sadd.s32 $0x40, s26;
	[dreg:$0x6] =	wrdreg s0;
	s26 =	simm.s32 $0x2  }
0x11: {  	v2 =	vcombine.low v6, v4;
	s0 =	simm.s32 $0x700;
	v3 =	vcombine.low v3, v7;
	[dreg:$0x5] =	wrdreg s2;
	s2 =	simm.s32 $0xC800  }
.LBB2_12:
0x12: {  	_ =	swait.ge [sflag:s18], $0x8000  }
0x13: {  	[sflag:s18] =	ssyncset.done $0x0  }
0x14: {  	[sflag:s18] =	ssyncadd.s32 $0xFFFF8000  }
0x15: {  	_ =	swait.ge [sflag:s14], $0x8000  }
0x16: {  	s17 =	rddreg [dreg:$0x7]  }
0x17: {  	s15 =	rddreg [dreg:$0x6];
	s17 =	sadd.s32 $0x1, s17  }
0x18: {  	p0 =	sne.s32 s17, s15  }
.Ltmp1:
0x19: {  	_ = 	snop;
	(pc) =	sbr.rel @!p0 .LBB2_13-.Ltmp1, $3  }
0x1a: {  	_ =	sdelay $0x1  }
0x1b: {  	[sflag:s14] =	ssyncset.done $0x0  }
0x1c: {  	[sflag:s14] =	ssyncadd.s32 $0xFFFF8000  }
.LBB2_1:
0x1d: {  	[dreg:$0x7] =	wrdreg s17  }
0x1e: {  	s15 =	rddreg [dreg:$0x4]  }
0x1f: {  	[tilespmem:s4], [sflag:$0x1] =	stream.linear.gather [hbm4b:s15+s4], $0x200, $0x38;
	[tilespmem:$0x10800] =	vst v63  }
0x20: {  	s20 =	rddreg [dreg:$0x5];
	s22 =	simm.s32 $0x200;
	s23 =	simm.s32 $0x1  }
0x21: {  	[tilespmem:s22], [sflag:$0x2] =	stream.linear.gather [hbm4b:s20+s4], $0x200, $0x38;
	[tilespmem:$0x10800] =	vst v63  }
0x22: {  	_ =	swait.ge [sflag:s23], $0x200  }
0x23: {  	[sflag:s23] =	ssyncset.done $0x0  }
0x24: {  	[sflag:s23] =	ssyncadd.s32 $0xFFFFFE00  }
0x25: {  	v4 =	vld [tilespmem:$0x0]  }
0x26: {  	v5 =	vld [tilespmem:$0x10]  }
0x27: {  	v6 =	vld [tilespmem:$0x20]  }
0x28: {  	v7 =	vld [tilespmem:$0x30]  }
0x29: {  	v8 =	vld [tilespmem:$0x40]  }
0x2a: {  	v10 =	vld [tilespmem:$0x50];
	vm0 =	vgt.s32 v4, $0xF423F;
	v9 =	vadd.s32 $0xFFF0BDC0, v4  }
0x2b: {  	v11 =	vld [tilespmem:$0x60];
	vm9 =	vgt.s32 v5, $0xF423F;
	v38 =	vadd.s32 $0xFFF0BDC0, v5;
	v4 =	vsel vm0, v9, v4  }
0x2c: {  	v39 =	vld [tilespmem:$0x70];
	vm10 =	vgt.s32 v6, $0xF423F;
	[tilespmem:$0x400] =	vst v4;
	v4 =	vsel vm9, v38, v5;
	v5 =	vadd.s32 $0xFFF0BDC0, v6  }
0x2d: {  	v40 =	vld [tilespmem:$0x80];
	vm11 =	vgt.s32 v7, $0xF423F;
	[tilespmem:$0x410] =	vst v4;
	v4 =	vsel vm10, v5, v6;
	v5 =	vadd.s32 $0xFFF0BDC0, v7  }
0x2e: {  	v41 =	vld [tilespmem:$0x90];
	vm12 =	vgt.s32 v8, $0xF423F;
	[tilespmem:$0x420] =	vst v4;
	v4 =	vsel vm11, v5, v7;
	v5 =	vadd.s32 $0xFFF0BDC0, v8  }
0x2f: {  	v42 =	vld [tilespmem:$0xA0];
	vm13 =	vgt.s32 v10, $0xF423F;
	[tilespmem:$0x430] =	vst v4;
	v4 =	vsel vm12, v5, v8;
	v5 =	vadd.s32 $0xFFF0BDC0, v10  }
0x30: {  	v43 =	vld [tilespmem:$0xB0];
	vm14 =	vgt.s32 v11, $0xF423F;
	[tilespmem:$0x440] =	vst v4;
	v4 =	vsel vm13, v5, v10;
	v5 =	vadd.s32 $0xFFF0BDC0, v11  }
0x31: {  	v44 =	vld [tilespmem:$0xC0];
	vm15 =	vgt.s32 v39, $0xF423F;
	[tilespmem:$0x450] =	vst v4;
	v4 =	vsel vm14, v5, v11;
	v5 =	vadd.s32 $0xFFF0BDC0, v39  }
0x32: {  	v45 =	vld [tilespmem:$0xD0];
	vm4 =	vgt.s32 v40, $0xF423F;
	[tilespmem:$0x460] =	vst v4;
	v4 =	vsel vm15, v5, v39;
	v5 =	vadd.s32 $0xFFF0BDC0, v40  }
0x33: {  	v46 =	vld [tilespmem:$0xE0];
	vm5 =	vgt.s32 v41, $0xF423F;
	[tilespmem:$0x470] =	vst v4;
	v4 =	vsel vm4, v5, v40;
	v5 =	vadd.s32 $0xFFF0BDC0, v41  }
0x34: {  	v47 =	vld [tilespmem:$0xF0];
	vm6 =	vgt.s32 v42, $0xF423F;
	[tilespmem:$0x480] =	vst v4;
	v4 =	vsel vm5, v5, v41;
	v5 =	vadd.s32 $0xFFF0BDC0, v42  }
0x35: {  	v48 =	vld [tilespmem:$0x100];
	vm7 =	vgt.s32 v43, $0xF423F;
	[tilespmem:$0x490] =	vst v4;
	v4 =	vsel vm6, v5, v42;
	v5 =	vadd.s32 $0xFFF0BDC0, v43  }
0x36: {  	v49 =	vld [tilespmem:$0x110];
	vm8 =	vgt.s32 v44, $0xF423F;
	[tilespmem:$0x4A0] =	vst v4;
	v4 =	vsel vm7, v5, v43;
	v5 =	vadd.s32 $0xFFF0BDC0, v44  }
0x37: {  	v50 =	vld [tilespmem:$0x120];
	vm9 =	vgt.s32 v45, $0xF423F;
	[tilespmem:$0x4B0] =	vst v4;
	v4 =	vsel vm8, v5, v44;
	v5 =	vadd.s32 $0xFFF0BDC0, v45  }
0x38: {  	v51 =	vld [tilespmem:$0x130];
	vm10 =	vgt.s32 v46, $0xF423F;
	[tilespmem:$0x4C0] =	vst v4;
	v4 =	vsel vm9, v5, v45;
	v5 =	vadd.s32 $0xFFF0BDC0, v46  }
0x39: {  	v52 =	vld [tilespmem:$0x140];
	vm11 =	vgt.s32 v47, $0xF423F;
	[tilespmem:$0x4D0] =	vst v4;
	v4 =	vsel vm10, v5, v46;
	v5 =	vadd.s32 $0xFFF0BDC0, v47  }
0x3a: {  	v53 =	vld [tilespmem:$0x150];
	vm12 =	vgt.s32 v48, $0xF423F;
	[tilespmem:$0x4E0] =	vst v4;
	v4 =	vsel vm11, v5, v47;
	v5 =	vadd.s32 $0xFFF0BDC0, v48  }
0x3b: {  	v54 =	vld [tilespmem:$0x160];
	vm13 =	vgt.s32 v49, $0xF423F;
	[tilespmem:$0x4F0] =	vst v4;
	v4 =	vsel vm12, v5, v48;
	v5 =	vadd.s32 $0xFFF0BDC0, v49  }
0x3c: {  	v55 =	vld [tilespmem:$0x170];
	vm14 =	vgt.s32 v50, $0xF423F;
	[tilespmem:$0x500] =	vst v4;
	v4 =	vsel vm13, v5, v49;
	v5 =	vadd.s32 $0xFFF0BDC0, v50  }
0x3d: {  	v56 =	vld [tilespmem:$0x180];
	vm15 =	vgt.s32 v51, $0xF423F;
	[tilespmem:$0x510] =	vst v4;
	v4 =	vsel vm14, v5, v50;
	v5 =	vadd.s32 $0xFFF0BDC0, v51  }
0x3e: {  	v57 =	vld [tilespmem:$0x190];
	vm4 =	vgt.s32 v52, $0xF423F;
	[tilespmem:$0x520] =	vst v4;
	v4 =	vsel vm15, v5, v51;
	v5 =	vadd.s32 $0xFFF0BDC0, v52  }
0x3f: {  	v58 =	vld [tilespmem:$0x1A0];
	vm5 =	vgt.s32 v53, $0xF423F;
	[tilespmem:$0x530] =	vst v4;
	v4 =	vsel vm4, v5, v52;
	v5 =	vadd.s32 $0xFFF0BDC0, v53  }
0x40: {  	v59 =	vld [tilespmem:$0x1B0];
	vm6 =	vgt.s32 v54, $0xF423F;
	[tilespmem:$0x540] =	vst v4;
	v4 =	vsel vm5, v5, v53;
	v5 =	vadd.s32 $0xFFF0BDC0, v54  }
0x41: {  	v60 =	vld [tilespmem:$0x1C0];
	vm7 =	vgt.s32 v55, $0xF423F;
	[tilespmem:$0x550] =	vst v4;
	v4 =	vsel vm6, v5, v54;
	v5 =	vadd.s32 $0xFFF0BDC0, v55  }
0x42: {  	v61 =	vld [tilespmem:$0x1D0];
	vm8 =	vgt.s32 v56, $0xF423F;
	[tilespmem:$0x560] =	vst v4;
	v4 =	vsel vm7, v5, v55;
	v5 =	vadd.s32 $0xFFF0BDC0, v56  }
0x43: {  	v62 =	vld [tilespmem:$0x1E0];
	vm9 =	vgt.s32 v57, $0xF423F;
	[tilespmem:$0x570] =	vst v4;
	v4 =	vsel vm8, v5, v56;
	v5 =	vadd.s32 $0xFFF0BDC0, v57  }
0x44: {  	v63 =	vld [tilespmem:$0x1F0];
	vm10 =	vgt.s32 v58, $0xF423F;
	[tilespmem:$0x580] =	vst v4;
	v4 =	vsel vm9, v5, v57;
	v5 =	vadd.s32 $0xFFF0BDC0, v58  }
0x45: {  	vm11 =	vgt.s32 v59, $0xF423F;
	[tilespmem:$0x590] =	vst v4;
	v4 =	vsel vm10, v5, v58;
	v5 =	vadd.s32 $0xFFF0BDC0, v59  }
0x46: {  	vm12 =	vgt.s32 v60, $0xF423F;
	[tilespmem:$0x5A0] =	vst v4;
	v4 =	vsel vm11, v5, v59;
	v5 =	vadd.s32 $0xFFF0BDC0, v60  }
0x47: {  	vm13 =	vgt.s32 v61, $0xF423F;
	[tilespmem:$0x5B0] =	vst v4;
	v4 =	vsel vm12, v5, v60;
	v5 =	vadd.s32 $0xFFF0BDC0, v61  }
0x48: {  	vm14 =	vgt.s32 v62, $0xF423F;
	[tilespmem:$0x5C0] =	vst v4;
	v4 =	vsel vm13, v5, v61;
	v5 =	vadd.s32 $0xFFF0BDC0, v62  }
0x49: {  	vm15 =	vgt.s32 v63, $0xF423F;
	[tilespmem:$0x5D0] =	vst v4;
	v4 =	vsel vm14, v5, v62;
	v5 =	vadd.s32 $0xFFF0BDC0, v63  }
0x4a: {  	[tilespmem:$0x5E0] =	vst v4;
	v4 =	vsel vm15, v5, v63  }
0x4b: {  	s24 =	simm.s32 $0x400;
	[tilespmem:$0x5F0] =	vst v4  }
0x4c: {  	[tilespmem:s16], [sflag:$0x3] =	stream.indirect.gather [hbm4b:s5+s21], $0x40, s24, s21, $0xb8;
	[tilespmem:$0x10800] =	vst v63  }
0x4d: {  	s17 =	simm.s32 $0x480;
	s19 =	simm.s32 $0x2800  }
0x4e: {  	[tilespmem:s19], [sflag:$0x3] =	stream.indirect.gather [hbm4b:s5+s21], $0x40, s17, s21, $0xb8;
	[tilespmem:$0x10800] =	vst v63  }
0x4f: {  	s20 =	simm.s32 $0x500;
	s22 =	simm.s32 $0x4800  }
0x50: {  	[tilespmem:s22], [sflag:$0x3] =	stream.indirect.gather [hbm4b:s5+s21], $0x40, s20, s21, $0xb8;
	[tilespmem:$0x10800] =	vst v63  }
0x51: {  	s15 =	simm.s32 $0x0;
	s23 =	simm.s32 $0x580;
	s24 =	simm.s32 $0x6800  }
0x52: {  	[tilespmem:s24], [sflag:$0x3] =	stream.indirect.gather [hbm4b:s5+s21], $0x40, s23, s21, $0xb8;
	[tilespmem:$0x10800] =	vst v63  }
.LBB2_2:
0x53: {  	_ =	swait.ge [sflag:s25], $0x2000  }
0x54: {  	[sflag:s25] =	ssyncset.done $0x0  }
0x55: {  	[sflag:s25] =	ssyncadd.s32 $0xFFFFE000  }
0x56: {  	_ =	swait.ge [sflag:s25], $0x2000  }
0x57: {  	[sflag:s25] =	ssyncset.done $0x0  }
0x58: {  	[sflag:s25] =	ssyncadd.s32 $0xFFFFE000  }
0x59: {  	_ =	swait.ge [sflag:s25], $0x2000  }
.Ltmp2:
0x5a: {  	[sflag:s25] =	ssyncset.done $0x0;
	(pc) =	sbr.rel .LBB2_3-.Ltmp2, $4  }
0x5b: {  	[sflag:s25] =	ssyncadd.s32 $0xFFFFE000  }
0x5c: {  	_ =	swait.ge [sflag:s25], $0x2000  }
0x5d: {  	[sflag:s25] =	ssyncset.done $0x0  }
0x5e: {  	s17 =	simm.s32 $0x0;
	s19 =	simm.s32 $0x0;
	[sflag:s25] =	ssyncadd.s32 $0xFFFFE000  }
.LBB2_5:
0x5f: {  	s19 =	sadd.s32 $0x1000, s19  }
0x60: {  	p0 =	sne.s32 s19, $0x20000  }
.Ltmp3:
0x61: {  	_ = 	snop;
	(pc) =	sbr.rel @!p0 .LBB2_6-.Ltmp3, $2  }
0x62: {  	_ =	sdelay $0x2  }
0x63: {  	s17 =	sadd.s32 $0x10, s17  }
.LBB2_3:
0x64: {  	v4 =	vld [tilespmem:s17+$0x0];
	_ =	sdelay $0x4  }
0x65: {  	v5 =	vcvt.s32.f32 v4;
	_ =	sdelay $0x1  }
0x66: {  	v6 =	vperm.xlane v5, v0;
	_ =	sdelay $0x1  }
0x67: {  	v5 =	vmax.f32 v5, v6  }
0x68: {  	v6 =	vperm.xlane v5, v1;
	_ =	sdelay $0x1  }
0x69: {  	v5 =	vmax.f32 v5, v6  }
0x6a: {  	v6 =	vperm.xlane v5, v2;
	_ =	sdelay $0x1  }
0x6b: {  	v5 =	vmax.f32 v5, v6  }
0x6c: {  	v6 =	vperm.xlane v5, v3;
	_ =	sdelay $0x1  }
0x6d: {  	v5 =	vmax.f32 v5, v6  }
0x6e: {  	(v2sf) =	vpush v5, $0x0;
	_ =	sdelay $0xe  }
0x6f: {  	s20 =	spop (v2sf)  }
0x70: {  	p0 =	sge.f32 s20, $1.000000000e+06  }
.Ltmp4:
0x71: {  	_ = 	snop;
	(pc) =	sbr.rel @!p0 .LBB2_5-.Ltmp4, $1  }
0x72: {  	_ =	sdelay $0x3  }
0x73: {  	(v2sf) =	vpush v4, $0x0;
	_ =	sdelay $0xe  }
0x74: {  	s20 =	spop (v2sf)  }
0x75: {  	p1 =	slt.s32 s20, $0xF4240  }
0x76: {  	s20 =	sshll.u32 @!p1 s20, $0x6  }
0x77: {  	s20 =	sadd.s32 @!p1 $0xFC2F7000, s20  }
0x78: {  	s22 =	sshra.s32 @!p1 s19, $0x2;
	s20 =	sshrl.u32 @!p1 s20, $0x3  }
0x79: {  	s23 =	simm.s32 @!p1 $0x0;
	s22 =	sadd.s32 @!p1 $0x800, s22;
	s20 =	sadd.s32 @!p1 s7, s20  }
0x7a: {  	[tilespmem:s22], [sflag:$0x7] =	stream.linear.gather @!p1 [hbm4b:s20+s23], $0x40, $0x38;
	[tilespmem:$0x10800] =	vst v63  }
0x7b: {  	s20 =	simm.s32 @!p1 $0x7  }
0x7c: {  	_ =	swait.ge @!p1 [sflag:s20], $0x40  }
0x7d: {  	(v2sf) =	vpush v4, $0x1;
	_ =	sdelay $0xe  }
0x7e: {  	s22 =	spop (v2sf)  }
0x7f: {  	p0 =	slt.s32 s22, $0xF4240  }
0x80: {  	s22 =	sshll.u32 @!p0 s22, $0x6  }
0x81: {  	[sflag:s20] =	ssyncset.done @!p1 $0x0;
	s22 =	sadd.s32 @!p0 $0xFC2F7000, s22  }
0x82: {  	[sflag:s20] =	ssyncadd.s32 @!p1 $0xFFFFFFC0;
	s20 =	sshra.s32 @!p0 s19, $0x2;
	s22 =	sshrl.u32 @!p0 s22, $0x3  }
0x83: {  	s23 =	simm.s32 @!p0 $0x0;
	s20 =	sadd.s32 @!p0 $0x840, s20;
	s22 =	sadd.s32 @!p0 s7, s22  }
0x84: {  	[tilespmem:s20], [sflag:$0x7] =	stream.linear.gather @!p0 [hbm4b:s22+s23], $0x40, $0x38;
	[tilespmem:$0x10800] =	vst v63  }
0x85: {  	s20 =	simm.s32 @!p0 $0x7  }
0x86: {  	_ =	swait.ge @!p0 [sflag:s20], $0x40  }
0x87: {  	(v2sf) =	vpush v4, $0x2;
	_ =	sdelay $0xe  }
0x88: {  	s22 =	spop (v2sf)  }
0x89: {  	p1 =	slt.s32 s22, $0xF4240  }
0x8a: {  	s22 =	sshll.u32 @!p1 s22, $0x6  }
0x8b: {  	[sflag:s20] =	ssyncset.done @!p0 $0x0;
	s22 =	sadd.s32 @!p1 $0xFC2F7000, s22  }
0x8c: {  	[sflag:s20] =	ssyncadd.s32 @!p0 $0xFFFFFFC0;
	s20 =	sshra.s32 @!p1 s19, $0x2;
	s22 =	sshrl.u32 @!p1 s22, $0x3  }
0x8d: {  	s23 =	simm.s32 @!p1 $0x0;
	s20 =	sadd.s32 @!p1 $0x880, s20;
	s22 =	sadd.s32 @!p1 s7, s22  }
0x8e: {  	[tilespmem:s20], [sflag:$0x7] =	stream.linear.gather @!p1 [hbm4b:s22+s23], $0x40, $0x38;
	[tilespmem:$0x10800] =	vst v63  }
0x8f: {  	s20 =	simm.s32 @!p1 $0x7  }
0x90: {  	_ =	swait.ge @!p1 [sflag:s20], $0x40  }
0x91: {  	(v2sf) =	vpush v4, $0x3;
	_ =	sdelay $0xe  }
0x92: {  	s22 =	spop (v2sf)  }
0x93: {  	p0 =	slt.s32 s22, $0xF4240  }
0x94: {  	s22 =	sshll.u32 @!p0 s22, $0x6  }
0x95: {  	[sflag:s20] =	ssyncset.done @!p1 $0x0;
	s22 =	sadd.s32 @!p0 $0xFC2F7000, s22  }
0x96: {  	[sflag:s20] =	ssyncadd.s32 @!p1 $0xFFFFFFC0;
	s20 =	sshra.s32 @!p0 s19, $0x2;
	s22 =	sshrl.u32 @!p0 s22, $0x3  }
0x97: {  	s23 =	simm.s32 @!p0 $0x0;
	s20 =	sadd.s32 @!p0 $0x8C0, s20;
	s22 =	sadd.s32 @!p0 s7, s22  }
0x98: {  	[tilespmem:s20], [sflag:$0x7] =	stream.linear.gather @!p0 [hbm4b:s22+s23], $0x40, $0x38;
	[tilespmem:$0x10800] =	vst v63  }
0x99: {  	s20 =	simm.s32 @!p0 $0x7  }
0x9a: {  	_ =	swait.ge @!p0 [sflag:s20], $0x40  }
0x9b: {  	(v2sf) =	vpush v4, $0x4;
	_ =	sdelay $0xe  }
0x9c: {  	s22 =	spop (v2sf)  }
0x9d: {  	p1 =	slt.s32 s22, $0xF4240  }
0x9e: {  	s22 =	sshll.u32 @!p1 s22, $0x6  }
0x9f: {  	[sflag:s20] =	ssyncset.done @!p0 $0x0;
	s22 =	sadd.s32 @!p1 $0xFC2F7000, s22  }
0xa0: {  	[sflag:s20] =	ssyncadd.s32 @!p0 $0xFFFFFFC0;
	s20 =	sshra.s32 @!p1 s19, $0x2;
	s22 =	sshrl.u32 @!p1 s22, $0x3  }
0xa1: {  	s23 =	simm.s32 @!p1 $0x0;
	s20 =	sadd.s32 @!p1 $0x900, s20;
	s22 =	sadd.s32 @!p1 s7, s22  }
0xa2: {  	[tilespmem:s20], [sflag:$0x7] =	stream.linear.gather @!p1 [hbm4b:s22+s23], $0x40, $0x38;
	[tilespmem:$0x10800] =	vst v63  }
0xa3: {  	s20 =	simm.s32 @!p1 $0x7  }
0xa4: {  	_ =	swait.ge @!p1 [sflag:s20], $0x40  }
0xa5: {  	(v2sf) =	vpush v4, $0x5;
	_ =	sdelay $0xe  }
0xa6: {  	s22 =	spop (v2sf)  }
0xa7: {  	p0 =	slt.s32 s22, $0xF4240  }
0xa8: {  	s22 =	sshll.u32 @!p0 s22, $0x6  }
0xa9: {  	[sflag:s20] =	ssyncset.done @!p1 $0x0;
	s22 =	sadd.s32 @!p0 $0xFC2F7000, s22  }
0xaa: {  	[sflag:s20] =	ssyncadd.s32 @!p1 $0xFFFFFFC0;
	s20 =	sshra.s32 @!p0 s19, $0x2;
	s22 =	sshrl.u32 @!p0 s22, $0x3  }
0xab: {  	s23 =	simm.s32 @!p0 $0x0;
	s20 =	sadd.s32 @!p0 $0x940, s20;
	s22 =	sadd.s32 @!p0 s7, s22  }
0xac: {  	[tilespmem:s20], [sflag:$0x7] =	stream.linear.gather @!p0 [hbm4b:s22+s23], $0x40, $0x38;
	[tilespmem:$0x10800] =	vst v63  }
0xad: {  	s20 =	simm.s32 @!p0 $0x7  }
0xae: {  	_ =	swait.ge @!p0 [sflag:s20], $0x40  }
0xaf: {  	(v2sf) =	vpush v4, $0x6;
	_ =	sdelay $0xe  }
0xb0: {  	s22 =	spop (v2sf)  }
0xb1: {  	p1 =	slt.s32 s22, $0xF4240  }
0xb2: {  	s22 =	sshll.u32 @!p1 s22, $0x6  }
0xb3: {  	[sflag:s20] =	ssyncset.done @!p0 $0x0;
	s22 =	sadd.s32 @!p1 $0xFC2F7000, s22  }
0xb4: {  	[sflag:s20] =	ssyncadd.s32 @!p0 $0xFFFFFFC0;
	s20 =	sshra.s32 @!p1 s19, $0x2;
	s22 =	sshrl.u32 @!p1 s22, $0x3  }
0xb5: {  	s23 =	simm.s32 @!p1 $0x0;
	s20 =	sadd.s32 @!p1 $0x980, s20;
	s22 =	sadd.s32 @!p1 s7, s22  }
0xb6: {  	[tilespmem:s20], [sflag:$0x7] =	stream.linear.gather @!p1 [hbm4b:s22+s23], $0x40, $0x38;
	[tilespmem:$0x10800] =	vst v63  }
0xb7: {  	s20 =	simm.s32 @!p1 $0x7  }
0xb8: {  	_ =	swait.ge @!p1 [sflag:s20], $0x40  }
0xb9: {  	(v2sf) =	vpush v4, $0x7;
	_ =	sdelay $0xe  }
0xba: {  	s22 =	spop (v2sf)  }
0xbb: {  	p0 =	slt.s32 s22, $0xF4240  }
0xbc: {  	s22 =	sshll.u32 @!p0 s22, $0x6  }
0xbd: {  	[sflag:s20] =	ssyncset.done @!p1 $0x0;
	s22 =	sadd.s32 @!p0 $0xFC2F7000, s22  }
0xbe: {  	[sflag:s20] =	ssyncadd.s32 @!p1 $0xFFFFFFC0;
	s20 =	sshra.s32 @!p0 s19, $0x2;
	s22 =	sshrl.u32 @!p0 s22, $0x3  }
0xbf: {  	s23 =	simm.s32 @!p0 $0x0;
	s20 =	sadd.s32 @!p0 $0x9C0, s20;
	s22 =	sadd.s32 @!p0 s7, s22  }
0xc0: {  	[tilespmem:s20], [sflag:$0x7] =	stream.linear.gather @!p0 [hbm4b:s22+s23], $0x40, $0x38;
	[tilespmem:$0x10800] =	vst v63  }
0xc1: {  	s20 =	simm.s32 @!p0 $0x7  }
0xc2: {  	_ =	swait.ge @!p0 [sflag:s20], $0x40  }
0xc3: {  	(v2sf) =	vpush v4, $0x8;
	_ =	sdelay $0xe  }
0xc4: {  	s22 =	spop (v2sf)  }
0xc5: {  	p1 =	slt.s32 s22, $0xF4240  }
0xc6: {  	s22 =	sshll.u32 @!p1 s22, $0x6  }
0xc7: {  	[sflag:s20] =	ssyncset.done @!p0 $0x0;
	s22 =	sadd.s32 @!p1 $0xFC2F7000, s22  }
0xc8: {  	[sflag:s20] =	ssyncadd.s32 @!p0 $0xFFFFFFC0;
	s20 =	sshra.s32 @!p1 s19, $0x2;
	s22 =	sshrl.u32 @!p1 s22, $0x3  }
0xc9: {  	s23 =	simm.s32 @!p1 $0x0;
	s20 =	sadd.s32 @!p1 $0xA00, s20;
	s22 =	sadd.s32 @!p1 s7, s22  }
0xca: {  	[tilespmem:s20], [sflag:$0x7] =	stream.linear.gather @!p1 [hbm4b:s22+s23], $0x40, $0x38;
	[tilespmem:$0x10800] =	vst v63  }
0xcb: {  	s20 =	simm.s32 @!p1 $0x7  }
0xcc: {  	_ =	swait.ge @!p1 [sflag:s20], $0x40  }
0xcd: {  	(v2sf) =	vpush v4, $0x9;
	_ =	sdelay $0xe  }
0xce: {  	s22 =	spop (v2sf)  }
0xcf: {  	p0 =	slt.s32 s22, $0xF4240  }
0xd0: {  	s22 =	sshll.u32 @!p0 s22, $0x6  }
0xd1: {  	[sflag:s20] =	ssyncset.done @!p1 $0x0;
	s22 =	sadd.s32 @!p0 $0xFC2F7000, s22  }
0xd2: {  	[sflag:s20] =	ssyncadd.s32 @!p1 $0xFFFFFFC0;
	s20 =	sshra.s32 @!p0 s19, $0x2;
	s22 =	sshrl.u32 @!p0 s22, $0x3  }
0xd3: {  	s23 =	simm.s32 @!p0 $0x0;
	s20 =	sadd.s32 @!p0 $0xA40, s20;
	s22 =	sadd.s32 @!p0 s7, s22  }
0xd4: {  	[tilespmem:s20], [sflag:$0x7] =	stream.linear.gather @!p0 [hbm4b:s22+s23], $0x40, $0x38;
	[tilespmem:$0x10800] =	vst v63  }
0xd5: {  	s20 =	simm.s32 @!p0 $0x7  }
0xd6: {  	_ =	swait.ge @!p0 [sflag:s20], $0x40  }
0xd7: {  	(v2sf) =	vpush v4, $0xA;
	_ =	sdelay $0xe  }
0xd8: {  	s22 =	spop (v2sf)  }
0xd9: {  	p1 =	slt.s32 s22, $0xF4240  }
0xda: {  	s22 =	sshll.u32 @!p1 s22, $0x6  }
0xdb: {  	[sflag:s20] =	ssyncset.done @!p0 $0x0;
	s22 =	sadd.s32 @!p1 $0xFC2F7000, s22  }
0xdc: {  	[sflag:s20] =	ssyncadd.s32 @!p0 $0xFFFFFFC0;
	s20 =	sshra.s32 @!p1 s19, $0x2;
	s22 =	sshrl.u32 @!p1 s22, $0x3  }
0xdd: {  	s23 =	simm.s32 @!p1 $0x0;
	s20 =	sadd.s32 @!p1 $0xA80, s20;
	s22 =	sadd.s32 @!p1 s7, s22  }
0xde: {  	[tilespmem:s20], [sflag:$0x7] =	stream.linear.gather @!p1 [hbm4b:s22+s23], $0x40, $0x38;
	[tilespmem:$0x10800] =	vst v63  }
0xdf: {  	s20 =	simm.s32 @!p1 $0x7  }
0xe0: {  	_ =	swait.ge @!p1 [sflag:s20], $0x40  }
0xe1: {  	(v2sf) =	vpush v4, $0xB;
	_ =	sdelay $0xe  }
0xe2: {  	s22 =	spop (v2sf)  }
0xe3: {  	p0 =	slt.s32 s22, $0xF4240  }
0xe4: {  	s22 =	sshll.u32 @!p0 s22, $0x6  }
0xe5: {  	[sflag:s20] =	ssyncset.done @!p1 $0x0;
	s22 =	sadd.s32 @!p0 $0xFC2F7000, s22  }
0xe6: {  	[sflag:s20] =	ssyncadd.s32 @!p1 $0xFFFFFFC0;
	s20 =	sshra.s32 @!p0 s19, $0x2;
	s22 =	sshrl.u32 @!p0 s22, $0x3  }
0xe7: {  	s23 =	simm.s32 @!p0 $0x0;
	s20 =	sadd.s32 @!p0 $0xAC0, s20;
	s22 =	sadd.s32 @!p0 s7, s22  }
0xe8: {  	[tilespmem:s20], [sflag:$0x7] =	stream.linear.gather @!p0 [hbm4b:s22+s23], $0x40, $0x38;
	[tilespmem:$0x10800] =	vst v63  }
0xe9: {  	s20 =	simm.s32 @!p0 $0x7  }
0xea: {  	_ =	swait.ge @!p0 [sflag:s20], $0x40  }
0xeb: {  	(v2sf) =	vpush v4, $0xC;
	_ =	sdelay $0xe  }
0xec: {  	s22 =	spop (v2sf)  }
0xed: {  	p1 =	slt.s32 s22, $0xF4240  }
0xee: {  	s22 =	sshll.u32 @!p1 s22, $0x6  }
0xef: {  	[sflag:s20] =	ssyncset.done @!p0 $0x0;
	s22 =	sadd.s32 @!p1 $0xFC2F7000, s22  }
0xf0: {  	[sflag:s20] =	ssyncadd.s32 @!p0 $0xFFFFFFC0;
	s20 =	sshra.s32 @!p1 s19, $0x2;
	s22 =	sshrl.u32 @!p1 s22, $0x3  }
0xf1: {  	s23 =	simm.s32 @!p1 $0x0;
	s20 =	sadd.s32 @!p1 $0xB00, s20;
	s22 =	sadd.s32 @!p1 s7, s22  }
0xf2: {  	[tilespmem:s20], [sflag:$0x7] =	stream.linear.gather @!p1 [hbm4b:s22+s23], $0x40, $0x38;
	[tilespmem:$0x10800] =	vst v63  }
0xf3: {  	s20 =	simm.s32 @!p1 $0x7  }
0xf4: {  	_ =	swait.ge @!p1 [sflag:s20], $0x40  }
0xf5: {  	(v2sf) =	vpush v4, $0xD;
	_ =	sdelay $0xe  }
0xf6: {  	s22 =	spop (v2sf)  }
0xf7: {  	p0 =	slt.s32 s22, $0xF4240  }
0xf8: {  	s22 =	sshll.u32 @!p0 s22, $0x6  }
0xf9: {  	[sflag:s20] =	ssyncset.done @!p1 $0x0;
	s22 =	sadd.s32 @!p0 $0xFC2F7000, s22  }
0xfa: {  	[sflag:s20] =	ssyncadd.s32 @!p1 $0xFFFFFFC0;
	s20 =	sshra.s32 @!p0 s19, $0x2;
	s22 =	sshrl.u32 @!p0 s22, $0x3  }
0xfb: {  	s23 =	simm.s32 @!p0 $0x0;
	s20 =	sadd.s32 @!p0 $0xB40, s20;
	s22 =	sadd.s32 @!p0 s7, s22  }
0xfc: {  	[tilespmem:s20], [sflag:$0x7] =	stream.linear.gather @!p0 [hbm4b:s22+s23], $0x40, $0x38;
	[tilespmem:$0x10800] =	vst v63  }
0xfd: {  	s20 =	simm.s32 @!p0 $0x7  }
0xfe: {  	_ =	swait.ge @!p0 [sflag:s20], $0x40  }
0xff: {  	(v2sf) =	vpush v4, $0xE;
	_ =	sdelay $0xe  }
0x100: {  	s22 =	spop (v2sf)  }
0x101: {  	p1 =	slt.s32 s22, $0xF4240  }
0x102: {  	s22 =	sshll.u32 @!p1 s22, $0x6  }
0x103: {  	[sflag:s20] =	ssyncset.done @!p0 $0x0;
	s22 =	sadd.s32 @!p1 $0xFC2F7000, s22  }
0x104: {  	[sflag:s20] =	ssyncadd.s32 @!p0 $0xFFFFFFC0;
	s20 =	sshra.s32 @!p1 s19, $0x2;
	s22 =	sshrl.u32 @!p1 s22, $0x3  }
0x105: {  	s23 =	simm.s32 @!p1 $0x0;
	s20 =	sadd.s32 @!p1 $0xB80, s20;
	s22 =	sadd.s32 @!p1 s7, s22  }
0x106: {  	[tilespmem:s20], [sflag:$0x7] =	stream.linear.gather @!p1 [hbm4b:s22+s23], $0x40, $0x38;
	[tilespmem:$0x10800] =	vst v63  }
0x107: {  	s20 =	simm.s32 @!p1 $0x7  }
0x108: {  	_ =	swait.ge @!p1 [sflag:s20], $0x40  }
0x109: {  	(v2sf) =	vpush v4, $0xF;
	_ =	sdelay $0xe  }
0x10a: {  	s22 =	spop (v2sf)  }
0x10b: {  	p0 =	slt.s32 s22, $0xF4240  }
0x10c: {  	s22 =	sshll.u32 @!p0 s22, $0x6  }
0x10d: {  	[sflag:s20] =	ssyncset.done @!p1 $0x0;
	s22 =	sadd.s32 @!p0 $0xFC2F7000, s22  }
0x10e: {  	[sflag:s20] =	ssyncadd.s32 @!p1 $0xFFFFFFC0;
	s20 =	sshra.s32 @!p0 s19, $0x2;
	s22 =	sshrl.u32 @!p0 s22, $0x3  }
0x10f: {  	s23 =	simm.s32 @!p0 $0x0;
	s20 =	sadd.s32 @!p0 $0xBC0, s20;
	s22 =	sadd.s32 @!p0 s7, s22  }
0x110: {  	[tilespmem:s20], [sflag:$0x7] =	stream.linear.gather @!p0 [hbm4b:s22+s23], $0x40, $0x38;
	[tilespmem:$0x10800] =	vst v63  }
.Ltmp5:
0x111: {  	_ = 	snop;
	(pc) =	sbr.rel .LBB2_5-.Ltmp5, $4  }
0x112: {  	s20 =	simm.s32 @!p0 $0x7  }
0x113: {  	_ =	swait.ge @!p0 [sflag:s20], $0x40  }
0x114: {  	[sflag:s20] =	ssyncset.done @!p0 $0x0  }
0x115: {  	[sflag:s20] =	ssyncadd.s32 @!p0 $0xFFFFFFC0  }
.LBB2_6:
0x116: {  	s17 =	sshll.u32 s15, $0x1  }
0x117: {  	s19 =	sadd.s32 s6, s17  }
0x118: {  	s19 =	sshll.u32 s19, $0xC  }
0x119: {  	s19 =	sadd.s32 s3, s19  }
0x11a: {  	[hbm4b:s19+s4] =	stream.linear.scatter [tilespmem:s16], [sflag:$0x5], $0x8000, $0x38;
	[tilespmem:$0x10800] =	vst v63  }
0x11b: {  	_ =	swait.ge [sflag:s26], $0x200  }
0x11c: {  	[sflag:s26] =	ssyncset.done $0x0  }
0x11d: {  	[sflag:s26] =	ssyncadd.s32 $0xFFFFFE00  }
0x11e: {  	v4 =	vld [tilespmem:$0x200]  }
0x11f: {  	v5 =	vld [tilespmem:$0x210]  }
0x120: {  	v6 =	vld [tilespmem:$0x220]  }
0x121: {  	v7 =	vld [tilespmem:$0x230]  }
0x122: {  	v8 =	vld [tilespmem:$0x240]  }
0x123: {  	v10 =	vld [tilespmem:$0x250];
	vm0 =	vgt.s32 v4, $0xF423F;
	v9 =	vadd.s32 $0xFFF0BDC0, v4  }
0x124: {  	v11 =	vld [tilespmem:$0x260];
	vm9 =	vgt.s32 v5, $0xF423F;
	v38 =	vadd.s32 $0xFFF0BDC0, v5;
	v4 =	vsel vm0, v9, v4  }
0x125: {  	v39 =	vld [tilespmem:$0x270];
	vm10 =	vgt.s32 v6, $0xF423F;
	[tilespmem:$0x600] =	vst v4;
	v4 =	vsel vm9, v38, v5;
	v5 =	vadd.s32 $0xFFF0BDC0, v6  }
0x126: {  	v40 =	vld [tilespmem:$0x280];
	vm11 =	vgt.s32 v7, $0xF423F;
	[tilespmem:$0x610] =	vst v4;
	v4 =	vsel vm10, v5, v6;
	v5 =	vadd.s32 $0xFFF0BDC0, v7  }
0x127: {  	v41 =	vld [tilespmem:$0x290];
	vm12 =	vgt.s32 v8, $0xF423F;
	[tilespmem:$0x620] =	vst v4;
	v4 =	vsel vm11, v5, v7;
	v5 =	vadd.s32 $0xFFF0BDC0, v8  }
0x128: {  	v42 =	vld [tilespmem:$0x2A0];
	vm13 =	vgt.s32 v10, $0xF423F;
	[tilespmem:$0x630] =	vst v4;
	v4 =	vsel vm12, v5, v8;
	v5 =	vadd.s32 $0xFFF0BDC0, v10  }
0x129: {  	v43 =	vld [tilespmem:$0x2B0];
	vm14 =	vgt.s32 v11, $0xF423F;
	[tilespmem:$0x640] =	vst v4;
	v4 =	vsel vm13, v5, v10;
	v5 =	vadd.s32 $0xFFF0BDC0, v11  }
0x12a: {  	v44 =	vld [tilespmem:$0x2C0];
	vm15 =	vgt.s32 v39, $0xF423F;
	[tilespmem:$0x650] =	vst v4;
	v4 =	vsel vm14, v5, v11;
	v5 =	vadd.s32 $0xFFF0BDC0, v39  }
0x12b: {  	v45 =	vld [tilespmem:$0x2D0];
	vm4 =	vgt.s32 v40, $0xF423F;
	[tilespmem:$0x660] =	vst v4;
	v4 =	vsel vm15, v5, v39;
	v5 =	vadd.s32 $0xFFF0BDC0, v40  }
0x12c: {  	v46 =	vld [tilespmem:$0x2E0];
	vm5 =	vgt.s32 v41, $0xF423F;
	[tilespmem:$0x670] =	vst v4;
	v4 =	vsel vm4, v5, v40;
	v5 =	vadd.s32 $0xFFF0BDC0, v41  }
0x12d: {  	v47 =	vld [tilespmem:$0x2F0];
	vm6 =	vgt.s32 v42, $0xF423F;
	[tilespmem:$0x680] =	vst v4;
	v4 =	vsel vm5, v5, v41;
	v5 =	vadd.s32 $0xFFF0BDC0, v42  }
0x12e: {  	v48 =	vld [tilespmem:$0x300];
	vm7 =	vgt.s32 v43, $0xF423F;
	[tilespmem:$0x690] =	vst v4;
	v4 =	vsel vm6, v5, v42;
	v5 =	vadd.s32 $0xFFF0BDC0, v43  }
0x12f: {  	v49 =	vld [tilespmem:$0x310];
	vm8 =	vgt.s32 v44, $0xF423F;
	[tilespmem:$0x6A0] =	vst v4;
	v4 =	vsel vm7, v5, v43;
	v5 =	vadd.s32 $0xFFF0BDC0, v44  }
0x130: {  	v50 =	vld [tilespmem:$0x320];
	vm9 =	vgt.s32 v45, $0xF423F;
	[tilespmem:$0x6B0] =	vst v4;
	v4 =	vsel vm8, v5, v44;
	v5 =	vadd.s32 $0xFFF0BDC0, v45  }
0x131: {  	v51 =	vld [tilespmem:$0x330];
	vm10 =	vgt.s32 v46, $0xF423F;
	[tilespmem:$0x6C0] =	vst v4;
	v4 =	vsel vm9, v5, v45;
	v5 =	vadd.s32 $0xFFF0BDC0, v46  }
0x132: {  	v52 =	vld [tilespmem:$0x340];
	vm11 =	vgt.s32 v47, $0xF423F;
	[tilespmem:$0x6D0] =	vst v4;
	v4 =	vsel vm10, v5, v46;
	v5 =	vadd.s32 $0xFFF0BDC0, v47  }
0x133: {  	v53 =	vld [tilespmem:$0x350];
	vm12 =	vgt.s32 v48, $0xF423F;
	[tilespmem:$0x6E0] =	vst v4;
	v4 =	vsel vm11, v5, v47;
	v5 =	vadd.s32 $0xFFF0BDC0, v48  }
0x134: {  	v54 =	vld [tilespmem:$0x360];
	vm13 =	vgt.s32 v49, $0xF423F;
	[tilespmem:$0x6F0] =	vst v4;
	v4 =	vsel vm12, v5, v48;
	v5 =	vadd.s32 $0xFFF0BDC0, v49  }
0x135: {  	v55 =	vld [tilespmem:$0x370];
	vm14 =	vgt.s32 v50, $0xF423F;
	[tilespmem:$0x700] =	vst v4;
	v4 =	vsel vm13, v5, v49;
	v5 =	vadd.s32 $0xFFF0BDC0, v50  }
0x136: {  	v56 =	vld [tilespmem:$0x380];
	vm15 =	vgt.s32 v51, $0xF423F;
	[tilespmem:$0x710] =	vst v4;
	v4 =	vsel vm14, v5, v50;
	v5 =	vadd.s32 $0xFFF0BDC0, v51  }
0x137: {  	v57 =	vld [tilespmem:$0x390];
	vm4 =	vgt.s32 v52, $0xF423F;
	[tilespmem:$0x720] =	vst v4;
	v4 =	vsel vm15, v5, v51;
	v5 =	vadd.s32 $0xFFF0BDC0, v52  }
0x138: {  	v58 =	vld [tilespmem:$0x3A0];
	vm5 =	vgt.s32 v53, $0xF423F;
	[tilespmem:$0x730] =	vst v4;
	v4 =	vsel vm4, v5, v52;
	v5 =	vadd.s32 $0xFFF0BDC0, v53  }
0x139: {  	v59 =	vld [tilespmem:$0x3B0];
	vm6 =	vgt.s32 v54, $0xF423F;
	[tilespmem:$0x740] =	vst v4;
	v4 =	vsel vm5, v5, v53;
	v5 =	vadd.s32 $0xFFF0BDC0, v54  }
0x13a: {  	v60 =	vld [tilespmem:$0x3C0];
	vm7 =	vgt.s32 v55, $0xF423F;
	[tilespmem:$0x750] =	vst v4;
	v4 =	vsel vm6, v5, v54;
	v5 =	vadd.s32 $0xFFF0BDC0, v55  }
0x13b: {  	v61 =	vld [tilespmem:$0x3D0];
	vm8 =	vgt.s32 v56, $0xF423F;
	[tilespmem:$0x760] =	vst v4;
	v4 =	vsel vm7, v5, v55;
	v5 =	vadd.s32 $0xFFF0BDC0, v56  }
0x13c: {  	v62 =	vld [tilespmem:$0x3E0];
	vm9 =	vgt.s32 v57, $0xF423F;
	[tilespmem:$0x770] =	vst v4;
	v4 =	vsel vm8, v5, v56;
	v5 =	vadd.s32 $0xFFF0BDC0, v57  }
0x13d: {  	v63 =	vld [tilespmem:$0x3F0];
	vm10 =	vgt.s32 v58, $0xF423F;
	[tilespmem:$0x780] =	vst v4;
	v4 =	vsel vm9, v5, v57;
	v5 =	vadd.s32 $0xFFF0BDC0, v58  }
0x13e: {  	vm11 =	vgt.s32 v59, $0xF423F;
	[tilespmem:$0x790] =	vst v4;
	v4 =	vsel vm10, v5, v58;
	v5 =	vadd.s32 $0xFFF0BDC0, v59  }
0x13f: {  	vm12 =	vgt.s32 v60, $0xF423F;
	[tilespmem:$0x7A0] =	vst v4;
	v4 =	vsel vm11, v5, v59;
	v5 =	vadd.s32 $0xFFF0BDC0, v60  }
0x140: {  	p0 =	seq.s32 s15, $0x63;
	vm13 =	vgt.s32 v61, $0xF423F;
	[tilespmem:$0x7B0] =	vst v4;
	v4 =	vsel vm12, v5, v60;
	v5 =	vadd.s32 $0xFFF0BDC0, v61  }
0x141: {  	s19 =	sadd.s32 @!p0 s17, s10;
	vm14 =	vgt.s32 v62, $0xF423F;
	[tilespmem:$0x7C0] =	vst v4;
	v4 =	vsel vm13, v5, v61;
	v5 =	vadd.s32 $0xFFF0BDC0, v62  }
0x142: {  	s19 =	sshll.u32 @!p0 s19, $0x6;
	vm15 =	vgt.s32 v63, $0xF423F;
	[tilespmem:$0x7D0] =	vst v4;
	v4 =	vsel vm14, v5, v62;
	v5 =	vadd.s32 $0xFFF0BDC0, v63  }
0x143: {  	p1 =	seq.s32 @!p0 s15, $0x0;
	s19 =	sand.u32 @!p0 $0x1FFFFF80, s19;
	[tilespmem:$0x7E0] =	vst v4;
	v4 =	vsel vm15, v5, v63  }
0x144: {  	s20 =	simm.s32 @!p0 $0x0;
	p1 =	por p0, !p1;
	s19 =	sadd.s32 @!p0 s1, s19;
	[tilespmem:$0x7F0] =	vst v4  }
0x145: {  	[tilespmem:s20], [sflag:$0x1] =	stream.linear.gather @!p0 [hbm4b:s19+s20], $0x200, $0x38;
	[tilespmem:$0x10800] =	vst v63  }
0x146: {  	_ =	swait.ge @p1 [sflag:s14], $0x8000  }
0x147: {  	[sflag:s14] =	ssyncset.done @p1 $0x0  }
0x148: {  	[sflag:s14] =	ssyncadd.s32 @p1 $0xFFFF8000  }
0x149: {  	[tilespmem:s29], [sflag:$0x4] =	stream.indirect.gather [hbm4b:s5+s21], $0x40, s28, s21, $0xb8;
	[tilespmem:$0x10800] =	vst v63  }
0x14a: {  	_ = 	snop  }
0x14b: {  	[tilespmem:s31], [sflag:$0x4] =	stream.indirect.gather [hbm4b:s5+s21], $0x40, s30, s21, $0xb8;
	[tilespmem:$0x10800] =	vst v63  }
0x14c: {  	_ = 	snop  }
0x14d: {  	[tilespmem:s2], [sflag:$0x4] =	stream.indirect.gather [hbm4b:s5+s21], $0x40, s0, s21, $0xb8;
	[tilespmem:$0x10800] =	vst v63  }
0x14e: {  	_ = 	snop  }
0x14f: {  	[tilespmem:s13], [sflag:$0x4] =	stream.indirect.gather [hbm4b:s5+s21], $0x40, s9, s21, $0xb8;
	[tilespmem:$0x10800] =	vst v63  }
0x150: {  	_ =	swait.ge [sflag:s8], $0x2000  }
0x151: {  	[sflag:s8] =	ssyncset.done $0x0  }
0x152: {  	[sflag:s8] =	ssyncadd.s32 $0xFFFFE000  }
0x153: {  	_ =	swait.ge [sflag:s8], $0x2000  }
0x154: {  	[sflag:s8] =	ssyncset.done $0x0  }
0x155: {  	[sflag:s8] =	ssyncadd.s32 $0xFFFFE000  }
0x156: {  	_ =	swait.ge [sflag:s8], $0x2000  }
.Ltmp6:
0x157: {  	[sflag:s8] =	ssyncset.done $0x0;
	(pc) =	sbr.rel .LBB2_7-.Ltmp6, $4  }
0x158: {  	[sflag:s8] =	ssyncadd.s32 $0xFFFFE000  }
0x159: {  	_ =	swait.ge [sflag:s8], $0x2000  }
0x15a: {  	[sflag:s8] =	ssyncset.done $0x0  }
0x15b: {  	s19 =	simm.s32 $0x0;
	s20 =	simm.s32 $0x200;
	[sflag:s8] =	ssyncadd.s32 $0xFFFFE000  }
.LBB2_9:
0x15c: {  	s19 =	sadd.s32 $0x1000, s19  }
0x15d: {  	p1 =	sne.s32 s19, $0x20000  }
.Ltmp7:
0x15e: {  	_ = 	snop;
	(pc) =	sbr.rel @!p1 .LBB2_10-.Ltmp7, $2  }
0x15f: {  	_ =	sdelay $0x2  }
0x160: {  	s20 =	sadd.s32 $0x10, s20  }
.LBB2_7:
0x161: {  	v4 =	vld [tilespmem:s20+$0x0];
	_ =	sdelay $0x4  }
0x162: {  	v5 =	vcvt.s32.f32 v4;
	_ =	sdelay $0x1  }
0x163: {  	v6 =	vperm.xlane v5, v0;
	_ =	sdelay $0x1  }
0x164: {  	v5 =	vmax.f32 v5, v6  }
0x165: {  	v6 =	vperm.xlane v5, v1;
	_ =	sdelay $0x1  }
0x166: {  	v5 =	vmax.f32 v5, v6  }
0x167: {  	v6 =	vperm.xlane v5, v2;
	_ =	sdelay $0x1  }
0x168: {  	v5 =	vmax.f32 v5, v6  }
0x169: {  	v6 =	vperm.xlane v5, v3;
	_ =	sdelay $0x1  }
0x16a: {  	v5 =	vmax.f32 v5, v6  }
0x16b: {  	(v2sf) =	vpush v5, $0x0;
	_ =	sdelay $0xe  }
0x16c: {  	s22 =	spop (v2sf)  }
0x16d: {  	p1 =	sge.f32 s22, $1.000000000e+06  }
.Ltmp8:
0x16e: {  	_ = 	snop;
	(pc) =	sbr.rel @!p1 .LBB2_9-.Ltmp8, $1  }
0x16f: {  	_ =	sdelay $0x3  }
0x170: {  	(v2sf) =	vpush v4, $0x0;
	_ =	sdelay $0xe  }
0x171: {  	s22 =	spop (v2sf)  }
0x172: {  	p2 =	slt.s32 s22, $0xF4240  }
0x173: {  	s22 =	sshll.u32 @!p2 s22, $0x6  }
0x174: {  	s22 =	sadd.s32 @!p2 $0xFC2F7000, s22  }
0x175: {  	s23 =	sshra.s32 @!p2 s19, $0x2;
	s22 =	sshrl.u32 @!p2 s22, $0x3  }
0x176: {  	s24 =	simm.s32 @!p2 $0x0;
	s23 =	sadd.s32 @!p2 $0x8800, s23;
	s22 =	sadd.s32 @!p2 s7, s22  }
0x177: {  	[tilespmem:s23], [sflag:$0x7] =	stream.linear.gather @!p2 [hbm4b:s22+s24], $0x40, $0x38;
	[tilespmem:$0x10800] =	vst v63  }
0x178: {  	s22 =	simm.s32 @!p2 $0x7  }
0x179: {  	_ =	swait.ge @!p2 [sflag:s22], $0x40  }
0x17a: {  	(v2sf) =	vpush v4, $0x1;
	_ =	sdelay $0xe  }
0x17b: {  	s23 =	spop (v2sf)  }
0x17c: {  	p1 =	slt.s32 s23, $0xF4240  }
0x17d: {  	s23 =	sshll.u32 @!p1 s23, $0x6  }
0x17e: {  	[sflag:s22] =	ssyncset.done @!p2 $0x0;
	s23 =	sadd.s32 @!p1 $0xFC2F7000, s23  }
0x17f: {  	[sflag:s22] =	ssyncadd.s32 @!p2 $0xFFFFFFC0;
	s22 =	sshra.s32 @!p1 s19, $0x2;
	s23 =	sshrl.u32 @!p1 s23, $0x3  }
0x180: {  	s24 =	simm.s32 @!p1 $0x0;
	s22 =	sadd.s32 @!p1 $0x8840, s22;
	s23 =	sadd.s32 @!p1 s7, s23  }
0x181: {  	[tilespmem:s22], [sflag:$0x7] =	stream.linear.gather @!p1 [hbm4b:s23+s24], $0x40, $0x38;
	[tilespmem:$0x10800] =	vst v63  }
0x182: {  	s22 =	simm.s32 @!p1 $0x7  }
0x183: {  	_ =	swait.ge @!p1 [sflag:s22], $0x40  }
0x184: {  	(v2sf) =	vpush v4, $0x2;
	_ =	sdelay $0xe  }
0x185: {  	s23 =	spop (v2sf)  }
0x186: {  	p2 =	slt.s32 s23, $0xF4240  }
0x187: {  	s23 =	sshll.u32 @!p2 s23, $0x6  }
0x188: {  	[sflag:s22] =	ssyncset.done @!p1 $0x0;
	s23 =	sadd.s32 @!p2 $0xFC2F7000, s23  }
0x189: {  	[sflag:s22] =	ssyncadd.s32 @!p1 $0xFFFFFFC0;
	s22 =	sshra.s32 @!p2 s19, $0x2;
	s23 =	sshrl.u32 @!p2 s23, $0x3  }
0x18a: {  	s24 =	simm.s32 @!p2 $0x0;
	s22 =	sadd.s32 @!p2 $0x8880, s22;
	s23 =	sadd.s32 @!p2 s7, s23  }
0x18b: {  	[tilespmem:s22], [sflag:$0x7] =	stream.linear.gather @!p2 [hbm4b:s23+s24], $0x40, $0x38;
	[tilespmem:$0x10800] =	vst v63  }
0x18c: {  	s22 =	simm.s32 @!p2 $0x7  }
0x18d: {  	_ =	swait.ge @!p2 [sflag:s22], $0x40  }
0x18e: {  	(v2sf) =	vpush v4, $0x3;
	_ =	sdelay $0xe  }
0x18f: {  	s23 =	spop (v2sf)  }
0x190: {  	p1 =	slt.s32 s23, $0xF4240  }
0x191: {  	s23 =	sshll.u32 @!p1 s23, $0x6  }
0x192: {  	[sflag:s22] =	ssyncset.done @!p2 $0x0;
	s23 =	sadd.s32 @!p1 $0xFC2F7000, s23  }
0x193: {  	[sflag:s22] =	ssyncadd.s32 @!p2 $0xFFFFFFC0;
	s22 =	sshra.s32 @!p1 s19, $0x2;
	s23 =	sshrl.u32 @!p1 s23, $0x3  }
0x194: {  	s24 =	simm.s32 @!p1 $0x0;
	s22 =	sadd.s32 @!p1 $0x88C0, s22;
	s23 =	sadd.s32 @!p1 s7, s23  }
0x195: {  	[tilespmem:s22], [sflag:$0x7] =	stream.linear.gather @!p1 [hbm4b:s23+s24], $0x40, $0x38;
	[tilespmem:$0x10800] =	vst v63  }
0x196: {  	s22 =	simm.s32 @!p1 $0x7  }
0x197: {  	_ =	swait.ge @!p1 [sflag:s22], $0x40  }
0x198: {  	(v2sf) =	vpush v4, $0x4;
	_ =	sdelay $0xe  }
0x199: {  	s23 =	spop (v2sf)  }
0x19a: {  	p2 =	slt.s32 s23, $0xF4240  }
0x19b: {  	s23 =	sshll.u32 @!p2 s23, $0x6  }
0x19c: {  	[sflag:s22] =	ssyncset.done @!p1 $0x0;
	s23 =	sadd.s32 @!p2 $0xFC2F7000, s23  }
0x19d: {  	[sflag:s22] =	ssyncadd.s32 @!p1 $0xFFFFFFC0;
	s22 =	sshra.s32 @!p2 s19, $0x2;
	s23 =	sshrl.u32 @!p2 s23, $0x3  }
0x19e: {  	s24 =	simm.s32 @!p2 $0x0;
	s22 =	sadd.s32 @!p2 $0x8900, s22;
	s23 =	sadd.s32 @!p2 s7, s23  }
0x19f: {  	[tilespmem:s22], [sflag:$0x7] =	stream.linear.gather @!p2 [hbm4b:s23+s24], $0x40, $0x38;
	[tilespmem:$0x10800] =	vst v63  }
0x1a0: {  	s22 =	simm.s32 @!p2 $0x7  }
0x1a1: {  	_ =	swait.ge @!p2 [sflag:s22], $0x40  }
0x1a2: {  	(v2sf) =	vpush v4, $0x5;
	_ =	sdelay $0xe  }
0x1a3: {  	s23 =	spop (v2sf)  }
0x1a4: {  	p1 =	slt.s32 s23, $0xF4240  }
0x1a5: {  	s23 =	sshll.u32 @!p1 s23, $0x6  }
0x1a6: {  	[sflag:s22] =	ssyncset.done @!p2 $0x0;
	s23 =	sadd.s32 @!p1 $0xFC2F7000, s23  }
0x1a7: {  	[sflag:s22] =	ssyncadd.s32 @!p2 $0xFFFFFFC0;
	s22 =	sshra.s32 @!p1 s19, $0x2;
	s23 =	sshrl.u32 @!p1 s23, $0x3  }
0x1a8: {  	s24 =	simm.s32 @!p1 $0x0;
	s22 =	sadd.s32 @!p1 $0x8940, s22;
	s23 =	sadd.s32 @!p1 s7, s23  }
0x1a9: {  	[tilespmem:s22], [sflag:$0x7] =	stream.linear.gather @!p1 [hbm4b:s23+s24], $0x40, $0x38;
	[tilespmem:$0x10800] =	vst v63  }
0x1aa: {  	s22 =	simm.s32 @!p1 $0x7  }
0x1ab: {  	_ =	swait.ge @!p1 [sflag:s22], $0x40  }
0x1ac: {  	(v2sf) =	vpush v4, $0x6;
	_ =	sdelay $0xe  }
0x1ad: {  	s23 =	spop (v2sf)  }
0x1ae: {  	p2 =	slt.s32 s23, $0xF4240  }
0x1af: {  	s23 =	sshll.u32 @!p2 s23, $0x6  }
0x1b0: {  	[sflag:s22] =	ssyncset.done @!p1 $0x0;
	s23 =	sadd.s32 @!p2 $0xFC2F7000, s23  }
0x1b1: {  	[sflag:s22] =	ssyncadd.s32 @!p1 $0xFFFFFFC0;
	s22 =	sshra.s32 @!p2 s19, $0x2;
	s23 =	sshrl.u32 @!p2 s23, $0x3  }
0x1b2: {  	s24 =	simm.s32 @!p2 $0x0;
	s22 =	sadd.s32 @!p2 $0x8980, s22;
	s23 =	sadd.s32 @!p2 s7, s23  }
0x1b3: {  	[tilespmem:s22], [sflag:$0x7] =	stream.linear.gather @!p2 [hbm4b:s23+s24], $0x40, $0x38;
	[tilespmem:$0x10800] =	vst v63  }
0x1b4: {  	s22 =	simm.s32 @!p2 $0x7  }
0x1b5: {  	_ =	swait.ge @!p2 [sflag:s22], $0x40  }
0x1b6: {  	(v2sf) =	vpush v4, $0x7;
	_ =	sdelay $0xe  }
0x1b7: {  	s23 =	spop (v2sf)  }
0x1b8: {  	p1 =	slt.s32 s23, $0xF4240  }
0x1b9: {  	s23 =	sshll.u32 @!p1 s23, $0x6  }
0x1ba: {  	[sflag:s22] =	ssyncset.done @!p2 $0x0;
	s23 =	sadd.s32 @!p1 $0xFC2F7000, s23  }
0x1bb: {  	[sflag:s22] =	ssyncadd.s32 @!p2 $0xFFFFFFC0;
	s22 =	sshra.s32 @!p1 s19, $0x2;
	s23 =	sshrl.u32 @!p1 s23, $0x3  }
0x1bc: {  	s24 =	simm.s32 @!p1 $0x0;
	s22 =	sadd.s32 @!p1 $0x89C0, s22;
	s23 =	sadd.s32 @!p1 s7, s23  }
0x1bd: {  	[tilespmem:s22], [sflag:$0x7] =	stream.linear.gather @!p1 [hbm4b:s23+s24], $0x40, $0x38;
	[tilespmem:$0x10800] =	vst v63  }
0x1be: {  	s22 =	simm.s32 @!p1 $0x7  }
0x1bf: {  	_ =	swait.ge @!p1 [sflag:s22], $0x40  }
0x1c0: {  	(v2sf) =	vpush v4, $0x8;
	_ =	sdelay $0xe  }
0x1c1: {  	s23 =	spop (v2sf)  }
0x1c2: {  	p2 =	slt.s32 s23, $0xF4240  }
0x1c3: {  	s23 =	sshll.u32 @!p2 s23, $0x6  }
0x1c4: {  	[sflag:s22] =	ssyncset.done @!p1 $0x0;
	s23 =	sadd.s32 @!p2 $0xFC2F7000, s23  }
0x1c5: {  	[sflag:s22] =	ssyncadd.s32 @!p1 $0xFFFFFFC0;
	s22 =	sshra.s32 @!p2 s19, $0x2;
	s23 =	sshrl.u32 @!p2 s23, $0x3  }
0x1c6: {  	s24 =	simm.s32 @!p2 $0x0;
	s22 =	sadd.s32 @!p2 $0x8A00, s22;
	s23 =	sadd.s32 @!p2 s7, s23  }
0x1c7: {  	[tilespmem:s22], [sflag:$0x7] =	stream.linear.gather @!p2 [hbm4b:s23+s24], $0x40, $0x38;
	[tilespmem:$0x10800] =	vst v63  }
0x1c8: {  	s22 =	simm.s32 @!p2 $0x7  }
0x1c9: {  	_ =	swait.ge @!p2 [sflag:s22], $0x40  }
0x1ca: {  	(v2sf) =	vpush v4, $0x9;
	_ =	sdelay $0xe  }
0x1cb: {  	s23 =	spop (v2sf)  }
0x1cc: {  	p1 =	slt.s32 s23, $0xF4240  }
0x1cd: {  	s23 =	sshll.u32 @!p1 s23, $0x6  }
0x1ce: {  	[sflag:s22] =	ssyncset.done @!p2 $0x0;
	s23 =	sadd.s32 @!p1 $0xFC2F7000, s23  }
0x1cf: {  	[sflag:s22] =	ssyncadd.s32 @!p2 $0xFFFFFFC0;
	s22 =	sshra.s32 @!p1 s19, $0x2;
	s23 =	sshrl.u32 @!p1 s23, $0x3  }
0x1d0: {  	s24 =	simm.s32 @!p1 $0x0;
	s22 =	sadd.s32 @!p1 $0x8A40, s22;
	s23 =	sadd.s32 @!p1 s7, s23  }
0x1d1: {  	[tilespmem:s22], [sflag:$0x7] =	stream.linear.gather @!p1 [hbm4b:s23+s24], $0x40, $0x38;
	[tilespmem:$0x10800] =	vst v63  }
0x1d2: {  	s22 =	simm.s32 @!p1 $0x7  }
0x1d3: {  	_ =	swait.ge @!p1 [sflag:s22], $0x40  }
0x1d4: {  	(v2sf) =	vpush v4, $0xA;
	_ =	sdelay $0xe  }
0x1d5: {  	s23 =	spop (v2sf)  }
0x1d6: {  	p2 =	slt.s32 s23, $0xF4240  }
0x1d7: {  	s23 =	sshll.u32 @!p2 s23, $0x6  }
0x1d8: {  	[sflag:s22] =	ssyncset.done @!p1 $0x0;
	s23 =	sadd.s32 @!p2 $0xFC2F7000, s23  }
0x1d9: {  	[sflag:s22] =	ssyncadd.s32 @!p1 $0xFFFFFFC0;
	s22 =	sshra.s32 @!p2 s19, $0x2;
	s23 =	sshrl.u32 @!p2 s23, $0x3  }
0x1da: {  	s24 =	simm.s32 @!p2 $0x0;
	s22 =	sadd.s32 @!p2 $0x8A80, s22;
	s23 =	sadd.s32 @!p2 s7, s23  }
0x1db: {  	[tilespmem:s22], [sflag:$0x7] =	stream.linear.gather @!p2 [hbm4b:s23+s24], $0x40, $0x38;
	[tilespmem:$0x10800] =	vst v63  }
0x1dc: {  	s22 =	simm.s32 @!p2 $0x7  }
0x1dd: {  	_ =	swait.ge @!p2 [sflag:s22], $0x40  }
0x1de: {  	(v2sf) =	vpush v4, $0xB;
	_ =	sdelay $0xe  }
0x1df: {  	s23 =	spop (v2sf)  }
0x1e0: {  	p1 =	slt.s32 s23, $0xF4240  }
0x1e1: {  	s23 =	sshll.u32 @!p1 s23, $0x6  }
0x1e2: {  	[sflag:s22] =	ssyncset.done @!p2 $0x0;
	s23 =	sadd.s32 @!p1 $0xFC2F7000, s23  }
0x1e3: {  	[sflag:s22] =	ssyncadd.s32 @!p2 $0xFFFFFFC0;
	s22 =	sshra.s32 @!p1 s19, $0x2;
	s23 =	sshrl.u32 @!p1 s23, $0x3  }
0x1e4: {  	s24 =	simm.s32 @!p1 $0x0;
	s22 =	sadd.s32 @!p1 $0x8AC0, s22;
	s23 =	sadd.s32 @!p1 s7, s23  }
0x1e5: {  	[tilespmem:s22], [sflag:$0x7] =	stream.linear.gather @!p1 [hbm4b:s23+s24], $0x40, $0x38;
	[tilespmem:$0x10800] =	vst v63  }
0x1e6: {  	s22 =	simm.s32 @!p1 $0x7  }
0x1e7: {  	_ =	swait.ge @!p1 [sflag:s22], $0x40  }
0x1e8: {  	(v2sf) =	vpush v4, $0xC;
	_ =	sdelay $0xe  }
0x1e9: {  	s23 =	spop (v2sf)  }
0x1ea: {  	p2 =	slt.s32 s23, $0xF4240  }
0x1eb: {  	s23 =	sshll.u32 @!p2 s23, $0x6  }
0x1ec: {  	[sflag:s22] =	ssyncset.done @!p1 $0x0;
	s23 =	sadd.s32 @!p2 $0xFC2F7000, s23  }
0x1ed: {  	[sflag:s22] =	ssyncadd.s32 @!p1 $0xFFFFFFC0;
	s22 =	sshra.s32 @!p2 s19, $0x2;
	s23 =	sshrl.u32 @!p2 s23, $0x3  }
0x1ee: {  	s24 =	simm.s32 @!p2 $0x0;
	s22 =	sadd.s32 @!p2 $0x8B00, s22;
	s23 =	sadd.s32 @!p2 s7, s23  }
0x1ef: {  	[tilespmem:s22], [sflag:$0x7] =	stream.linear.gather @!p2 [hbm4b:s23+s24], $0x40, $0x38;
	[tilespmem:$0x10800] =	vst v63  }
0x1f0: {  	s22 =	simm.s32 @!p2 $0x7  }
0x1f1: {  	_ =	swait.ge @!p2 [sflag:s22], $0x40  }
0x1f2: {  	(v2sf) =	vpush v4, $0xD;
	_ =	sdelay $0xe  }
0x1f3: {  	s23 =	spop (v2sf)  }
0x1f4: {  	p1 =	slt.s32 s23, $0xF4240  }
0x1f5: {  	s23 =	sshll.u32 @!p1 s23, $0x6  }
0x1f6: {  	[sflag:s22] =	ssyncset.done @!p2 $0x0;
	s23 =	sadd.s32 @!p1 $0xFC2F7000, s23  }
0x1f7: {  	[sflag:s22] =	ssyncadd.s32 @!p2 $0xFFFFFFC0;
	s22 =	sshra.s32 @!p1 s19, $0x2;
	s23 =	sshrl.u32 @!p1 s23, $0x3  }
0x1f8: {  	s24 =	simm.s32 @!p1 $0x0;
	s22 =	sadd.s32 @!p1 $0x8B40, s22;
	s23 =	sadd.s32 @!p1 s7, s23  }
0x1f9: {  	[tilespmem:s22], [sflag:$0x7] =	stream.linear.gather @!p1 [hbm4b:s23+s24], $0x40, $0x38;
	[tilespmem:$0x10800] =	vst v63  }
0x1fa: {  	s22 =	simm.s32 @!p1 $0x7  }
0x1fb: {  	_ =	swait.ge @!p1 [sflag:s22], $0x40  }
0x1fc: {  	(v2sf) =	vpush v4, $0xE;
	_ =	sdelay $0xe  }
0x1fd: {  	s23 =	spop (v2sf)  }
0x1fe: {  	p2 =	slt.s32 s23, $0xF4240  }
0x1ff: {  	s23 =	sshll.u32 @!p2 s23, $0x6  }
0x200: {  	[sflag:s22] =	ssyncset.done @!p1 $0x0;
	s23 =	sadd.s32 @!p2 $0xFC2F7000, s23  }
0x201: {  	[sflag:s22] =	ssyncadd.s32 @!p1 $0xFFFFFFC0;
	s22 =	sshra.s32 @!p2 s19, $0x2;
	s23 =	sshrl.u32 @!p2 s23, $0x3  }
0x202: {  	s24 =	simm.s32 @!p2 $0x0;
	s22 =	sadd.s32 @!p2 $0x8B80, s22;
	s23 =	sadd.s32 @!p2 s7, s23  }
0x203: {  	[tilespmem:s22], [sflag:$0x7] =	stream.linear.gather @!p2 [hbm4b:s23+s24], $0x40, $0x38;
	[tilespmem:$0x10800] =	vst v63  }
0x204: {  	s22 =	simm.s32 @!p2 $0x7  }
0x205: {  	_ =	swait.ge @!p2 [sflag:s22], $0x40  }
0x206: {  	(v2sf) =	vpush v4, $0xF;
	_ =	sdelay $0xe  }
0x207: {  	s23 =	spop (v2sf)  }
0x208: {  	p1 =	slt.s32 s23, $0xF4240  }
0x209: {  	s23 =	sshll.u32 @!p1 s23, $0x6  }
0x20a: {  	[sflag:s22] =	ssyncset.done @!p2 $0x0;
	s23 =	sadd.s32 @!p1 $0xFC2F7000, s23  }
0x20b: {  	[sflag:s22] =	ssyncadd.s32 @!p2 $0xFFFFFFC0;
	s22 =	sshra.s32 @!p1 s19, $0x2;
	s23 =	sshrl.u32 @!p1 s23, $0x3  }
0x20c: {  	s24 =	simm.s32 @!p1 $0x0;
	s22 =	sadd.s32 @!p1 $0x8BC0, s22;
	s23 =	sadd.s32 @!p1 s7, s23  }
0x20d: {  	[tilespmem:s22], [sflag:$0x7] =	stream.linear.gather @!p1 [hbm4b:s23+s24], $0x40, $0x38;
	[tilespmem:$0x10800] =	vst v63  }
.Ltmp9:
0x20e: {  	_ = 	snop;
	(pc) =	sbr.rel .LBB2_9-.Ltmp9, $4  }
0x20f: {  	s22 =	simm.s32 @!p1 $0x7  }
0x210: {  	_ =	swait.ge @!p1 [sflag:s22], $0x40  }
0x211: {  	[sflag:s22] =	ssyncset.done @!p1 $0x0  }
0x212: {  	[sflag:s22] =	ssyncadd.s32 @!p1 $0xFFFFFFC0  }
.LBB2_10:
0x213: {  	s19 =	sadd.s32 s17, s11  }
0x214: {  	s19 =	sshll.u32 s19, $0xC  }
0x215: {  	s19 =	sand.u32 $0x1FFFF000, s19  }
0x216: {  	s19 =	sadd.s32 s3, s19  }
0x217: {  	[hbm4b:s19+s4] =	stream.linear.scatter [tilespmem:s29], [sflag:$0x6], $0x8000, $0x38;
	[tilespmem:$0x10800] =	vst v63  }
0x218: {  	s19 =	simm.s32 @!p0 $0x1  }
0x219: {  	_ =	swait.ge @!p0 [sflag:s19], $0x200  }
0x21a: {  	[sflag:s19] =	ssyncset.done @!p0 $0x0  }
0x21b: {  	[sflag:s19] =	ssyncadd.s32 @!p0 $0xFFFFFE00  }
0x21c: {  	v4 =	vld [tilespmem:$0x0]  }
0x21d: {  	v5 =	vld [tilespmem:$0x10]  }
0x21e: {  	v6 =	vld [tilespmem:$0x20]  }
0x21f: {  	v7 =	vld [tilespmem:$0x30]  }
0x220: {  	v8 =	vld [tilespmem:$0x40]  }
0x221: {  	v10 =	vld [tilespmem:$0x50];
	vm0 =	vgt.s32 v4, $0xF423F;
	v9 =	vadd.s32 $0xFFF0BDC0, v4  }
0x222: {  	v11 =	vld [tilespmem:$0x60];
	vm9 =	vgt.s32 v5, $0xF423F;
	v38 =	vadd.s32 $0xFFF0BDC0, v5;
	v4 =	vsel vm0, v9, v4  }
0x223: {  	v39 =	vld [tilespmem:$0x70];
	vm10 =	vgt.s32 v6, $0xF423F;
	[tilespmem:$0x400] =	vst v4;
	v4 =	vsel vm9, v38, v5;
	v5 =	vadd.s32 $0xFFF0BDC0, v6  }
0x224: {  	v40 =	vld [tilespmem:$0x80];
	vm11 =	vgt.s32 v7, $0xF423F;
	[tilespmem:$0x410] =	vst v4;
	v4 =	vsel vm10, v5, v6;
	v5 =	vadd.s32 $0xFFF0BDC0, v7  }
0x225: {  	v41 =	vld [tilespmem:$0x90];
	vm12 =	vgt.s32 v8, $0xF423F;
	[tilespmem:$0x420] =	vst v4;
	v4 =	vsel vm11, v5, v7;
	v5 =	vadd.s32 $0xFFF0BDC0, v8  }
0x226: {  	v42 =	vld [tilespmem:$0xA0];
	vm13 =	vgt.s32 v10, $0xF423F;
	[tilespmem:$0x430] =	vst v4;
	v4 =	vsel vm12, v5, v8;
	v5 =	vadd.s32 $0xFFF0BDC0, v10  }
0x227: {  	v43 =	vld [tilespmem:$0xB0];
	vm14 =	vgt.s32 v11, $0xF423F;
	[tilespmem:$0x440] =	vst v4;
	v4 =	vsel vm13, v5, v10;
	v5 =	vadd.s32 $0xFFF0BDC0, v11  }
0x228: {  	v44 =	vld [tilespmem:$0xC0];
	vm15 =	vgt.s32 v39, $0xF423F;
	[tilespmem:$0x450] =	vst v4;
	v4 =	vsel vm14, v5, v11;
	v5 =	vadd.s32 $0xFFF0BDC0, v39  }
0x229: {  	v45 =	vld [tilespmem:$0xD0];
	vm4 =	vgt.s32 v40, $0xF423F;
	[tilespmem:$0x460] =	vst v4;
	v4 =	vsel vm15, v5, v39;
	v5 =	vadd.s32 $0xFFF0BDC0, v40  }
0x22a: {  	v46 =	vld [tilespmem:$0xE0];
	vm5 =	vgt.s32 v41, $0xF423F;
	[tilespmem:$0x470] =	vst v4;
	v4 =	vsel vm4, v5, v40;
	v5 =	vadd.s32 $0xFFF0BDC0, v41  }
0x22b: {  	v47 =	vld [tilespmem:$0xF0];
	vm6 =	vgt.s32 v42, $0xF423F;
	[tilespmem:$0x480] =	vst v4;
	v4 =	vsel vm5, v5, v41;
	v5 =	vadd.s32 $0xFFF0BDC0, v42  }
0x22c: {  	v48 =	vld [tilespmem:$0x100];
	vm7 =	vgt.s32 v43, $0xF423F;
	[tilespmem:$0x490] =	vst v4;
	v4 =	vsel vm6, v5, v42;
	v5 =	vadd.s32 $0xFFF0BDC0, v43  }
0x22d: {  	v49 =	vld [tilespmem:$0x110];
	vm8 =	vgt.s32 v44, $0xF423F;
	[tilespmem:$0x4A0] =	vst v4;
	v4 =	vsel vm7, v5, v43;
	v5 =	vadd.s32 $0xFFF0BDC0, v44  }
0x22e: {  	v50 =	vld [tilespmem:$0x120];
	vm9 =	vgt.s32 v45, $0xF423F;
	[tilespmem:$0x4B0] =	vst v4;
	v4 =	vsel vm8, v5, v44;
	v5 =	vadd.s32 $0xFFF0BDC0, v45  }
0x22f: {  	v51 =	vld [tilespmem:$0x130];
	vm10 =	vgt.s32 v46, $0xF423F;
	[tilespmem:$0x4C0] =	vst v4;
	v4 =	vsel vm9, v5, v45;
	v5 =	vadd.s32 $0xFFF0BDC0, v46  }
0x230: {  	v52 =	vld [tilespmem:$0x140];
	vm11 =	vgt.s32 v47, $0xF423F;
	[tilespmem:$0x4D0] =	vst v4;
	v4 =	vsel vm10, v5, v46;
	v5 =	vadd.s32 $0xFFF0BDC0, v47  }
0x231: {  	v53 =	vld [tilespmem:$0x150];
	vm12 =	vgt.s32 v48, $0xF423F;
	[tilespmem:$0x4E0] =	vst v4;
	v4 =	vsel vm11, v5, v47;
	v5 =	vadd.s32 $0xFFF0BDC0, v48  }
0x232: {  	v54 =	vld [tilespmem:$0x160];
	vm13 =	vgt.s32 v49, $0xF423F;
	[tilespmem:$0x4F0] =	vst v4;
	v4 =	vsel vm12, v5, v48;
	v5 =	vadd.s32 $0xFFF0BDC0, v49  }
0x233: {  	v55 =	vld [tilespmem:$0x170];
	vm14 =	vgt.s32 v50, $0xF423F;
	[tilespmem:$0x500] =	vst v4;
	v4 =	vsel vm13, v5, v49;
	v5 =	vadd.s32 $0xFFF0BDC0, v50  }
0x234: {  	v56 =	vld [tilespmem:$0x180];
	vm15 =	vgt.s32 v51, $0xF423F;
	[tilespmem:$0x510] =	vst v4;
	v4 =	vsel vm14, v5, v50;
	v5 =	vadd.s32 $0xFFF0BDC0, v51  }
0x235: {  	v57 =	vld [tilespmem:$0x190];
	vm4 =	vgt.s32 v52, $0xF423F;
	[tilespmem:$0x520] =	vst v4;
	v4 =	vsel vm15, v5, v51;
	v5 =	vadd.s32 $0xFFF0BDC0, v52  }
0x236: {  	v58 =	vld [tilespmem:$0x1A0];
	vm5 =	vgt.s32 v53, $0xF423F;
	[tilespmem:$0x530] =	vst v4;
	v4 =	vsel vm4, v5, v52;
	v5 =	vadd.s32 $0xFFF0BDC0, v53  }
0x237: {  	v59 =	vld [tilespmem:$0x1B0];
	vm6 =	vgt.s32 v54, $0xF423F;
	[tilespmem:$0x540] =	vst v4;
	v4 =	vsel vm5, v5, v53;
	v5 =	vadd.s32 $0xFFF0BDC0, v54  }
0x238: {  	v60 =	vld [tilespmem:$0x1C0];
	vm7 =	vgt.s32 v55, $0xF423F;
	[tilespmem:$0x550] =	vst v4;
	v4 =	vsel vm6, v5, v54;
	v5 =	vadd.s32 $0xFFF0BDC0, v55  }
0x239: {  	v61 =	vld [tilespmem:$0x1D0];
	vm8 =	vgt.s32 v56, $0xF423F;
	[tilespmem:$0x560] =	vst v4;
	v4 =	vsel vm7, v5, v55;
	v5 =	vadd.s32 $0xFFF0BDC0, v56  }
0x23a: {  	v62 =	vld [tilespmem:$0x1E0];
	vm9 =	vgt.s32 v57, $0xF423F;
	[tilespmem:$0x570] =	vst v4;
	v4 =	vsel vm8, v5, v56;
	v5 =	vadd.s32 $0xFFF0BDC0, v57  }
0x23b: {  	v63 =	vld [tilespmem:$0x1F0];
	vm10 =	vgt.s32 v58, $0xF423F;
	[tilespmem:$0x580] =	vst v4;
	v4 =	vsel vm9, v5, v57;
	v5 =	vadd.s32 $0xFFF0BDC0, v58  }
0x23c: {  	vm11 =	vgt.s32 v59, $0xF423F;
	[tilespmem:$0x590] =	vst v4;
	v4 =	vsel vm10, v5, v58;
	v5 =	vadd.s32 $0xFFF0BDC0, v59  }
0x23d: {  	vm12 =	vgt.s32 v60, $0xF423F;
	[tilespmem:$0x5A0] =	vst v4;
	v4 =	vsel vm11, v5, v59;
	v5 =	vadd.s32 $0xFFF0BDC0, v60  }
.Ltmp10:
0x23e: {  	vm13 =	vgt.s32 v61, $0xF423F;
	[tilespmem:$0x5B0] =	vst v4;
	v4 =	vsel vm12, v5, v60;
	v5 =	vadd.s32 $0xFFF0BDC0, v61;
	(pc) =	sbr.rel @p0 .LBB2_12-.Ltmp10, $4  }
0x23f: {  	vm14 =	vgt.s32 v62, $0xF423F;
	[tilespmem:$0x5C0] =	vst v4;
	v4 =	vsel vm13, v5, v61;
	v5 =	vadd.s32 $0xFFF0BDC0, v62  }
0x240: {  	vm15 =	vgt.s32 v63, $0xF423F;
	[tilespmem:$0x5D0] =	vst v4;
	v4 =	vsel vm14, v5, v62;
	v5 =	vadd.s32 $0xFFF0BDC0, v63  }
0x241: {  	[tilespmem:$0x5E0] =	vst v4;
	v4 =	vsel vm15, v5, v63  }
0x242: {  	[tilespmem:$0x5F0] =	vst v4  }
0x243: {  	s17 =	sadd.s32 s17, s12  }
0x244: {  	s17 =	sshll.u32 s17, $0x6  }
0x245: {  	s17 =	sand.u32 $0x1FFFFFC0, s17  }
0x246: {  	s19 =	simm.s32 $0x200;
	s17 =	sadd.s32 s1, s17  }
0x247: {  	[tilespmem:s19], [sflag:$0x2] =	stream.linear.gather [hbm4b:s17+s4], $0x200, $0x38;
	[tilespmem:$0x10800] =	vst v63  }
0x248: {  	_ =	swait.ge [sflag:s18], $0x8000  }
0x249: {  	[sflag:s18] =	ssyncset.done $0x0  }
0x24a: {  	s22 =	simm.s32 $0x400;
	[sflag:s18] =	ssyncadd.s32 $0xFFFF8000  }
0x24b: {  	[tilespmem:s16], [sflag:$0x3] =	stream.indirect.gather [hbm4b:s5+s21], $0x40, s22, s21, $0xb8;
	[tilespmem:$0x10800] =	vst v63  }
0x24c: {  	s23 =	simm.s32 $0x480;
	s24 =	simm.s32 $0x2800  }
0x24d: {  	[tilespmem:s24], [sflag:$0x3] =	stream.indirect.gather [hbm4b:s5+s21], $0x40, s23, s21, $0xb8;
	[tilespmem:$0x10800] =	vst v63  }
.Ltmp11:
0x24e: {  	_ = 	snop;
	(pc) =	sbr.rel .LBB2_2-.Ltmp11, $4  }
0x24f: {  	s20 =	simm.s32 $0x500;
	s22 =	simm.s32 $0x4800  }
0x250: {  	[tilespmem:s22], [sflag:$0x3] =	stream.indirect.gather [hbm4b:s5+s21], $0x40, s20, s21, $0xb8;
	[tilespmem:$0x10800] =	vst v63  }
0x251: {  	s15 =	sadd.s32 $0x1, s15;
	s23 =	simm.s32 $0x580;
	s24 =	simm.s32 $0x6800  }
0x252: {  	[tilespmem:s24], [sflag:$0x3] =	stream.indirect.gather [hbm4b:s5+s21], $0x40, s23, s21, $0xb8;
	[tilespmem:$0x10800] =	vst v63  }
.LBB2_13:
0x253: {  	_ =	sfence.sel $0x180000  }
0x254: {  	[bflag:$0x0] =	sbarrier.arrive $0xFFFF  }
0x255: {  	_ =	strace $0x90000047  }
0x256: {  	s0 =	stileid.u32;
	[bflag:$0x2] =	sbarrier.arrive $0xFFFF  }
0x257: {  	p0 =	sne.s32 s0, $0x0;
	s0 =	rddreg [dreg:$0x3]  }
0x258: {  	s0 =	sadd.s32 @!p0 $0x100000, s0  }
0x259: {  	[sflag:s0] =	ssyncadd.tile.s32 @!p0 $0x1;
	_ =	shalt  }
.Lfunc_end2:
_tile_overlayer_lowered:
.L_overlay_start_2:
0x25a: {  	(tag) =	ssettag $0x2  }
0x25b: {  	s0 =	rddreg [dreg:$0x0];
	s2 =	stileid.u32  }
0x25c: {  	s1 =	rddreg [dreg:$0x1];
	p0 =	sne.s32 s2, $0x0  }
0x25d: {  	s3 =	rddreg [dreg:$0x2];
	[bflag:$0x3] =	sbarrier.arrive $0xFFFF;
	s2 =	simm.s32 @!p0 $0x1C08  }
0x25e: {  	[timem:s3], [sflag:s2] =	dma.local @!p0 [hbm:s0], s1  }
0x25f: {  	s0 =	simm.s32 @!p0 $0x8  }
0x260: {  	_ =	swait.ge @!p0 [sflag:s0], s1  }
0x261: {  	s1 =	ssub.s32 @!p0 $0x0, s1;
	[sflag:s0] =	ssyncset.done @!p0 $0x0  }
0x262: {  	[sflag:s0] =	ssyncadd.s32 @!p0 s1  }
0x263: {  	[bflag:$0x3] =	sbarrier.arrive $0xFFFF  }
0x264: {  	_ =	shalt  }

// kernel: sparse-core-data-format-call.cloned.1.call-start
scs
called_computation_lowered:
.L_overlay_start_0:
0x0: {  	s2 =	sld [smem:$0x3FD9]  }
0x1: {  	s3 =	sld [smem:$0x3FFE];
	_ =	sdelay $0x1  }
0x2: {  	s1 =	srdreg.scid  }
0x3: {  	s0 =	sand.u32 $0x1, s1  }
0x4: {  	s18 =	sshll.u32 s0, $0xA;
	s2 =	sadd.s32 s3, s2  }
0x5: {  	s2 =	sadd.s32 s2, s18  }
0x6: {  	[smem:$0x3FC5] =	sst s2  }
0x7: {  	_ = 	snop  }
0x8: {  	s2 =	sld [smem:$0x3FD0];
	(tm) =	ssettm $0x1  }
0x9: {  	s19 =	sld [smem:$0x3FFB];
	_ =	sdelay $0x3  }
0xa: {  	_ =	strace s19  }
0xb: {  	s3 =	sld [smem:$0x3FFC];
	_ =	sdelay $0x3  }
0xc: {  	_ =	strace s3  }
0xd: {  	s3 =	sld [smem:$0x3FFD];
	_ =	sdelay $0x3  }
0xe: {  	_ =	strace s3  }
0xf: {  	_ =	strace $0x8FFFFFFF  }
0x10: {  	s20 =	sld [smem:$0x3FDB];
	_ =	sdelay $0x1  }
0x11: {  	s4 =	simm.s32 $_scs_section_size  }
0x12: {  	s5 =	simm.s32 $_size__tile_overlayer_lowered;
	s6 =	simm.s32 $_tile_overlayer_lowered  }
0x13: {  	s23 =	simm.s32 $0x1BFF;
	s22 =	sshll.u32 s6, $0x1;
	s3 =	sadd.s32 s4, s20  }
0x14: {  	s7 =	simm.s32 $0x0;
	s21 =	sshll.u32 s5, $0x1;
	s5 =	sadd.s32 s22, s3  }
0x15: {  	[timem:s7], [sflag:s23] =	dma.local [hbm:s5], s21  }
0x16: {  	_ =	swait.ge [sflag:s23], s21  }
0x17: {  	s4 =	ssub.s32 $0x0, s21;
	[sflag:s23] =	ssyncset.done $0x0  }
0x18: {  	[sflag:s23] =	ssyncadd.s32 s4;
	_ =	sdelay $0x1  }
0x19: {  	s24 =	simm.s32 $0x1B8B  }
0x1a: {  	_ =	swait.ge [sflag:s24], $0x1  }
0x1b: {  	[sflag:s24] =	ssyncset.done $0x0  }
0x1c: {  	s26 =	simm.s32 $0x1B8E;
	s25 =	sld [smem:$0x3FFE];
	[sflag:s24] =	ssyncadd.s32 $0xFFFFFFFF  }
0x1d: {  	s27 =	simm.s32 $execute0_lowered;
	[smem:$0x3FD2] =	sst s26  }
0x1e: {  	s5 =	sshll.u32 s27, $0x1;
	_ =	strace $0x80000049;
	[dreg:$0x1] =	wrdreg $0xFFFFFFFF  }
0x1f: {  	s28 =	simm.s32 $_size_execute0_lowered;
	s3 =	sadd.s32 s3, s5;
	[dreg:$0x0] =	wrdreg $0x0  }
0x20: {  	s5 =	sshll.u32 s28, $0x1;
	[dreg:$0x2] =	wrdreg s3  }
0x21: {  	[dreg:$0x3] =	wrdreg s5  }
0x22: {  	[dreg:$0x4] =	wrdreg $0xC0  }
0x23: {  	_ =	task [dreg:s7], $0x5FFFF  }
0x24: {  	[dreg:$0x1] =	wrdreg $0xFFFFFFFF  }
0x25: {  	[dreg:$0x0] =	wrdreg $0x60  }
0x26: {  	[dreg:$0x2] =	wrdreg s25  }
0x27: {  	[dreg:$0x3] =	wrdreg s2  }
0x28: {  	[dreg:$0x4] =	wrdreg $0x9  }
0x29: {  	_ =	task.clear_ibuf [dreg:s7], $0x5FFFF;
	_ =	strace $0x90000049  }
0x2a: {  	s29 =	simm.s32 $0x9;
	_ =	strace $0x8000004B  }
0x2b: {  	_ =	swait.ge [sflag:s29], $0x1  }
0x2c: {  	[sflag:s29] =	ssyncadd.s32 $0xFFFFFFFF  }
0x2d: {  	_ =	strace $0x9000004B  }
0x2e: {  	_ =	sfence  }
0x2f: {  	s30 =	sld [smem:$0x0];
	_ =	sdelay $0x2  }
0x30: {  	s31 =	sshll.u32 s1, $0xD;
	s1 =	sshrl.u32 s1, $0x2  }
0x31: {  	s3 =	sand.u32 $0x4000, s31;
	s1 =	sadd.s32 s1, s30  }
0x32: {  	s0 =	sor.u32 s3, s0;
	s1 =	sshll.u32 s1, $0x11  }
0x33: {  	s0 =	sor.u32 s1, s0  }
0x34: {  	s0 =	sadd.s32 $0x8F2B, s0  }
0x35: {  	[sflag:s0] =	ssyncadd.remote.s32 $0x1  }
0x36: {  	_ =	sfence.sel $0xFFFF  }
0x37: {  	[dreg:$0x0] =	wrdreg $0xFFFFFFFF;
	(pc) =	sbr.abs _section_cstart, $3  }
0x38: {  	[dreg:$0x1] =	wrdreg $0xFFFFFFFF  }
0x39: {  	_ =	task.clear_ibuf [dreg:s7], $0x2FFFF;
	_ =	strace $0x9FFFFFFF  }
0x3a: {  	(tm) =	ssettm $0x7FFFFFFF  }
0x3b: {  	_ =	shalt  }
tec
execute0_lowered:
.L_overlay_start_1:
0x0: {  	(tag) =	ssettag $0x1  }
0x1: {  	s0 =	srdreg.scid  }
0x2: {  	s1 =	sshll.u32 s0, $0x4  }
0x3: {  	s4 =	rddreg [dreg:$0x0];
	s0 =	stileid.u32;
	s1 =	sand.u32 $0x10, s1  }
0x4: {  	s2 =	rddreg [dreg:$0x1];
	s7 =	simm.s32 $0x1;
	s1 =	sor.u32 s0, s1  }
0x5: {  	s8 =	simm.s32 $0x2;
	s11 =	simm.s32 $0x0;
	s3 =	sshll.u32 s1, $0x7  }
0x6: {  	s10 =	simm.s32 $0x0;
	s4 =	sadd.s32 $0x800, s4;
	s6 =	ssub.s32 $0x320000, s3  }
.Ltmp0:
0x7: {  	s1 =	rddreg [dreg:$0x2];
	s5 =	sand.u32 $0xF80, s6;
	(pc) =	sbr.rel .LBB1_1-.Ltmp0, $4  }
0x8: {  	_ =	strace $0x8000004A;
	s9 =	smov.u32 s3;
	p0 =	sne.s32 s5, $0x0  }
0x9: {  	s6 =	sshrl.u32 s6, $0xC;
	s5 =	simm.s32 $0x1;
	s7 =	simm.s32 @!p0 $0x0  }
0xa: {  	[sflag:s5] =	ssyncpa.u1 $0x0;
	p0 =	por $0x0, $0x0;
	s6 =	sadd.s32 s7, s6  }
0xb: {  	[sflag:s8] =	ssyncpa.u1 $0x0;
	s8 =	simm.s32 $0x1900000;
	s7 =	sadd.s32 $0x1, s6  }
.LBB1_4:
0xc: {  	s14 =	sshll.u32 s11, $0x3  }
0xd: {  	s30 =	sand.u32 $0x7F, s11;
	s15 =	sand.u32 $0xFFFFFC00, s14  }
0xe: {  	s11 =	sor.u32 s30, s15  }
0xf: {  	s15 =	smulhi.u32 $0x51EB851F, s11  }
0x10: {  	s14 =	smulhi.u32 $0x51EB851F, s14  }
0x11: {  	s15 =	sshrl.u32 s15, $0x14  }
0x12: {  	s14 =	sshrl.u32 s14, $0x14;
	s15 =	smul.u32 $0x320000, s15  }
0x13: {  	s14 =	sand.u32 $0x3F, s14  }
0x14: {  	s14 =	smul.u32 $0x64000, s14;
	s11 =	ssub.s32 s11, s15  }
0x15: {  	[tilespmem:s13+$0x810 ss:$0x81] =	vst.msk $0xffff, v2;
	s15 =	sand.u32 $0x7, s11  }
0x16: {  	[tilespmem:s13+$0x1020 ss:$0x81] =	vst.msk $0xffff, v0;
	s14 =	sadd.s32 s2, s14;
	s11 =	sshrl.u32 s11, $0x3;
	s15 =	sshll.u32 s15, $0x12  }
0x17: {  	[tilespmem:s13+$0x0 ss:$0x81] =	vst.msk $0xffff, v1;
	s11 =	sadd.s32 s11, s14;
	s31 =	sor.u32 $0x400, s15  }
0x18: {  	[hbm4b:s11+s31] =	stream.strided.scatter [tilespmem:s12], [sflag:$0x2], $0x2000, s8, s31, $0x20;
	[tilespmem:$0x8080] =	vst v63  }
.LBB1_5:
0x19: {  	s13 =	sadd.s32 $0x1000, s9  }
0x1a: {  	p2 =	sgt.s32 s13, $0x31FFFF  }
0x1b: {  	s13 =	smov.u32 @p2 s3;
	p2 =	sne.s32 s10, s7  }
.Ltmp1:
0x1c: {  	p1 =	slt.u32 s10, $0x2;
	(pc) =	sbr.rel @!p2 .LBB1_6-.Ltmp1, $4  }
0x1d: {  	s12 =	simm.s32 @!p1 $0x2  }
0x1e: {  	s14 =	sadd.s32 $0x1, s10;
	_ =	swait.ge @!p1 [sflag:s12], $0x2000  }
0x1f: {  	s11 =	smov.u32 s9;
	p0 =	por !p0, !p0;
	[sflag:s12] =	ssyncset.done @!p1 $0x0  }
0x20: {  	s10 =	smov.u32 s14;
	s9 =	smov.u32 s13;
	[sflag:s12] =	ssyncadd.s32 @!p1 $0xFFFFE000  }
.LBB1_1:
0x21: {  	p1 =	sge.u32 s10, s6  }
0x22: {  	s12 =	sand.u32 @!p1 $0x1FFFFFF, s9  }
0x23: {  	s13 =	smulhi.u32 @!p1 $0x147AE15, s12;
	_ =	sdelay $0x1  }
0x24: {  	s13 =	sshrl.u32 @!p1 s13, $0xE  }
0x25: {  	s13 =	smul.u32 @!p1 $0x320000, s13;
	_ =	sdelay $0x1  }
0x26: {  	s31 =	sadd.s32 $0xFFFFFFFF, s10;
	s14 =	sxor.u32 @!p1 $0xFFFFFFFF, s10;
	s12 =	ssub.s32 @!p1 s12, s13  }
0x27: {  	s15 =	simm.s32 @!p1 $0x80;
	s14 =	sshll.u32 @!p1 s14, $0xD;
	s12 =	sshll.u32 @!p1 s12, $0x4  }
0x28: {  	s13 =	sand.u32 @!p1 $0x2000, s14;
	s14 =	simm.s32 @!p1 $0x40;
	s12 =	sadd.s32 @!p1 s4, s12  }
0x29: {  	[tilespmem:s13], [sflag:$0x1] =	stream.strided.gather @!p1 [hbm4b:s12+s14], $0x2000, s15, s14, $0x38;
	[tilespmem:$0x8080] =	vst v63  }
0x2a: {  	p1 =	sge.u32 s31, s6  }
.Ltmp2:
0x2b: {  	_ = 	snop;
	(pc) =	sbr.rel @p1 .LBB1_5-.Ltmp2, $1  }
0x2c: {  	_ =	sdelay $0x3  }
0x2d: {  	s12 =	simm.s32 $0x1  }
0x2e: {  	_ =	swait.ge [sflag:s5], $0x2000;
	s12 =	simm.s32 @!p0 $0x0  }
0x2f: {  	[sflag:s5] =	ssyncset.done $0x0;
	s13 =	sshll.u32 s12, $0xD  }
0x30: {  	[sflag:s5] =	ssyncadd.s32 $0xFFFFE000;
	s16 =	sor.u32 $0x20, s13  }
0x31: {  	s12 =	smul.u32 $0x8100, s12;
	v3 =	vld [tilespmem:s16+$0x10]  }
0x32: {  	s30 =	sand.u32 $0x1, s10;
	v2 =	vld [tilespmem:s16+$0xFFFFFFF0]  }
0x33: {  	s13 =	smul.u32 $0x8100, s30;
	s12 =	sshrl.u32 s12, $0x2;
	v0 =	vld [tilespmem:s16+$0x0]  }
0x34: {  	v1 =	vld [tilespmem:s16+$0xFFFFFFE0];
	s14 =	sor.u32 $0x4000, s12  }
0x35: {  	s31 =	sshrl.u32 s13, $0x2;
	s13 =	sadd.s32 $0x0, s14  }
0x36: {  	s15 =	simm.s32 $0x4;
	s16 =	sadd.s32 $0x40, s16;
	s12 =	sor.u32 $0x4000, s31;
	[tilespmem:s13+$0x1830 ss:$0x81] =	vst.msk $0xffff, v3  }
.LBB1_3:
0x37: {  	v3 =	vld [tilespmem:s16+$0x10];
	p1 =	sne.s32 s15, $0x1FC;
	[tilespmem:s13+$0x810 ss:$0x81] =	vst.msk $0xffff, v2;
	s17 =	smov.u32 s15;
	s15 =	sadd.s32 $0x4, s15  }
.Ltmp3:
0x38: {  	v2 =	vld [tilespmem:s16+$0xFFFFFFF0];
	[tilespmem:s13+$0x1020 ss:$0x81] =	vst.msk $0xffff, v0;
	(pc) =	sbr.rel @p1 .LBB1_3-.Ltmp3, $4  }
0x39: {  	v0 =	vld [tilespmem:s16+$0x0];
	[tilespmem:s13+$0x0 ss:$0x81] =	vst.msk $0xffff, v1  }
0x3a: {  	s13 =	sshra.s32 s17, $0x2;
	v1 =	vld [tilespmem:s16+$0xFFFFFFE0]  }
0x3b: {  	s13 =	sadd.s32 s13, s14  }
0x3c: {  	s16 =	sadd.s32 $0x40, s16;
	[tilespmem:s13+$0x1830 ss:$0x81] =	vst.msk $0xffff, v3  }
.Ltmp4:
0x3d: {  	_ = 	snop;
	(pc) =	sbr.rel .LBB1_4-.Ltmp4, $1  }
0x3e: {  	_ =	sdelay $0x3  }
.LBB1_6:
0x3f: {  	_ =	sfence.sel $0x180000  }
0x40: {  	s2 =	simm.s32 $0x1;
	[bflag:$0x0] =	sbarrier.arrive $0xFFFF  }
0x41: {  	s31 =	simm.s32 $0x2;
	[sflag:s2] =	ssyncpa.u1 $0x1  }
0x42: {  	[sflag:s31] =	ssyncpa.u1 $0x1  }
0x43: {  	p0 =	sne.s32 s0, $0x0;
	_ =	strace $0x9000004A  }
0x44: {  	s0 =	sadd.s32 @!p0 $0x100000, s1;
	[bflag:$0x2] =	sbarrier.arrive $0xFFFF  }
0x45: {  	[sflag:s0] =	ssyncadd.tile.s32 @!p0 $0x1;
	_ =	shalt  }
.Lfunc_end1:
_tile_overlayer_lowered:
.L_overlay_start_2:
0x46: {  	(tag) =	ssettag $0x2  }
0x47: {  	s0 =	rddreg [dreg:$0x0];
	s2 =	stileid.u32  }
0x48: {  	s1 =	rddreg [dreg:$0x1];
	p0 =	sne.s32 s2, $0x0  }
0x49: {  	s3 =	rddreg [dreg:$0x2];
	[bflag:$0x3] =	sbarrier.arrive $0xFFFF;
	s2 =	simm.s32 @!p0 $0x1C01  }
0x4a: {  	[timem:s3], [sflag:s2] =	dma.local @!p0 [hbm:s0], s1  }
0x4b: {  	s0 =	simm.s32 @!p0 $0x1  }
0x4c: {  	_ =	swait.ge @!p0 [sflag:s0], s1  }
0x4d: {  	s1 =	ssub.s32 @!p0 $0x0, s1;
	[sflag:s0] =	ssyncset.done @!p0 $0x0  }
0x4e: {  	[sflag:s0] =	ssyncadd.s32 @!p0 s1  }
0x4f: {  	[bflag:$0x3] =	sbarrier.arrive $0xFFFF  }
0x50: {  	_ =	shalt  }

</sc_bundles>
